<compile_context>
chip_gen: v7x
topology: tpu7x:2x2x1
jax: 0.10.2.dev20260603
libtpu: 0.0.44.dev20260713+nightly
codegen_flags: <defaults>
</compile_context>

<pallas_src>
import functools

import jax
import jax.numpy as jnp
from jax import lax
from jax.experimental import pallas as pl
from jax.experimental.pallas import tpu as pltpu
from jax.experimental.pallas import tpu_sc as plsc

_R = 5
_N = 5000
_NP = 5120
_E = 64000
_DF = 128
_H = 8
_RH = _R * _H
_PW = 16
_RW = 48
_CH = 125
_NSC = 16
_ACCP = _R * _NP
_NB = 1024
_UEO = 0
_MEO = 48
_SC_COLS = 128


def _project_body(uf_ref, mf_ref, wnu_ref, wnm_ref, wsm_ref, wsu_ref,
                  bm_ref, bu_ref, pu_ref, pm_ref, sm_ref, su_ref):
    u = uf_ref[...]
    m = mf_ref[...]
    pu = jnp.dot(u, wnu_ref[...], preferred_element_type=jnp.float32)
    pm = jnp.dot(m, wnm_ref[...], preferred_element_type=jnp.float32)
    sm = jnp.dot(m, wsm_ref[...], preferred_element_type=jnp.float32) + bm_ref[...]
    su = jnp.dot(u, wsu_ref[...], preferred_element_type=jnp.float32) + bu_ref[...]
    ones = jnp.ones((_NB, 1), jnp.float32)
    z7 = jnp.zeros((_NB, _PW - _H - 1), jnp.float32)
    for r in range(_R):
        pu_ref[r] = jnp.concatenate([pu[:, _H * r:_H * r + _H], ones, z7], axis=1)
        pm_ref[r] = jnp.concatenate([pm[:, _H * r:_H * r + _H], ones, z7], axis=1)
        sm_ref[r] = sm[:, _H * r:_H * r + _H]
        su_ref[r] = su[:, _H * r:_H * r + _H]


def _tc_project(uf, mf, wnu, wnm, wsm, wsu, bm, bu):
    nblk = _NP // _NB
    w_spec = pl.BlockSpec((_DF, _RH), lambda i: (0, 0))
    b_spec = pl.BlockSpec((1, _RH), lambda i: (0, 0))
    f_spec = pl.BlockSpec((_NB, _DF), lambda i: (i, 0))
    p_spec = pl.BlockSpec((_R, _NB, _PW), lambda i: (0, i, 0))
    s_spec = pl.BlockSpec((_R, _NB, _H), lambda i: (0, i, 0))
    return pl.pallas_call(
        _project_body,
        grid=(nblk,),
        in_specs=[f_spec, f_spec, w_spec, w_spec, w_spec, w_spec, b_spec, b_spec],
        out_specs=[p_spec, p_spec, s_spec, s_spec],
        out_shape=[
            jax.ShapeDtypeStruct((_R, _NP, _PW), jnp.float32),
            jax.ShapeDtypeStruct((_R, _NP, _PW), jnp.float32),
            jax.ShapeDtypeStruct((_R, _NP, _H), jnp.float32),
            jax.ShapeDtypeStruct((_R, _NP, _H), jnp.float32),
        ],
    )(uf, mf, wnu, wnm, wsm, wsu, bm, bu)


def _segsum_body(pu_h, pm_h, iu_h, im_h, out_h,
                 gi, si, rows_a, rows_b, zbuf, acc_sh, sem_a, sem_b):
    c = lax.axis_index("c")
    s = lax.axis_index("s")
    sbase = s * (_ACCP // _NSC)

    def zrow(i, _):
        zbuf[i] = jnp.zeros((16,), jnp.float32)
        return 0
    lax.fori_loop(0, 160, zrow, 0)

    def zchunk(k, _):
        pltpu.sync_copy(zbuf, acc_sh.at[pl.ds(sbase + k * 160, 160)])
        return 0
    lax.fori_loop(0, _ACCP // _NSC // 160, zchunk, 0)
    plsc.subcore_barrier()

    rows_per_sub = _E // _CH // _NSC

    def pipe(tbl_h, gidx_h, sidx_h):
        for r in range(_R):
            pltpu.sync_copy(gidx_h.at[r, s], gi)
            pltpu.sync_copy(sidx_h.at[r, s], si)
            pltpu.async_copy(tbl_h.at[gi.at[0]], rows_a, sem_a)
            pltpu.async_copy(tbl_h.at[gi.at[1]], rows_b, sem_b)

            def body(jj, _):
                j = 2 * jj
                for buf, sem, off in ((rows_a, sem_a, 0), (rows_b, sem_b, 1)):
                    pltpu.make_async_copy(tbl_h.at[gi.at[j + off]], buf,
                                          sem).wait()
                    pltpu.sync_copy(buf, acc_sh.at[si.at[j + off]], add=True)

                    @pl.when(jj < rows_per_sub // 2 - 1)
                    def _():
                        pltpu.async_copy(tbl_h.at[gi.at[j + off + 2]], buf, sem)
                return 0
            lax.fori_loop(0, rows_per_sub // 2, body, 0)

    @pl.when(c == 0)
    def _():
        pipe(pu_h, iu_h, im_h)

    @pl.when(c == 1)
    def _():
        pipe(pm_h, im_h, iu_h)

    plsc.subcore_barrier()
    nwb = _ACCP // _NSC
    pltpu.sync_copy(acc_sh.at[pl.ds(sbase, nwb)],
                    out_h.at[c].at[pl.ds(sbase, nwb)])


def _sc_segsum(pu2, pm2, iu, im):
    mesh = plsc.VectorSubcoreMesh(core_axis_name="c", subcore_axis_name="s")
    f = functools.partial(
        pl.kernel,
        out_type=jax.ShapeDtypeStruct((2, _ACCP, _PW), jnp.float32),
        mesh=mesh,
        scratch_types=[
            pltpu.VMEM((_E // _CH // _NSC, _CH), jnp.int32),
            pltpu.VMEM((_E // _CH // _NSC, _CH), jnp.int32),
            pltpu.VMEM((_CH, _PW), jnp.float32),
            pltpu.VMEM((_CH, _PW), jnp.float32),
            pltpu.VMEM((160, _PW), jnp.float32),
            pltpu.VMEM_SHARED((_ACCP, _PW), jnp.float32),
            pltpu.SemaphoreType.DMA,
            pltpu.SemaphoreType.DMA,
        ],
        compiler_params=pltpu.CompilerParams(use_tc_tiling_on_sc=False),
    )(_segsum_body)
    return f(pu2, pm2, iu, im)


def _normalize_body(acc_ref, sm_ref, su_ref, rm_ref, ru_ref):
    zpad = jnp.zeros((_NB, _RW - _RH), jnp.float32)
    for side, (s_ref, o_ref) in enumerate(((sm_ref, rm_ref), (su_ref, ru_ref))):
        cols = []
        for r in range(_R):
            a = acc_ref[side, r]
            h = a[:, 0:_H] / jnp.maximum(a[:, _H:_H + 1], 1.0)
            rst = jnp.maximum(s_ref[r] + h, 0.0)
            nrm = jnp.sqrt(jnp.sum(rst * rst, axis=1, keepdims=True))
            cols.append(rst / jnp.maximum(nrm, 1e-12))
        o_ref[...] = jnp.concatenate(cols + [zpad], axis=1)


def _tc_normalize(acc, sm, su):
    nblk = _NP // _NB
    a_spec = pl.BlockSpec((2, _R, _NB, _PW), lambda i: (0, 0, i, 0))
    s_spec = pl.BlockSpec((_R, _NB, _H), lambda i: (0, i, 0))
    o_spec = pl.BlockSpec((_NB, _RW), lambda i: (i, 0))
    return pl.pallas_call(
        _normalize_body,
        grid=(nblk,),
        in_specs=[a_spec, s_spec, s_spec],
        out_specs=[o_spec, o_spec],
        out_shape=[jax.ShapeDtypeStruct((_NP, _RW), jnp.float32),
                   jax.ShapeDtypeStruct((_NP, _RW), jnp.float32)],
    )(acc, sm, su)


def _make_egather_body(rows_per_w):
    def _egather_body(ru_h, rm_h, iu_h, im_h, st_h,
                      gidx, rows_a, rows_b, sem_a, sem_b):
        wid = lax.axis_index("s") * 2 + lax.axis_index("c")
        rb = wid * rows_per_w
        for tbl_h, idx_h, co in ((ru_h, iu_h, _UEO), (rm_h, im_h, _MEO)):
            pltpu.sync_copy(idx_h.at[wid], gidx)
            pltpu.async_copy(tbl_h.at[gidx.at[0]], rows_a, sem_a)
            pltpu.async_copy(tbl_h.at[gidx.at[1]], rows_b, sem_b)

            def body(jj, _):
                j = 2 * jj
                for buf, sem, off in ((rows_a, sem_a, 0), (rows_b, sem_b, 1)):
                    pltpu.make_async_copy(tbl_h.at[gidx.at[j + off]], buf,
                                          sem).wait()
                    pltpu.sync_copy(
                        buf,
                        st_h.at[pl.ds((rb + j + off) * _CH, _CH),
                                pl.ds(co, _RW)])

                    @pl.when(jj < rows_per_w // 2 - 1)
                    def _():
                        pltpu.async_copy(tbl_h.at[gidx.at[j + off + 2]],
                                         buf, sem)
                return 0
            lax.fori_loop(0, rows_per_w // 2, body, 0)
    return _egather_body


def _sc_edge_gather(ru, rm, srcp, dstp, n_et):
    rows_per_w = n_et * _E // _CH // (2 * _NSC)
    mesh = plsc.VectorSubcoreMesh(core_axis_name="c", subcore_axis_name="s")
    f = functools.partial(
        pl.kernel,
        out_type=jax.ShapeDtypeStruct((n_et * _E, 128), jnp.float32),
        mesh=mesh,
        scratch_types=[
            pltpu.VMEM((rows_per_w, _CH), jnp.int32),
            pltpu.VMEM((_CH, _RW), jnp.float32),
            pltpu.VMEM((_CH, _RW), jnp.float32),
            pltpu.SemaphoreType.DMA,
            pltpu.SemaphoreType.DMA,
        ],
        compiler_params=pltpu.CompilerParams(use_tc_tiling_on_sc=False),
    )(_make_egather_body(rows_per_w))
    return f(ru, rm, srcp, dstp)


_DB = 2000


def _make_decoder_body(n_et):
    def _decoder_body(st_ref, d_ref, sel_ref, t_ref, *o_refs):
        for r in range(n_et):
            ue = st_ref[r, :, _UEO:_UEO + _RH]
            me = st_ref[r, :, _MEO:_MEO + _RH]
            p = jnp.dot(ue, d_ref[...], preferred_element_type=jnp.float32)
            mecat = jnp.dot(me, t_ref[...], preferred_element_type=jnp.float32)
            dots = jnp.dot(p * mecat, sel_ref[...],
                           preferred_element_type=jnp.float32)
            mx = jnp.max(dots, axis=1, keepdims=True)
            ex = jnp.exp(dots - mx)
            lse = jnp.log(jnp.sum(ex, axis=1, keepdims=True))
            o_refs[r][...] = dots - mx - lse
    return _decoder_body


def _tc_decoder(st, dcat, sel, tmat, n_et):
    nblk = _E // _DB
    o_spec = pl.BlockSpec((_DB, _R), lambda i: (i, 0))
    return pl.pallas_call(
        _make_decoder_body(n_et),
        grid=(nblk,),
        in_specs=[pl.BlockSpec((n_et, _DB, _SC_COLS), lambda i: (0, i, 0)),
                  pl.BlockSpec((_RH, _R * _RH), lambda i: (0, 0)),
                  pl.BlockSpec((_R * _RH, _R), lambda i: (0, 0)),
                  pl.BlockSpec((_RH, _R * _RH), lambda i: (0, 0))],
        out_specs=[o_spec] * n_et,
        out_shape=[jax.ShapeDtypeStruct((_E, _R), jnp.float32)] * n_et,
    )(st, dcat, sel, tmat)


def kernel(ufeats, mfeats, edges_src, edges_dst, W_self_movie, W_neigh_user,
           W_self_user, W_neigh_movie, b_u2m, b_m2u, decoders):
    wnu = W_neigh_user.transpose(1, 0, 2).reshape(_DF, _RH)
    wnm = W_neigh_movie.transpose(1, 0, 2).reshape(_DF, _RH)
    wsm = W_self_movie.transpose(1, 0, 2).reshape(_DF, _RH)
    wsu = W_self_user.transpose(1, 0, 2).reshape(_DF, _RH)
    bm = b_u2m.reshape(1, _RH)
    bu = b_m2u.reshape(1, _RH)
    dcat = decoders.transpose(1, 0, 2).reshape(_RH, _R * _RH)
    sel = jnp.repeat(jnp.eye(_R, dtype=jnp.float32), _RH, axis=0)
    tmat = jnp.concatenate([jnp.eye(_RH, dtype=jnp.float32)] * _R, axis=1)

    offs = (jnp.arange(_R, dtype=jnp.int32) * _NP)[:, None]
    nps = _E // _CH // _NSC
    iu = (edges_src + offs).reshape(_R, _NSC, nps, _CH)
    im = (edges_dst + offs).reshape(_R, _NSC, nps, _CH)
    srcp_a = edges_src[:2].reshape(2 * _NSC, -1, _CH)
    dstp_a = edges_dst[:2].reshape(2 * _NSC, -1, _CH)
    srcp_b = edges_src[2:].reshape(2 * _NSC, -1, _CH)
    dstp_b = edges_dst[2:].reshape(2 * _NSC, -1, _CH)

    p_u, p_m, s_m, s_u = _tc_project(ufeats, mfeats, wnu, wnm, wsm, wsu, bm, bu)
    acc = _sc_segsum(p_u.reshape(_R * _NP, _PW), p_m.reshape(_R * _NP, _PW),
                     iu, im)
    acc_live = acc.reshape(2, _R, _NP, _PW)
    res_m, res_u = _tc_normalize(acc_live, s_m, s_u)
    st_a = _sc_edge_gather(res_u, res_m, srcp_a, dstp_a, 2)
    st_b = _sc_edge_gather(res_u, res_m, srcp_b, dstp_b, 3)
    outs_a = _tc_decoder(st_a.reshape(2, _E, 128), dcat, sel, tmat, 2)
    outs_b = _tc_decoder(st_b.reshape(3, _E, 128), dcat, sel, tmat, 3)
    return (*outs_a, *outs_b)

# --- scband reference (transcript-rebuilt; emitter-appended) ---
"""Pipeline reference for scband-movie-lens-network-64888365908361 (READ-ONLY COPY).

The authoritative reference and input builder live on the scoring server;
editing this copy changes nothing except your own understanding.
"""

import jax, jax.numpy as jnp
import numpy as np

R = 5
NU = 5000
NM = 5000
E = 64000
DF = 128
H = 8
RH = R * H


def setup_inputs(seed: int = 0) -> dict:
    key = jax.random.key(seed)
    ks = jax.random.split(key, 12)
    ufeats = jax.random.normal(ks[0], (NU, DF), dtype=jnp.float32)
    mfeats = jax.random.normal(ks[1], (NM, DF), dtype=jnp.float32)
    edges_src = jax.random.randint(ks[2], (R, E), 0, NU, dtype=jnp.int32)
    edges_dst = jax.random.randint(ks[3], (R, E), 0, NM, dtype=jnp.int32)
    W_self_movie = jax.random.normal(ks[4], (R, DF, H), dtype=jnp.float32) * 0.05
    W_neigh_user = jax.random.normal(ks[5], (R, DF, H), dtype=jnp.float32) * 0.05
    W_self_user = jax.random.normal(ks[6], (R, DF, H), dtype=jnp.float32) * 0.05
    W_neigh_movie = jax.random.normal(ks[7], (R, DF, H), dtype=jnp.float32) * 0.05
    b_u2m = jnp.zeros((R, H), dtype=jnp.float32)
    b_m2u = jnp.zeros((R, H), dtype=jnp.float32)
    decoders = jax.random.normal(ks[8], (R, RH, RH), dtype=jnp.float32) * 0.05
    return {
        'ufeats': ufeats, 'mfeats': mfeats,
        'edges_src': edges_src, 'edges_dst': edges_dst,
        'W_self_movie': W_self_movie, 'W_neigh_user': W_neigh_user,
        'W_self_user': W_self_user, 'W_neigh_movie': W_neigh_movie,
        'b_u2m': b_u2m, 'b_m2u': b_m2u, 'decoders': decoders,
    }


def _sage(h_src, h_dst, src, dst, W_neigh, W_self, b, n_dst):
    # DGL SAGEConv(aggregator='mean', activation=relu, bias=True, norm=F.normalize)
    msg = jnp.take(h_src, src, axis=0)
    summed = jax.ops.segment_sum(msg, dst, num_segments=n_dst)
    cnt = jax.ops.segment_sum(jnp.ones((src.shape[0],), dtype=h_src.dtype), dst, num_segments=n_dst)
    h_neigh = summed / jnp.maximum(cnt, 1.0)[:, None]
    rst = h_dst @ W_self + h_neigh @ W_neigh + b
    rst = jax.nn.relu(rst)
    nrm = jnp.sqrt(jnp.sum(rst * rst, axis=1, keepdims=True))
    return rst / jnp.maximum(nrm, 1e-12)


def reference(ufeats, mfeats, edges_src, edges_dst, W_self_movie, W_neigh_user,
              W_self_user, W_neigh_movie, b_u2m, b_m2u, decoders):
    # HeteroGraphConv with 'stack' aggregation over R etypes
    res_m = []
    res_u = []
    for r in range(R):
        # etype '{r}u': user -> movie
        res_m.append(_sage(ufeats, mfeats, edges_src[r], edges_dst[r],
                           W_neigh_user[r], W_self_movie[r], b_u2m[r], NM))
        # etype '{r}m': movie -> user (reverse edges)
        res_u.append(_sage(mfeats, ufeats, edges_dst[r], edges_src[r],
                           W_neigh_movie[r], W_self_user[r], b_m2u[r], NU))
    res_user = jnp.stack(res_u, axis=1).reshape(NU, -1)    # [NU, R*H]
    res_movie = jnp.stack(res_m, axis=1).reshape(NM, -1)   # [NM, R*H]
    outs = []
    for r in range(R):
        ue = jnp.take(res_user, edges_src[r], axis=0)   # [E, RH]
        me = jnp.take(res_movie, edges_dst[r], axis=0)  # [E, RH]
        dots = jnp.stack([jnp.sum((ue @ decoders[k]) * me, axis=1) for k in range(R)], axis=1)  # [E, R]
        outs.append(jax.nn.log_softmax(dots, axis=1))
    return tuple(outs)

if __name__ == "__main__":
    import jax
    _d = setup_inputs()
    print(jax.jit(kernel)(*tuple(_d.values())))

</pallas_src>

<mosaic_0001>
#map = affine_map<(d0, d1) -> (0, 0)>
#map1 = affine_map<(d0, d1) -> (0, 0, 0, 0)>
#map2 = affine_map<(d0, d1) -> (0, 0, 0)>
module attributes {stable_mosaic.version = 14 : i64} {
  func.func @_segsum_body(%arg0: i32, %arg1: i32, %arg2: memref<25600x16xf32, #tpu.memory_space<hbm>>, %arg3: memref<25600x16xf32, #tpu.memory_space<hbm>>, %arg4: memref<5x16x32x125xi32, #tpu.memory_space<hbm>>, %arg5: memref<5x16x32x125xi32, #tpu.memory_space<hbm>>, %arg6: memref<2x25600x16xf32, #tpu.memory_space<hbm>>, %arg7: memref<32x125xi32, #tpu.memory_space<vmem>>, %arg8: memref<32x125xi32, #tpu.memory_space<vmem>>, %arg9: memref<125x16xf32, #tpu.memory_space<vmem>>, %arg10: memref<125x16xf32, #tpu.memory_space<vmem>>, %arg11: memref<160x16xf32, #tpu.memory_space<vmem>>, %arg12: memref<25600x16xf32, #tpu.memory_space<vmem_shared>>, %arg13: memref<!tpu.dma_semaphore, #tpu.memory_space<semaphore_mem>>, %arg14: memref<!tpu.dma_semaphore, #tpu.memory_space<semaphore_mem>>) attributes {dimension_semantics = [#tpu.dimension_semantics<core_parallel>, #tpu.dimension_semantics<subcore_parallel>], iteration_bounds = array<i64: 2, 16>, scalar_prefetch = 0 : i64, scratch_operands = 8 : i64, tpu.core_type = #tpu.core_type<sc_vector_subcore>, window_params = [{transform_indices = #map}, {transform_indices = #map}, {transform_indices = #map1}, {transform_indices = #map1}, {transform_indices = #map2}]} {
    %mul3A = arith.constant 1600 : i32
    %mul3A_0 = arith.muli %arg1, %mul3A : i32
    %scan3A = arith.constant 0 : i32
    %scan3A_1 = arith.constant 0 : i32
    %scan3A_2 = arith.constant 160 : i32
    %scan3A_3 = arith.addi %scan3A_1, %scan3A_2 : i32
    %scan3A_4 = arith.constant 1 : i32
    %scan3A_5 = scf.for %scan3A_22 = %scan3A_1 to %scan3A_3 step %scan3A_4 iter_args(%scan3A_23 = %scan3A) -> (i32)  : i32 {
      %broadcast_in_dim3A = arith.constant 0.000000e+00 : f32
      %broadcast_in_dim3A_24 = vector.broadcast %broadcast_in_dim3A : f32 to vector<16xf32>
      %swap3A = arith.index_cast %scan3A_22 : i32 to index
      %swap3A_25 = arith.constant 0 : index
      %swap3A_26 = tpu.vector_load %arg11[%swap3A, %swap3A_25] {strides = array<i32>} : memref<160x16xf32, #tpu.memory_space<vmem>>, vector<1x16xf32>,
      %swap3A_27 = vector.shape_cast %swap3A_26 : vector<1x16xf32> to vector<16xf32>
      %swap3A_28 = vector.shape_cast %broadcast_in_dim3A_24 : vector<16xf32> to vector<1x16xf32>
      tpu.vector_store %arg11[%swap3A, %swap3A_25], %swap3A_28 {strides = array<i32>} : memref<160x16xf32, #tpu.memory_space<vmem>>, vector<1x16xf32>,
      %scan3A_29 = arith.constant 0 : i32
      scf.yield %scan3A_29 : i32
    }
    %scan3A_6 = arith.constant 160 : i32
    %scan3A_7 = arith.constant 0 : i32
    %scan3A_8 = arith.constant 0 : i32
    %scan3A_9 = arith.constant 10 : i32
    %scan3A_10 = arith.addi %scan3A_8, %scan3A_9 : i32
    %scan3A_11 = arith.constant 1 : i32
    %scan3A_12 = scf.for %scan3A_22 = %scan3A_8 to %scan3A_10 step %scan3A_11 iter_args(%scan3A_23 = %scan3A_7) -> (i32)  : i32 {
      %mul3A_24 = arith.constant 160 : i32
      %mul3A_25 = arith.muli %scan3A_22, %mul3A_24 : i32
      %add3A = arith.addi %mul3A_0, %mul3A_25 : i32
      "tpu.region"() ({
        %run_scoped3A = tpu.sem_alloc : memref<!tpu.dma_semaphore, #tpu.memory_space<semaphore_mem>>
        %dma_start3A = arith.constant 0 : i32
        %dma_start3A_27 = tpu.memref_slice %arg12[%add3A, %dma_start3A] : memref<25600x16xf32, #tpu.memory_space<vmem_shared>> -> memref<160x16xf32, #tpu.memory_space<vmem_shared>>
        %dma_start3A_28 = arith.constant 0 : i32
        %dma_start3A_29 = tpu.memref_slice %arg12[%add3A, %dma_start3A_28] : memref<25600x16xf32, #tpu.memory_space<vmem_shared>> -> memref<160x16xf32, #tpu.memory_space<vmem_shared>>
        tpu.enqueue_dma source(%arg11 : memref<160x16xf32, #tpu.memory_space<vmem>>) target(%dma_start3A_29 : memref<160x16xf32, #tpu.memory_space<vmem_shared>>) target_semaphore(%run_scoped3A : memref<!tpu.dma_semaphore, #tpu.memory_space<semaphore_mem>>)
        %dma_wait3A = arith.constant 0 : i32
        %dma_wait3A_30 = tpu.memref_slice %arg12[%add3A, %dma_wait3A] : memref<25600x16xf32, #tpu.memory_space<vmem_shared>> -> memref<160x16xf32, #tpu.memory_space<vmem_shared>>
        %dma_wait3A_31 = arith.constant 0 : i32
        %dma_wait3A_32 = tpu.memref_slice %arg12[%add3A, %dma_wait3A_31] : memref<25600x16xf32, #tpu.memory_space<vmem_shared>> -> memref<160x16xf32, #tpu.memory_space<vmem_shared>>
        tpu.wait_dma2 semaphore(%run_scoped3A : memref<!tpu.dma_semaphore, #tpu.memory_space<semaphore_mem>>) src(%arg11 : memref<160x16xf32, #tpu.memory_space<vmem>>) dst(%dma_wait3A_32 : memref<160x16xf32, #tpu.memory_space<vmem_shared>>)
        tpu.yield
      }) : () -> ()
      %scan3A_26 = arith.constant 0 : i32
      scf.yield %scan3A_26 : i32
    }
    %scan3A_13 = arith.constant 10 : i32
    %barrier3A = arith.constant 0 : index
    tpu.barrier barrier_id(%barrier3A)
    %eq3A = arith.constant 0 : i32
    %eq3A_14 = arith.cmpi eq, %arg0, %eq3A : i32
    %convert_element_type3A = arith.extui %eq3A_14 : i1 to i32
    %cond3A = arith.constant 0 : i32
    %cond3A_15 = arith.cmpi ne, %convert_element_type3A, %cond3A : i32
    scf.if %cond3A_15 {
      %run_scoped3A = arith.constant 0 : i32
      "tpu.region"() ({
        %run_scoped3A_135 = tpu.sem_alloc : memref<!tpu.dma_semaphore, #tpu.memory_space<semaphore_mem>>
        %dma_start3A_136 = arith.constant 0 : i32
        %dma_start3A_137 = arith.constant 0 : i32
        %dma_start3A_138 = tpu.memref_slice %arg4[%run_scoped3A, %arg1, %dma_start3A_136, %dma_start3A_137] : memref<5x16x32x125xi32, #tpu.memory_space<hbm>> -> memref<1x1x32x125xi32, #tpu.memory_space<hbm>>
        %dma_start3A_139 = tpu.memref_squeeze %dma_start3A_138 : memref<1x1x32x125xi32, #tpu.memory_space<hbm>> -> memref<32x125xi32, #tpu.memory_space<hbm>>
        %dma_start3A_140 = arith.constant 0 : i32
        %dma_start3A_141 = arith.constant 0 : i32
        %dma_start3A_142 = tpu.memref_slice %arg4[%run_scoped3A, %arg1, %dma_start3A_140, %dma_start3A_141] : memref<5x16x32x125xi32, #tpu.memory_space<hbm>> -> memref<1x1x32x125xi32, #tpu.memory_space<hbm>>
        %dma_start3A_143 = tpu.memref_squeeze %dma_start3A_142 : memref<1x1x32x125xi32, #tpu.memory_space<hbm>> -> memref<32x125xi32, #tpu.memory_space<hbm>>
        tpu.enqueue_dma source(%dma_start3A_143 : memref<32x125xi32, #tpu.memory_space<hbm>>) target(%arg7 : memref<32x125xi32, #tpu.memory_space<vmem>>) target_semaphore(%run_scoped3A_135 : memref<!tpu.dma_semaphore, #tpu.memory_space<semaphore_mem>>)
        %dma_wait3A = arith.constant 0 : i32
        %dma_wait3A_144 = arith.constant 0 : i32
        %dma_wait3A_145 = tpu.memref_slice %arg4[%run_scoped3A, %arg1, %dma_wait3A, %dma_wait3A_144] : memref<5x16x32x125xi32, #tpu.memory_space<hbm>> -> memref<1x1x32x125xi32, #tpu.memory_space<hbm>>
        %dma_wait3A_146 = tpu.memref_squeeze %dma_wait3A_145 : memref<1x1x32x125xi32, #tpu.memory_space<hbm>> -> memref<32x125xi32, #tpu.memory_space<hbm>>
        %dma_wait3A_147 = arith.constant 0 : i32
        %dma_wait3A_148 = arith.constant 0 : i32
        %dma_wait3A_149 = tpu.memref_slice %arg4[%run_scoped3A, %arg1, %dma_wait3A_147, %dma_wait3A_148] : memref<5x16x32x125xi32, #tpu.memory_space<hbm>> -> memref<1x1x32x125xi32, #tpu.memory_space<hbm>>
        %dma_wait3A_150 = tpu.memref_squeeze %dma_wait3A_149 : memref<1x1x32x125xi32, #tpu.memory_space<hbm>> -> memref<32x125xi32, #tpu.memory_space<hbm>>
        tpu.wait_dma2 semaphore(%run_scoped3A_135 : memref<!tpu.dma_semaphore, #tpu.memory_space<semaphore_mem>>) src(%dma_wait3A_150 : memref<32x125xi32, #tpu.memory_space<hbm>>) dst(%arg7 : memref<32x125xi32, #tpu.memory_space<vmem>>)
        tpu.yield
      }) : () -> ()
      %run_scoped3A_22 = arith.constant 0 : i32
      "tpu.region"() ({
        %run_scoped3A_135 = tpu.sem_alloc : memref<!tpu.dma_semaphore, #tpu.memory_space<semaphore_mem>>
        %dma_start3A_136 = arith.constant 0 : i32
        %dma_start3A_137 = arith.constant 0 : i32
        %dma_start3A_138 = tpu.memref_slice %arg5[%run_scoped3A_22, %arg1, %dma_start3A_136, %dma_start3A_137] : memref<5x16x32x125xi32, #tpu.memory_space<hbm>> -> memref<1x1x32x125xi32, #tpu.memory_space<hbm>>
        %dma_start3A_139 = tpu.memref_squeeze %dma_start3A_138 : memref<1x1x32x125xi32, #tpu.memory_space<hbm>> -> memref<32x125xi32, #tpu.memory_space<hbm>>
        %dma_start3A_140 = arith.constant 0 : i32
        %dma_start3A_141 = arith.constant 0 : i32
        %dma_start3A_142 = tpu.memref_slice %arg5[%run_scoped3A_22, %arg1, %dma_start3A_140, %dma_start3A_141] : memref<5x16x32x125xi32, #tpu.memory_space<hbm>> -> memref<1x1x32x125xi32, #tpu.memory_space<hbm>>
        %dma_start3A_143 = tpu.memref_squeeze %dma_start3A_142 : memref<1x1x32x125xi32, #tpu.memory_space<hbm>> -> memref<32x125xi32, #tpu.memory_space<hbm>>
        tpu.enqueue_dma source(%dma_start3A_143 : memref<32x125xi32, #tpu.memory_space<hbm>>) target(%arg8 : memref<32x125xi32, #tpu.memory_space<vmem>>) target_semaphore(%run_scoped3A_135 : memref<!tpu.dma_semaphore, #tpu.memory_space<semaphore_mem>>)
        %dma_wait3A = arith.constant 0 : i32
        %dma_wait3A_144 = arith.constant 0 : i32
        %dma_wait3A_145 = tpu.memref_slice %arg5[%run_scoped3A_22, %arg1, %dma_wait3A, %dma_wait3A_144] : memref<5x16x32x125xi32, #tpu.memory_space<hbm>> -> memref<1x1x32x125xi32, #tpu.memory_space<hbm>>
        %dma_wait3A_146 = tpu.memref_squeeze %dma_wait3A_145 : memref<1x1x32x125xi32, #tpu.memory_space<hbm>> -> memref<32x125xi32, #tpu.memory_space<hbm>>
        %dma_wait3A_147 = arith.constant 0 : i32
        %dma_wait3A_148 = arith.constant 0 : i32
        %dma_wait3A_149 = tpu.memref_slice %arg5[%run_scoped3A_22, %arg1, %dma_wait3A_147, %dma_wait3A_148] : memref<5x16x32x125xi32, #tpu.memory_space<hbm>> -> memref<1x1x32x125xi32, #tpu.memory_space<hbm>>
        %dma_wait3A_150 = tpu.memref_squeeze %dma_wait3A_149 : memref<1x1x32x125xi32, #tpu.memory_space<hbm>> -> memref<32x125xi32, #tpu.memory_space<hbm>>
        tpu.wait_dma2 semaphore(%run_scoped3A_135 : memref<!tpu.dma_semaphore, #tpu.memory_space<semaphore_mem>>) src(%dma_wait3A_150 : memref<32x125xi32, #tpu.memory_space<hbm>>) dst(%arg8 : memref<32x125xi32, #tpu.memory_space<vmem>>)
        tpu.yield
      }) : () -> ()
      %dma_start3A = arith.constant 0 : i32
      %dma_start3A_23 = arith.constant 0 : i32
      %dma_start3A_24 = tpu.memref_slice %arg7[%dma_start3A, %dma_start3A_23] : memref<32x125xi32, #tpu.memory_space<vmem>> -> memref<1x125xi32, #tpu.memory_space<vmem>>
      %dma_start3A_25 = tpu.memref_squeeze %dma_start3A_24 : memref<1x125xi32, #tpu.memory_space<vmem>> -> memref<125xi32, #tpu.memory_space<vmem>>
      %dma_start3A_26 = arith.constant 0 : i32
      %dma_start3A_27 = arith.constant 0 : i32
      %dma_start3A_28 = tpu.memref_slice %arg2[%dma_start3A_26, %dma_start3A_27] : memref<25600x16xf32, #tpu.memory_space<hbm>> -> memref<25600x16xf32, #tpu.memory_space<hbm>>
      tpu.enqueue_indirect_dma source(%dma_start3A_28 : memref<25600x16xf32, #tpu.memory_space<hbm>>) target(%arg9 : memref<125x16xf32, #tpu.memory_space<vmem>>) offsets(%dma_start3A_25 : memref<125xi32, #tpu.memory_space<vmem>>) semaphore(%arg13 : memref<!tpu.dma_semaphore, #tpu.memory_space<semaphore_mem>>)
      %dma_start3A_29 = arith.constant 1 : i32
      %dma_start3A_30 = arith.constant 0 : i32
      %dma_start3A_31 = tpu.memref_slice %arg7[%dma_start3A_29, %dma_start3A_30] : memref<32x125xi32, #tpu.memory_space<vmem>> -> memref<1x125xi32, #tpu.memory_space<vmem>>
      %dma_start3A_32 = tpu.memref_squeeze %dma_start3A_31 : memref<1x125xi32, #tpu.memory_space<vmem>> -> memref<125xi32, #tpu.memory_space<vmem>>
      %dma_start3A_33 = arith.constant 0 : i32
      %dma_start3A_34 = arith.constant 0 : i32
      %dma_start3A_35 = tpu.memref_slice %arg2[%dma_start3A_33, %dma_start3A_34] : memref<25600x16xf32, #tpu.memory_space<hbm>> -> memref<25600x16xf32, #tpu.memory_space<hbm>>
      tpu.enqueue_indirect_dma source(%dma_start3A_35 : memref<25600x16xf32, #tpu.memory_space<hbm>>) target(%arg10 : memref<125x16xf32, #tpu.memory_space<vmem>>) offsets(%dma_start3A_32 : memref<125xi32, #tpu.memory_space<vmem>>) semaphore(%arg14 : memref<!tpu.dma_semaphore, #tpu.memory_space<semaphore_mem>>)
      %scan3A_36 = arith.constant 0 : i32
      %scan3A_37 = arith.constant 0 : i32
      %scan3A_38 = arith.constant 16 : i32
      %scan3A_39 = arith.addi %scan3A_37, %scan3A_38 : i32
      %scan3A_40 = arith.constant 1 : i32
      %scan3A_41 = scf.for %scan3A_135 = %scan3A_37 to %scan3A_39 step %scan3A_40 iter_args(%scan3A_136 = %scan3A_36) -> (i32)  : i32 {
        %mul3A_137 = arith.constant 2 : i32
        %mul3A_138 = arith.muli %mul3A_137, %scan3A_135 : i32
        %add3A = arith.constant 0 : i32
        %add3A_139 = arith.addi %mul3A_138, %add3A : i32
        %dma_wait3A = arith.constant 0 : i32
        %dma_wait3A_140 = tpu.memref_slice %arg7[%add3A_139, %dma_wait3A] : memref<32x125xi32, #tpu.memory_space<vmem>> -> memref<1x125xi32, #tpu.memory_space<vmem>>
        %dma_wait3A_141 = tpu.memref_squeeze %dma_wait3A_140 : memref<1x125xi32, #tpu.memory_space<vmem>> -> memref<125xi32, #tpu.memory_space<vmem>>
        %dma_wait3A_142 = arith.constant 0 : i32
        %dma_wait3A_143 = arith.constant 0 : i32
        %dma_wait3A_144 = tpu.memref_slice %arg2[%dma_wait3A_142, %dma_wait3A_143] : memref<25600x16xf32, #tpu.memory_space<hbm>> -> memref<25600x16xf32, #tpu.memory_space<hbm>>
        tpu.wait_indirect_dma semaphore(%arg13 : memref<!tpu.dma_semaphore, #tpu.memory_space<semaphore_mem>>) src(%dma_wait3A_144 : memref<25600x16xf32, #tpu.memory_space<hbm>>) dst(%arg9 : memref<125x16xf32, #tpu.memory_space<vmem>>)
        %add3A_145 = arith.constant 0 : i32
        %add3A_146 = arith.addi %mul3A_138, %add3A_145 : i32
        "tpu.region"() ({
          %run_scoped3A_167 = tpu.sem_alloc : memref<!tpu.dma_semaphore, #tpu.memory_space<semaphore_mem>>
          %dma_start3A_168 = arith.constant 0 : i32
          %dma_start3A_169 = tpu.memref_slice %arg8[%add3A_146, %dma_start3A_168] : memref<32x125xi32, #tpu.memory_space<vmem>> -> memref<1x125xi32, #tpu.memory_space<vmem>>
          %dma_start3A_170 = tpu.memref_squeeze %dma_start3A_169 : memref<1x125xi32, #tpu.memory_space<vmem>> -> memref<125xi32, #tpu.memory_space<vmem>>
          %dma_start3A_171 = arith.constant 0 : i32
          %dma_start3A_172 = arith.constant 0 : i32
          %dma_start3A_173 = tpu.memref_slice %arg12[%dma_start3A_171, %dma_start3A_172] : memref<25600x16xf32, #tpu.memory_space<vmem_shared>> -> memref<25600x16xf32, #tpu.memory_space<vmem_shared>>
          tpu.enqueue_indirect_dma source(%arg9 : memref<125x16xf32, #tpu.memory_space<vmem>>) target(%dma_start3A_173 : memref<25600x16xf32, #tpu.memory_space<vmem_shared>>) offsets(%dma_start3A_170 : memref<125xi32, #tpu.memory_space<vmem>>) semaphore(%run_scoped3A_167 : memref<!tpu.dma_semaphore, #tpu.memory_space<semaphore_mem>>) {add = true}
          %dma_wait3A_174 = arith.constant 0 : i32
          %dma_wait3A_175 = tpu.memref_slice %arg8[%add3A_146, %dma_wait3A_174] : memref<32x125xi32, #tpu.memory_space<vmem>> -> memref<1x125xi32, #tpu.memory_space<vmem>>
          %dma_wait3A_176 = tpu.memref_squeeze %dma_wait3A_175 : memref<1x125xi32, #tpu.memory_space<vmem>> -> memref<125xi32, #tpu.memory_space<vmem>>
          %dma_wait3A_177 = arith.constant 0 : i32
          %dma_wait3A_178 = arith.constant 0 : i32
          %dma_wait3A_179 = tpu.memref_slice %arg12[%dma_wait3A_177, %dma_wait3A_178] : memref<25600x16xf32, #tpu.memory_space<vmem_shared>> -> memref<25600x16xf32, #tpu.memory_space<vmem_shared>>
          tpu.wait_indirect_dma semaphore(%run_scoped3A_167 : memref<!tpu.dma_semaphore, #tpu.memory_space<semaphore_mem>>) src(%arg9 : memref<125x16xf32, #tpu.memory_space<vmem>>) dst(%dma_wait3A_179 : memref<25600x16xf32, #tpu.memory_space<vmem_shared>>)
          tpu.yield
        }) : () -> ()
        %lt3A = arith.constant 15 : i32
        %lt3A_147 = arith.cmpi slt, %scan3A_135, %lt3A : i32
        %convert_element_type3A_148 = arith.extui %lt3A_147 : i1 to i32
        %cond3A_149 = arith.constant 0 : i32
        %cond3A_150 = arith.cmpi ne, %convert_element_type3A_148, %cond3A_149 : i32
        scf.if %cond3A_150 {
          %add3A_167 = arith.constant 0 : i32
          %add3A_168 = arith.addi %mul3A_138, %add3A_167 : i32
          %add3A_169 = arith.constant 2 : i32
          %add3A_170 = arith.addi %add3A_168, %add3A_169 : i32
          %dma_start3A_171 = arith.constant 0 : i32
          %dma_start3A_172 = tpu.memref_slice %arg7[%add3A_170, %dma_start3A_171] : memref<32x125xi32, #tpu.memory_space<vmem>> -> memref<1x125xi32, #tpu.memory_space<vmem>>
          %dma_start3A_173 = tpu.memref_squeeze %dma_start3A_172 : memref<1x125xi32, #tpu.memory_space<vmem>> -> memref<125xi32, #tpu.memory_space<vmem>>
          %dma_start3A_174 = arith.constant 0 : i32
          %dma_start3A_175 = arith.constant 0 : i32
          %dma_start3A_176 = tpu.memref_slice %arg2[%dma_start3A_174, %dma_start3A_175] : memref<25600x16xf32, #tpu.memory_space<hbm>> -> memref<25600x16xf32, #tpu.memory_space<hbm>>
          tpu.enqueue_indirect_dma source(%dma_start3A_176 : memref<25600x16xf32, #tpu.memory_space<hbm>>) target(%arg9 : memref<125x16xf32, #tpu.memory_space<vmem>>) offsets(%dma_start3A_173 : memref<125xi32, #tpu.memory_space<vmem>>) semaphore(%arg13 : memref<!tpu.dma_semaphore, #tpu.memory_space<semaphore_mem>>)
        } else {
        }
        %add3A_151 = arith.constant 1 : i32
        %add3A_152 = arith.addi %mul3A_138, %add3A_151 : i32
        %dma_wait3A_153 = arith.constant 0 : i32
        %dma_wait3A_154 = tpu.memref_slice %arg7[%add3A_152, %dma_wait3A_153] : memref<32x125xi32, #tpu.memory_space<vmem>> -> memref<1x125xi32, #tpu.memory_space<vmem>>
        %dma_wait3A_155 = tpu.memref_squeeze %dma_wait3A_154 : memref<1x125xi32, #tpu.memory_space<vmem>> -> memref<125xi32, #tpu.memory_space<vmem>>
        %dma_wait3A_156 = arith.constant 0 : i32
        %dma_wait3A_157 = arith.constant 0 : i32
        %dma_wait3A_158 = tpu.memref_slice %arg2[%dma_wait3A_156, %dma_wait3A_157] : memref<25600x16xf32, #tpu.memory_space<hbm>> -> memref<25600x16xf32, #tpu.memory_space<hbm>>
        tpu.wait_indirect_dma semaphore(%arg14 : memref<!tpu.dma_semaphore, #tpu.memory_space<semaphore_mem>>) src(%dma_wait3A_158 : memref<25600x16xf32, #tpu.memory_space<hbm>>) dst(%arg10 : memref<125x16xf32, #tpu.memory_space<vmem>>)
        %add3A_159 = arith.constant 1 : i32
        %add3A_160 = arith.addi %mul3A_138, %add3A_159 : i32
        "tpu.region"() ({
          %run_scoped3A_167 = tpu.sem_alloc : memref<!tpu.dma_semaphore, #tpu.memory_space<semaphore_mem>>
          %dma_start3A_168 = arith.constant 0 : i32
          %dma_start3A_169 = tpu.memref_slice %arg8[%add3A_160, %dma_start3A_168] : memref<32x125xi32, #tpu.memory_space<vmem>> -> memref<1x125xi32, #tpu.memory_space<vmem>>
          %dma_start3A_170 = tpu.memref_squeeze %dma_start3A_169 : memref<1x125xi32, #tpu.memory_space<vmem>> -> memref<125xi32, #tpu.memory_space<vmem>>
          %dma_start3A_171 = arith.constant 0 : i32
          %dma_start3A_172 = arith.constant 0 : i32
          %dma_start3A_173 = tpu.memref_slice %arg12[%dma_start3A_171, %dma_start3A_172] : memref<25600x16xf32, #tpu.memory_space<vmem_shared>> -> memref<25600x16xf32, #tpu.memory_space<vmem_shared>>
          tpu.enqueue_indirect_dma source(%arg10 : memref<125x16xf32, #tpu.memory_space<vmem>>) target(%dma_start3A_173 : memref<25600x16xf32, #tpu.memory_space<vmem_shared>>) offsets(%dma_start3A_170 : memref<125xi32, #tpu.memory_space<vmem>>) semaphore(%run_scoped3A_167 : memref<!tpu.dma_semaphore, #tpu.memory_space<semaphore_mem>>) {add = true}
          %dma_wait3A_174 = arith.constant 0 : i32
          %dma_wait3A_175 = tpu.memref_slice %arg8[%add3A_160, %dma_wait3A_174] : memref<32x125xi32, #tpu.memory_space<vmem>> -> memref<1x125xi32, #tpu.memory_space<vmem>>
          %dma_wait3A_176 = tpu.memref_squeeze %dma_wait3A_175 : memref<1x125xi32, #tpu.memory_space<vmem>> -> memref<125xi32, #tpu.memory_space<vmem>>
          %dma_wait3A_177 = arith.constant 0 : i32
          %dma_wait3A_178 = arith.constant 0 : i32
          %dma_wait3A_179 = tpu.memref_slice %arg12[%dma_wait3A_177, %dma_wait3A_178] : memref<25600x16xf32, #tpu.memory_space<vmem_shared>> -> memref<25600x16xf32, #tpu.memory_space<vmem_shared>>
          tpu.wait_indirect_dma semaphore(%run_scoped3A_167 : memref<!tpu.dma_semaphore, #tpu.memory_space<semaphore_mem>>) src(%arg10 : memref<125x16xf32, #tpu.memory_space<vmem>>) dst(%dma_wait3A_179 : memref<25600x16xf32, #tpu.memory_space<vmem_shared>>)
          tpu.yield
        }) : () -> ()
        %lt3A_161 = arith.constant 15 : i32
        %lt3A_162 = arith.cmpi slt, %scan3A_135, %lt3A_161 : i32
        %convert_element_type3A_163 = arith.extui %lt3A_162 : i1 to i32
        %cond3A_164 = arith.constant 0 : i32
        %cond3A_165 = arith.cmpi ne, %convert_element_type3A_163, %cond3A_164 : i32
        scf.if %cond3A_165 {
          %add3A_167 = arith.constant 1 : i32
          %add3A_168 = arith.addi %mul3A_138, %add3A_167 : i32
          %add3A_169 = arith.constant 2 : i32
          %add3A_170 = arith.addi %add3A_168, %add3A_169 : i32
          %dma_start3A_171 = arith.constant 0 : i32
          %dma_start3A_172 = tpu.memref_slice %arg7[%add3A_170, %dma_start3A_171] : memref<32x125xi32, #tpu.memory_space<vmem>> -> memref<1x125xi32, #tpu.memory_space<vmem>>
          %dma_start3A_173 = tpu.memref_squeeze %dma_start3A_172 : memref<1x125xi32, #tpu.memory_space<vmem>> -> memref<125xi32, #tpu.memory_space<vmem>>
          %dma_start3A_174 = arith.constant 0 : i32
          %dma_start3A_175 = arith.constant 0 : i32
          %dma_start3A_176 = tpu.memref_slice %arg2[%dma_start3A_174, %dma_start3A_175] : memref<25600x16xf32, #tpu.memory_space<hbm>> -> memref<25600x16xf32, #tpu.memory_space<hbm>>
          tpu.enqueue_indirect_dma source(%dma_start3A_176 : memref<25600x16xf32, #tpu.memory_space<hbm>>) target(%arg10 : memref<125x16xf32, #tpu.memory_space<vmem>>) offsets(%dma_start3A_173 : memref<125xi32, #tpu.memory_space<vmem>>) semaphore(%arg14 : memref<!tpu.dma_semaphore, #tpu.memory_space<semaphore_mem>>)
        } else {
        }
        %scan3A_166 = arith.constant 0 : i32
        scf.yield %scan3A_166 : i32
      }
      %scan3A_42 = arith.constant 16 : i32
      %run_scoped3A_43 = arith.constant 1 : i32
      "tpu.region"() ({
        %run_scoped3A_135 = tpu.sem_alloc : memref<!tpu.dma_semaphore, #tpu.memory_space<semaphore_mem>>
        %dma_start3A_136 = arith.constant 0 : i32
        %dma_start3A_137 = arith.constant 0 : i32
        %dma_start3A_138 = tpu.memref_slice %arg4[%run_scoped3A_43, %arg1, %dma_start3A_136, %dma_start3A_137] : memref<5x16x32x125xi32, #tpu.memory_space<hbm>> -> memref<1x1x32x125xi32, #tpu.memory_space<hbm>>
        %dma_start3A_139 = tpu.memref_squeeze %dma_start3A_138 : memref<1x1x32x125xi32, #tpu.memory_space<hbm>> -> memref<32x125xi32, #tpu.memory_space<hbm>>
        %dma_start3A_140 = arith.constant 0 : i32
        %dma_start3A_141 = arith.constant 0 : i32
        %dma_start3A_142 = tpu.memref_slice %arg4[%run_scoped3A_43, %arg1, %dma_start3A_140, %dma_start3A_141] : memref<5x16x32x125xi32, #tpu.memory_space<hbm>> -> memref<1x1x32x125xi32, #tpu.memory_space<hbm>>
        %dma_start3A_143 = tpu.memref_squeeze %dma_start3A_142 : memref<1x1x32x125xi32, #tpu.memory_space<hbm>> -> memref<32x125xi32, #tpu.memory_space<hbm>>
        tpu.enqueue_dma source(%dma_start3A_143 : memref<32x125xi32, #tpu.memory_space<hbm>>) target(%arg7 : memref<32x125xi32, #tpu.memory_space<vmem>>) target_semaphore(%run_scoped3A_135 : memref<!tpu.dma_semaphore, #tpu.memory_space<semaphore_mem>>)
        %dma_wait3A = arith.constant 0 : i32
        %dma_wait3A_144 = arith.constant 0 : i32
        %dma_wait3A_145 = tpu.memref_slice %arg4[%run_scoped3A_43, %arg1, %dma_wait3A, %dma_wait3A_144] : memref<5x16x32x125xi32, #tpu.memory_space<hbm>> -> memref<1x1x32x125xi32, #tpu.memory_space<hbm>>
        %dma_wait3A_146 = tpu.memref_squeeze %dma_wait3A_145 : memref<1x1x32x125xi32, #tpu.memory_space<hbm>> -> memref<32x125xi32, #tpu.memory_space<hbm>>
        %dma_wait3A_147 = arith.constant 0 : i32
        %dma_wait3A_148 = arith.constant 0 : i32
        %dma_wait3A_149 = tpu.memref_slice %arg4[%run_scoped3A_43, %arg1, %dma_wait3A_147, %dma_wait3A_148] : memref<5x16x32x125xi32, #tpu.memory_space<hbm>> -> memref<1x1x32x125xi32, #tpu.memory_space<hbm>>
        %dma_wait3A_150 = tpu.memref_squeeze %dma_wait3A_149 : memref<1x1x32x125xi32, #tpu.memory_space<hbm>> -> memref<32x125xi32, #tpu.memory_space<hbm>>
        tpu.wait_dma2 semaphore(%run_scoped3A_135 : memref<!tpu.dma_semaphore, #tpu.memory_space<semaphore_mem>>) src(%dma_wait3A_150 : memref<32x125xi32, #tpu.memory_space<hbm>>) dst(%arg7 : memref<32x125xi32, #tpu.memory_space<vmem>>)
        tpu.yield
      }) : () -> ()
      %run_scoped3A_44 = arith.constant 1 : i32
      "tpu.region"() ({
        %run_scoped3A_135 = tpu.sem_alloc : memref<!tpu.dma_semaphore, #tpu.memory_space<semaphore_mem>>
        %dma_start3A_136 = arith.constant 0 : i32
        %dma_start3A_137 = arith.constant 0 : i32
        %dma_start3A_138 = tpu.memref_slice %arg5[%run_scoped3A_44, %arg1, %dma_start3A_136, %dma_start3A_137] : memref<5x16x32x125xi32, #tpu.memory_space<hbm>> -> memref<1x1x32x125xi32, #tpu.memory_space<hbm>>
        %dma_start3A_139 = tpu.memref_squeeze %dma_start3A_138 : memref<1x1x32x125xi32, #tpu.memory_space<hbm>> -> memref<32x125xi32, #tpu.memory_space<hbm>>
        %dma_start3A_140 = arith.constant 0 : i32
        %dma_start3A_141 = arith.constant 0 : i32
        %dma_start3A_142 = tpu.memref_slice %arg5[%run_scoped3A_44, %arg1, %dma_start3A_140, %dma_start3A_141] : memref<5x16x32x125xi32, #tpu.memory_space<hbm>> -> memref<1x1x32x125xi32, #tpu.memory_space<hbm>>
        %dma_start3A_143 = tpu.memref_squeeze %dma_start3A_142 : memref<1x1x32x125xi32, #tpu.memory_space<hbm>> -> memref<32x125xi32, #tpu.memory_space<hbm>>
        tpu.enqueue_dma source(%dma_start3A_143 : memref<32x125xi32, #tpu.memory_space<hbm>>) target(%arg8 : memref<32x125xi32, #tpu.memory_space<vmem>>) target_semaphore(%run_scoped3A_135 : memref<!tpu.dma_semaphore, #tpu.memory_space<semaphore_mem>>)
        %dma_wait3A = arith.constant 0 : i32
        %dma_wait3A_144 = arith.constant 0 : i32
        %dma_wait3A_145 = tpu.memref_slice %arg5[%run_scoped3A_44, %arg1, %dma_wait3A, %dma_wait3A_144] : memref<5x16x32x125xi32, #tpu.memory_space<hbm>> -> memref<1x1x32x125xi32, #tpu.memory_space<hbm>>
        %dma_wait3A_146 = tpu.memref_squeeze %dma_wait3A_145 : memref<1x1x32x125xi32, #tpu.memory_space<hbm>> -> memref<32x125xi32, #tpu.memory_space<hbm>>
        %dma_wait3A_147 = arith.constant 0 : i32
        %dma_wait3A_148 = arith.constant 0 : i32
        %dma_wait3A_149 = tpu.memref_slice %arg5[%run_scoped3A_44, %arg1, %dma_wait3A_147, %dma_wait3A_148] : memref<5x16x32x125xi32, #tpu.memory_space<hbm>> -> memref<1x1x32x125xi32, #tpu.memory_space<hbm>>
        %dma_wait3A_150 = tpu.memref_squeeze %dma_wait3A_149 : memref<1x1x32x125xi32, #tpu.memory_space<hbm>> -> memref<32x125xi32, #tpu.memory_space<hbm>>
        tpu.wait_dma2 semaphore(%run_scoped3A_135 : memref<!tpu.dma_semaphore, #tpu.memory_space<semaphore_mem>>) src(%dma_wait3A_150 : memref<32x125xi32, #tpu.memory_space<hbm>>) dst(%arg8 : memref<32x125xi32, #tpu.memory_space<vmem>>)
        tpu.yield
      }) : () -> ()
      %dma_start3A_45 = arith.constant 0 : i32
      %dma_start3A_46 = arith.constant 0 : i32
      %dma_start3A_47 = tpu.memref_slice %arg7[%dma_start3A_45, %dma_start3A_46] : memref<32x125xi32, #tpu.memory_space<vmem>> -> memref<1x125xi32, #tpu.memory_space<vmem>>
      %dma_start3A_48 = tpu.memref_squeeze %dma_start3A_47 : memref<1x125xi32, #tpu.memory_space<vmem>> -> memref<125xi32, #tpu.memory_space<vmem>>
      %dma_start3A_49 = arith.constant 0 : i32
      %dma_start3A_50 = arith.constant 0 : i32
      %dma_start3A_51 = tpu.memref_slice %arg2[%dma_start3A_49, %dma_start3A_50] : memref<25600x16xf32, #tpu.memory_space<hbm>> -> memref<25600x16xf32, #tpu.memory_space<hbm>>
      tpu.enqueue_indirect_dma source(%dma_start3A_51 : memref<25600x16xf32, #tpu.memory_space<hbm>>) target(%arg9 : memref<125x16xf32, #tpu.memory_space<vmem>>) offsets(%dma_start3A_48 : memref<125xi32, #tpu.memory_space<vmem>>) semaphore(%arg13 : memref<!tpu.dma_semaphore, #tpu.memory_space<semaphore_mem>>)
      %dma_start3A_52 = arith.constant 1 : i32
      %dma_start3A_53 = arith.constant 0 : i32
      %dma_start3A_54 = tpu.memref_slice %arg7[%dma_start3A_52, %dma_start3A_53] : memref<32x125xi32, #tpu.memory_space<vmem>> -> memref<1x125xi32, #tpu.memory_space<vmem>>
      %dma_start3A_55 = tpu.memref_squeeze %dma_start3A_54 : memref<1x125xi32, #tpu.memory_space<vmem>> -> memref<125xi32, #tpu.memory_space<vmem>>
      %dma_start3A_56 = arith.constant 0 : i32
      %dma_start3A_57 = arith.constant 0 : i32
      %dma_start3A_58 = tpu.memref_slice %arg2[%dma_start3A_56, %dma_start3A_57] : memref<25600x16xf32, #tpu.memory_space<hbm>> -> memref<25600x16xf32, #tpu.memory_space<hbm>>
      tpu.enqueue_indirect_dma source(%dma_start3A_58 : memref<25600x16xf32, #tpu.memory_space<hbm>>) target(%arg10 : memref<125x16xf32, #tpu.memory_space<vmem>>) offsets(%dma_start3A_55 : memref<125xi32, #tpu.memory_space<vmem>>) semaphore(%arg14 : memref<!tpu.dma_semaphore, #tpu.memory_space<semaphore_mem>>)
      %scan3A_59 = arith.constant 0 : i32
      %scan3A_60 = arith.constant 0 : i32
      %scan3A_61 = arith.constant 16 : i32
      %scan3A_62 = arith.addi %scan3A_60, %scan3A_61 : i32
      %scan3A_63 = arith.constant 1 : i32
      %scan3A_64 = scf.for %scan3A_135 = %scan3A_60 to %scan3A_62 step %scan3A_63 iter_args(%scan3A_136 = %scan3A_59) -> (i32)  : i32 {
        %mul3A_137 = arith.constant 2 : i32
        %mul3A_138 = arith.muli %mul3A_137, %scan3A_135 : i32
        %add3A = arith.constant 0 : i32
        %add3A_139 = arith.addi %mul3A_138, %add3A : i32
        %dma_wait3A = arith.constant 0 : i32
        %dma_wait3A_140 = tpu.memref_slice %arg7[%add3A_139, %dma_wait3A] : memref<32x125xi32, #tpu.memory_space<vmem>> -> memref<1x125xi32, #tpu.memory_space<vmem>>
        %dma_wait3A_141 = tpu.memref_squeeze %dma_wait3A_140 : memref<1x125xi32, #tpu.memory_space<vmem>> -> memref<125xi32, #tpu.memory_space<vmem>>
        %dma_wait3A_142 = arith.constant 0 : i32
        %dma_wait3A_143 = arith.constant 0 : i32
        %dma_wait3A_144 = tpu.memref_slice %arg2[%dma_wait3A_142, %dma_wait3A_143] : memref<25600x16xf32, #tpu.memory_space<hbm>> -> memref<25600x16xf32, #tpu.memory_space<hbm>>
        tpu.wait_indirect_dma semaphore(%arg13 : memref<!tpu.dma_semaphore, #tpu.memory_space<semaphore_mem>>) src(%dma_wait3A_144 : memref<25600x16xf32, #tpu.memory_space<hbm>>) dst(%arg9 : memref<125x16xf32, #tpu.memory_space<vmem>>)
        %add3A_145 = arith.constant 0 : i32
        %add3A_146 = arith.addi %mul3A_138, %add3A_145 : i32
        "tpu.region"() ({
          %run_scoped3A_167 = tpu.sem_alloc : memref<!tpu.dma_semaphore, #tpu.memory_space<semaphore_mem>>
          %dma_start3A_168 = arith.constant 0 : i32
          %dma_start3A_169 = tpu.memref_slice %arg8[%add3A_146, %dma_start3A_168] : memref<32x125xi32, #tpu.memory_space<vmem>> -> memref<1x125xi32, #tpu.memory_space<vmem>>
          %dma_start3A_170 = tpu.memref_squeeze %dma_start3A_169 : memref<1x125xi32, #tpu.memory_space<vmem>> -> memref<125xi32, #tpu.memory_space<vmem>>
          %dma_start3A_171 = arith.constant 0 : i32
          %dma_start3A_172 = arith.constant 0 : i32
          %dma_start3A_173 = tpu.memref_slice %arg12[%dma_start3A_171, %dma_start3A_172] : memref<25600x16xf32, #tpu.memory_space<vmem_shared>> -> memref<25600x16xf32, #tpu.memory_space<vmem_shared>>
          tpu.enqueue_indirect_dma source(%arg9 : memref<125x16xf32, #tpu.memory_space<vmem>>) target(%dma_start3A_173 : memref<25600x16xf32, #tpu.memory_space<vmem_shared>>) offsets(%dma_start3A_170 : memref<125xi32, #tpu.memory_space<vmem>>) semaphore(%run_scoped3A_167 : memref<!tpu.dma_semaphore, #tpu.memory_space<semaphore_mem>>) {add = true}
          %dma_wait3A_174 = arith.constant 0 : i32
          %dma_wait3A_175 = tpu.memref_slice %arg8[%add3A_146, %dma_wait3A_174] : memref<32x125xi32, #tpu.memory_space<vmem>> -> memref<1x125xi32, #tpu.memory_space<vmem>>
          %dma_wait3A_176 = tpu.memref_squeeze %dma_wait3A_175 : memref<1x125xi32, #tpu.memory_space<vmem>> -> memref<125xi32, #tpu.memory_space<vmem>>
          %dma_wait3A_177 = arith.constant 0 : i32
          %dma_wait3A_178 = arith.constant 0 : i32
          %dma_wait3A_179 = tpu.memref_slice %arg12[%dma_wait3A_177, %dma_wait3A_178] : memref<25600x16xf32, #tpu.memory_space<vmem_shared>> -> memref<25600x16xf32, #tpu.memory_space<vmem_shared>>
          tpu.wait_indirect_dma semaphore(%run_scoped3A_167 : memref<!tpu.dma_semaphore, #tpu.memory_space<semaphore_mem>>) src(%arg9 : memref<125x16xf32, #tpu.memory_space<vmem>>) dst(%dma_wait3A_179 : memref<25600x16xf32, #tpu.memory_space<vmem_shared>>)
          tpu.yield
        }) : () -> ()
        %lt3A = arith.constant 15 : i32
        %lt3A_147 = arith.cmpi slt, %scan3A_135, %lt3A : i32
        %convert_element_type3A_148 = arith.extui %lt3A_147 : i1 to i32
        %cond3A_149 = arith.constant 0 : i32
        %cond3A_150 = arith.cmpi ne, %convert_element_type3A_148, %cond3A_149 : i32
        scf.if %cond3A_150 {
          %add3A_167 = arith.constant 0 : i32
          %add3A_168 = arith.addi %mul3A_138, %add3A_167 : i32
          %add3A_169 = arith.constant 2 : i32
          %add3A_170 = arith.addi %add3A_168, %add3A_169 : i32
          %dma_start3A_171 = arith.constant 0 : i32
          %dma_start3A_172 = tpu.memref_slice %arg7[%add3A_170, %dma_start3A_171] : memref<32x125xi32, #tpu.memory_space<vmem>> -> memref<1x125xi32, #tpu.memory_space<vmem>>
          %dma_start3A_173 = tpu.memref_squeeze %dma_start3A_172 : memref<1x125xi32, #tpu.memory_space<vmem>> -> memref<125xi32, #tpu.memory_space<vmem>>
          %dma_start3A_174 = arith.constant 0 : i32
          %dma_start3A_175 = arith.constant 0 : i32
          %dma_start3A_176 = tpu.memref_slice %arg2[%dma_start3A_174, %dma_start3A_175] : memref<25600x16xf32, #tpu.memory_space<hbm>> -> memref<25600x16xf32, #tpu.memory_space<hbm>>
          tpu.enqueue_indirect_dma source(%dma_start3A_176 : memref<25600x16xf32, #tpu.memory_space<hbm>>) target(%arg9 : memref<125x16xf32, #tpu.memory_space<vmem>>) offsets(%dma_start3A_173 : memref<125xi32, #tpu.memory_space<vmem>>) semaphore(%arg13 : memref<!tpu.dma_semaphore, #tpu.memory_space<semaphore_mem>>)
        } else {
        }
        %add3A_151 = arith.constant 1 : i32
        %add3A_152 = arith.addi %mul3A_138, %add3A_151 : i32
        %dma_wait3A_153 = arith.constant 0 : i32
        %dma_wait3A_154 = tpu.memref_slice %arg7[%add3A_152, %dma_wait3A_153] : memref<32x125xi32, #tpu.memory_space<vmem>> -> memref<1x125xi32, #tpu.memory_space<vmem>>
        %dma_wait3A_155 = tpu.memref_squeeze %dma_wait3A_154 : memref<1x125xi32, #tpu.memory_space<vmem>> -> memref<125xi32, #tpu.memory_space<vmem>>
        %dma_wait3A_156 = arith.constant 0 : i32
        %dma_wait3A_157 = arith.constant 0 : i32
        %dma_wait3A_158 = tpu.memref_slice %arg2[%dma_wait3A_156, %dma_wait3A_157] : memref<25600x16xf32, #tpu.memory_space<hbm>> -> memref<25600x16xf32, #tpu.memory_space<hbm>>
        tpu.wait_indirect_dma semaphore(%arg14 : memref<!tpu.dma_semaphore, #tpu.memory_space<semaphore_mem>>) src(%dma_wait3A_158 : memref<25600x16xf32, #tpu.memory_space<hbm>>) dst(%arg10 : memref<125x16xf32, #tpu.memory_space<vmem>>)
        %add3A_159 = arith.constant 1 : i32
        %add3A_160 = arith.addi %mul3A_138, %add3A_159 : i32
        "tpu.region"() ({
          %run_scoped3A_167 = tpu.sem_alloc : memref<!tpu.dma_semaphore, #tpu.memory_space<semaphore_mem>>
          %dma_start3A_168 = arith.constant 0 : i32
          %dma_start3A_169 = tpu.memref_slice %arg8[%add3A_160, %dma_start3A_168] : memref<32x125xi32, #tpu.memory_space<vmem>> -> memref<1x125xi32, #tpu.memory_space<vmem>>
          %dma_start3A_170 = tpu.memref_squeeze %dma_start3A_169 : memref<1x125xi32, #tpu.memory_space<vmem>> -> memref<125xi32, #tpu.memory_space<vmem>>
          %dma_start3A_171 = arith.constant 0 : i32
          %dma_start3A_172 = arith.constant 0 : i32
          %dma_start3A_173 = tpu.memref_slice %arg12[%dma_start3A_171, %dma_start3A_172] : memref<25600x16xf32, #tpu.memory_space<vmem_shared>> -> memref<25600x16xf32, #tpu.memory_space<vmem_shared>>
          tpu.enqueue_indirect_dma source(%arg10 : memref<125x16xf32, #tpu.memory_space<vmem>>) target(%dma_start3A_173 : memref<25600x16xf32, #tpu.memory_space<vmem_shared>>) offsets(%dma_start3A_170 : memref<125xi32, #tpu.memory_space<vmem>>) semaphore(%run_scoped3A_167 : memref<!tpu.dma_semaphore, #tpu.memory_space<semaphore_mem>>) {add = true}
          %dma_wait3A_174 = arith.constant 0 : i32
          %dma_wait3A_175 = tpu.memref_slice %arg8[%add3A_160, %dma_wait3A_174] : memref<32x125xi32, #tpu.memory_space<vmem>> -> memref<1x125xi32, #tpu.memory_space<vmem>>
          %dma_wait3A_176 = tpu.memref_squeeze %dma_wait3A_175 : memref<1x125xi32, #tpu.memory_space<vmem>> -> memref<125xi32, #tpu.memory_space<vmem>>
          %dma_wait3A_177 = arith.constant 0 : i32
          %dma_wait3A_178 = arith.constant 0 : i32
          %dma_wait3A_179 = tpu.memref_slice %arg12[%dma_wait3A_177, %dma_wait3A_178] : memref<25600x16xf32, #tpu.memory_space<vmem_shared>> -> memref<25600x16xf32, #tpu.memory_space<vmem_shared>>
          tpu.wait_indirect_dma semaphore(%run_scoped3A_167 : memref<!tpu.dma_semaphore, #tpu.memory_space<semaphore_mem>>) src(%arg10 : memref<125x16xf32, #tpu.memory_space<vmem>>) dst(%dma_wait3A_179 : memref<25600x16xf32, #tpu.memory_space<vmem_shared>>)
          tpu.yield
        }) : () -> ()
        %lt3A_161 = arith.constant 15 : i32
        %lt3A_162 = arith.cmpi slt, %scan3A_135, %lt3A_161 : i32
        %convert_element_type3A_163 = arith.extui %lt3A_162 : i1 to i32
        %cond3A_164 = arith.constant 0 : i32
        %cond3A_165 = arith.cmpi ne, %convert_element_type3A_163, %cond3A_164 : i32
        scf.if %cond3A_165 {
          %add3A_167 = arith.constant 1 : i32
          %add3A_168 = arith.addi %mul3A_138, %add3A_167 : i32
          %add3A_169 = arith.constant 2 : i32
          %add3A_170 = arith.addi %add3A_168, %add3A_169 : i32
          %dma_start3A_171 = arith.constant 0 : i32
          %dma_start3A_172 = tpu.memref_slice %arg7[%add3A_170, %dma_start3A_171] : memref<32x125xi32, #tpu.memory_space<vmem>> -> memref<1x125xi32, #tpu.memory_space<vmem>>
          %dma_start3A_173 = tpu.memref_squeeze %dma_start3A_172 : memref<1x125xi32, #tpu.memory_space<vmem>> -> memref<125xi32, #tpu.memory_space<vmem>>
          %dma_start3A_174 = arith.constant 0 : i32
          %dma_start3A_175 = arith.constant 0 : i32
          %dma_start3A_176 = tpu.memref_slice %arg2[%dma_start3A_174, %dma_start3A_175] : memref<25600x16xf32, #tpu.memory_space<hbm>> -> memref<25600x16xf32, #tpu.memory_space<hbm>>
          tpu.enqueue_indirect_dma source(%dma_start3A_176 : memref<25600x16xf32, #tpu.memory_space<hbm>>) target(%arg10 : memref<125x16xf32, #tpu.memory_space<vmem>>) offsets(%dma_start3A_173 : memref<125xi32, #tpu.memory_space<vmem>>) semaphore(%arg14 : memref<!tpu.dma_semaphore, #tpu.memory_space<semaphore_mem>>)
        } else {
        }
        %scan3A_166 = arith.constant 0 : i32
        scf.yield %scan3A_166 : i32
      }
      %scan3A_65 = arith.constant 16 : i32
      %run_scoped3A_66 = arith.constant 2 : i32
      "tpu.region"() ({
        %run_scoped3A_135 = tpu.sem_alloc : memref<!tpu.dma_semaphore, #tpu.memory_space<semaphore_mem>>
        %dma_start3A_136 = arith.constant 0 : i32
        %dma_start3A_137 = arith.constant 0 : i32
        %dma_start3A_138 = tpu.memref_slice %arg4[%run_scoped3A_66, %arg1, %dma_start3A_136, %dma_start3A_137] : memref<5x16x32x125xi32, #tpu.memory_space<hbm>> -> memref<1x1x32x125xi32, #tpu.memory_space<hbm>>
        %dma_start3A_139 = tpu.memref_squeeze %dma_start3A_138 : memref<1x1x32x125xi32, #tpu.memory_space<hbm>> -> memref<32x125xi32, #tpu.memory_space<hbm>>
        %dma_start3A_140 = arith.constant 0 : i32
        %dma_start3A_141 = arith.constant 0 : i32
        %dma_start3A_142 = tpu.memref_slice %arg4[%run_scoped3A_66, %arg1, %dma_start3A_140, %dma_start3A_141] : memref<5x16x32x125xi32, #tpu.memory_space<hbm>> -> memref<1x1x32x125xi32, #tpu.memory_space<hbm>>
        %dma_start3A_143 = tpu.memref_squeeze %dma_start3A_142 : memref<1x1x32x125xi32, #tpu.memory_space<hbm>> -> memref<32x125xi32, #tpu.memory_space<hbm>>
        tpu.enqueue_dma source(%dma_start3A_143 : memref<32x125xi32, #tpu.memory_space<hbm>>) target(%arg7 : memref<32x125xi32, #tpu.memory_space<vmem>>) target_semaphore(%run_scoped3A_135 : memref<!tpu.dma_semaphore, #tpu.memory_space<semaphore_mem>>)
        %dma_wait3A = arith.constant 0 : i32
        %dma_wait3A_144 = arith.constant 0 : i32
        %dma_wait3A_145 = tpu.memref_slice %arg4[%run_scoped3A_66, %arg1, %dma_wait3A, %dma_wait3A_144] : memref<5x16x32x125xi32, #tpu.memory_space<hbm>> -> memref<1x1x32x125xi32, #tpu.memory_space<hbm>>
        %dma_wait3A_146 = tpu.memref_squeeze %dma_wait3A_145 : memref<1x1x32x125xi32, #tpu.memory_space<hbm>> -> memref<32x125xi32, #tpu.memory_space<hbm>>
        %dma_wait3A_147 = arith.constant 0 : i32
        %dma_wait3A_148 = arith.constant 0 : i32
        %dma_wait3A_149 = tpu.memref_slice %arg4[%run_scoped3A_66, %arg1, %dma_wait3A_147, %dma_wait3A_148] : memref<5x16x32x125xi32, #tpu.memory_space<hbm>> -> memref<1x1x32x125xi32, #tpu.memory_space<hbm>>
        %dma_wait3A_150 = tpu.memref_squeeze %dma_wait3A_149 : memref<1x1x32x125xi32, #tpu.memory_space<hbm>> -> memref<32x125xi32, #tpu.memory_space<hbm>>
        tpu.wait_dma2 semaphore(%run_scoped3A_135 : memref<!tpu.dma_semaphore, #tpu.memory_space<semaphore_mem>>) src(%dma_wait3A_150 : memref<32x125xi32, #tpu.memory_space<hbm>>) dst(%arg7 : memref<32x125xi32, #tpu.memory_space<vmem>>)
        tpu.yield
      }) : () -> ()
      %run_scoped3A_67 = arith.constant 2 : i32
      "tpu.region"() ({
        %run_scoped3A_135 = tpu.sem_alloc : memref<!tpu.dma_semaphore, #tpu.memory_space<semaphore_mem>>
        %dma_start3A_136 = arith.constant 0 : i32
        %dma_start3A_137 = arith.constant 0 : i32
        %dma_start3A_138 = tpu.memref_slice %arg5[%run_scoped3A_67, %arg1, %dma_start3A_136, %dma_start3A_137] : memref<5x16x32x125xi32, #tpu.memory_space<hbm>> -> memref<1x1x32x125xi32, #tpu.memory_space<hbm>>
        %dma_start3A_139 = tpu.memref_squeeze %dma_start3A_138 : memref<1x1x32x125xi32, #tpu.memory_space<hbm>> -> memref<32x125xi32, #tpu.memory_space<hbm>>
        %dma_start3A_140 = arith.constant 0 : i32
        %dma_start3A_141 = arith.constant 0 : i32
        %dma_start3A_142 = tpu.memref_slice %arg5[%run_scoped3A_67, %arg1, %dma_start3A_140, %dma_start3A_141] : memref<5x16x32x125xi32, #tpu.memory_space<hbm>> -> memref<1x1x32x125xi32, #tpu.memory_space<hbm>>
        %dma_start3A_143 = tpu.memref_squeeze %dma_start3A_142 : memref<1x1x32x125xi32, #tpu.memory_space<hbm>> -> memref<32x125xi32, #tpu.memory_space<hbm>>
        tpu.enqueue_dma source(%dma_start3A_143 : memref<32x125xi32, #tpu.memory_space<hbm>>) target(%arg8 : memref<32x125xi32, #tpu.memory_space<vmem>>) target_semaphore(%run_scoped3A_135 : memref<!tpu.dma_semaphore, #tpu.memory_space<semaphore_mem>>)
        %dma_wait3A = arith.constant 0 : i32
        %dma_wait3A_144 = arith.constant 0 : i32
        %dma_wait3A_145 = tpu.memref_slice %arg5[%run_scoped3A_67, %arg1, %dma_wait3A, %dma_wait3A_144] : memref<5x16x32x125xi32, #tpu.memory_space<hbm>> -> memref<1x1x32x125xi32, #tpu.memory_space<hbm>>
        %dma_wait3A_146 = tpu.memref_squeeze %dma_wait3A_145 : memref<1x1x32x125xi32, #tpu.memory_space<hbm>> -> memref<32x125xi32, #tpu.memory_space<hbm>>
        %dma_wait3A_147 = arith.constant 0 : i32
        %dma_wait3A_148 = arith.constant 0 : i32
        %dma_wait3A_149 = tpu.memref_slice %arg5[%run_scoped3A_67, %arg1, %dma_wait3A_147, %dma_wait3A_148] : memref<5x16x32x125xi32, #tpu.memory_space<hbm>> -> memref<1x1x32x125xi32, #tpu.memory_space<hbm>>
        %dma_wait3A_150 = tpu.memref_squeeze %dma_wait3A_149 : memref<1x1x32x125xi32, #tpu.memory_space<hbm>> -> memref<32x125xi32, #tpu.memory_space<hbm>>
        tpu.wait_dma2 semaphore(%run_scoped3A_135 : memref<!tpu.dma_semaphore, #tpu.memory_space<semaphore_mem>>) src(%dma_wait3A_150 : memref<32x125xi32, #tpu.memory_space<hbm>>) dst(%arg8 : memref<32x125xi32, #tpu.memory_space<vmem>>)
        tpu.yield
      }) : () -> ()
      %dma_start3A_68 = arith.constant 0 : i32
      %dma_start3A_69 = arith.constant 0 : i32
      %dma_start3A_70 = tpu.memref_slice %arg7[%dma_start3A_68, %dma_start3A_69] : memref<32x125xi32, #tpu.memory_space<vmem>> -> memref<1x125xi32, #tpu.memory_space<vmem>>
      %dma_start3A_71 = tpu.memref_squeeze %dma_start3A_70 : memref<1x125xi32, #tpu.memory_space<vmem>> -> memref<125xi32, #tpu.memory_space<vmem>>
      %dma_start3A_72 = arith.constant 0 : i32
      %dma_start3A_73 = arith.constant 0 : i32
      %dma_start3A_74 = tpu.memref_slice %arg2[%dma_start3A_72, %dma_start3A_73] : memref<25600x16xf32, #tpu.memory_space<hbm>> -> memref<25600x16xf32, #tpu.memory_space<hbm>>
      tpu.enqueue_indirect_dma source(%dma_start3A_74 : memref<25600x16xf32, #tpu.memory_space<hbm>>) target(%arg9 : memref<125x16xf32, #tpu.memory_space<vmem>>) offsets(%dma_start3A_71 : memref<125xi32, #tpu.memory_space<vmem>>) semaphore(%arg13 : memref<!tpu.dma_semaphore, #tpu.memory_space<semaphore_mem>>)
      %dma_start3A_75 = arith.constant 1 : i32
      %dma_start3A_76 = arith.constant 0 : i32
      %dma_start3A_77 = tpu.memref_slice %arg7[%dma_start3A_75, %dma_start3A_76] : memref<32x125xi32, #tpu.memory_space<vmem>> -> memref<1x125xi32, #tpu.memory_space<vmem>>
      %dma_start3A_78 = tpu.memref_squeeze %dma_start3A_77 : memref<1x125xi32, #tpu.memory_space<vmem>> -> memref<125xi32, #tpu.memory_space<vmem>>
      %dma_start3A_79 = arith.constant 0 : i32
      %dma_start3A_80 = arith.constant 0 : i32
      %dma_start3A_81 = tpu.memref_slice %arg2[%dma_start3A_79, %dma_start3A_80] : memref<25600x16xf32, #tpu.memory_space<hbm>> -> memref<25600x16xf32, #tpu.memory_space<hbm>>
      tpu.enqueue_indirect_dma source(%dma_start3A_81 : memref<25600x16xf32, #tpu.memory_space<hbm>>) target(%arg10 : memref<125x16xf32, #tpu.memory_space<vmem>>) offsets(%dma_start3A_78 : memref<125xi32, #tpu.memory_space<vmem>>) semaphore(%arg14 : memref<!tpu.dma_semaphore, #tpu.memory_space<semaphore_mem>>)
      %scan3A_82 = arith.constant 0 : i32
      %scan3A_83 = arith.constant 0 : i32
      %scan3A_84 = arith.constant 16 : i32
      %scan3A_85 = arith.addi %scan3A_83, %scan3A_84 : i32
      %scan3A_86 = arith.constant 1 : i32
      %scan3A_87 = scf.for %scan3A_135 = %scan3A_83 to %scan3A_85 step %scan3A_86 iter_args(%scan3A_136 = %scan3A_82) -> (i32)  : i32 {
        %mul3A_137 = arith.constant 2 : i32
        %mul3A_138 = arith.muli %mul3A_137, %scan3A_135 : i32
        %add3A = arith.constant 0 : i32
        %add3A_139 = arith.addi %mul3A_138, %add3A : i32
        %dma_wait3A = arith.constant 0 : i32
        %dma_wait3A_140 = tpu.memref_slice %arg7[%add3A_139, %dma_wait3A] : memref<32x125xi32, #tpu.memory_space<vmem>> -> memref<1x125xi32, #tpu.memory_space<vmem>>
        %dma_wait3A_141 = tpu.memref_squeeze %dma_wait3A_140 : memref<1x125xi32, #tpu.memory_space<vmem>> -> memref<125xi32, #tpu.memory_space<vmem>>
        %dma_wait3A_142 = arith.constant 0 : i32
        %dma_wait3A_143 = arith.constant 0 : i32
        %dma_wait3A_144 = tpu.memref_slice %arg2[%dma_wait3A_142, %dma_wait3A_143] : memref<25600x16xf32, #tpu.memory_space<hbm>> -> memref<25600x16xf32, #tpu.memory_space<hbm>>
        tpu.wait_indirect_dma semaphore(%arg13 : memref<!tpu.dma_semaphore, #tpu.memory_space<semaphore_mem>>) src(%dma_wait3A_144 : memref<25600x16xf32, #tpu.memory_space<hbm>>) dst(%arg9 : memref<125x16xf32, #tpu.memory_space<vmem>>)
        %add3A_145 = arith.constant 0 : i32
        %add3A_146 = arith.addi %mul3A_138, %add3A_145 : i32
        "tpu.region"() ({
          %run_scoped3A_167 = tpu.sem_alloc : memref<!tpu.dma_semaphore, #tpu.memory_space<semaphore_mem>>
          %dma_start3A_168 = arith.constant 0 : i32
          %dma_start3A_169 = tpu.memref_slice %arg8[%add3A_146, %dma_start3A_168] : memref<32x125xi32, #tpu.memory_space<vmem>> -> memref<1x125xi32, #tpu.memory_space<vmem>>
          %dma_start3A_170 = tpu.memref_squeeze %dma_start3A_169 : memref<1x125xi32, #tpu.memory_space<vmem>> -> memref<125xi32, #tpu.memory_space<vmem>>
          %dma_start3A_171 = arith.constant 0 : i32
          %dma_start3A_172 = arith.constant 0 : i32
          %dma_start3A_173 = tpu.memref_slice %arg12[%dma_start3A_171, %dma_start3A_172] : memref<25600x16xf32, #tpu.memory_space<vmem_shared>> -> memref<25600x16xf32, #tpu.memory_space<vmem_shared>>
          tpu.enqueue_indirect_dma source(%arg9 : memref<125x16xf32, #tpu.memory_space<vmem>>) target(%dma_start3A_173 : memref<25600x16xf32, #tpu.memory_space<vmem_shared>>) offsets(%dma_start3A_170 : memref<125xi32, #tpu.memory_space<vmem>>) semaphore(%run_scoped3A_167 : memref<!tpu.dma_semaphore, #tpu.memory_space<semaphore_mem>>) {add = true}
          %dma_wait3A_174 = arith.constant 0 : i32
          %dma_wait3A_175 = tpu.memref_slice %arg8[%add3A_146, %dma_wait3A_174] : memref<32x125xi32, #tpu.memory_space<vmem>> -> memref<1x125xi32, #tpu.memory_space<vmem>>
          %dma_wait3A_176 = tpu.memref_squeeze %dma_wait3A_175 : memref<1x125xi32, #tpu.memory_space<vmem>> -> memref<125xi32, #tpu.memory_space<vmem>>
          %dma_wait3A_177 = arith.constant 0 : i32
          %dma_wait3A_178 = arith.constant 0 : i32
          %dma_wait3A_179 = tpu.memref_slice %arg12[%dma_wait3A_177, %dma_wait3A_178] : memref<25600x16xf32, #tpu.memory_space<vmem_shared>> -> memref<25600x16xf32, #tpu.memory_space<vmem_shared>>
          tpu.wait_indirect_dma semaphore(%run_scoped3A_167 : memref<!tpu.dma_semaphore, #tpu.memory_space<semaphore_mem>>) src(%arg9 : memref<125x16xf32, #tpu.memory_space<vmem>>) dst(%dma_wait3A_179 : memref<25600x16xf32, #tpu.memory_space<vmem_shared>>)
          tpu.yield
        }) : () -> ()
        %lt3A = arith.constant 15 : i32
        %lt3A_147 = arith.cmpi slt, %scan3A_135, %lt3A : i32
        %convert_element_type3A_148 = arith.extui %lt3A_147 : i1 to i32
        %cond3A_149 = arith.constant 0 : i32
        %cond3A_150 = arith.cmpi ne, %convert_element_type3A_148, %cond3A_149 : i32
        scf.if %cond3A_150 {
          %add3A_167 = arith.constant 0 : i32
          %add3A_168 = arith.addi %mul3A_138, %add3A_167 : i32
          %add3A_169 = arith.constant 2 : i32
          %add3A_170 = arith.addi %add3A_168, %add3A_169 : i32
          %dma_start3A_171 = arith.constant 0 : i32
          %dma_start3A_172 = tpu.memref_slice %arg7[%add3A_170, %dma_start3A_171] : memref<32x125xi32, #tpu.memory_space<vmem>> -> memref<1x125xi32, #tpu.memory_space<vmem>>
          %dma_start3A_173 = tpu.memref_squeeze %dma_start3A_172 : memref<1x125xi32, #tpu.memory_space<vmem>> -> memref<125xi32, #tpu.memory_space<vmem>>
          %dma_start3A_174 = arith.constant 0 : i32
          %dma_start3A_175 = arith.constant 0 : i32
          %dma_start3A_176 = tpu.memref_slice %arg2[%dma_start3A_174, %dma_start3A_175] : memref<25600x16xf32, #tpu.memory_space<hbm>> -> memref<25600x16xf32, #tpu.memory_space<hbm>>
          tpu.enqueue_indirect_dma source(%dma_start3A_176 : memref<25600x16xf32, #tpu.memory_space<hbm>>) target(%arg9 : memref<125x16xf32, #tpu.memory_space<vmem>>) offsets(%dma_start3A_173 : memref<125xi32, #tpu.memory_space<vmem>>) semaphore(%arg13 : memref<!tpu.dma_semaphore, #tpu.memory_space<semaphore_mem>>)
        } else {
        }
        %add3A_151 = arith.constant 1 : i32
        %add3A_152 = arith.addi %mul3A_138, %add3A_151 : i32
        %dma_wait3A_153 = arith.constant 0 : i32
        %dma_wait3A_154 = tpu.memref_slice %arg7[%add3A_152, %dma_wait3A_153] : memref<32x125xi32, #tpu.memory_space<vmem>> -> memref<1x125xi32, #tpu.memory_space<vmem>>
        %dma_wait3A_155 = tpu.memref_squeeze %dma_wait3A_154 : memref<1x125xi32, #tpu.memory_space<vmem>> -> memref<125xi32, #tpu.memory_space<vmem>>
        %dma_wait3A_156 = arith.constant 0 : i32
        %dma_wait3A_157 = arith.constant 0 : i32
        %dma_wait3A_158 = tpu.memref_slice %arg2[%dma_wait3A_156, %dma_wait3A_157] : memref<25600x16xf32, #tpu.memory_space<hbm>> -> memref<25600x16xf32, #tpu.memory_space<hbm>>
        tpu.wait_indirect_dma semaphore(%arg14 : memref<!tpu.dma_semaphore, #tpu.memory_space<semaphore_mem>>) src(%dma_wait3A_158 : memref<25600x16xf32, #tpu.memory_space<hbm>>) dst(%arg10 : memref<125x16xf32, #tpu.memory_space<vmem>>)
        %add3A_159 = arith.constant 1 : i32
        %add3A_160 = arith.addi %mul3A_138, %add3A_159 : i32
        "tpu.region"() ({
          %run_scoped3A_167 = tpu.sem_alloc : memref<!tpu.dma_semaphore, #tpu.memory_space<semaphore_mem>>
          %dma_start3A_168 = arith.constant 0 : i32
          %dma_start3A_169 = tpu.memref_slice %arg8[%add3A_160, %dma_start3A_168] : memref<32x125xi32, #tpu.memory_space<vmem>> -> memref<1x125xi32, #tpu.memory_space<vmem>>
          %dma_start3A_170 = tpu.memref_squeeze %dma_start3A_169 : memref<1x125xi32, #tpu.memory_space<vmem>> -> memref<125xi32, #tpu.memory_space<vmem>>
          %dma_start3A_171 = arith.constant 0 : i32
          %dma_start3A_172 = arith.constant 0 : i32
          %dma_start3A_173 = tpu.memref_slice %arg12[%dma_start3A_171, %dma_start3A_172] : memref<25600x16xf32, #tpu.memory_space<vmem_shared>> -> memref<25600x16xf32, #tpu.memory_space<vmem_shared>>
          tpu.enqueue_indirect_dma source(%arg10 : memref<125x16xf32, #tpu.memory_space<vmem>>) target(%dma_start3A_173 : memref<25600x16xf32, #tpu.memory_space<vmem_shared>>) offsets(%dma_start3A_170 : memref<125xi32, #tpu.memory_space<vmem>>) semaphore(%run_scoped3A_167 : memref<!tpu.dma_semaphore, #tpu.memory_space<semaphore_mem>>) {add = true}
          %dma_wait3A_174 = arith.constant 0 : i32
          %dma_wait3A_175 = tpu.memref_slice %arg8[%add3A_160, %dma_wait3A_174] : memref<32x125xi32, #tpu.memory_space<vmem>> -> memref<1x125xi32, #tpu.memory_space<vmem>>
          %dma_wait3A_176 = tpu.memref_squeeze %dma_wait3A_175 : memref<1x125xi32, #tpu.memory_space<vmem>> -> memref<125xi32, #tpu.memory_space<vmem>>
          %dma_wait3A_177 = arith.constant 0 : i32
          %dma_wait3A_178 = arith.constant 0 : i32
          %dma_wait3A_179 = tpu.memref_slice %arg12[%dma_wait3A_177, %dma_wait3A_178] : memref<25600x16xf32, #tpu.memory_space<vmem_shared>> -> memref<25600x16xf32, #tpu.memory_space<vmem_shared>>
          tpu.wait_indirect_dma semaphore(%run_scoped3A_167 : memref<!tpu.dma_semaphore, #tpu.memory_space<semaphore_mem>>) src(%arg10 : memref<125x16xf32, #tpu.memory_space<vmem>>) dst(%dma_wait3A_179 : memref<25600x16xf32, #tpu.memory_space<vmem_shared>>)
          tpu.yield
        }) : () -> ()
        %lt3A_161 = arith.constant 15 : i32
        %lt3A_162 = arith.cmpi slt, %scan3A_135, %lt3A_161 : i32
        %convert_element_type3A_163 = arith.extui %lt3A_162 : i1 to i32
        %cond3A_164 = arith.constant 0 : i32
        %cond3A_165 = arith.cmpi ne, %convert_element_type3A_163, %cond3A_164 : i32
        scf.if %cond3A_165 {
          %add3A_167 = arith.constant 1 : i32
          %add3A_168 = arith.addi %mul3A_138, %add3A_167 : i32
          %add3A_169 = arith.constant 2 : i32
          %add3A_170 = arith.addi %add3A_168, %add3A_169 : i32
          %dma_start3A_171 = arith.constant 0 : i32
          %dma_start3A_172 = tpu.memref_slice %arg7[%add3A_170, %dma_start3A_171] : memref<32x125xi32, #tpu.memory_space<vmem>> -> memref<1x125xi32, #tpu.memory_space<vmem>>
          %dma_start3A_173 = tpu.memref_squeeze %dma_start3A_172 : memref<1x125xi32, #tpu.memory_space<vmem>> -> memref<125xi32, #tpu.memory_space<vmem>>
          %dma_start3A_174 = arith.constant 0 : i32
          %dma_start3A_175 = arith.constant 0 : i32
          %dma_start3A_176 = tpu.memref_slice %arg2[%dma_start3A_174, %dma_start3A_175] : memref<25600x16xf32, #tpu.memory_space<hbm>> -> memref<25600x16xf32, #tpu.memory_space<hbm>>
          tpu.enqueue_indirect_dma source(%dma_start3A_176 : memref<25600x16xf32, #tpu.memory_space<hbm>>) target(%arg10 : memref<125x16xf32, #tpu.memory_space<vmem>>) offsets(%dma_start3A_173 : memref<125xi32, #tpu.memory_space<vmem>>) semaphore(%arg14 : memref<!tpu.dma_semaphore, #tpu.memory_space<semaphore_mem>>)
        } else {
        }
        %scan3A_166 = arith.constant 0 : i32
        scf.yield %scan3A_166 : i32
      }
      %scan3A_88 = arith.constant 16 : i32
      %run_scoped3A_89 = arith.constant 3 : i32
      "tpu.region"() ({
        %run_scoped3A_135 = tpu.sem_alloc : memref<!tpu.dma_semaphore, #tpu.memory_space<semaphore_mem>>
        %dma_start3A_136 = arith.constant 0 : i32
        %dma_start3A_137 = arith.constant 0 : i32
        %dma_start3A_138 = tpu.memref_slice %arg4[%run_scoped3A_89, %arg1, %dma_start3A_136, %dma_start3A_137] : memref<5x16x32x125xi32, #tpu.memory_space<hbm>> -> memref<1x1x32x125xi32, #tpu.memory_space<hbm>>
        %dma_start3A_139 = tpu.memref_squeeze %dma_start3A_138 : memref<1x1x32x125xi32, #tpu.memory_space<hbm>> -> memref<32x125xi32, #tpu.memory_space<hbm>>
        %dma_start3A_140 = arith.constant 0 : i32
        %dma_start3A_141 = arith.constant 0 : i32
        %dma_start3A_142 = tpu.memref_slice %arg4[%run_scoped3A_89, %arg1, %dma_start3A_140, %dma_start3A_141] : memref<5x16x32x125xi32, #tpu.memory_space<hbm>> -> memref<1x1x32x125xi32, #tpu.memory_space<hbm>>
        %dma_start3A_143 = tpu.memref_squeeze %dma_start3A_142 : memref<1x1x32x125xi32, #tpu.memory_space<hbm>> -> memref<32x125xi32, #tpu.memory_space<hbm>>
        tpu.enqueue_dma source(%dma_start3A_143 : memref<32x125xi32, #tpu.memory_space<hbm>>) target(%arg7 : memref<32x125xi32, #tpu.memory_space<vmem>>) target_semaphore(%run_scoped3A_135 : memref<!tpu.dma_semaphore, #tpu.memory_space<semaphore_mem>>)
        %dma_wait3A = arith.constant 0 : i32
        %dma_wait3A_144 = arith.constant 0 : i32
        %dma_wait3A_145 = tpu.memref_slice %arg4[%run_scoped3A_89, %arg1, %dma_wait3A, %dma_wait3A_144] : memref<5x16x32x125xi32, #tpu.memory_space<hbm>> -> memref<1x1x32x125xi32, #tpu.memory_space<hbm>>
        %dma_wait3A_146 = tpu.memref_squeeze %dma_wait3A_145 : memref<1x1x32x125xi32, #tpu.memory_space<hbm>> -> memref<32x125xi32, #tpu.memory_space<hbm>>
        %dma_wait3A_147 = arith.constant 0 : i32
        %dma_wait3A_148 = arith.constant 0 : i32
        %dma_wait3A_149 = tpu.memref_slice %arg4[%run_scoped3A_89, %arg1, %dma_wait3A_147, %dma_wait3A_148] : memref<5x16x32x125xi32, #tpu.memory_space<hbm>> -> memref<1x1x32x125xi32, #tpu.memory_space<hbm>>
        %dma_wait3A_150 = tpu.memref_squeeze %dma_wait3A_149 : memref<1x1x32x125xi32, #tpu.memory_space<hbm>> -> memref<32x125xi32, #tpu.memory_space<hbm>>
        tpu.wait_dma2 semaphore(%run_scoped3A_135 : memref<!tpu.dma_semaphore, #tpu.memory_space<semaphore_mem>>) src(%dma_wait3A_150 : memref<32x125xi32, #tpu.memory_space<hbm>>) dst(%arg7 : memref<32x125xi32, #tpu.memory_space<vmem>>)
        tpu.yield
      }) : () -> ()
      %run_scoped3A_90 = arith.constant 3 : i32
      "tpu.region"() ({
        %run_scoped3A_135 = tpu.sem_alloc : memref<!tpu.dma_semaphore, #tpu.memory_space<semaphore_mem>>
        %dma_start3A_136 = arith.constant 0 : i32
        %dma_start3A_137 = arith.constant 0 : i32
        %dma_start3A_138 = tpu.memref_slice %arg5[%run_scoped3A_90, %arg1, %dma_start3A_136, %dma_start3A_137] : memref<5x16x32x125xi32, #tpu.memory_space<hbm>> -> memref<1x1x32x125xi32, #tpu.memory_space<hbm>>
        %dma_start3A_139 = tpu.memref_squeeze %dma_start3A_138 : memref<1x1x32x125xi32, #tpu.memory_space<hbm>> -> memref<32x125xi32, #tpu.memory_space<hbm>>
        %dma_start3A_140 = arith.constant 0 : i32
        %dma_start3A_141 = arith.constant 0 : i32
        %dma_start3A_142 = tpu.memref_slice %arg5[%run_scoped3A_90, %arg1, %dma_start3A_140, %dma_start3A_141] : memref<5x16x32x125xi32, #tpu.memory_space<hbm>> -> memref<1x1x32x125xi32, #tpu.memory_space<hbm>>
        %dma_start3A_143 = tpu.memref_squeeze %dma_start3A_142 : memref<1x1x32x125xi32, #tpu.memory_space<hbm>> -> memref<32x125xi32, #tpu.memory_space<hbm>>
        tpu.enqueue_dma source(%dma_start3A_143 : memref<32x125xi32, #tpu.memory_space<hbm>>) target(%arg8 : memref<32x125xi32, #tpu.memory_space<vmem>>) target_semaphore(%run_scoped3A_135 : memref<!tpu.dma_semaphore, #tpu.memory_space<semaphore_mem>>)
        %dma_wait3A = arith.constant 0 : i32
        %dma_wait3A_144 = arith.constant 0 : i32
        %dma_wait3A_145 = tpu.memref_slice %arg5[%run_scoped3A_90, %arg1, %dma_wait3A, %dma_wait3A_144] : memref<5x16x32x125xi32, #tpu.memory_space<hbm>> -> memref<1x1x32x125xi32, #tpu.memory_space<hbm>>
        %dma_wait3A_146 = tpu.memref_squeeze %dma_wait3A_145 : memref<1x1x32x125xi32, #tpu.memory_space<hbm>> -> memref<32x125xi32, #tpu.memory_space<hbm>>
        %dma_wait3A_147 = arith.constant 0 : i32
        %dma_wait3A_148 = arith.constant 0 : i32
        %dma_wait3A_149 = tpu.memref_slice %arg5[%run_scoped3A_90, %arg1, %dma_wait3A_147, %dma_wait3A_148] : memref<5x16x32x125xi32, #tpu.memory_space<hbm>> -> memref<1x1x32x125xi32, #tpu.memory_space<hbm>>
        %dma_wait3A_150 = tpu.memref_squeeze %dma_wait3A_149 : memref<1x1x32x125xi32, #tpu.memory_space<hbm>> -> memref<32x125xi32, #tpu.memory_space<hbm>>
        tpu.wait_dma2 semaphore(%run_scoped3A_135 : memref<!tpu.dma_semaphore, #tpu.memory_space<semaphore_mem>>) src(%dma_wait3A_150 : memref<32x125xi32, #tpu.memory_space<hbm>>) dst(%arg8 : memref<32x125xi32, #tpu.memory_space<vmem>>)
        tpu.yield
      }) : () -> ()
      %dma_start3A_91 = arith.constant 0 : i32
      %dma_start3A_92 = arith.constant 0 : i32
      %dma_start3A_93 = tpu.memref_slice %arg7[%dma_start3A_91, %dma_start3A_92] : memref<32x125xi32, #tpu.memory_space<vmem>> -> memref<1x125xi32, #tpu.memory_space<vmem>>
      %dma_start3A_94 = tpu.memref_squeeze %dma_start3A_93 : memref<1x125xi32, #tpu.memory_space<vmem>> -> memref<125xi32, #tpu.memory_space<vmem>>
      %dma_start3A_95 = arith.constant 0 : i32
      %dma_start3A_96 = arith.constant 0 : i32
      %dma_start3A_97 = tpu.memref_slice %arg2[%dma_start3A_95, %dma_start3A_96] : memref<25600x16xf32, #tpu.memory_space<hbm>> -> memref<25600x16xf32, #tpu.memory_space<hbm>>
      tpu.enqueue_indirect_dma source(%dma_start3A_97 : memref<25600x16xf32, #tpu.memory_space<hbm>>) target(%arg9 : memref<125x16xf32, #tpu.memory_space<vmem>>) offsets(%dma_start3A_94 : memref<125xi32, #tpu.memory_space<vmem>>) semaphore(%arg13 : memref<!tpu.dma_semaphore, #tpu.memory_space<semaphore_mem>>)
      %dma_start3A_98 = arith.constant 1 : i32
      %dma_start3A_99 = arith.constant 0 : i32
      %dma_start3A_100 = tpu.memref_slice %arg7[%dma_start3A_98, %dma_start3A_99] : memref<32x125xi32, #tpu.memory_space<vmem>> -> memref<1x125xi32, #tpu.memory_space<vmem>>
      %dma_start3A_101 = tpu.memref_squeeze %dma_start3A_100 : memref<1x125xi32, #tpu.memory_space<vmem>> -> memref<125xi32, #tpu.memory_space<vmem>>
      %dma_start3A_102 = arith.constant 0 : i32
      %dma_start3A_103 = arith.constant 0 : i32
      %dma_start3A_104 = tpu.memref_slice %arg2[%dma_start3A_102, %dma_start3A_103] : memref<25600x16xf32, #tpu.memory_space<hbm>> -> memref<25600x16xf32, #tpu.memory_space<hbm>>
      tpu.enqueue_indirect_dma source(%dma_start3A_104 : memref<25600x16xf32, #tpu.memory_space<hbm>>) target(%arg10 : memref<125x16xf32, #tpu.memory_space<vmem>>) offsets(%dma_start3A_101 : memref<125xi32, #tpu.memory_space<vmem>>) semaphore(%arg14 : memref<!tpu.dma_semaphore, #tpu.memory_space<semaphore_mem>>)
      %scan3A_105 = arith.constant 0 : i32
      %scan3A_106 = arith.constant 0 : i32
      %scan3A_107 = arith.constant 16 : i32
      %scan3A_108 = arith.addi %scan3A_106, %scan3A_107 : i32
      %scan3A_109 = arith.constant 1 : i32
      %scan3A_110 = scf.for %scan3A_135 = %scan3A_106 to %scan3A_108 step %scan3A_109 iter_args(%scan3A_136 = %scan3A_105) -> (i32)  : i32 {
        %mul3A_137 = arith.constant 2 : i32
        %mul3A_138 = arith.muli %mul3A_137, %scan3A_135 : i32
        %add3A = arith.constant 0 : i32
        %add3A_139 = arith.addi %mul3A_138, %add3A : i32
        %dma_wait3A = arith.constant 0 : i32
        %dma_wait3A_140 = tpu.memref_slice %arg7[%add3A_139, %dma_wait3A] : memref<32x125xi32, #tpu.memory_space<vmem>> -> memref<1x125xi32, #tpu.memory_space<vmem>>
        %dma_wait3A_141 = tpu.memref_squeeze %dma_wait3A_140 : memref<1x125xi32, #tpu.memory_space<vmem>> -> memref<125xi32, #tpu.memory_space<vmem>>
        %dma_wait3A_142 = arith.constant 0 : i32
        %dma_wait3A_143 = arith.constant 0 : i32
        %dma_wait3A_144 = tpu.memref_slice %arg2[%dma_wait3A_142, %dma_wait3A_143] : memref<25600x16xf32, #tpu.memory_space<hbm>> -> memref<25600x16xf32, #tpu.memory_space<hbm>>
        tpu.wait_indirect_dma semaphore(%arg13 : memref<!tpu.dma_semaphore, #tpu.memory_space<semaphore_mem>>) src(%dma_wait3A_144 : memref<25600x16xf32, #tpu.memory_space<hbm>>) dst(%arg9 : memref<125x16xf32, #tpu.memory_space<vmem>>)
        %add3A_145 = arith.constant 0 : i32
        %add3A_146 = arith.addi %mul3A_138, %add3A_145 : i32
        "tpu.region"() ({
          %run_scoped3A_167 = tpu.sem_alloc : memref<!tpu.dma_semaphore, #tpu.memory_space<semaphore_mem>>
          %dma_start3A_168 = arith.constant 0 : i32
          %dma_start3A_169 = tpu.memref_slice %arg8[%add3A_146, %dma_start3A_168] : memref<32x125xi32, #tpu.memory_space<vmem>> -> memref<1x125xi32, #tpu.memory_space<vmem>>
          %dma_start3A_170 = tpu.memref_squeeze %dma_start3A_169 : memref<1x125xi32, #tpu.memory_space<vmem>> -> memref<125xi32, #tpu.memory_space<vmem>>
          %dma_start3A_171 = arith.constant 0 : i32
          %dma_start3A_172 = arith.constant 0 : i32
          %dma_start3A_173 = tpu.memref_slice %arg12[%dma_start3A_171, %dma_start3A_172] : memref<25600x16xf32, #tpu.memory_space<vmem_shared>> -> memref<25600x16xf32, #tpu.memory_space<vmem_shared>>
          tpu.enqueue_indirect_dma source(%arg9 : memref<125x16xf32, #tpu.memory_space<vmem>>) target(%dma_start3A_173 : memref<25600x16xf32, #tpu.memory_space<vmem_shared>>) offsets(%dma_start3A_170 : memref<125xi32, #tpu.memory_space<vmem>>) semaphore(%run_scoped3A_167 : memref<!tpu.dma_semaphore, #tpu.memory_space<semaphore_mem>>) {add = true}
          %dma_wait3A_174 = arith.constant 0 : i32
          %dma_wait3A_175 = tpu.memref_slice %arg8[%add3A_146, %dma_wait3A_174] : memref<32x125xi32, #tpu.memory_space<vmem>> -> memref<1x125xi32, #tpu.memory_space<vmem>>
          %dma_wait3A_176 = tpu.memref_squeeze %dma_wait3A_175 : memref<1x125xi32, #tpu.memory_space<vmem>> -> memref<125xi32, #tpu.memory_space<vmem>>
          %dma_wait3A_177 = arith.constant 0 : i32
          %dma_wait3A_178 = arith.constant 0 : i32
          %dma_wait3A_179 = tpu.memref_slice %arg12[%dma_wait3A_177, %dma_wait3A_178] : memref<25600x16xf32, #tpu.memory_space<vmem_shared>> -> memref<25600x16xf32, #tpu.memory_space<vmem_shared>>
          tpu.wait_indirect_dma semaphore(%run_scoped3A_167 : memref<!tpu.dma_semaphore, #tpu.memory_space<semaphore_mem>>) src(%arg9 : memref<125x16xf32, #tpu.memory_space<vmem>>) dst(%dma_wait3A_179 : memref<25600x16xf32, #tpu.memory_space<vmem_shared>>)
          tpu.yield
        }) : () -> ()
        %lt3A = arith.constant 15 : i32
        %lt3A_147 = arith.cmpi slt, %scan3A_135, %lt3A : i32
        %convert_element_type3A_148 = arith.extui %lt3A_147 : i1 to i32
        %cond3A_149 = arith.constant 0 : i32
        %cond3A_150 = arith.cmpi ne, %convert_element_type3A_148, %cond3A_149 : i32
        scf.if %cond3A_150 {
          %add3A_167 = arith.constant 0 : i32
          %add3A_168 = arith.addi %mul3A_138, %add3A_167 : i32
          %add3A_169 = arith.constant 2 : i32
          %add3A_170 = arith.addi %add3A_168, %add3A_169 : i32
          %dma_start3A_171 = arith.constant 0 : i32
          %dma_start3A_172 = tpu.memref_slice %arg7[%add3A_170, %dma_start3A_171] : memref<32x125xi32, #tpu.memory_space<vmem>> -> memref<1x125xi32, #tpu.memory_space<vmem>>
          %dma_start3A_173 = tpu.memref_squeeze %dma_start3A_172 : memref<1x125xi32, #tpu.memory_space<vmem>> -> memref<125xi32, #tpu.memory_space<vmem>>
          %dma_start3A_174 = arith.constant 0 : i32
          %dma_start3A_175 = arith.constant 0 : i32
          %dma_start3A_176 = tpu.memref_slice %arg2[%dma_start3A_174, %dma_start3A_175] : memref<25600x16xf32, #tpu.memory_space<hbm>> -> memref<25600x16xf32, #tpu.memory_space<hbm>>
          tpu.enqueue_indirect_dma source(%dma_start3A_176 : memref<25600x16xf32, #tpu.memory_space<hbm>>) target(%arg9 : memref<125x16xf32, #tpu.memory_space<vmem>>) offsets(%dma_start3A_173 : memref<125xi32, #tpu.memory_space<vmem>>) semaphore(%arg13 : memref<!tpu.dma_semaphore, #tpu.memory_space<semaphore_mem>>)
        } else {
        }
        %add3A_151 = arith.constant 1 : i32
        %add3A_152 = arith.addi %mul3A_138, %add3A_151 : i32
        %dma_wait3A_153 = arith.constant 0 : i32
        %dma_wait3A_154 = tpu.memref_slice %arg7[%add3A_152, %dma_wait3A_153] : memref<32x125xi32, #tpu.memory_space<vmem>> -> memref<1x125xi32, #tpu.memory_space<vmem>>
        %dma_wait3A_155 = tpu.memref_squeeze %dma_wait3A_154 : memref<1x125xi32, #tpu.memory_space<vmem>> -> memref<125xi32, #tpu.memory_space<vmem>>
        %dma_wait3A_156 = arith.constant 0 : i32
        %dma_wait3A_157 = arith.constant 0 : i32
        %dma_wait3A_158 = tpu.memref_slice %arg2[%dma_wait3A_156, %dma_wait3A_157] : memref<25600x16xf32, #tpu.memory_space<hbm>> -> memref<25600x16xf32, #tpu.memory_space<hbm>>
        tpu.wait_indirect_dma semaphore(%arg14 : memref<!tpu.dma_semaphore, #tpu.memory_space<semaphore_mem>>) src(%dma_wait3A_158 : memref<25600x16xf32, #tpu.memory_space<hbm>>) dst(%arg10 : memref<125x16xf32, #tpu.memory_space<vmem>>)
        %add3A_159 = arith.constant 1 : i32
        %add3A_160 = arith.addi %mul3A_138, %add3A_159 : i32
        "tpu.region"() ({
          %run_scoped3A_167 = tpu.sem_alloc : memref<!tpu.dma_semaphore, #tpu.memory_space<semaphore_mem>>
          %dma_start3A_168 = arith.constant 0 : i32
          %dma_start3A_169 = tpu.memref_slice %arg8[%add3A_160, %dma_start3A_168] : memref<32x125xi32, #tpu.memory_space<vmem>> -> memref<1x125xi32, #tpu.memory_space<vmem>>
          %dma_start3A_170 = tpu.memref_squeeze %dma_start3A_169 : memref<1x125xi32, #tpu.memory_space<vmem>> -> memref<125xi32, #tpu.memory_space<vmem>>
          %dma_start3A_171 = arith.constant 0 : i32
          %dma_start3A_172 = arith.constant 0 : i32
          %dma_start3A_173 = tpu.memref_slice %arg12[%dma_start3A_171, %dma_start3A_172] : memref<25600x16xf32, #tpu.memory_space<vmem_shared>> -> memref<25600x16xf32, #tpu.memory_space<vmem_shared>>
          tpu.enqueue_indirect_dma source(%arg10 : memref<125x16xf32, #tpu.memory_space<vmem>>) target(%dma_start3A_173 : memref<25600x16xf32, #tpu.memory_space<vmem_shared>>) offsets(%dma_start3A_170 : memref<125xi32, #tpu.memory_space<vmem>>) semaphore(%run_scoped3A_167 : memref<!tpu.dma_semaphore, #tpu.memory_space<semaphore_mem>>) {add = true}
          %dma_wait3A_174 = arith.constant 0 : i32
          %dma_wait3A_175 = tpu.memref_slice %arg8[%add3A_160, %dma_wait3A_174] : memref<32x125xi32, #tpu.memory_space<vmem>> -> memref<1x125xi32, #tpu.memory_space<vmem>>
          %dma_wait3A_176 = tpu.memref_squeeze %dma_wait3A_175 : memref<1x125xi32, #tpu.memory_space<vmem>> -> memref<125xi32, #tpu.memory_space<vmem>>
          %dma_wait3A_177 = arith.constant 0 : i32
          %dma_wait3A_178 = arith.constant 0 : i32
          %dma_wait3A_179 = tpu.memref_slice %arg12[%dma_wait3A_177, %dma_wait3A_178] : memref<25600x16xf32, #tpu.memory_space<vmem_shared>> -> memref<25600x16xf32, #tpu.memory_space<vmem_shared>>
          tpu.wait_indirect_dma semaphore(%run_scoped3A_167 : memref<!tpu.dma_semaphore, #tpu.memory_space<semaphore_mem>>) src(%arg10 : memref<125x16xf32, #tpu.memory_space<vmem>>) dst(%dma_wait3A_179 : memref<25600x16xf32, #tpu.memory_space<vmem_shared>>)
          tpu.yield
        }) : () -> ()
        %lt3A_161 = arith.constant 15 : i32
        %lt3A_162 = arith.cmpi slt, %scan3A_135, %lt3A_161 : i32
        %convert_element_type3A_163 = arith.extui %lt3A_162 : i1 to i32
        %cond3A_164 = arith.constant 0 : i32
        %cond3A_165 = arith.cmpi ne, %convert_element_type3A_163, %cond3A_164 : i32
        scf.if %cond3A_165 {
          %add3A_167 = arith.constant 1 : i32
          %add3A_168 = arith.addi %mul3A_138, %add3A_167 : i32
          %add3A_169 = arith.constant 2 : i32
          %add3A_170 = arith.addi %add3A_168, %add3A_169 : i32
          %dma_start3A_171 = arith.constant 0 : i32
          %dma_start3A_172 = tpu.memref_slice %arg7[%add3A_170, %dma_start3A_171] : memref<32x125xi32, #tpu.memory_space<vmem>> -> memref<1x125xi32, #tpu.memory_space<vmem>>
          %dma_start3A_173 = tpu.memref_squeeze %dma_start3A_172 : memref<1x125xi32, #tpu.memory_space<vmem>> -> memref<125xi32, #tpu.memory_space<vmem>>
          %dma_start3A_174 = arith.constant 0 : i32
          %dma_start3A_175 = arith.constant 0 : i32
          %dma_start3A_176 = tpu.memref_slice %arg2[%dma_start3A_174, %dma_start3A_175] : memref<25600x16xf32, #tpu.memory_space<hbm>> -> memref<25600x16xf32, #tpu.memory_space<hbm>>
          tpu.enqueue_indirect_dma source(%dma_start3A_176 : memref<25600x16xf32, #tpu.memory_space<hbm>>) target(%arg10 : memref<125x16xf32, #tpu.memory_space<vmem>>) offsets(%dma_start3A_173 : memref<125xi32, #tpu.memory_space<vmem>>) semaphore(%arg14 : memref<!tpu.dma_semaphore, #tpu.memory_space<semaphore_mem>>)
        } else {
        }
        %scan3A_166 = arith.constant 0 : i32
        scf.yield %scan3A_166 : i32
      }
      %scan3A_111 = arith.constant 16 : i32
      %run_scoped3A_112 = arith.constant 4 : i32
      "tpu.region"() ({
        %run_scoped3A_135 = tpu.sem_alloc : memref<!tpu.dma_semaphore, #tpu.memory_space<semaphore_mem>>
        %dma_start3A_136 = arith.constant 0 : i32
        %dma_start3A_137 = arith.constant 0 : i32
        %dma_start3A_138 = tpu.memref_slice %arg4[%run_scoped3A_112, %arg1, %dma_start3A_136, %dma_start3A_137] : memref<5x16x32x125xi32, #tpu.memory_space<hbm>> -> memref<1x1x32x125xi32, #tpu.memory_space<hbm>>
        %dma_start3A_139 = tpu.memref_squeeze %dma_start3A_138 : memref<1x1x32x125xi32, #tpu.memory_space<hbm>> -> memref<32x125xi32, #tpu.memory_space<hbm>>
        %dma_start3A_140 = arith.constant 0 : i32
        %dma_start3A_141 = arith.constant 0 : i32
        %dma_start3A_142 = tpu.memref_slice %arg4[%run_scoped3A_112, %arg1, %dma_start3A_140, %dma_start3A_141] : memref<5x16x32x125xi32, #tpu.memory_space<hbm>> -> memref<1x1x32x125xi32, #tpu.memory_space<hbm>>
        %dma_start3A_143 = tpu.memref_squeeze %dma_start3A_142 : memref<1x1x32x125xi32, #tpu.memory_space<hbm>> -> memref<32x125xi32, #tpu.memory_space<hbm>>
        tpu.enqueue_dma source(%dma_start3A_143 : memref<32x125xi32, #tpu.memory_space<hbm>>) target(%arg7 : memref<32x125xi32, #tpu.memory_space<vmem>>) target_semaphore(%run_scoped3A_135 : memref<!tpu.dma_semaphore, #tpu.memory_space<semaphore_mem>>)
        %dma_wait3A = arith.constant 0 : i32
        %dma_wait3A_144 = arith.constant 0 : i32
        %dma_wait3A_145 = tpu.memref_slice %arg4[%run_scoped3A_112, %arg1, %dma_wait3A, %dma_wait3A_144] : memref<5x16x32x125xi32, #tpu.memory_space<hbm>> -> memref<1x1x32x125xi32, #tpu.memory_space<hbm>>
        %dma_wait3A_146 = tpu.memref_squeeze %dma_wait3A_145 : memref<1x1x32x125xi32, #tpu.memory_space<hbm>> -> memref<32x125xi32, #tpu.memory_space<hbm>>
        %dma_wait3A_147 = arith.constant 0 : i32
        %dma_wait3A_148 = arith.constant 0 : i32
        %dma_wait3A_149 = tpu.memref_slice %arg4[%run_scoped3A_112, %arg1, %dma_wait3A_147, %dma_wait3A_148] : memref<5x16x32x125xi32, #tpu.memory_space<hbm>> -> memref<1x1x32x125xi32, #tpu.memory_space<hbm>>
        %dma_wait3A_150 = tpu.memref_squeeze %dma_wait3A_149 : memref<1x1x32x125xi32, #tpu.memory_space<hbm>> -> memref<32x125xi32, #tpu.memory_space<hbm>>
        tpu.wait_dma2 semaphore(%run_scoped3A_135 : memref<!tpu.dma_semaphore, #tpu.memory_space<semaphore_mem>>) src(%dma_wait3A_150 : memref<32x125xi32, #tpu.memory_space<hbm>>) dst(%arg7 : memref<32x125xi32, #tpu.memory_space<vmem>>)
        tpu.yield
      }) : () -> ()
      %run_scoped3A_113 = arith.constant 4 : i32
      "tpu.region"() ({
        %run_scoped3A_135 = tpu.sem_alloc : memref<!tpu.dma_semaphore, #tpu.memory_space<semaphore_mem>>
        %dma_start3A_136 = arith.constant 0 : i32
        %dma_start3A_137 = arith.constant 0 : i32
        %dma_start3A_138 = tpu.memref_slice %arg5[%run_scoped3A_113, %arg1, %dma_start3A_136, %dma_start3A_137] : memref<5x16x32x125xi32, #tpu.memory_space<hbm>> -> memref<1x1x32x125xi32, #tpu.memory_space<hbm>>
        %dma_start3A_139 = tpu.memref_squeeze %dma_start3A_138 : memref<1x1x32x125xi32, #tpu.memory_space<hbm>> -> memref<32x125xi32, #tpu.memory_space<hbm>>
        %dma_start3A_140 = arith.constant 0 : i32
        %dma_start3A_141 = arith.constant 0 : i32
        %dma_start3A_142 = tpu.memref_slice %arg5[%run_scoped3A_113, %arg1, %dma_start3A_140, %dma_start3A_141] : memref<5x16x32x125xi32, #tpu.memory_space<hbm>> -> memref<1x1x32x125xi32, #tpu.memory_space<hbm>>
        %dma_start3A_143 = tpu.memref_squeeze %dma_start3A_142 : memref<1x1x32x125xi32, #tpu.memory_space<hbm>> -> memref<32x125xi32, #tpu.memory_space<hbm>>
        tpu.enqueue_dma source(%dma_start3A_143 : memref<32x125xi32, #tpu.memory_space<hbm>>) target(%arg8 : memref<32x125xi32, #tpu.memory_space<vmem>>) target_semaphore(%run_scoped3A_135 : memref<!tpu.dma_semaphore, #tpu.memory_space<semaphore_mem>>)
        %dma_wait3A = arith.constant 0 : i32
        %dma_wait3A_144 = arith.constant 0 : i32
        %dma_wait3A_145 = tpu.memref_slice %arg5[%run_scoped3A_113, %arg1, %dma_wait3A, %dma_wait3A_144] : memref<5x16x32x125xi32, #tpu.memory_space<hbm>> -> memref<1x1x32x125xi32, #tpu.memory_space<hbm>>
        %dma_wait3A_146 = tpu.memref_squeeze %dma_wait3A_145 : memref<1x1x32x125xi32, #tpu.memory_space<hbm>> -> memref<32x125xi32, #tpu.memory_space<hbm>>
        %dma_wait3A_147 = arith.constant 0 : i32
        %dma_wait3A_148 = arith.constant 0 : i32
        %dma_wait3A_149 = tpu.memref_slice %arg5[%run_scoped3A_113, %arg1, %dma_wait3A_147, %dma_wait3A_148] : memref<5x16x32x125xi32, #tpu.memory_space<hbm>> -> memref<1x1x32x125xi32, #tpu.memory_space<hbm>>
        %dma_wait3A_150 = tpu.memref_squeeze %dma_wait3A_149 : memref<1x1x32x125xi32, #tpu.memory_space<hbm>> -> memref<32x125xi32, #tpu.memory_space<hbm>>
        tpu.wait_dma2 semaphore(%run_scoped3A_135 : memref<!tpu.dma_semaphore, #tpu.memory_space<semaphore_mem>>) src(%dma_wait3A_150 : memref<32x125xi32, #tpu.memory_space<hbm>>) dst(%arg8 : memref<32x125xi32, #tpu.memory_space<vmem>>)
        tpu.yield
      }) : () -> ()
      %dma_start3A_114 = arith.constant 0 : i32
      %dma_start3A_115 = arith.constant 0 : i32
      %dma_start3A_116 = tpu.memref_slice %arg7[%dma_start3A_114, %dma_start3A_115] : memref<32x125xi32, #tpu.memory_space<vmem>> -> memref<1x125xi32, #tpu.memory_space<vmem>>
      %dma_start3A_117 = tpu.memref_squeeze %dma_start3A_116 : memref<1x125xi32, #tpu.memory_space<vmem>> -> memref<125xi32, #tpu.memory_space<vmem>>
      %dma_start3A_118 = arith.constant 0 : i32
      %dma_start3A_119 = arith.constant 0 : i32
      %dma_start3A_120 = tpu.memref_slice %arg2[%dma_start3A_118, %dma_start3A_119] : memref<25600x16xf32, #tpu.memory_space<hbm>> -> memref<25600x16xf32, #tpu.memory_space<hbm>>
      tpu.enqueue_indirect_dma source(%dma_start3A_120 : memref<25600x16xf32, #tpu.memory_space<hbm>>) target(%arg9 : memref<125x16xf32, #tpu.memory_space<vmem>>) offsets(%dma_start3A_117 : memref<125xi32, #tpu.memory_space<vmem>>) semaphore(%arg13 : memref<!tpu.dma_semaphore, #tpu.memory_space<semaphore_mem>>)
      %dma_start3A_121 = arith.constant 1 : i32
      %dma_start3A_122 = arith.constant 0 : i32
      %dma_start3A_123 = tpu.memref_slice %arg7[%dma_start3A_121, %dma_start3A_122] : memref<32x125xi32, #tpu.memory_space<vmem>> -> memref<1x125xi32, #tpu.memory_space<vmem>>
      %dma_start3A_124 = tpu.memref_squeeze %dma_start3A_123 : memref<1x125xi32, #tpu.memory_space<vmem>> -> memref<125xi32, #tpu.memory_space<vmem>>
      %dma_start3A_125 = arith.constant 0 : i32
      %dma_start3A_126 = arith.constant 0 : i32
      %dma_start3A_127 = tpu.memref_slice %arg2[%dma_start3A_125, %dma_start3A_126] : memref<25600x16xf32, #tpu.memory_space<hbm>> -> memref<25600x16xf32, #tpu.memory_space<hbm>>
      tpu.enqueue_indirect_dma source(%dma_start3A_127 : memref<25600x16xf32, #tpu.memory_space<hbm>>) target(%arg10 : memref<125x16xf32, #tpu.memory_space<vmem>>) offsets(%dma_start3A_124 : memref<125xi32, #tpu.memory_space<vmem>>) semaphore(%arg14 : memref<!tpu.dma_semaphore, #tpu.memory_space<semaphore_mem>>)
      %scan3A_128 = arith.constant 0 : i32
      %scan3A_129 = arith.constant 0 : i32
      %scan3A_130 = arith.constant 16 : i32
      %scan3A_131 = arith.addi %scan3A_129, %scan3A_130 : i32
      %scan3A_132 = arith.constant 1 : i32
      %scan3A_133 = scf.for %scan3A_135 = %scan3A_129 to %scan3A_131 step %scan3A_132 iter_args(%scan3A_136 = %scan3A_128) -> (i32)  : i32 {
        %mul3A_137 = arith.constant 2 : i32
        %mul3A_138 = arith.muli %mul3A_137, %scan3A_135 : i32
        %add3A = arith.constant 0 : i32
        %add3A_139 = arith.addi %mul3A_138, %add3A : i32
        %dma_wait3A = arith.constant 0 : i32
        %dma_wait3A_140 = tpu.memref_slice %arg7[%add3A_139, %dma_wait3A] : memref<32x125xi32, #tpu.memory_space<vmem>> -> memref<1x125xi32, #tpu.memory_space<vmem>>
        %dma_wait3A_141 = tpu.memref_squeeze %dma_wait3A_140 : memref<1x125xi32, #tpu.memory_space<vmem>> -> memref<125xi32, #tpu.memory_space<vmem>>
        %dma_wait3A_142 = arith.constant 0 : i32
        %dma_wait3A_143 = arith.constant 0 : i32
        %dma_wait3A_144 = tpu.memref_slice %arg2[%dma_wait3A_142, %dma_wait3A_143] : memref<25600x16xf32, #tpu.memory_space<hbm>> -> memref<25600x16xf32, #tpu.memory_space<hbm>>
        tpu.wait_indirect_dma semaphore(%arg13 : memref<!tpu.dma_semaphore, #tpu.memory_space<semaphore_mem>>) src(%dma_wait3A_144 : memref<25600x16xf32, #tpu.memory_space<hbm>>) dst(%arg9 : memref<125x16xf32, #tpu.memory_space<vmem>>)
        %add3A_145 = arith.constant 0 : i32
        %add3A_146 = arith.addi %mul3A_138, %add3A_145 : i32
        "tpu.region"() ({
          %run_scoped3A_167 = tpu.sem_alloc : memref<!tpu.dma_semaphore, #tpu.memory_space<semaphore_mem>>
          %dma_start3A_168 = arith.constant 0 : i32
          %dma_start3A_169 = tpu.memref_slice %arg8[%add3A_146, %dma_start3A_168] : memref<32x125xi32, #tpu.memory_space<vmem>> -> memref<1x125xi32, #tpu.memory_space<vmem>>
          %dma_start3A_170 = tpu.memref_squeeze %dma_start3A_169 : memref<1x125xi32, #tpu.memory_space<vmem>> -> memref<125xi32, #tpu.memory_space<vmem>>
          %dma_start3A_171 = arith.constant 0 : i32
          %dma_start3A_172 = arith.constant 0 : i32
          %dma_start3A_173 = tpu.memref_slice %arg12[%dma_start3A_171, %dma_start3A_172] : memref<25600x16xf32, #tpu.memory_space<vmem_shared>> -> memref<25600x16xf32, #tpu.memory_space<vmem_shared>>
          tpu.enqueue_indirect_dma source(%arg9 : memref<125x16xf32, #tpu.memory_space<vmem>>) target(%dma_start3A_173 : memref<25600x16xf32, #tpu.memory_space<vmem_shared>>) offsets(%dma_start3A_170 : memref<125xi32, #tpu.memory_space<vmem>>) semaphore(%run_scoped3A_167 : memref<!tpu.dma_semaphore, #tpu.memory_space<semaphore_mem>>) {add = true}
          %dma_wait3A_174 = arith.constant 0 : i32
          %dma_wait3A_175 = tpu.memref_slice %arg8[%add3A_146, %dma_wait3A_174] : memref<32x125xi32, #tpu.memory_space<vmem>> -> memref<1x125xi32, #tpu.memory_space<vmem>>
          %dma_wait3A_176 = tpu.memref_squeeze %dma_wait3A_175 : memref<1x125xi32, #tpu.memory_space<vmem>> -> memref<125xi32, #tpu.memory_space<vmem>>
          %dma_wait3A_177 = arith.constant 0 : i32
          %dma_wait3A_178 = arith.constant 0 : i32
          %dma_wait3A_179 = tpu.memref_slice %arg12[%dma_wait3A_177, %dma_wait3A_178] : memref<25600x16xf32, #tpu.memory_space<vmem_shared>> -> memref<25600x16xf32, #tpu.memory_space<vmem_shared>>
          tpu.wait_indirect_dma semaphore(%run_scoped3A_167 : memref<!tpu.dma_semaphore, #tpu.memory_space<semaphore_mem>>) src(%arg9 : memref<125x16xf32, #tpu.memory_space<vmem>>) dst(%dma_wait3A_179 : memref<25600x16xf32, #tpu.memory_space<vmem_shared>>)
          tpu.yield
        }) : () -> ()
        %lt3A = arith.constant 15 : i32
        %lt3A_147 = arith.cmpi slt, %scan3A_135, %lt3A : i32
        %convert_element_type3A_148 = arith.extui %lt3A_147 : i1 to i32
        %cond3A_149 = arith.constant 0 : i32
        %cond3A_150 = arith.cmpi ne, %convert_element_type3A_148, %cond3A_149 : i32
        scf.if %cond3A_150 {
          %add3A_167 = arith.constant 0 : i32
          %add3A_168 = arith.addi %mul3A_138, %add3A_167 : i32
          %add3A_169 = arith.constant 2 : i32
          %add3A_170 = arith.addi %add3A_168, %add3A_169 : i32
          %dma_start3A_171 = arith.constant 0 : i32
          %dma_start3A_172 = tpu.memref_slice %arg7[%add3A_170, %dma_start3A_171] : memref<32x125xi32, #tpu.memory_space<vmem>> -> memref<1x125xi32, #tpu.memory_space<vmem>>
          %dma_start3A_173 = tpu.memref_squeeze %dma_start3A_172 : memref<1x125xi32, #tpu.memory_space<vmem>> -> memref<125xi32, #tpu.memory_space<vmem>>
          %dma_start3A_174 = arith.constant 0 : i32
          %dma_start3A_175 = arith.constant 0 : i32
          %dma_start3A_176 = tpu.memref_slice %arg2[%dma_start3A_174, %dma_start3A_175] : memref<25600x16xf32, #tpu.memory_space<hbm>> -> memref<25600x16xf32, #tpu.memory_space<hbm>>
          tpu.enqueue_indirect_dma source(%dma_start3A_176 : memref<25600x16xf32, #tpu.memory_space<hbm>>) target(%arg9 : memref<125x16xf32, #tpu.memory_space<vmem>>) offsets(%dma_start3A_173 : memref<125xi32, #tpu.memory_space<vmem>>) semaphore(%arg13 : memref<!tpu.dma_semaphore, #tpu.memory_space<semaphore_mem>>)
        } else {
        }
        %add3A_151 = arith.constant 1 : i32
        %add3A_152 = arith.addi %mul3A_138, %add3A_151 : i32
        %dma_wait3A_153 = arith.constant 0 : i32
        %dma_wait3A_154 = tpu.memref_slice %arg7[%add3A_152, %dma_wait3A_153] : memref<32x125xi32, #tpu.memory_space<vmem>> -> memref<1x125xi32, #tpu.memory_space<vmem>>
        %dma_wait3A_155 = tpu.memref_squeeze %dma_wait3A_154 : memref<1x125xi32, #tpu.memory_space<vmem>> -> memref<125xi32, #tpu.memory_space<vmem>>
        %dma_wait3A_156 = arith.constant 0 : i32
        %dma_wait3A_157 = arith.constant 0 : i32
        %dma_wait3A_158 = tpu.memref_slice %arg2[%dma_wait3A_156, %dma_wait3A_157] : memref<25600x16xf32, #tpu.memory_space<hbm>> -> memref<25600x16xf32, #tpu.memory_space<hbm>>
        tpu.wait_indirect_dma semaphore(%arg14 : memref<!tpu.dma_semaphore, #tpu.memory_space<semaphore_mem>>) src(%dma_wait3A_158 : memref<25600x16xf32, #tpu.memory_space<hbm>>) dst(%arg10 : memref<125x16xf32, #tpu.memory_space<vmem>>)
        %add3A_159 = arith.constant 1 : i32
        %add3A_160 = arith.addi %mul3A_138, %add3A_159 : i32
        "tpu.region"() ({
          %run_scoped3A_167 = tpu.sem_alloc : memref<!tpu.dma_semaphore, #tpu.memory_space<semaphore_mem>>
          %dma_start3A_168 = arith.constant 0 : i32
          %dma_start3A_169 = tpu.memref_slice %arg8[%add3A_160, %dma_start3A_168] : memref<32x125xi32, #tpu.memory_space<vmem>> -> memref<1x125xi32, #tpu.memory_space<vmem>>
          %dma_start3A_170 = tpu.memref_squeeze %dma_start3A_169 : memref<1x125xi32, #tpu.memory_space<vmem>> -> memref<125xi32, #tpu.memory_space<vmem>>
          %dma_start3A_171 = arith.constant 0 : i32
          %dma_start3A_172 = arith.constant 0 : i32
          %dma_start3A_173 = tpu.memref_slice %arg12[%dma_start3A_171, %dma_start3A_172] : memref<25600x16xf32, #tpu.memory_space<vmem_shared>> -> memref<25600x16xf32, #tpu.memory_space<vmem_shared>>
          tpu.enqueue_indirect_dma source(%arg10 : memref<125x16xf32, #tpu.memory_space<vmem>>) target(%dma_start3A_173 : memref<25600x16xf32, #tpu.memory_space<vmem_shared>>) offsets(%dma_start3A_170 : memref<125xi32, #tpu.memory_space<vmem>>) semaphore(%run_scoped3A_167 : memref<!tpu.dma_semaphore, #tpu.memory_space<semaphore_mem>>) {add = true}
          %dma_wait3A_174 = arith.constant 0 : i32
          %dma_wait3A_175 = tpu.memref_slice %arg8[%add3A_160, %dma_wait3A_174] : memref<32x125xi32, #tpu.memory_space<vmem>> -> memref<1x125xi32, #tpu.memory_space<vmem>>
          %dma_wait3A_176 = tpu.memref_squeeze %dma_wait3A_175 : memref<1x125xi32, #tpu.memory_space<vmem>> -> memref<125xi32, #tpu.memory_space<vmem>>
          %dma_wait3A_177 = arith.constant 0 : i32
          %dma_wait3A_178 = arith.constant 0 : i32
          %dma_wait3A_179 = tpu.memref_slice %arg12[%dma_wait3A_177, %dma_wait3A_178] : memref<25600x16xf32, #tpu.memory_space<vmem_shared>> -> memref<25600x16xf32, #tpu.memory_space<vmem_shared>>
          tpu.wait_indirect_dma semaphore(%run_scoped3A_167 : memref<!tpu.dma_semaphore, #tpu.memory_space<semaphore_mem>>) src(%arg10 : memref<125x16xf32, #tpu.memory_space<vmem>>) dst(%dma_wait3A_179 : memref<25600x16xf32, #tpu.memory_space<vmem_shared>>)
          tpu.yield
        }) : () -> ()
        %lt3A_161 = arith.constant 15 : i32
        %lt3A_162 = arith.cmpi slt, %scan3A_135, %lt3A_161 : i32
        %convert_element_type3A_163 = arith.extui %lt3A_162 : i1 to i32
        %cond3A_164 = arith.constant 0 : i32
        %cond3A_165 = arith.cmpi ne, %convert_element_type3A_163, %cond3A_164 : i32
        scf.if %cond3A_165 {
          %add3A_167 = arith.constant 1 : i32
          %add3A_168 = arith.addi %mul3A_138, %add3A_167 : i32
          %add3A_169 = arith.constant 2 : i32
          %add3A_170 = arith.addi %add3A_168, %add3A_169 : i32
          %dma_start3A_171 = arith.constant 0 : i32
          %dma_start3A_172 = tpu.memref_slice %arg7[%add3A_170, %dma_start3A_171] : memref<32x125xi32, #tpu.memory_space<vmem>> -> memref<1x125xi32, #tpu.memory_space<vmem>>
          %dma_start3A_173 = tpu.memref_squeeze %dma_start3A_172 : memref<1x125xi32, #tpu.memory_space<vmem>> -> memref<125xi32, #tpu.memory_space<vmem>>
          %dma_start3A_174 = arith.constant 0 : i32
          %dma_start3A_175 = arith.constant 0 : i32
          %dma_start3A_176 = tpu.memref_slice %arg2[%dma_start3A_174, %dma_start3A_175] : memref<25600x16xf32, #tpu.memory_space<hbm>> -> memref<25600x16xf32, #tpu.memory_space<hbm>>
          tpu.enqueue_indirect_dma source(%dma_start3A_176 : memref<25600x16xf32, #tpu.memory_space<hbm>>) target(%arg10 : memref<125x16xf32, #tpu.memory_space<vmem>>) offsets(%dma_start3A_173 : memref<125xi32, #tpu.memory_space<vmem>>) semaphore(%arg14 : memref<!tpu.dma_semaphore, #tpu.memory_space<semaphore_mem>>)
        } else {
        }
        %scan3A_166 = arith.constant 0 : i32
        scf.yield %scan3A_166 : i32
      }
      %scan3A_134 = arith.constant 16 : i32
    } else {
    }
    %eq3A_16 = arith.constant 1 : i32
    %eq3A_17 = arith.cmpi eq, %arg0, %eq3A_16 : i32
    %convert_element_type3A_18 = arith.extui %eq3A_17 : i1 to i32
    %cond3A_19 = arith.constant 0 : i32
    %cond3A_20 = arith.cmpi ne, %convert_element_type3A_18, %cond3A_19 : i32
    scf.if %cond3A_20 {
      %run_scoped3A = arith.constant 0 : i32
      "tpu.region"() ({
        %run_scoped3A_135 = tpu.sem_alloc : memref<!tpu.dma_semaphore, #tpu.memory_space<semaphore_mem>>
        %dma_start3A_136 = arith.constant 0 : i32
        %dma_start3A_137 = arith.constant 0 : i32
        %dma_start3A_138 = tpu.memref_slice %arg5[%run_scoped3A, %arg1, %dma_start3A_136, %dma_start3A_137] : memref<5x16x32x125xi32, #tpu.memory_space<hbm>> -> memref<1x1x32x125xi32, #tpu.memory_space<hbm>>
        %dma_start3A_139 = tpu.memref_squeeze %dma_start3A_138 : memref<1x1x32x125xi32, #tpu.memory_space<hbm>> -> memref<32x125xi32, #tpu.memory_space<hbm>>
        %dma_start3A_140 = arith.constant 0 : i32
        %dma_start3A_141 = arith.constant 0 : i32
        %dma_start3A_142 = tpu.memref_slice %arg5[%run_scoped3A, %arg1, %dma_start3A_140, %dma_start3A_141] : memref<5x16x32x125xi32, #tpu.memory_space<hbm>> -> memref<1x1x32x125xi32, #tpu.memory_space<hbm>>
        %dma_start3A_143 = tpu.memref_squeeze %dma_start3A_142 : memref<1x1x32x125xi32, #tpu.memory_space<hbm>> -> memref<32x125xi32, #tpu.memory_space<hbm>>
        tpu.enqueue_dma source(%dma_start3A_143 : memref<32x125xi32, #tpu.memory_space<hbm>>) target(%arg7 : memref<32x125xi32, #tpu.memory_space<vmem>>) target_semaphore(%run_scoped3A_135 : memref<!tpu.dma_semaphore, #tpu.memory_space<semaphore_mem>>)
        %dma_wait3A = arith.constant 0 : i32
        %dma_wait3A_144 = arith.constant 0 : i32
        %dma_wait3A_145 = tpu.memref_slice %arg5[%run_scoped3A, %arg1, %dma_wait3A, %dma_wait3A_144] : memref<5x16x32x125xi32, #tpu.memory_space<hbm>> -> memref<1x1x32x125xi32, #tpu.memory_space<hbm>>
        %dma_wait3A_146 = tpu.memref_squeeze %dma_wait3A_145 : memref<1x1x32x125xi32, #tpu.memory_space<hbm>> -> memref<32x125xi32, #tpu.memory_space<hbm>>
        %dma_wait3A_147 = arith.constant 0 : i32
        %dma_wait3A_148 = arith.constant 0 : i32
        %dma_wait3A_149 = tpu.memref_slice %arg5[%run_scoped3A, %arg1, %dma_wait3A_147, %dma_wait3A_148] : memref<5x16x32x125xi32, #tpu.memory_space<hbm>> -> memref<1x1x32x125xi32, #tpu.memory_space<hbm>>
        %dma_wait3A_150 = tpu.memref_squeeze %dma_wait3A_149 : memref<1x1x32x125xi32, #tpu.memory_space<hbm>> -> memref<32x125xi32, #tpu.memory_space<hbm>>
        tpu.wait_dma2 semaphore(%run_scoped3A_135 : memref<!tpu.dma_semaphore, #tpu.memory_space<semaphore_mem>>) src(%dma_wait3A_150 : memref<32x125xi32, #tpu.memory_space<hbm>>) dst(%arg7 : memref<32x125xi32, #tpu.memory_space<vmem>>)
        tpu.yield
      }) : () -> ()
      %run_scoped3A_22 = arith.constant 0 : i32
      "tpu.region"() ({
        %run_scoped3A_135 = tpu.sem_alloc : memref<!tpu.dma_semaphore, #tpu.memory_space<semaphore_mem>>
        %dma_start3A_136 = arith.constant 0 : i32
        %dma_start3A_137 = arith.constant 0 : i32
        %dma_start3A_138 = tpu.memref_slice %arg4[%run_scoped3A_22, %arg1, %dma_start3A_136, %dma_start3A_137] : memref<5x16x32x125xi32, #tpu.memory_space<hbm>> -> memref<1x1x32x125xi32, #tpu.memory_space<hbm>>
        %dma_start3A_139 = tpu.memref_squeeze %dma_start3A_138 : memref<1x1x32x125xi32, #tpu.memory_space<hbm>> -> memref<32x125xi32, #tpu.memory_space<hbm>>
        %dma_start3A_140 = arith.constant 0 : i32
        %dma_start3A_141 = arith.constant 0 : i32
        %dma_start3A_142 = tpu.memref_slice %arg4[%run_scoped3A_22, %arg1, %dma_start3A_140, %dma_start3A_141] : memref<5x16x32x125xi32, #tpu.memory_space<hbm>> -> memref<1x1x32x125xi32, #tpu.memory_space<hbm>>
        %dma_start3A_143 = tpu.memref_squeeze %dma_start3A_142 : memref<1x1x32x125xi32, #tpu.memory_space<hbm>> -> memref<32x125xi32, #tpu.memory_space<hbm>>
        tpu.enqueue_dma source(%dma_start3A_143 : memref<32x125xi32, #tpu.memory_space<hbm>>) target(%arg8 : memref<32x125xi32, #tpu.memory_space<vmem>>) target_semaphore(%run_scoped3A_135 : memref<!tpu.dma_semaphore, #tpu.memory_space<semaphore_mem>>)
        %dma_wait3A = arith.constant 0 : i32
        %dma_wait3A_144 = arith.constant 0 : i32
        %dma_wait3A_145 = tpu.memref_slice %arg4[%run_scoped3A_22, %arg1, %dma_wait3A, %dma_wait3A_144] : memref<5x16x32x125xi32, #tpu.memory_space<hbm>> -> memref<1x1x32x125xi32, #tpu.memory_space<hbm>>
        %dma_wait3A_146 = tpu.memref_squeeze %dma_wait3A_145 : memref<1x1x32x125xi32, #tpu.memory_space<hbm>> -> memref<32x125xi32, #tpu.memory_space<hbm>>
        %dma_wait3A_147 = arith.constant 0 : i32
        %dma_wait3A_148 = arith.constant 0 : i32
        %dma_wait3A_149 = tpu.memref_slice %arg4[%run_scoped3A_22, %arg1, %dma_wait3A_147, %dma_wait3A_148] : memref<5x16x32x125xi32, #tpu.memory_space<hbm>> -> memref<1x1x32x125xi32, #tpu.memory_space<hbm>>
        %dma_wait3A_150 = tpu.memref_squeeze %dma_wait3A_149 : memref<1x1x32x125xi32, #tpu.memory_space<hbm>> -> memref<32x125xi32, #tpu.memory_space<hbm>>
        tpu.wait_dma2 semaphore(%run_scoped3A_135 : memref<!tpu.dma_semaphore, #tpu.memory_space<semaphore_mem>>) src(%dma_wait3A_150 : memref<32x125xi32, #tpu.memory_space<hbm>>) dst(%arg8 : memref<32x125xi32, #tpu.memory_space<vmem>>)
        tpu.yield
      }) : () -> ()
      %dma_start3A = arith.constant 0 : i32
      %dma_start3A_23 = arith.constant 0 : i32
      %dma_start3A_24 = tpu.memref_slice %arg7[%dma_start3A, %dma_start3A_23] : memref<32x125xi32, #tpu.memory_space<vmem>> -> memref<1x125xi32, #tpu.memory_space<vmem>>
      %dma_start3A_25 = tpu.memref_squeeze %dma_start3A_24 : memref<1x125xi32, #tpu.memory_space<vmem>> -> memref<125xi32, #tpu.memory_space<vmem>>
      %dma_start3A_26 = arith.constant 0 : i32
      %dma_start3A_27 = arith.constant 0 : i32
      %dma_start3A_28 = tpu.memref_slice %arg3[%dma_start3A_26, %dma_start3A_27] : memref<25600x16xf32, #tpu.memory_space<hbm>> -> memref<25600x16xf32, #tpu.memory_space<hbm>>
      tpu.enqueue_indirect_dma source(%dma_start3A_28 : memref<25600x16xf32, #tpu.memory_space<hbm>>) target(%arg9 : memref<125x16xf32, #tpu.memory_space<vmem>>) offsets(%dma_start3A_25 : memref<125xi32, #tpu.memory_space<vmem>>) semaphore(%arg13 : memref<!tpu.dma_semaphore, #tpu.memory_space<semaphore_mem>>)
      %dma_start3A_29 = arith.constant 1 : i32
      %dma_start3A_30 = arith.constant 0 : i32
      %dma_start3A_31 = tpu.memref_slice %arg7[%dma_start3A_29, %dma_start3A_30] : memref<32x125xi32, #tpu.memory_space<vmem>> -> memref<1x125xi32, #tpu.memory_space<vmem>>
      %dma_start3A_32 = tpu.memref_squeeze %dma_start3A_31 : memref<1x125xi32, #tpu.memory_space<vmem>> -> memref<125xi32, #tpu.memory_space<vmem>>
      %dma_start3A_33 = arith.constant 0 : i32
      %dma_start3A_34 = arith.constant 0 : i32
      %dma_start3A_35 = tpu.memref_slice %arg3[%dma_start3A_33, %dma_start3A_34] : memref<25600x16xf32, #tpu.memory_space<hbm>> -> memref<25600x16xf32, #tpu.memory_space<hbm>>
      tpu.enqueue_indirect_dma source(%dma_start3A_35 : memref<25600x16xf32, #tpu.memory_space<hbm>>) target(%arg10 : memref<125x16xf32, #tpu.memory_space<vmem>>) offsets(%dma_start3A_32 : memref<125xi32, #tpu.memory_space<vmem>>) semaphore(%arg14 : memref<!tpu.dma_semaphore, #tpu.memory_space<semaphore_mem>>)
      %scan3A_36 = arith.constant 0 : i32
      %scan3A_37 = arith.constant 0 : i32
      %scan3A_38 = arith.constant 16 : i32
      %scan3A_39 = arith.addi %scan3A_37, %scan3A_38 : i32
      %scan3A_40 = arith.constant 1 : i32
      %scan3A_41 = scf.for %scan3A_135 = %scan3A_37 to %scan3A_39 step %scan3A_40 iter_args(%scan3A_136 = %scan3A_36) -> (i32)  : i32 {
        %mul3A_137 = arith.constant 2 : i32
        %mul3A_138 = arith.muli %mul3A_137, %scan3A_135 : i32
        %add3A = arith.constant 0 : i32
        %add3A_139 = arith.addi %mul3A_138, %add3A : i32
        %dma_wait3A = arith.constant 0 : i32
        %dma_wait3A_140 = tpu.memref_slice %arg7[%add3A_139, %dma_wait3A] : memref<32x125xi32, #tpu.memory_space<vmem>> -> memref<1x125xi32, #tpu.memory_space<vmem>>
        %dma_wait3A_141 = tpu.memref_squeeze %dma_wait3A_140 : memref<1x125xi32, #tpu.memory_space<vmem>> -> memref<125xi32, #tpu.memory_space<vmem>>
        %dma_wait3A_142 = arith.constant 0 : i32
        %dma_wait3A_143 = arith.constant 0 : i32
        %dma_wait3A_144 = tpu.memref_slice %arg3[%dma_wait3A_142, %dma_wait3A_143] : memref<25600x16xf32, #tpu.memory_space<hbm>> -> memref<25600x16xf32, #tpu.memory_space<hbm>>
        tpu.wait_indirect_dma semaphore(%arg13 : memref<!tpu.dma_semaphore, #tpu.memory_space<semaphore_mem>>) src(%dma_wait3A_144 : memref<25600x16xf32, #tpu.memory_space<hbm>>) dst(%arg9 : memref<125x16xf32, #tpu.memory_space<vmem>>)
        %add3A_145 = arith.constant 0 : i32
        %add3A_146 = arith.addi %mul3A_138, %add3A_145 : i32
        "tpu.region"() ({
          %run_scoped3A_167 = tpu.sem_alloc : memref<!tpu.dma_semaphore, #tpu.memory_space<semaphore_mem>>
          %dma_start3A_168 = arith.constant 0 : i32
          %dma_start3A_169 = tpu.memref_slice %arg8[%add3A_146, %dma_start3A_168] : memref<32x125xi32, #tpu.memory_space<vmem>> -> memref<1x125xi32, #tpu.memory_space<vmem>>
          %dma_start3A_170 = tpu.memref_squeeze %dma_start3A_169 : memref<1x125xi32, #tpu.memory_space<vmem>> -> memref<125xi32, #tpu.memory_space<vmem>>
          %dma_start3A_171 = arith.constant 0 : i32
          %dma_start3A_172 = arith.constant 0 : i32
          %dma_start3A_173 = tpu.memref_slice %arg12[%dma_start3A_171, %dma_start3A_172] : memref<25600x16xf32, #tpu.memory_space<vmem_shared>> -> memref<25600x16xf32, #tpu.memory_space<vmem_shared>>
          tpu.enqueue_indirect_dma source(%arg9 : memref<125x16xf32, #tpu.memory_space<vmem>>) target(%dma_start3A_173 : memref<25600x16xf32, #tpu.memory_space<vmem_shared>>) offsets(%dma_start3A_170 : memref<125xi32, #tpu.memory_space<vmem>>) semaphore(%run_scoped3A_167 : memref<!tpu.dma_semaphore, #tpu.memory_space<semaphore_mem>>) {add = true}
          %dma_wait3A_174 = arith.constant 0 : i32
          %dma_wait3A_175 = tpu.memref_slice %arg8[%add3A_146, %dma_wait3A_174] : memref<32x125xi32, #tpu.memory_space<vmem>> -> memref<1x125xi32, #tpu.memory_space<vmem>>
          %dma_wait3A_176 = tpu.memref_squeeze %dma_wait3A_175 : memref<1x125xi32, #tpu.memory_space<vmem>> -> memref<125xi32, #tpu.memory_space<vmem>>
          %dma_wait3A_177 = arith.constant 0 : i32
          %dma_wait3A_178 = arith.constant 0 : i32
          %dma_wait3A_179 = tpu.memref_slice %arg12[%dma_wait3A_177, %dma_wait3A_178] : memref<25600x16xf32, #tpu.memory_space<vmem_shared>> -> memref<25600x16xf32, #tpu.memory_space<vmem_shared>>
          tpu.wait_indirect_dma semaphore(%run_scoped3A_167 : memref<!tpu.dma_semaphore, #tpu.memory_space<semaphore_mem>>) src(%arg9 : memref<125x16xf32, #tpu.memory_space<vmem>>) dst(%dma_wait3A_179 : memref<25600x16xf32, #tpu.memory_space<vmem_shared>>)
          tpu.yield
        }) : () -> ()
        %lt3A = arith.constant 15 : i32
        %lt3A_147 = arith.cmpi slt, %scan3A_135, %lt3A : i32
        %convert_element_type3A_148 = arith.extui %lt3A_147 : i1 to i32
        %cond3A_149 = arith.constant 0 : i32
        %cond3A_150 = arith.cmpi ne, %convert_element_type3A_148, %cond3A_149 : i32
        scf.if %cond3A_150 {
          %add3A_167 = arith.constant 0 : i32
          %add3A_168 = arith.addi %mul3A_138, %add3A_167 : i32
          %add3A_169 = arith.constant 2 : i32
          %add3A_170 = arith.addi %add3A_168, %add3A_169 : i32
          %dma_start3A_171 = arith.constant 0 : i32
          %dma_start3A_172 = tpu.memref_slice %arg7[%add3A_170, %dma_start3A_171] : memref<32x125xi32, #tpu.memory_space<vmem>> -> memref<1x125xi32, #tpu.memory_space<vmem>>
          %dma_start3A_173 = tpu.memref_squeeze %dma_start3A_172 : memref<1x125xi32, #tpu.memory_space<vmem>> -> memref<125xi32, #tpu.memory_space<vmem>>
          %dma_start3A_174 = arith.constant 0 : i32
          %dma_start3A_175 = arith.constant 0 : i32
          %dma_start3A_176 = tpu.memref_slice %arg3[%dma_start3A_174, %dma_start3A_175] : memref<25600x16xf32, #tpu.memory_space<hbm>> -> memref<25600x16xf32, #tpu.memory_space<hbm>>
          tpu.enqueue_indirect_dma source(%dma_start3A_176 : memref<25600x16xf32, #tpu.memory_space<hbm>>) target(%arg9 : memref<125x16xf32, #tpu.memory_space<vmem>>) offsets(%dma_start3A_173 : memref<125xi32, #tpu.memory_space<vmem>>) semaphore(%arg13 : memref<!tpu.dma_semaphore, #tpu.memory_space<semaphore_mem>>)
        } else {
        }
        %add3A_151 = arith.constant 1 : i32
        %add3A_152 = arith.addi %mul3A_138, %add3A_151 : i32
        %dma_wait3A_153 = arith.constant 0 : i32
        %dma_wait3A_154 = tpu.memref_slice %arg7[%add3A_152, %dma_wait3A_153] : memref<32x125xi32, #tpu.memory_space<vmem>> -> memref<1x125xi32, #tpu.memory_space<vmem>>
        %dma_wait3A_155 = tpu.memref_squeeze %dma_wait3A_154 : memref<1x125xi32, #tpu.memory_space<vmem>> -> memref<125xi32, #tpu.memory_space<vmem>>
        %dma_wait3A_156 = arith.constant 0 : i32
        %dma_wait3A_157 = arith.constant 0 : i32
        %dma_wait3A_158 = tpu.memref_slice %arg3[%dma_wait3A_156, %dma_wait3A_157] : memref<25600x16xf32, #tpu.memory_space<hbm>> -> memref<25600x16xf32, #tpu.memory_space<hbm>>
        tpu.wait_indirect_dma semaphore(%arg14 : memref<!tpu.dma_semaphore, #tpu.memory_space<semaphore_mem>>) src(%dma_wait3A_158 : memref<25600x16xf32, #tpu.memory_space<hbm>>) dst(%arg10 : memref<125x16xf32, #tpu.memory_space<vmem>>)
        %add3A_159 = arith.constant 1 : i32
        %add3A_160 = arith.addi %mul3A_138, %add3A_159 : i32
        "tpu.region"() ({
          %run_scoped3A_167 = tpu.sem_alloc : memref<!tpu.dma_semaphore, #tpu.memory_space<semaphore_mem>>
          %dma_start3A_168 = arith.constant 0 : i32
          %dma_start3A_169 = tpu.memref_slice %arg8[%add3A_160, %dma_start3A_168] : memref<32x125xi32, #tpu.memory_space<vmem>> -> memref<1x125xi32, #tpu.memory_space<vmem>>
          %dma_start3A_170 = tpu.memref_squeeze %dma_start3A_169 : memref<1x125xi32, #tpu.memory_space<vmem>> -> memref<125xi32, #tpu.memory_space<vmem>>
          %dma_start3A_171 = arith.constant 0 : i32
          %dma_start3A_172 = arith.constant 0 : i32
          %dma_start3A_173 = tpu.memref_slice %arg12[%dma_start3A_171, %dma_start3A_172] : memref<25600x16xf32, #tpu.memory_space<vmem_shared>> -> memref<25600x16xf32, #tpu.memory_space<vmem_shared>>
          tpu.enqueue_indirect_dma source(%arg10 : memref<125x16xf32, #tpu.memory_space<vmem>>) target(%dma_start3A_173 : memref<25600x16xf32, #tpu.memory_space<vmem_shared>>) offsets(%dma_start3A_170 : memref<125xi32, #tpu.memory_space<vmem>>) semaphore(%run_scoped3A_167 : memref<!tpu.dma_semaphore, #tpu.memory_space<semaphore_mem>>) {add = true}
          %dma_wait3A_174 = arith.constant 0 : i32
          %dma_wait3A_175 = tpu.memref_slice %arg8[%add3A_160, %dma_wait3A_174] : memref<32x125xi32, #tpu.memory_space<vmem>> -> memref<1x125xi32, #tpu.memory_space<vmem>>
          %dma_wait3A_176 = tpu.memref_squeeze %dma_wait3A_175 : memref<1x125xi32, #tpu.memory_space<vmem>> -> memref<125xi32, #tpu.memory_space<vmem>>
          %dma_wait3A_177 = arith.constant 0 : i32
          %dma_wait3A_178 = arith.constant 0 : i32
          %dma_wait3A_179 = tpu.memref_slice %arg12[%dma_wait3A_177, %dma_wait3A_178] : memref<25600x16xf32, #tpu.memory_space<vmem_shared>> -> memref<25600x16xf32, #tpu.memory_space<vmem_shared>>
          tpu.wait_indirect_dma semaphore(%run_scoped3A_167 : memref<!tpu.dma_semaphore, #tpu.memory_space<semaphore_mem>>) src(%arg10 : memref<125x16xf32, #tpu.memory_space<vmem>>) dst(%dma_wait3A_179 : memref<25600x16xf32, #tpu.memory_space<vmem_shared>>)
          tpu.yield
        }) : () -> ()
        %lt3A_161 = arith.constant 15 : i32
        %lt3A_162 = arith.cmpi slt, %scan3A_135, %lt3A_161 : i32
        %convert_element_type3A_163 = arith.extui %lt3A_162 : i1 to i32
        %cond3A_164 = arith.constant 0 : i32
        %cond3A_165 = arith.cmpi ne, %convert_element_type3A_163, %cond3A_164 : i32
        scf.if %cond3A_165 {
          %add3A_167 = arith.constant 1 : i32
          %add3A_168 = arith.addi %mul3A_138, %add3A_167 : i32
          %add3A_169 = arith.constant 2 : i32
          %add3A_170 = arith.addi %add3A_168, %add3A_169 : i32
          %dma_start3A_171 = arith.constant 0 : i32
          %dma_start3A_172 = tpu.memref_slice %arg7[%add3A_170, %dma_start3A_171] : memref<32x125xi32, #tpu.memory_space<vmem>> -> memref<1x125xi32, #tpu.memory_space<vmem>>
          %dma_start3A_173 = tpu.memref_squeeze %dma_start3A_172 : memref<1x125xi32, #tpu.memory_space<vmem>> -> memref<125xi32, #tpu.memory_space<vmem>>
          %dma_start3A_174 = arith.constant 0 : i32
          %dma_start3A_175 = arith.constant 0 : i32
          %dma_start3A_176 = tpu.memref_slice %arg3[%dma_start3A_174, %dma_start3A_175] : memref<25600x16xf32, #tpu.memory_space<hbm>> -> memref<25600x16xf32, #tpu.memory_space<hbm>>
          tpu.enqueue_indirect_dma source(%dma_start3A_176 : memref<25600x16xf32, #tpu.memory_space<hbm>>) target(%arg10 : memref<125x16xf32, #tpu.memory_space<vmem>>) offsets(%dma_start3A_173 : memref<125xi32, #tpu.memory_space<vmem>>) semaphore(%arg14 : memref<!tpu.dma_semaphore, #tpu.memory_space<semaphore_mem>>)
        } else {
        }
        %scan3A_166 = arith.constant 0 : i32
        scf.yield %scan3A_166 : i32
      }
      %scan3A_42 = arith.constant 16 : i32
      %run_scoped3A_43 = arith.constant 1 : i32
      "tpu.region"() ({
        %run_scoped3A_135 = tpu.sem_alloc : memref<!tpu.dma_semaphore, #tpu.memory_space<semaphore_mem>>
        %dma_start3A_136 = arith.constant 0 : i32
        %dma_start3A_137 = arith.constant 0 : i32
        %dma_start3A_138 = tpu.memref_slice %arg5[%run_scoped3A_43, %arg1, %dma_start3A_136, %dma_start3A_137] : memref<5x16x32x125xi32, #tpu.memory_space<hbm>> -> memref<1x1x32x125xi32, #tpu.memory_space<hbm>>
        %dma_start3A_139 = tpu.memref_squeeze %dma_start3A_138 : memref<1x1x32x125xi32, #tpu.memory_space<hbm>> -> memref<32x125xi32, #tpu.memory_space<hbm>>
        %dma_start3A_140 = arith.constant 0 : i32
        %dma_start3A_141 = arith.constant 0 : i32
        %dma_start3A_142 = tpu.memref_slice %arg5[%run_scoped3A_43, %arg1, %dma_start3A_140, %dma_start3A_141] : memref<5x16x32x125xi32, #tpu.memory_space<hbm>> -> memref<1x1x32x125xi32, #tpu.memory_space<hbm>>
        %dma_start3A_143 = tpu.memref_squeeze %dma_start3A_142 : memref<1x1x32x125xi32, #tpu.memory_space<hbm>> -> memref<32x125xi32, #tpu.memory_space<hbm>>
        tpu.enqueue_dma source(%dma_start3A_143 : memref<32x125xi32, #tpu.memory_space<hbm>>) target(%arg7 : memref<32x125xi32, #tpu.memory_space<vmem>>) target_semaphore(%run_scoped3A_135 : memref<!tpu.dma_semaphore, #tpu.memory_space<semaphore_mem>>)
        %dma_wait3A = arith.constant 0 : i32
        %dma_wait3A_144 = arith.constant 0 : i32
        %dma_wait3A_145 = tpu.memref_slice %arg5[%run_scoped3A_43, %arg1, %dma_wait3A, %dma_wait3A_144] : memref<5x16x32x125xi32, #tpu.memory_space<hbm>> -> memref<1x1x32x125xi32, #tpu.memory_space<hbm>>
        %dma_wait3A_146 = tpu.memref_squeeze %dma_wait3A_145 : memref<1x1x32x125xi32, #tpu.memory_space<hbm>> -> memref<32x125xi32, #tpu.memory_space<hbm>>
        %dma_wait3A_147 = arith.constant 0 : i32
        %dma_wait3A_148 = arith.constant 0 : i32
        %dma_wait3A_149 = tpu.memref_slice %arg5[%run_scoped3A_43, %arg1, %dma_wait3A_147, %dma_wait3A_148] : memref<5x16x32x125xi32, #tpu.memory_space<hbm>> -> memref<1x1x32x125xi32, #tpu.memory_space<hbm>>
        %dma_wait3A_150 = tpu.memref_squeeze %dma_wait3A_149 : memref<1x1x32x125xi32, #tpu.memory_space<hbm>> -> memref<32x125xi32, #tpu.memory_space<hbm>>
        tpu.wait_dma2 semaphore(%run_scoped3A_135 : memref<!tpu.dma_semaphore, #tpu.memory_space<semaphore_mem>>) src(%dma_wait3A_150 : memref<32x125xi32, #tpu.memory_space<hbm>>) dst(%arg7 : memref<32x125xi32, #tpu.memory_space<vmem>>)
        tpu.yield
      }) : () -> ()
      %run_scoped3A_44 = arith.constant 1 : i32
      "tpu.region"() ({
        %run_scoped3A_135 = tpu.sem_alloc : memref<!tpu.dma_semaphore, #tpu.memory_space<semaphore_mem>>
        %dma_start3A_136 = arith.constant 0 : i32
        %dma_start3A_137 = arith.constant 0 : i32
        %dma_start3A_138 = tpu.memref_slice %arg4[%run_scoped3A_44, %arg1, %dma_start3A_136, %dma_start3A_137] : memref<5x16x32x125xi32, #tpu.memory_space<hbm>> -> memref<1x1x32x125xi32, #tpu.memory_space<hbm>>
        %dma_start3A_139 = tpu.memref_squeeze %dma_start3A_138 : memref<1x1x32x125xi32, #tpu.memory_space<hbm>> -> memref<32x125xi32, #tpu.memory_space<hbm>>
        %dma_start3A_140 = arith.constant 0 : i32
        %dma_start3A_141 = arith.constant 0 : i32
        %dma_start3A_142 = tpu.memref_slice %arg4[%run_scoped3A_44, %arg1, %dma_start3A_140, %dma_start3A_141] : memref<5x16x32x125xi32, #tpu.memory_space<hbm>> -> memref<1x1x32x125xi32, #tpu.memory_space<hbm>>
        %dma_start3A_143 = tpu.memref_squeeze %dma_start3A_142 : memref<1x1x32x125xi32, #tpu.memory_space<hbm>> -> memref<32x125xi32, #tpu.memory_space<hbm>>
        tpu.enqueue_dma source(%dma_start3A_143 : memref<32x125xi32, #tpu.memory_space<hbm>>) target(%arg8 : memref<32x125xi32, #tpu.memory_space<vmem>>) target_semaphore(%run_scoped3A_135 : memref<!tpu.dma_semaphore, #tpu.memory_space<semaphore_mem>>)
        %dma_wait3A = arith.constant 0 : i32
        %dma_wait3A_144 = arith.constant 0 : i32
        %dma_wait3A_145 = tpu.memref_slice %arg4[%run_scoped3A_44, %arg1, %dma_wait3A, %dma_wait3A_144] : memref<5x16x32x125xi32, #tpu.memory_space<hbm>> -> memref<1x1x32x125xi32, #tpu.memory_space<hbm>>
        %dma_wait3A_146 = tpu.memref_squeeze %dma_wait3A_145 : memref<1x1x32x125xi32, #tpu.memory_space<hbm>> -> memref<32x125xi32, #tpu.memory_space<hbm>>
        %dma_wait3A_147 = arith.constant 0 : i32
        %dma_wait3A_148 = arith.constant 0 : i32
        %dma_wait3A_149 = tpu.memref_slice %arg4[%run_scoped3A_44, %arg1, %dma_wait3A_147, %dma_wait3A_148] : memref<5x16x32x125xi32, #tpu.memory_space<hbm>> -> memref<1x1x32x125xi32, #tpu.memory_space<hbm>>
        %dma_wait3A_150 = tpu.memref_squeeze %dma_wait3A_149 : memref<1x1x32x125xi32, #tpu.memory_space<hbm>> -> memref<32x125xi32, #tpu.memory_space<hbm>>
        tpu.wait_dma2 semaphore(%run_scoped3A_135 : memref<!tpu.dma_semaphore, #tpu.memory_space<semaphore_mem>>) src(%dma_wait3A_150 : memref<32x125xi32, #tpu.memory_space<hbm>>) dst(%arg8 : memref<32x125xi32, #tpu.memory_space<vmem>>)
        tpu.yield
      }) : () -> ()
      %dma_start3A_45 = arith.constant 0 : i32
      %dma_start3A_46 = arith.constant 0 : i32
      %dma_start3A_47 = tpu.memref_slice %arg7[%dma_start3A_45, %dma_start3A_46] : memref<32x125xi32, #tpu.memory_space<vmem>> -> memref<1x125xi32, #tpu.memory_space<vmem>>
      %dma_start3A_48 = tpu.memref_squeeze %dma_start3A_47 : memref<1x125xi32, #tpu.memory_space<vmem>> -> memref<125xi32, #tpu.memory_space<vmem>>
      %dma_start3A_49 = arith.constant 0 : i32
      %dma_start3A_50 = arith.constant 0 : i32
      %dma_start3A_51 = tpu.memref_slice %arg3[%dma_start3A_49, %dma_start3A_50] : memref<25600x16xf32, #tpu.memory_space<hbm>> -> memref<25600x16xf32, #tpu.memory_space<hbm>>
      tpu.enqueue_indirect_dma source(%dma_start3A_51 : memref<25600x16xf32, #tpu.memory_space<hbm>>) target(%arg9 : memref<125x16xf32, #tpu.memory_space<vmem>>) offsets(%dma_start3A_48 : memref<125xi32, #tpu.memory_space<vmem>>) semaphore(%arg13 : memref<!tpu.dma_semaphore, #tpu.memory_space<semaphore_mem>>)
      %dma_start3A_52 = arith.constant 1 : i32
      %dma_start3A_53 = arith.constant 0 : i32
      %dma_start3A_54 = tpu.memref_slice %arg7[%dma_start3A_52, %dma_start3A_53] : memref<32x125xi32, #tpu.memory_space<vmem>> -> memref<1x125xi32, #tpu.memory_space<vmem>>
      %dma_start3A_55 = tpu.memref_squeeze %dma_start3A_54 : memref<1x125xi32, #tpu.memory_space<vmem>> -> memref<125xi32, #tpu.memory_space<vmem>>
      %dma_start3A_56 = arith.constant 0 : i32
      %dma_start3A_57 = arith.constant 0 : i32
      %dma_start3A_58 = tpu.memref_slice %arg3[%dma_start3A_56, %dma_start3A_57] : memref<25600x16xf32, #tpu.memory_space<hbm>> -> memref<25600x16xf32, #tpu.memory_space<hbm>>
      tpu.enqueue_indirect_dma source(%dma_start3A_58 : memref<25600x16xf32, #tpu.memory_space<hbm>>) target(%arg10 : memref<125x16xf32, #tpu.memory_space<vmem>>) offsets(%dma_start3A_55 : memref<125xi32, #tpu.memory_space<vmem>>) semaphore(%arg14 : memref<!tpu.dma_semaphore, #tpu.memory_space<semaphore_mem>>)
      %scan3A_59 = arith.constant 0 : i32
      %scan3A_60 = arith.constant 0 : i32
      %scan3A_61 = arith.constant 16 : i32
      %scan3A_62 = arith.addi %scan3A_60, %scan3A_61 : i32
      %scan3A_63 = arith.constant 1 : i32
      %scan3A_64 = scf.for %scan3A_135 = %scan3A_60 to %scan3A_62 step %scan3A_63 iter_args(%scan3A_136 = %scan3A_59) -> (i32)  : i32 {
        %mul3A_137 = arith.constant 2 : i32
        %mul3A_138 = arith.muli %mul3A_137, %scan3A_135 : i32
        %add3A = arith.constant 0 : i32
        %add3A_139 = arith.addi %mul3A_138, %add3A : i32
        %dma_wait3A = arith.constant 0 : i32
        %dma_wait3A_140 = tpu.memref_slice %arg7[%add3A_139, %dma_wait3A] : memref<32x125xi32, #tpu.memory_space<vmem>> -> memref<1x125xi32, #tpu.memory_space<vmem>>
        %dma_wait3A_141 = tpu.memref_squeeze %dma_wait3A_140 : memref<1x125xi32, #tpu.memory_space<vmem>> -> memref<125xi32, #tpu.memory_space<vmem>>
        %dma_wait3A_142 = arith.constant 0 : i32
        %dma_wait3A_143 = arith.constant 0 : i32
        %dma_wait3A_144 = tpu.memref_slice %arg3[%dma_wait3A_142, %dma_wait3A_143] : memref<25600x16xf32, #tpu.memory_space<hbm>> -> memref<25600x16xf32, #tpu.memory_space<hbm>>
        tpu.wait_indirect_dma semaphore(%arg13 : memref<!tpu.dma_semaphore, #tpu.memory_space<semaphore_mem>>) src(%dma_wait3A_144 : memref<25600x16xf32, #tpu.memory_space<hbm>>) dst(%arg9 : memref<125x16xf32, #tpu.memory_space<vmem>>)
        %add3A_145 = arith.constant 0 : i32
        %add3A_146 = arith.addi %mul3A_138, %add3A_145 : i32
        "tpu.region"() ({
          %run_scoped3A_167 = tpu.sem_alloc : memref<!tpu.dma_semaphore, #tpu.memory_space<semaphore_mem>>
          %dma_start3A_168 = arith.constant 0 : i32
          %dma_start3A_169 = tpu.memref_slice %arg8[%add3A_146, %dma_start3A_168] : memref<32x125xi32, #tpu.memory_space<vmem>> -> memref<1x125xi32, #tpu.memory_space<vmem>>
          %dma_start3A_170 = tpu.memref_squeeze %dma_start3A_169 : memref<1x125xi32, #tpu.memory_space<vmem>> -> memref<125xi32, #tpu.memory_space<vmem>>
          %dma_start3A_171 = arith.constant 0 : i32
          %dma_start3A_172 = arith.constant 0 : i32
          %dma_start3A_173 = tpu.memref_slice %arg12[%dma_start3A_171, %dma_start3A_172] : memref<25600x16xf32, #tpu.memory_space<vmem_shared>> -> memref<25600x16xf32, #tpu.memory_space<vmem_shared>>
          tpu.enqueue_indirect_dma source(%arg9 : memref<125x16xf32, #tpu.memory_space<vmem>>) target(%dma_start3A_173 : memref<25600x16xf32, #tpu.memory_space<vmem_shared>>) offsets(%dma_start3A_170 : memref<125xi32, #tpu.memory_space<vmem>>) semaphore(%run_scoped3A_167 : memref<!tpu.dma_semaphore, #tpu.memory_space<semaphore_mem>>) {add = true}
          %dma_wait3A_174 = arith.constant 0 : i32
          %dma_wait3A_175 = tpu.memref_slice %arg8[%add3A_146, %dma_wait3A_174] : memref<32x125xi32, #tpu.memory_space<vmem>> -> memref<1x125xi32, #tpu.memory_space<vmem>>
          %dma_wait3A_176 = tpu.memref_squeeze %dma_wait3A_175 : memref<1x125xi32, #tpu.memory_space<vmem>> -> memref<125xi32, #tpu.memory_space<vmem>>
          %dma_wait3A_177 = arith.constant 0 : i32
          %dma_wait3A_178 = arith.constant 0 : i32
          %dma_wait3A_179 = tpu.memref_slice %arg12[%dma_wait3A_177, %dma_wait3A_178] : memref<25600x16xf32, #tpu.memory_space<vmem_shared>> -> memref<25600x16xf32, #tpu.memory_space<vmem_shared>>
          tpu.wait_indirect_dma semaphore(%run_scoped3A_167 : memref<!tpu.dma_semaphore, #tpu.memory_space<semaphore_mem>>) src(%arg9 : memref<125x16xf32, #tpu.memory_space<vmem>>) dst(%dma_wait3A_179 : memref<25600x16xf32, #tpu.memory_space<vmem_shared>>)
          tpu.yield
        }) : () -> ()
        %lt3A = arith.constant 15 : i32
        %lt3A_147 = arith.cmpi slt, %scan3A_135, %lt3A : i32
        %convert_element_type3A_148 = arith.extui %lt3A_147 : i1 to i32
        %cond3A_149 = arith.constant 0 : i32
        %cond3A_150 = arith.cmpi ne, %convert_element_type3A_148, %cond3A_149 : i32
        scf.if %cond3A_150 {
          %add3A_167 = arith.constant 0 : i32
          %add3A_168 = arith.addi %mul3A_138, %add3A_167 : i32
          %add3A_169 = arith.constant 2 : i32
          %add3A_170 = arith.addi %add3A_168, %add3A_169 : i32
          %dma_start3A_171 = arith.constant 0 : i32
          %dma_start3A_172 = tpu.memref_slice %arg7[%add3A_170, %dma_start3A_171] : memref<32x125xi32, #tpu.memory_space<vmem>> -> memref<1x125xi32, #tpu.memory_space<vmem>>
          %dma_start3A_173 = tpu.memref_squeeze %dma_start3A_172 : memref<1x125xi32, #tpu.memory_space<vmem>> -> memref<125xi32, #tpu.memory_space<vmem>>
          %dma_start3A_174 = arith.constant 0 : i32
          %dma_start3A_175 = arith.constant 0 : i32
          %dma_start3A_176 = tpu.memref_slice %arg3[%dma_start3A_174, %dma_start3A_175] : memref<25600x16xf32, #tpu.memory_space<hbm>> -> memref<25600x16xf32, #tpu.memory_space<hbm>>
          tpu.enqueue_indirect_dma source(%dma_start3A_176 : memref<25600x16xf32, #tpu.memory_space<hbm>>) target(%arg9 : memref<125x16xf32, #tpu.memory_space<vmem>>) offsets(%dma_start3A_173 : memref<125xi32, #tpu.memory_space<vmem>>) semaphore(%arg13 : memref<!tpu.dma_semaphore, #tpu.memory_space<semaphore_mem>>)
        } else {
        }
        %add3A_151 = arith.constant 1 : i32
        %add3A_152 = arith.addi %mul3A_138, %add3A_151 : i32
        %dma_wait3A_153 = arith.constant 0 : i32
        %dma_wait3A_154 = tpu.memref_slice %arg7[%add3A_152, %dma_wait3A_153] : memref<32x125xi32, #tpu.memory_space<vmem>> -> memref<1x125xi32, #tpu.memory_space<vmem>>
        %dma_wait3A_155 = tpu.memref_squeeze %dma_wait3A_154 : memref<1x125xi32, #tpu.memory_space<vmem>> -> memref<125xi32, #tpu.memory_space<vmem>>
        %dma_wait3A_156 = arith.constant 0 : i32
        %dma_wait3A_157 = arith.constant 0 : i32
        %dma_wait3A_158 = tpu.memref_slice %arg3[%dma_wait3A_156, %dma_wait3A_157] : memref<25600x16xf32, #tpu.memory_space<hbm>> -> memref<25600x16xf32, #tpu.memory_space<hbm>>
        tpu.wait_indirect_dma semaphore(%arg14 : memref<!tpu.dma_semaphore, #tpu.memory_space<semaphore_mem>>) src(%dma_wait3A_158 : memref<25600x16xf32, #tpu.memory_space<hbm>>) dst(%arg10 : memref<125x16xf32, #tpu.memory_space<vmem>>)
        %add3A_159 = arith.constant 1 : i32
        %add3A_160 = arith.addi %mul3A_138, %add3A_159 : i32
        "tpu.region"() ({
          %run_scoped3A_167 = tpu.sem_alloc : memref<!tpu.dma_semaphore, #tpu.memory_space<semaphore_mem>>
          %dma_start3A_168 = arith.constant 0 : i32
          %dma_start3A_169 = tpu.memref_slice %arg8[%add3A_160, %dma_start3A_168] : memref<32x125xi32, #tpu.memory_space<vmem>> -> memref<1x125xi32, #tpu.memory_space<vmem>>
          %dma_start3A_170 = tpu.memref_squeeze %dma_start3A_169 : memref<1x125xi32, #tpu.memory_space<vmem>> -> memref<125xi32, #tpu.memory_space<vmem>>
          %dma_start3A_171 = arith.constant 0 : i32
          %dma_start3A_172 = arith.constant 0 : i32
          %dma_start3A_173 = tpu.memref_slice %arg12[%dma_start3A_171, %dma_start3A_172] : memref<25600x16xf32, #tpu.memory_space<vmem_shared>> -> memref<25600x16xf32, #tpu.memory_space<vmem_shared>>
          tpu.enqueue_indirect_dma source(%arg10 : memref<125x16xf32, #tpu.memory_space<vmem>>) target(%dma_start3A_173 : memref<25600x16xf32, #tpu.memory_space<vmem_shared>>) offsets(%dma_start3A_170 : memref<125xi32, #tpu.memory_space<vmem>>) semaphore(%run_scoped3A_167 : memref<!tpu.dma_semaphore, #tpu.memory_space<semaphore_mem>>) {add = true}
          %dma_wait3A_174 = arith.constant 0 : i32
          %dma_wait3A_175 = tpu.memref_slice %arg8[%add3A_160, %dma_wait3A_174] : memref<32x125xi32, #tpu.memory_space<vmem>> -> memref<1x125xi32, #tpu.memory_space<vmem>>
          %dma_wait3A_176 = tpu.memref_squeeze %dma_wait3A_175 : memref<1x125xi32, #tpu.memory_space<vmem>> -> memref<125xi32, #tpu.memory_space<vmem>>
          %dma_wait3A_177 = arith.constant 0 : i32
          %dma_wait3A_178 = arith.constant 0 : i32
          %dma_wait3A_179 = tpu.memref_slice %arg12[%dma_wait3A_177, %dma_wait3A_178] : memref<25600x16xf32, #tpu.memory_space<vmem_shared>> -> memref<25600x16xf32, #tpu.memory_space<vmem_shared>>
          tpu.wait_indirect_dma semaphore(%run_scoped3A_167 : memref<!tpu.dma_semaphore, #tpu.memory_space<semaphore_mem>>) src(%arg10 : memref<125x16xf32, #tpu.memory_space<vmem>>) dst(%dma_wait3A_179 : memref<25600x16xf32, #tpu.memory_space<vmem_shared>>)
          tpu.yield
        }) : () -> ()
        %lt3A_161 = arith.constant 15 : i32
        %lt3A_162 = arith.cmpi slt, %scan3A_135, %lt3A_161 : i32
        %convert_element_type3A_163 = arith.extui %lt3A_162 : i1 to i32
        %cond3A_164 = arith.constant 0 : i32
        %cond3A_165 = arith.cmpi ne, %convert_element_type3A_163, %cond3A_164 : i32
        scf.if %cond3A_165 {
          %add3A_167 = arith.constant 1 : i32
          %add3A_168 = arith.addi %mul3A_138, %add3A_167 : i32
          %add3A_169 = arith.constant 2 : i32
          %add3A_170 = arith.addi %add3A_168, %add3A_169 : i32
          %dma_start3A_171 = arith.constant 0 : i32
          %dma_start3A_172 = tpu.memref_slice %arg7[%add3A_170, %dma_start3A_171] : memref<32x125xi32, #tpu.memory_space<vmem>> -> memref<1x125xi32, #tpu.memory_space<vmem>>
          %dma_start3A_173 = tpu.memref_squeeze %dma_start3A_172 : memref<1x125xi32, #tpu.memory_space<vmem>> -> memref<125xi32, #tpu.memory_space<vmem>>
          %dma_start3A_174 = arith.constant 0 : i32
          %dma_start3A_175 = arith.constant 0 : i32
          %dma_start3A_176 = tpu.memref_slice %arg3[%dma_start3A_174, %dma_start3A_175] : memref<25600x16xf32, #tpu.memory_space<hbm>> -> memref<25600x16xf32, #tpu.memory_space<hbm>>
          tpu.enqueue_indirect_dma source(%dma_start3A_176 : memref<25600x16xf32, #tpu.memory_space<hbm>>) target(%arg10 : memref<125x16xf32, #tpu.memory_space<vmem>>) offsets(%dma_start3A_173 : memref<125xi32, #tpu.memory_space<vmem>>) semaphore(%arg14 : memref<!tpu.dma_semaphore, #tpu.memory_space<semaphore_mem>>)
        } else {
        }
        %scan3A_166 = arith.constant 0 : i32
        scf.yield %scan3A_166 : i32
      }
      %scan3A_65 = arith.constant 16 : i32
      %run_scoped3A_66 = arith.constant 2 : i32
      "tpu.region"() ({
        %run_scoped3A_135 = tpu.sem_alloc : memref<!tpu.dma_semaphore, #tpu.memory_space<semaphore_mem>>
        %dma_start3A_136 = arith.constant 0 : i32
        %dma_start3A_137 = arith.constant 0 : i32
        %dma_start3A_138 = tpu.memref_slice %arg5[%run_scoped3A_66, %arg1, %dma_start3A_136, %dma_start3A_137] : memref<5x16x32x125xi32, #tpu.memory_space<hbm>> -> memref<1x1x32x125xi32, #tpu.memory_space<hbm>>
        %dma_start3A_139 = tpu.memref_squeeze %dma_start3A_138 : memref<1x1x32x125xi32, #tpu.memory_space<hbm>> -> memref<32x125xi32, #tpu.memory_space<hbm>>
        %dma_start3A_140 = arith.constant 0 : i32
        %dma_start3A_141 = arith.constant 0 : i32
        %dma_start3A_142 = tpu.memref_slice %arg5[%run_scoped3A_66, %arg1, %dma_start3A_140, %dma_start3A_141] : memref<5x16x32x125xi32, #tpu.memory_space<hbm>> -> memref<1x1x32x125xi32, #tpu.memory_space<hbm>>
        %dma_start3A_143 = tpu.memref_squeeze %dma_start3A_142 : memref<1x1x32x125xi32, #tpu.memory_space<hbm>> -> memref<32x125xi32, #tpu.memory_space<hbm>>
        tpu.enqueue_dma source(%dma_start3A_143 : memref<32x125xi32, #tpu.memory_space<hbm>>) target(%arg7 : memref<32x125xi32, #tpu.memory_space<vmem>>) target_semaphore(%run_scoped3A_135 : memref<!tpu.dma_semaphore, #tpu.memory_space<semaphore_mem>>)
        %dma_wait3A = arith.constant 0 : i32
        %dma_wait3A_144 = arith.constant 0 : i32
        %dma_wait3A_145 = tpu.memref_slice %arg5[%run_scoped3A_66, %arg1, %dma_wait3A, %dma_wait3A_144] : memref<5x16x32x125xi32, #tpu.memory_space<hbm>> -> memref<1x1x32x125xi32, #tpu.memory_space<hbm>>
        %dma_wait3A_146 = tpu.memref_squeeze %dma_wait3A_145 : memref<1x1x32x125xi32, #tpu.memory_space<hbm>> -> memref<32x125xi32, #tpu.memory_space<hbm>>
        %dma_wait3A_147 = arith.constant 0 : i32
        %dma_wait3A_148 = arith.constant 0 : i32
        %dma_wait3A_149 = tpu.memref_slice %arg5[%run_scoped3A_66, %arg1, %dma_wait3A_147, %dma_wait3A_148] : memref<5x16x32x125xi32, #tpu.memory_space<hbm>> -> memref<1x1x32x125xi32, #tpu.memory_space<hbm>>
        %dma_wait3A_150 = tpu.memref_squeeze %dma_wait3A_149 : memref<1x1x32x125xi32, #tpu.memory_space<hbm>> -> memref<32x125xi32, #tpu.memory_space<hbm>>
        tpu.wait_dma2 semaphore(%run_scoped3A_135 : memref<!tpu.dma_semaphore, #tpu.memory_space<semaphore_mem>>) src(%dma_wait3A_150 : memref<32x125xi32, #tpu.memory_space<hbm>>) dst(%arg7 : memref<32x125xi32, #tpu.memory_space<vmem>>)
        tpu.yield
      }) : () -> ()
      %run_scoped3A_67 = arith.constant 2 : i32
      "tpu.region"() ({
        %run_scoped3A_135 = tpu.sem_alloc : memref<!tpu.dma_semaphore, #tpu.memory_space<semaphore_mem>>
        %dma_start3A_136 = arith.constant 0 : i32
        %dma_start3A_137 = arith.constant 0 : i32
        %dma_start3A_138 = tpu.memref_slice %arg4[%run_scoped3A_67, %arg1, %dma_start3A_136, %dma_start3A_137] : memref<5x16x32x125xi32, #tpu.memory_space<hbm>> -> memref<1x1x32x125xi32, #tpu.memory_space<hbm>>
        %dma_start3A_139 = tpu.memref_squeeze %dma_start3A_138 : memref<1x1x32x125xi32, #tpu.memory_space<hbm>> -> memref<32x125xi32, #tpu.memory_space<hbm>>
        %dma_start3A_140 = arith.constant 0 : i32
        %dma_start3A_141 = arith.constant 0 : i32
        %dma_start3A_142 = tpu.memref_slice %arg4[%run_scoped3A_67, %arg1, %dma_start3A_140, %dma_start3A_141] : memref<5x16x32x125xi32, #tpu.memory_space<hbm>> -> memref<1x1x32x125xi32, #tpu.memory_space<hbm>>
        %dma_start3A_143 = tpu.memref_squeeze %dma_start3A_142 : memref<1x1x32x125xi32, #tpu.memory_space<hbm>> -> memref<32x125xi32, #tpu.memory_space<hbm>>
        tpu.enqueue_dma source(%dma_start3A_143 : memref<32x125xi32, #tpu.memory_space<hbm>>) target(%arg8 : memref<32x125xi32, #tpu.memory_space<vmem>>) target_semaphore(%run_scoped3A_135 : memref<!tpu.dma_semaphore, #tpu.memory_space<semaphore_mem>>)
        %dma_wait3A = arith.constant 0 : i32
        %dma_wait3A_144 = arith.constant 0 : i32
        %dma_wait3A_145 = tpu.memref_slice %arg4[%run_scoped3A_67, %arg1, %dma_wait3A, %dma_wait3A_144] : memref<5x16x32x125xi32, #tpu.memory_space<hbm>> -> memref<1x1x32x125xi32, #tpu.memory_space<hbm>>
        %dma_wait3A_146 = tpu.memref_squeeze %dma_wait3A_145 : memref<1x1x32x125xi32, #tpu.memory_space<hbm>> -> memref<32x125xi32, #tpu.memory_space<hbm>>
        %dma_wait3A_147 = arith.constant 0 : i32
        %dma_wait3A_148 = arith.constant 0 : i32
        %dma_wait3A_149 = tpu.memref_slice %arg4[%run_scoped3A_67, %arg1, %dma_wait3A_147, %dma_wait3A_148] : memref<5x16x32x125xi32, #tpu.memory_space<hbm>> -> memref<1x1x32x125xi32, #tpu.memory_space<hbm>>
        %dma_wait3A_150 = tpu.memref_squeeze %dma_wait3A_149 : memref<1x1x32x125xi32, #tpu.memory_space<hbm>> -> memref<32x125xi32, #tpu.memory_space<hbm>>
        tpu.wait_dma2 semaphore(%run_scoped3A_135 : memref<!tpu.dma_semaphore, #tpu.memory_space<semaphore_mem>>) src(%dma_wait3A_150 : memref<32x125xi32, #tpu.memory_space<hbm>>) dst(%arg8 : memref<32x125xi32, #tpu.memory_space<vmem>>)
        tpu.yield
      }) : () -> ()
      %dma_start3A_68 = arith.constant 0 : i32
      %dma_start3A_69 = arith.constant 0 : i32
      %dma_start3A_70 = tpu.memref_slice %arg7[%dma_start3A_68, %dma_start3A_69] : memref<32x125xi32, #tpu.memory_space<vmem>> -> memref<1x125xi32, #tpu.memory_space<vmem>>
      %dma_start3A_71 = tpu.memref_squeeze %dma_start3A_70 : memref<1x125xi32, #tpu.memory_space<vmem>> -> memref<125xi32, #tpu.memory_space<vmem>>
      %dma_start3A_72 = arith.constant 0 : i32
      %dma_start3A_73 = arith.constant 0 : i32
      %dma_start3A_74 = tpu.memref_slice %arg3[%dma_start3A_72, %dma_start3A_73] : memref<25600x16xf32, #tpu.memory_space<hbm>> -> memref<25600x16xf32, #tpu.memory_space<hbm>>
      tpu.enqueue_indirect_dma source(%dma_start3A_74 : memref<25600x16xf32, #tpu.memory_space<hbm>>) target(%arg9 : memref<125x16xf32, #tpu.memory_space<vmem>>) offsets(%dma_start3A_71 : memref<125xi32, #tpu.memory_space<vmem>>) semaphore(%arg13 : memref<!tpu.dma_semaphore, #tpu.memory_space<semaphore_mem>>)
      %dma_start3A_75 = arith.constant 1 : i32
      %dma_start3A_76 = arith.constant 0 : i32
      %dma_start3A_77 = tpu.memref_slice %arg7[%dma_start3A_75, %dma_start3A_76] : memref<32x125xi32, #tpu.memory_space<vmem>> -> memref<1x125xi32, #tpu.memory_space<vmem>>
      %dma_start3A_78 = tpu.memref_squeeze %dma_start3A_77 : memref<1x125xi32, #tpu.memory_space<vmem>> -> memref<125xi32, #tpu.memory_space<vmem>>
      %dma_start3A_79 = arith.constant 0 : i32
      %dma_start3A_80 = arith.constant 0 : i32
      %dma_start3A_81 = tpu.memref_slice %arg3[%dma_start3A_79, %dma_start3A_80] : memref<25600x16xf32, #tpu.memory_space<hbm>> -> memref<25600x16xf32, #tpu.memory_space<hbm>>
      tpu.enqueue_indirect_dma source(%dma_start3A_81 : memref<25600x16xf32, #tpu.memory_space<hbm>>) target(%arg10 : memref<125x16xf32, #tpu.memory_space<vmem>>) offsets(%dma_start3A_78 : memref<125xi32, #tpu.memory_space<vmem>>) semaphore(%arg14 : memref<!tpu.dma_semaphore, #tpu.memory_space<semaphore_mem>>)
      %scan3A_82 = arith.constant 0 : i32
      %scan3A_83 = arith.constant 0 : i32
      %scan3A_84 = arith.constant 16 : i32
      %scan3A_85 = arith.addi %scan3A_83, %scan3A_84 : i32
      %scan3A_86 = arith.constant 1 : i32
      %scan3A_87 = scf.for %scan3A_135 = %scan3A_83 to %scan3A_85 step %scan3A_86 iter_args(%scan3A_136 = %scan3A_82) -> (i32)  : i32 {
        %mul3A_137 = arith.constant 2 : i32
        %mul3A_138 = arith.muli %mul3A_137, %scan3A_135 : i32
        %add3A = arith.constant 0 : i32
        %add3A_139 = arith.addi %mul3A_138, %add3A : i32
        %dma_wait3A = arith.constant 0 : i32
        %dma_wait3A_140 = tpu.memref_slice %arg7[%add3A_139, %dma_wait3A] : memref<32x125xi32, #tpu.memory_space<vmem>> -> memref<1x125xi32, #tpu.memory_space<vmem>>
        %dma_wait3A_141 = tpu.memref_squeeze %dma_wait3A_140 : memref<1x125xi32, #tpu.memory_space<vmem>> -> memref<125xi32, #tpu.memory_space<vmem>>
        %dma_wait3A_142 = arith.constant 0 : i32
        %dma_wait3A_143 = arith.constant 0 : i32
        %dma_wait3A_144 = tpu.memref_slice %arg3[%dma_wait3A_142, %dma_wait3A_143] : memref<25600x16xf32, #tpu.memory_space<hbm>> -> memref<25600x16xf32, #tpu.memory_space<hbm>>
        tpu.wait_indirect_dma semaphore(%arg13 : memref<!tpu.dma_semaphore, #tpu.memory_space<semaphore_mem>>) src(%dma_wait3A_144 : memref<25600x16xf32, #tpu.memory_space<hbm>>) dst(%arg9 : memref<125x16xf32, #tpu.memory_space<vmem>>)
        %add3A_145 = arith.constant 0 : i32
        %add3A_146 = arith.addi %mul3A_138, %add3A_145 : i32
        "tpu.region"() ({
          %run_scoped3A_167 = tpu.sem_alloc : memref<!tpu.dma_semaphore, #tpu.memory_space<semaphore_mem>>
          %dma_start3A_168 = arith.constant 0 : i32
          %dma_start3A_169 = tpu.memref_slice %arg8[%add3A_146, %dma_start3A_168] : memref<32x125xi32, #tpu.memory_space<vmem>> -> memref<1x125xi32, #tpu.memory_space<vmem>>
          %dma_start3A_170 = tpu.memref_squeeze %dma_start3A_169 : memref<1x125xi32, #tpu.memory_space<vmem>> -> memref<125xi32, #tpu.memory_space<vmem>>
          %dma_start3A_171 = arith.constant 0 : i32
          %dma_start3A_172 = arith.constant 0 : i32
          %dma_start3A_173 = tpu.memref_slice %arg12[%dma_start3A_171, %dma_start3A_172] : memref<25600x16xf32, #tpu.memory_space<vmem_shared>> -> memref<25600x16xf32, #tpu.memory_space<vmem_shared>>
          tpu.enqueue_indirect_dma source(%arg9 : memref<125x16xf32, #tpu.memory_space<vmem>>) target(%dma_start3A_173 : memref<25600x16xf32, #tpu.memory_space<vmem_shared>>) offsets(%dma_start3A_170 : memref<125xi32, #tpu.memory_space<vmem>>) semaphore(%run_scoped3A_167 : memref<!tpu.dma_semaphore, #tpu.memory_space<semaphore_mem>>) {add = true}
          %dma_wait3A_174 = arith.constant 0 : i32
          %dma_wait3A_175 = tpu.memref_slice %arg8[%add3A_146, %dma_wait3A_174] : memref<32x125xi32, #tpu.memory_space<vmem>> -> memref<1x125xi32, #tpu.memory_space<vmem>>
          %dma_wait3A_176 = tpu.memref_squeeze %dma_wait3A_175 : memref<1x125xi32, #tpu.memory_space<vmem>> -> memref<125xi32, #tpu.memory_space<vmem>>
          %dma_wait3A_177 = arith.constant 0 : i32
          %dma_wait3A_178 = arith.constant 0 : i32
          %dma_wait3A_179 = tpu.memref_slice %arg12[%dma_wait3A_177, %dma_wait3A_178] : memref<25600x16xf32, #tpu.memory_space<vmem_shared>> -> memref<25600x16xf32, #tpu.memory_space<vmem_shared>>
          tpu.wait_indirect_dma semaphore(%run_scoped3A_167 : memref<!tpu.dma_semaphore, #tpu.memory_space<semaphore_mem>>) src(%arg9 : memref<125x16xf32, #tpu.memory_space<vmem>>) dst(%dma_wait3A_179 : memref<25600x16xf32, #tpu.memory_space<vmem_shared>>)
          tpu.yield
        }) : () -> ()
        %lt3A = arith.constant 15 : i32
        %lt3A_147 = arith.cmpi slt, %scan3A_135, %lt3A : i32
        %convert_element_type3A_148 = arith.extui %lt3A_147 : i1 to i32
        %cond3A_149 = arith.constant 0 : i32
        %cond3A_150 = arith.cmpi ne, %convert_element_type3A_148, %cond3A_149 : i32
        scf.if %cond3A_150 {
          %add3A_167 = arith.constant 0 : i32
          %add3A_168 = arith.addi %mul3A_138, %add3A_167 : i32
          %add3A_169 = arith.constant 2 : i32
          %add3A_170 = arith.addi %add3A_168, %add3A_169 : i32
          %dma_start3A_171 = arith.constant 0 : i32
          %dma_start3A_172 = tpu.memref_slice %arg7[%add3A_170, %dma_start3A_171] : memref<32x125xi32, #tpu.memory_space<vmem>> -> memref<1x125xi32, #tpu.memory_space<vmem>>
          %dma_start3A_173 = tpu.memref_squeeze %dma_start3A_172 : memref<1x125xi32, #tpu.memory_space<vmem>> -> memref<125xi32, #tpu.memory_space<vmem>>
          %dma_start3A_174 = arith.constant 0 : i32
          %dma_start3A_175 = arith.constant 0 : i32
          %dma_start3A_176 = tpu.memref_slice %arg3[%dma_start3A_174, %dma_start3A_175] : memref<25600x16xf32, #tpu.memory_space<hbm>> -> memref<25600x16xf32, #tpu.memory_space<hbm>>
          tpu.enqueue_indirect_dma source(%dma_start3A_176 : memref<25600x16xf32, #tpu.memory_space<hbm>>) target(%arg9 : memref<125x16xf32, #tpu.memory_space<vmem>>) offsets(%dma_start3A_173 : memref<125xi32, #tpu.memory_space<vmem>>) semaphore(%arg13 : memref<!tpu.dma_semaphore, #tpu.memory_space<semaphore_mem>>)
        } else {
        }
        %add3A_151 = arith.constant 1 : i32
        %add3A_152 = arith.addi %mul3A_138, %add3A_151 : i32
        %dma_wait3A_153 = arith.constant 0 : i32
        %dma_wait3A_154 = tpu.memref_slice %arg7[%add3A_152, %dma_wait3A_153] : memref<32x125xi32, #tpu.memory_space<vmem>> -> memref<1x125xi32, #tpu.memory_space<vmem>>
        %dma_wait3A_155 = tpu.memref_squeeze %dma_wait3A_154 : memref<1x125xi32, #tpu.memory_space<vmem>> -> memref<125xi32, #tpu.memory_space<vmem>>
        %dma_wait3A_156 = arith.constant 0 : i32
        %dma_wait3A_157 = arith.constant 0 : i32
        %dma_wait3A_158 = tpu.memref_slice %arg3[%dma_wait3A_156, %dma_wait3A_157] : memref<25600x16xf32, #tpu.memory_space<hbm>> -> memref<25600x16xf32, #tpu.memory_space<hbm>>
        tpu.wait_indirect_dma semaphore(%arg14 : memref<!tpu.dma_semaphore, #tpu.memory_space<semaphore_mem>>) src(%dma_wait3A_158 : memref<25600x16xf32, #tpu.memory_space<hbm>>) dst(%arg10 : memref<125x16xf32, #tpu.memory_space<vmem>>)
        %add3A_159 = arith.constant 1 : i32
        %add3A_160 = arith.addi %mul3A_138, %add3A_159 : i32
        "tpu.region"() ({
          %run_scoped3A_167 = tpu.sem_alloc : memref<!tpu.dma_semaphore, #tpu.memory_space<semaphore_mem>>
          %dma_start3A_168 = arith.constant 0 : i32
          %dma_start3A_169 = tpu.memref_slice %arg8[%add3A_160, %dma_start3A_168] : memref<32x125xi32, #tpu.memory_space<vmem>> -> memref<1x125xi32, #tpu.memory_space<vmem>>
          %dma_start3A_170 = tpu.memref_squeeze %dma_start3A_169 : memref<1x125xi32, #tpu.memory_space<vmem>> -> memref<125xi32, #tpu.memory_space<vmem>>
          %dma_start3A_171 = arith.constant 0 : i32
          %dma_start3A_172 = arith.constant 0 : i32
          %dma_start3A_173 = tpu.memref_slice %arg12[%dma_start3A_171, %dma_start3A_172] : memref<25600x16xf32, #tpu.memory_space<vmem_shared>> -> memref<25600x16xf32, #tpu.memory_space<vmem_shared>>
          tpu.enqueue_indirect_dma source(%arg10 : memref<125x16xf32, #tpu.memory_space<vmem>>) target(%dma_start3A_173 : memref<25600x16xf32, #tpu.memory_space<vmem_shared>>) offsets(%dma_start3A_170 : memref<125xi32, #tpu.memory_space<vmem>>) semaphore(%run_scoped3A_167 : memref<!tpu.dma_semaphore, #tpu.memory_space<semaphore_mem>>) {add = true}
          %dma_wait3A_174 = arith.constant 0 : i32
          %dma_wait3A_175 = tpu.memref_slice %arg8[%add3A_160, %dma_wait3A_174] : memref<32x125xi32, #tpu.memory_space<vmem>> -> memref<1x125xi32, #tpu.memory_space<vmem>>
          %dma_wait3A_176 = tpu.memref_squeeze %dma_wait3A_175 : memref<1x125xi32, #tpu.memory_space<vmem>> -> memref<125xi32, #tpu.memory_space<vmem>>
          %dma_wait3A_177 = arith.constant 0 : i32
          %dma_wait3A_178 = arith.constant 0 : i32
          %dma_wait3A_179 = tpu.memref_slice %arg12[%dma_wait3A_177, %dma_wait3A_178] : memref<25600x16xf32, #tpu.memory_space<vmem_shared>> -> memref<25600x16xf32, #tpu.memory_space<vmem_shared>>
          tpu.wait_indirect_dma semaphore(%run_scoped3A_167 : memref<!tpu.dma_semaphore, #tpu.memory_space<semaphore_mem>>) src(%arg10 : memref<125x16xf32, #tpu.memory_space<vmem>>) dst(%dma_wait3A_179 : memref<25600x16xf32, #tpu.memory_space<vmem_shared>>)
          tpu.yield
        }) : () -> ()
        %lt3A_161 = arith.constant 15 : i32
        %lt3A_162 = arith.cmpi slt, %scan3A_135, %lt3A_161 : i32
        %convert_element_type3A_163 = arith.extui %lt3A_162 : i1 to i32
        %cond3A_164 = arith.constant 0 : i32
        %cond3A_165 = arith.cmpi ne, %convert_element_type3A_163, %cond3A_164 : i32
        scf.if %cond3A_165 {
          %add3A_167 = arith.constant 1 : i32
          %add3A_168 = arith.addi %mul3A_138, %add3A_167 : i32
          %add3A_169 = arith.constant 2 : i32
          %add3A_170 = arith.addi %add3A_168, %add3A_169 : i32
          %dma_start3A_171 = arith.constant 0 : i32
          %dma_start3A_172 = tpu.memref_slice %arg7[%add3A_170, %dma_start3A_171] : memref<32x125xi32, #tpu.memory_space<vmem>> -> memref<1x125xi32, #tpu.memory_space<vmem>>
          %dma_start3A_173 = tpu.memref_squeeze %dma_start3A_172 : memref<1x125xi32, #tpu.memory_space<vmem>> -> memref<125xi32, #tpu.memory_space<vmem>>
          %dma_start3A_174 = arith.constant 0 : i32
          %dma_start3A_175 = arith.constant 0 : i32
          %dma_start3A_176 = tpu.memref_slice %arg3[%dma_start3A_174, %dma_start3A_175] : memref<25600x16xf32, #tpu.memory_space<hbm>> -> memref<25600x16xf32, #tpu.memory_space<hbm>>
          tpu.enqueue_indirect_dma source(%dma_start3A_176 : memref<25600x16xf32, #tpu.memory_space<hbm>>) target(%arg10 : memref<125x16xf32, #tpu.memory_space<vmem>>) offsets(%dma_start3A_173 : memref<125xi32, #tpu.memory_space<vmem>>) semaphore(%arg14 : memref<!tpu.dma_semaphore, #tpu.memory_space<semaphore_mem>>)
        } else {
        }
        %scan3A_166 = arith.constant 0 : i32
        scf.yield %scan3A_166 : i32
      }
      %scan3A_88 = arith.constant 16 : i32
      %run_scoped3A_89 = arith.constant 3 : i32
      "tpu.region"() ({
        %run_scoped3A_135 = tpu.sem_alloc : memref<!tpu.dma_semaphore, #tpu.memory_space<semaphore_mem>>
        %dma_start3A_136 = arith.constant 0 : i32
        %dma_start3A_137 = arith.constant 0 : i32
        %dma_start3A_138 = tpu.memref_slice %arg5[%run_scoped3A_89, %arg1, %dma_start3A_136, %dma_start3A_137] : memref<5x16x32x125xi32, #tpu.memory_space<hbm>> -> memref<1x1x32x125xi32, #tpu.memory_space<hbm>>
        %dma_start3A_139 = tpu.memref_squeeze %dma_start3A_138 : memref<1x1x32x125xi32, #tpu.memory_space<hbm>> -> memref<32x125xi32, #tpu.memory_space<hbm>>
        %dma_start3A_140 = arith.constant 0 : i32
        %dma_start3A_141 = arith.constant 0 : i32
        %dma_start3A_142 = tpu.memref_slice %arg5[%run_scoped3A_89, %arg1, %dma_start3A_140, %dma_start3A_141] : memref<5x16x32x125xi32, #tpu.memory_space<hbm>> -> memref<1x1x32x125xi32, #tpu.memory_space<hbm>>
        %dma_start3A_143 = tpu.memref_squeeze %dma_start3A_142 : memref<1x1x32x125xi32, #tpu.memory_space<hbm>> -> memref<32x125xi32, #tpu.memory_space<hbm>>
        tpu.enqueue_dma source(%dma_start3A_143 : memref<32x125xi32, #tpu.memory_space<hbm>>) target(%arg7 : memref<32x125xi32, #tpu.memory_space<vmem>>) target_semaphore(%run_scoped3A_135 : memref<!tpu.dma_semaphore, #tpu.memory_space<semaphore_mem>>)
        %dma_wait3A = arith.constant 0 : i32
        %dma_wait3A_144 = arith.constant 0 : i32
        %dma_wait3A_145 = tpu.memref_slice %arg5[%run_scoped3A_89, %arg1, %dma_wait3A, %dma_wait3A_144] : memref<5x16x32x125xi32, #tpu.memory_space<hbm>> -> memref<1x1x32x125xi32, #tpu.memory_space<hbm>>
        %dma_wait3A_146 = tpu.memref_squeeze %dma_wait3A_145 : memref<1x1x32x125xi32, #tpu.memory_space<hbm>> -> memref<32x125xi32, #tpu.memory_space<hbm>>
        %dma_wait3A_147 = arith.constant 0 : i32
        %dma_wait3A_148 = arith.constant 0 : i32
        %dma_wait3A_149 = tpu.memref_slice %arg5[%run_scoped3A_89, %arg1, %dma_wait3A_147, %dma_wait3A_148] : memref<5x16x32x125xi32, #tpu.memory_space<hbm>> -> memref<1x1x32x125xi32, #tpu.memory_space<hbm>>
        %dma_wait3A_150 = tpu.memref_squeeze %dma_wait3A_149 : memref<1x1x32x125xi32, #tpu.memory_space<hbm>> -> memref<32x125xi32, #tpu.memory_space<hbm>>
        tpu.wait_dma2 semaphore(%run_scoped3A_135 : memref<!tpu.dma_semaphore, #tpu.memory_space<semaphore_mem>>) src(%dma_wait3A_150 : memref<32x125xi32, #tpu.memory_space<hbm>>) dst(%arg7 : memref<32x125xi32, #tpu.memory_space<vmem>>)
        tpu.yield
      }) : () -> ()
      %run_scoped3A_90 = arith.constant 3 : i32
      "tpu.region"() ({
        %run_scoped3A_135 = tpu.sem_alloc : memref<!tpu.dma_semaphore, #tpu.memory_space<semaphore_mem>>
        %dma_start3A_136 = arith.constant 0 : i32
        %dma_start3A_137 = arith.constant 0 : i32
        %dma_start3A_138 = tpu.memref_slice %arg4[%run_scoped3A_90, %arg1, %dma_start3A_136, %dma_start3A_137] : memref<5x16x32x125xi32, #tpu.memory_space<hbm>> -> memref<1x1x32x125xi32, #tpu.memory_space<hbm>>
        %dma_start3A_139 = tpu.memref_squeeze %dma_start3A_138 : memref<1x1x32x125xi32, #tpu.memory_space<hbm>> -> memref<32x125xi32, #tpu.memory_space<hbm>>
        %dma_start3A_140 = arith.constant 0 : i32
        %dma_start3A_141 = arith.constant 0 : i32
        %dma_start3A_142 = tpu.memref_slice %arg4[%run_scoped3A_90, %arg1, %dma_start3A_140, %dma_start3A_141] : memref<5x16x32x125xi32, #tpu.memory_space<hbm>> -> memref<1x1x32x125xi32, #tpu.memory_space<hbm>>
        %dma_start3A_143 = tpu.memref_squeeze %dma_start3A_142 : memref<1x1x32x125xi32, #tpu.memory_space<hbm>> -> memref<32x125xi32, #tpu.memory_space<hbm>>
        tpu.enqueue_dma source(%dma_start3A_143 : memref<32x125xi32, #tpu.memory_space<hbm>>) target(%arg8 : memref<32x125xi32, #tpu.memory_space<vmem>>) target_semaphore(%run_scoped3A_135 : memref<!tpu.dma_semaphore, #tpu.memory_space<semaphore_mem>>)
        %dma_wait3A = arith.constant 0 : i32
        %dma_wait3A_144 = arith.constant 0 : i32
        %dma_wait3A_145 = tpu.memref_slice %arg4[%run_scoped3A_90, %arg1, %dma_wait3A, %dma_wait3A_144] : memref<5x16x32x125xi32, #tpu.memory_space<hbm>> -> memref<1x1x32x125xi32, #tpu.memory_space<hbm>>
        %dma_wait3A_146 = tpu.memref_squeeze %dma_wait3A_145 : memref<1x1x32x125xi32, #tpu.memory_space<hbm>> -> memref<32x125xi32, #tpu.memory_space<hbm>>
        %dma_wait3A_147 = arith.constant 0 : i32
        %dma_wait3A_148 = arith.constant 0 : i32
        %dma_wait3A_149 = tpu.memref_slice %arg4[%run_scoped3A_90, %arg1, %dma_wait3A_147, %dma_wait3A_148] : memref<5x16x32x125xi32, #tpu.memory_space<hbm>> -> memref<1x1x32x125xi32, #tpu.memory_space<hbm>>
        %dma_wait3A_150 = tpu.memref_squeeze %dma_wait3A_149 : memref<1x1x32x125xi32, #tpu.memory_space<hbm>> -> memref<32x125xi32, #tpu.memory_space<hbm>>
        tpu.wait_dma2 semaphore(%run_scoped3A_135 : memref<!tpu.dma_semaphore, #tpu.memory_space<semaphore_mem>>) src(%dma_wait3A_150 : memref<32x125xi32, #tpu.memory_space<hbm>>) dst(%arg8 : memref<32x125xi32, #tpu.memory_space<vmem>>)
        tpu.yield
      }) : () -> ()
      %dma_start3A_91 = arith.constant 0 : i32
      %dma_start3A_92 = arith.constant 0 : i32
      %dma_start3A_93 = tpu.memref_slice %arg7[%dma_start3A_91, %dma_start3A_92] : memref<32x125xi32, #tpu.memory_space<vmem>> -> memref<1x125xi32, #tpu.memory_space<vmem>>
      %dma_start3A_94 = tpu.memref_squeeze %dma_start3A_93 : memref<1x125xi32, #tpu.memory_space<vmem>> -> memref<125xi32, #tpu.memory_space<vmem>>
      %dma_start3A_95 = arith.constant 0 : i32
      %dma_start3A_96 = arith.constant 0 : i32
      %dma_start3A_97 = tpu.memref_slice %arg3[%dma_start3A_95, %dma_start3A_96] : memref<25600x16xf32, #tpu.memory_space<hbm>> -> memref<25600x16xf32, #tpu.memory_space<hbm>>
      tpu.enqueue_indirect_dma source(%dma_start3A_97 : memref<25600x16xf32, #tpu.memory_space<hbm>>) target(%arg9 : memref<125x16xf32, #tpu.memory_space<vmem>>) offsets(%dma_start3A_94 : memref<125xi32, #tpu.memory_space<vmem>>) semaphore(%arg13 : memref<!tpu.dma_semaphore, #tpu.memory_space<semaphore_mem>>)
      %dma_start3A_98 = arith.constant 1 : i32
      %dma_start3A_99 = arith.constant 0 : i32
      %dma_start3A_100 = tpu.memref_slice %arg7[%dma_start3A_98, %dma_start3A_99] : memref<32x125xi32, #tpu.memory_space<vmem>> -> memref<1x125xi32, #tpu.memory_space<vmem>>
      %dma_start3A_101 = tpu.memref_squeeze %dma_start3A_100 : memref<1x125xi32, #tpu.memory_space<vmem>> -> memref<125xi32, #tpu.memory_space<vmem>>
      %dma_start3A_102 = arith.constant 0 : i32
      %dma_start3A_103 = arith.constant 0 : i32
      %dma_start3A_104 = tpu.memref_slice %arg3[%dma_start3A_102, %dma_start3A_103] : memref<25600x16xf32, #tpu.memory_space<hbm>> -> memref<25600x16xf32, #tpu.memory_space<hbm>>
      tpu.enqueue_indirect_dma source(%dma_start3A_104 : memref<25600x16xf32, #tpu.memory_space<hbm>>) target(%arg10 : memref<125x16xf32, #tpu.memory_space<vmem>>) offsets(%dma_start3A_101 : memref<125xi32, #tpu.memory_space<vmem>>) semaphore(%arg14 : memref<!tpu.dma_semaphore, #tpu.memory_space<semaphore_mem>>)
      %scan3A_105 = arith.constant 0 : i32
      %scan3A_106 = arith.constant 0 : i32
      %scan3A_107 = arith.constant 16 : i32
      %scan3A_108 = arith.addi %scan3A_106, %scan3A_107 : i32
      %scan3A_109 = arith.constant 1 : i32
      %scan3A_110 = scf.for %scan3A_135 = %scan3A_106 to %scan3A_108 step %scan3A_109 iter_args(%scan3A_136 = %scan3A_105) -> (i32)  : i32 {
        %mul3A_137 = arith.constant 2 : i32
        %mul3A_138 = arith.muli %mul3A_137, %scan3A_135 : i32
        %add3A = arith.constant 0 : i32
        %add3A_139 = arith.addi %mul3A_138, %add3A : i32
        %dma_wait3A = arith.constant 0 : i32
        %dma_wait3A_140 = tpu.memref_slice %arg7[%add3A_139, %dma_wait3A] : memref<32x125xi32, #tpu.memory_space<vmem>> -> memref<1x125xi32, #tpu.memory_space<vmem>>
        %dma_wait3A_141 = tpu.memref_squeeze %dma_wait3A_140 : memref<1x125xi32, #tpu.memory_space<vmem>> -> memref<125xi32, #tpu.memory_space<vmem>>
        %dma_wait3A_142 = arith.constant 0 : i32
        %dma_wait3A_143 = arith.constant 0 : i32
        %dma_wait3A_144 = tpu.memref_slice %arg3[%dma_wait3A_142, %dma_wait3A_143] : memref<25600x16xf32, #tpu.memory_space<hbm>> -> memref<25600x16xf32, #tpu.memory_space<hbm>>
        tpu.wait_indirect_dma semaphore(%arg13 : memref<!tpu.dma_semaphore, #tpu.memory_space<semaphore_mem>>) src(%dma_wait3A_144 : memref<25600x16xf32, #tpu.memory_space<hbm>>) dst(%arg9 : memref<125x16xf32, #tpu.memory_space<vmem>>)
        %add3A_145 = arith.constant 0 : i32
        %add3A_146 = arith.addi %mul3A_138, %add3A_145 : i32
        "tpu.region"() ({
          %run_scoped3A_167 = tpu.sem_alloc : memref<!tpu.dma_semaphore, #tpu.memory_space<semaphore_mem>>
          %dma_start3A_168 = arith.constant 0 : i32
          %dma_start3A_169 = tpu.memref_slice %arg8[%add3A_146, %dma_start3A_168] : memref<32x125xi32, #tpu.memory_space<vmem>> -> memref<1x125xi32, #tpu.memory_space<vmem>>
          %dma_start3A_170 = tpu.memref_squeeze %dma_start3A_169 : memref<1x125xi32, #tpu.memory_space<vmem>> -> memref<125xi32, #tpu.memory_space<vmem>>
          %dma_start3A_171 = arith.constant 0 : i32
          %dma_start3A_172 = arith.constant 0 : i32
          %dma_start3A_173 = tpu.memref_slice %arg12[%dma_start3A_171, %dma_start3A_172] : memref<25600x16xf32, #tpu.memory_space<vmem_shared>> -> memref<25600x16xf32, #tpu.memory_space<vmem_shared>>
          tpu.enqueue_indirect_dma source(%arg9 : memref<125x16xf32, #tpu.memory_space<vmem>>) target(%dma_start3A_173 : memref<25600x16xf32, #tpu.memory_space<vmem_shared>>) offsets(%dma_start3A_170 : memref<125xi32, #tpu.memory_space<vmem>>) semaphore(%run_scoped3A_167 : memref<!tpu.dma_semaphore, #tpu.memory_space<semaphore_mem>>) {add = true}
          %dma_wait3A_174 = arith.constant 0 : i32
          %dma_wait3A_175 = tpu.memref_slice %arg8[%add3A_146, %dma_wait3A_174] : memref<32x125xi32, #tpu.memory_space<vmem>> -> memref<1x125xi32, #tpu.memory_space<vmem>>
          %dma_wait3A_176 = tpu.memref_squeeze %dma_wait3A_175 : memref<1x125xi32, #tpu.memory_space<vmem>> -> memref<125xi32, #tpu.memory_space<vmem>>
          %dma_wait3A_177 = arith.constant 0 : i32
          %dma_wait3A_178 = arith.constant 0 : i32
          %dma_wait3A_179 = tpu.memref_slice %arg12[%dma_wait3A_177, %dma_wait3A_178] : memref<25600x16xf32, #tpu.memory_space<vmem_shared>> -> memref<25600x16xf32, #tpu.memory_space<vmem_shared>>
          tpu.wait_indirect_dma semaphore(%run_scoped3A_167 : memref<!tpu.dma_semaphore, #tpu.memory_space<semaphore_mem>>) src(%arg9 : memref<125x16xf32, #tpu.memory_space<vmem>>) dst(%dma_wait3A_179 : memref<25600x16xf32, #tpu.memory_space<vmem_shared>>)
          tpu.yield
        }) : () -> ()
        %lt3A = arith.constant 15 : i32
        %lt3A_147 = arith.cmpi slt, %scan3A_135, %lt3A : i32
        %convert_element_type3A_148 = arith.extui %lt3A_147 : i1 to i32
        %cond3A_149 = arith.constant 0 : i32
        %cond3A_150 = arith.cmpi ne, %convert_element_type3A_148, %cond3A_149 : i32
        scf.if %cond3A_150 {
          %add3A_167 = arith.constant 0 : i32
          %add3A_168 = arith.addi %mul3A_138, %add3A_167 : i32
          %add3A_169 = arith.constant 2 : i32
          %add3A_170 = arith.addi %add3A_168, %add3A_169 : i32
          %dma_start3A_171 = arith.constant 0 : i32
          %dma_start3A_172 = tpu.memref_slice %arg7[%add3A_170, %dma_start3A_171] : memref<32x125xi32, #tpu.memory_space<vmem>> -> memref<1x125xi32, #tpu.memory_space<vmem>>
          %dma_start3A_173 = tpu.memref_squeeze %dma_start3A_172 : memref<1x125xi32, #tpu.memory_space<vmem>> -> memref<125xi32, #tpu.memory_space<vmem>>
          %dma_start3A_174 = arith.constant 0 : i32
          %dma_start3A_175 = arith.constant 0 : i32
          %dma_start3A_176 = tpu.memref_slice %arg3[%dma_start3A_174, %dma_start3A_175] : memref<25600x16xf32, #tpu.memory_space<hbm>> -> memref<25600x16xf32, #tpu.memory_space<hbm>>
          tpu.enqueue_indirect_dma source(%dma_start3A_176 : memref<25600x16xf32, #tpu.memory_space<hbm>>) target(%arg9 : memref<125x16xf32, #tpu.memory_space<vmem>>) offsets(%dma_start3A_173 : memref<125xi32, #tpu.memory_space<vmem>>) semaphore(%arg13 : memref<!tpu.dma_semaphore, #tpu.memory_space<semaphore_mem>>)
        } else {
        }
        %add3A_151 = arith.constant 1 : i32
        %add3A_152 = arith.addi %mul3A_138, %add3A_151 : i32
        %dma_wait3A_153 = arith.constant 0 : i32
        %dma_wait3A_154 = tpu.memref_slice %arg7[%add3A_152, %dma_wait3A_153] : memref<32x125xi32, #tpu.memory_space<vmem>> -> memref<1x125xi32, #tpu.memory_space<vmem>>
        %dma_wait3A_155 = tpu.memref_squeeze %dma_wait3A_154 : memref<1x125xi32, #tpu.memory_space<vmem>> -> memref<125xi32, #tpu.memory_space<vmem>>
        %dma_wait3A_156 = arith.constant 0 : i32
        %dma_wait3A_157 = arith.constant 0 : i32
        %dma_wait3A_158 = tpu.memref_slice %arg3[%dma_wait3A_156, %dma_wait3A_157] : memref<25600x16xf32, #tpu.memory_space<hbm>> -> memref<25600x16xf32, #tpu.memory_space<hbm>>
        tpu.wait_indirect_dma semaphore(%arg14 : memref<!tpu.dma_semaphore, #tpu.memory_space<semaphore_mem>>) src(%dma_wait3A_158 : memref<25600x16xf32, #tpu.memory_space<hbm>>) dst(%arg10 : memref<125x16xf32, #tpu.memory_space<vmem>>)
        %add3A_159 = arith.constant 1 : i32
        %add3A_160 = arith.addi %mul3A_138, %add3A_159 : i32
        "tpu.region"() ({
          %run_scoped3A_167 = tpu.sem_alloc : memref<!tpu.dma_semaphore, #tpu.memory_space<semaphore_mem>>
          %dma_start3A_168 = arith.constant 0 : i32
          %dma_start3A_169 = tpu.memref_slice %arg8[%add3A_160, %dma_start3A_168] : memref<32x125xi32, #tpu.memory_space<vmem>> -> memref<1x125xi32, #tpu.memory_space<vmem>>
          %dma_start3A_170 = tpu.memref_squeeze %dma_start3A_169 : memref<1x125xi32, #tpu.memory_space<vmem>> -> memref<125xi32, #tpu.memory_space<vmem>>
          %dma_start3A_171 = arith.constant 0 : i32
          %dma_start3A_172 = arith.constant 0 : i32
          %dma_start3A_173 = tpu.memref_slice %arg12[%dma_start3A_171, %dma_start3A_172] : memref<25600x16xf32, #tpu.memory_space<vmem_shared>> -> memref<25600x16xf32, #tpu.memory_space<vmem_shared>>
          tpu.enqueue_indirect_dma source(%arg10 : memref<125x16xf32, #tpu.memory_space<vmem>>) target(%dma_start3A_173 : memref<25600x16xf32, #tpu.memory_space<vmem_shared>>) offsets(%dma_start3A_170 : memref<125xi32, #tpu.memory_space<vmem>>) semaphore(%run_scoped3A_167 : memref<!tpu.dma_semaphore, #tpu.memory_space<semaphore_mem>>) {add = true}
          %dma_wait3A_174 = arith.constant 0 : i32
          %dma_wait3A_175 = tpu.memref_slice %arg8[%add3A_160, %dma_wait3A_174] : memref<32x125xi32, #tpu.memory_space<vmem>> -> memref<1x125xi32, #tpu.memory_space<vmem>>
          %dma_wait3A_176 = tpu.memref_squeeze %dma_wait3A_175 : memref<1x125xi32, #tpu.memory_space<vmem>> -> memref<125xi32, #tpu.memory_space<vmem>>
          %dma_wait3A_177 = arith.constant 0 : i32
          %dma_wait3A_178 = arith.constant 0 : i32
          %dma_wait3A_179 = tpu.memref_slice %arg12[%dma_wait3A_177, %dma_wait3A_178] : memref<25600x16xf32, #tpu.memory_space<vmem_shared>> -> memref<25600x16xf32, #tpu.memory_space<vmem_shared>>
          tpu.wait_indirect_dma semaphore(%run_scoped3A_167 : memref<!tpu.dma_semaphore, #tpu.memory_space<semaphore_mem>>) src(%arg10 : memref<125x16xf32, #tpu.memory_space<vmem>>) dst(%dma_wait3A_179 : memref<25600x16xf32, #tpu.memory_space<vmem_shared>>)
          tpu.yield
        }) : () -> ()
        %lt3A_161 = arith.constant 15 : i32
        %lt3A_162 = arith.cmpi slt, %scan3A_135, %lt3A_161 : i32
        %convert_element_type3A_163 = arith.extui %lt3A_162 : i1 to i32
        %cond3A_164 = arith.constant 0 : i32
        %cond3A_165 = arith.cmpi ne, %convert_element_type3A_163, %cond3A_164 : i32
        scf.if %cond3A_165 {
          %add3A_167 = arith.constant 1 : i32
          %add3A_168 = arith.addi %mul3A_138, %add3A_167 : i32
          %add3A_169 = arith.constant 2 : i32
          %add3A_170 = arith.addi %add3A_168, %add3A_169 : i32
          %dma_start3A_171 = arith.constant 0 : i32
          %dma_start3A_172 = tpu.memref_slice %arg7[%add3A_170, %dma_start3A_171] : memref<32x125xi32, #tpu.memory_space<vmem>> -> memref<1x125xi32, #tpu.memory_space<vmem>>
          %dma_start3A_173 = tpu.memref_squeeze %dma_start3A_172 : memref<1x125xi32, #tpu.memory_space<vmem>> -> memref<125xi32, #tpu.memory_space<vmem>>
          %dma_start3A_174 = arith.constant 0 : i32
          %dma_start3A_175 = arith.constant 0 : i32
          %dma_start3A_176 = tpu.memref_slice %arg3[%dma_start3A_174, %dma_start3A_175] : memref<25600x16xf32, #tpu.memory_space<hbm>> -> memref<25600x16xf32, #tpu.memory_space<hbm>>
          tpu.enqueue_indirect_dma source(%dma_start3A_176 : memref<25600x16xf32, #tpu.memory_space<hbm>>) target(%arg10 : memref<125x16xf32, #tpu.memory_space<vmem>>) offsets(%dma_start3A_173 : memref<125xi32, #tpu.memory_space<vmem>>) semaphore(%arg14 : memref<!tpu.dma_semaphore, #tpu.memory_space<semaphore_mem>>)
        } else {
        }
        %scan3A_166 = arith.constant 0 : i32
        scf.yield %scan3A_166 : i32
      }
      %scan3A_111 = arith.constant 16 : i32
      %run_scoped3A_112 = arith.constant 4 : i32
      "tpu.region"() ({
        %run_scoped3A_135 = tpu.sem_alloc : memref<!tpu.dma_semaphore, #tpu.memory_space<semaphore_mem>>
        %dma_start3A_136 = arith.constant 0 : i32
        %dma_start3A_137 = arith.constant 0 : i32
        %dma_start3A_138 = tpu.memref_slice %arg5[%run_scoped3A_112, %arg1, %dma_start3A_136, %dma_start3A_137] : memref<5x16x32x125xi32, #tpu.memory_space<hbm>> -> memref<1x1x32x125xi32, #tpu.memory_space<hbm>>
        %dma_start3A_139 = tpu.memref_squeeze %dma_start3A_138 : memref<1x1x32x125xi32, #tpu.memory_space<hbm>> -> memref<32x125xi32, #tpu.memory_space<hbm>>
        %dma_start3A_140 = arith.constant 0 : i32
        %dma_start3A_141 = arith.constant 0 : i32
        %dma_start3A_142 = tpu.memref_slice %arg5[%run_scoped3A_112, %arg1, %dma_start3A_140, %dma_start3A_141] : memref<5x16x32x125xi32, #tpu.memory_space<hbm>> -> memref<1x1x32x125xi32, #tpu.memory_space<hbm>>
        %dma_start3A_143 = tpu.memref_squeeze %dma_start3A_142 : memref<1x1x32x125xi32, #tpu.memory_space<hbm>> -> memref<32x125xi32, #tpu.memory_space<hbm>>
        tpu.enqueue_dma source(%dma_start3A_143 : memref<32x125xi32, #tpu.memory_space<hbm>>) target(%arg7 : memref<32x125xi32, #tpu.memory_space<vmem>>) target_semaphore(%run_scoped3A_135 : memref<!tpu.dma_semaphore, #tpu.memory_space<semaphore_mem>>)
        %dma_wait3A = arith.constant 0 : i32
        %dma_wait3A_144 = arith.constant 0 : i32
        %dma_wait3A_145 = tpu.memref_slice %arg5[%run_scoped3A_112, %arg1, %dma_wait3A, %dma_wait3A_144] : memref<5x16x32x125xi32, #tpu.memory_space<hbm>> -> memref<1x1x32x125xi32, #tpu.memory_space<hbm>>
        %dma_wait3A_146 = tpu.memref_squeeze %dma_wait3A_145 : memref<1x1x32x125xi32, #tpu.memory_space<hbm>> -> memref<32x125xi32, #tpu.memory_space<hbm>>
        %dma_wait3A_147 = arith.constant 0 : i32
        %dma_wait3A_148 = arith.constant 0 : i32
        %dma_wait3A_149 = tpu.memref_slice %arg5[%run_scoped3A_112, %arg1, %dma_wait3A_147, %dma_wait3A_148] : memref<5x16x32x125xi32, #tpu.memory_space<hbm>> -> memref<1x1x32x125xi32, #tpu.memory_space<hbm>>
        %dma_wait3A_150 = tpu.memref_squeeze %dma_wait3A_149 : memref<1x1x32x125xi32, #tpu.memory_space<hbm>> -> memref<32x125xi32, #tpu.memory_space<hbm>>
        tpu.wait_dma2 semaphore(%run_scoped3A_135 : memref<!tpu.dma_semaphore, #tpu.memory_space<semaphore_mem>>) src(%dma_wait3A_150 : memref<32x125xi32, #tpu.memory_space<hbm>>) dst(%arg7 : memref<32x125xi32, #tpu.memory_space<vmem>>)
        tpu.yield
      }) : () -> ()
      %run_scoped3A_113 = arith.constant 4 : i32
      "tpu.region"() ({
        %run_scoped3A_135 = tpu.sem_alloc : memref<!tpu.dma_semaphore, #tpu.memory_space<semaphore_mem>>
        %dma_start3A_136 = arith.constant 0 : i32
        %dma_start3A_137 = arith.constant 0 : i32
        %dma_start3A_138 = tpu.memref_slice %arg4[%run_scoped3A_113, %arg1, %dma_start3A_136, %dma_start3A_137] : memref<5x16x32x125xi32, #tpu.memory_space<hbm>> -> memref<1x1x32x125xi32, #tpu.memory_space<hbm>>
        %dma_start3A_139 = tpu.memref_squeeze %dma_start3A_138 : memref<1x1x32x125xi32, #tpu.memory_space<hbm>> -> memref<32x125xi32, #tpu.memory_space<hbm>>
        %dma_start3A_140 = arith.constant 0 : i32
        %dma_start3A_141 = arith.constant 0 : i32
        %dma_start3A_142 = tpu.memref_slice %arg4[%run_scoped3A_113, %arg1, %dma_start3A_140, %dma_start3A_141] : memref<5x16x32x125xi32, #tpu.memory_space<hbm>> -> memref<1x1x32x125xi32, #tpu.memory_space<hbm>>
        %dma_start3A_143 = tpu.memref_squeeze %dma_start3A_142 : memref<1x1x32x125xi32, #tpu.memory_space<hbm>> -> memref<32x125xi32, #tpu.memory_space<hbm>>
        tpu.enqueue_dma source(%dma_start3A_143 : memref<32x125xi32, #tpu.memory_space<hbm>>) target(%arg8 : memref<32x125xi32, #tpu.memory_space<vmem>>) target_semaphore(%run_scoped3A_135 : memref<!tpu.dma_semaphore, #tpu.memory_space<semaphore_mem>>)
        %dma_wait3A = arith.constant 0 : i32
        %dma_wait3A_144 = arith.constant 0 : i32
        %dma_wait3A_145 = tpu.memref_slice %arg4[%run_scoped3A_113, %arg1, %dma_wait3A, %dma_wait3A_144] : memref<5x16x32x125xi32, #tpu.memory_space<hbm>> -> memref<1x1x32x125xi32, #tpu.memory_space<hbm>>
        %dma_wait3A_146 = tpu.memref_squeeze %dma_wait3A_145 : memref<1x1x32x125xi32, #tpu.memory_space<hbm>> -> memref<32x125xi32, #tpu.memory_space<hbm>>
        %dma_wait3A_147 = arith.constant 0 : i32
        %dma_wait3A_148 = arith.constant 0 : i32
        %dma_wait3A_149 = tpu.memref_slice %arg4[%run_scoped3A_113, %arg1, %dma_wait3A_147, %dma_wait3A_148] : memref<5x16x32x125xi32, #tpu.memory_space<hbm>> -> memref<1x1x32x125xi32, #tpu.memory_space<hbm>>
        %dma_wait3A_150 = tpu.memref_squeeze %dma_wait3A_149 : memref<1x1x32x125xi32, #tpu.memory_space<hbm>> -> memref<32x125xi32, #tpu.memory_space<hbm>>
        tpu.wait_dma2 semaphore(%run_scoped3A_135 : memref<!tpu.dma_semaphore, #tpu.memory_space<semaphore_mem>>) src(%dma_wait3A_150 : memref<32x125xi32, #tpu.memory_space<hbm>>) dst(%arg8 : memref<32x125xi32, #tpu.memory_space<vmem>>)
        tpu.yield
      }) : () -> ()
      %dma_start3A_114 = arith.constant 0 : i32
      %dma_start3A_115 = arith.constant 0 : i32
      %dma_start3A_116 = tpu.memref_slice %arg7[%dma_start3A_114, %dma_start3A_115] : memref<32x125xi32, #tpu.memory_space<vmem>> -> memref<1x125xi32, #tpu.memory_space<vmem>>
      %dma_start3A_117 = tpu.memref_squeeze %dma_start3A_116 : memref<1x125xi32, #tpu.memory_space<vmem>> -> memref<125xi32, #tpu.memory_space<vmem>>
      %dma_start3A_118 = arith.constant 0 : i32
      %dma_start3A_119 = arith.constant 0 : i32
      %dma_start3A_120 = tpu.memref_slice %arg3[%dma_start3A_118, %dma_start3A_119] : memref<25600x16xf32, #tpu.memory_space<hbm>> -> memref<25600x16xf32, #tpu.memory_space<hbm>>
      tpu.enqueue_indirect_dma source(%dma_start3A_120 : memref<25600x16xf32, #tpu.memory_space<hbm>>) target(%arg9 : memref<125x16xf32, #tpu.memory_space<vmem>>) offsets(%dma_start3A_117 : memref<125xi32, #tpu.memory_space<vmem>>) semaphore(%arg13 : memref<!tpu.dma_semaphore, #tpu.memory_space<semaphore_mem>>)
      %dma_start3A_121 = arith.constant 1 : i32
      %dma_start3A_122 = arith.constant 0 : i32
      %dma_start3A_123 = tpu.memref_slice %arg7[%dma_start3A_121, %dma_start3A_122] : memref<32x125xi32, #tpu.memory_space<vmem>> -> memref<1x125xi32, #tpu.memory_space<vmem>>
      %dma_start3A_124 = tpu.memref_squeeze %dma_start3A_123 : memref<1x125xi32, #tpu.memory_space<vmem>> -> memref<125xi32, #tpu.memory_space<vmem>>
      %dma_start3A_125 = arith.constant 0 : i32
      %dma_start3A_126 = arith.constant 0 : i32
      %dma_start3A_127 = tpu.memref_slice %arg3[%dma_start3A_125, %dma_start3A_126] : memref<25600x16xf32, #tpu.memory_space<hbm>> -> memref<25600x16xf32, #tpu.memory_space<hbm>>
      tpu.enqueue_indirect_dma source(%dma_start3A_127 : memref<25600x16xf32, #tpu.memory_space<hbm>>) target(%arg10 : memref<125x16xf32, #tpu.memory_space<vmem>>) offsets(%dma_start3A_124 : memref<125xi32, #tpu.memory_space<vmem>>) semaphore(%arg14 : memref<!tpu.dma_semaphore, #tpu.memory_space<semaphore_mem>>)
      %scan3A_128 = arith.constant 0 : i32
      %scan3A_129 = arith.constant 0 : i32
      %scan3A_130 = arith.constant 16 : i32
      %scan3A_131 = arith.addi %scan3A_129, %scan3A_130 : i32
      %scan3A_132 = arith.constant 1 : i32
      %scan3A_133 = scf.for %scan3A_135 = %scan3A_129 to %scan3A_131 step %scan3A_132 iter_args(%scan3A_136 = %scan3A_128) -> (i32)  : i32 {
        %mul3A_137 = arith.constant 2 : i32
        %mul3A_138 = arith.muli %mul3A_137, %scan3A_135 : i32
        %add3A = arith.constant 0 : i32
        %add3A_139 = arith.addi %mul3A_138, %add3A : i32
        %dma_wait3A = arith.constant 0 : i32
        %dma_wait3A_140 = tpu.memref_slice %arg7[%add3A_139, %dma_wait3A] : memref<32x125xi32, #tpu.memory_space<vmem>> -> memref<1x125xi32, #tpu.memory_space<vmem>>
        %dma_wait3A_141 = tpu.memref_squeeze %dma_wait3A_140 : memref<1x125xi32, #tpu.memory_space<vmem>> -> memref<125xi32, #tpu.memory_space<vmem>>
        %dma_wait3A_142 = arith.constant 0 : i32
        %dma_wait3A_143 = arith.constant 0 : i32
        %dma_wait3A_144 = tpu.memref_slice %arg3[%dma_wait3A_142, %dma_wait3A_143] : memref<25600x16xf32, #tpu.memory_space<hbm>> -> memref<25600x16xf32, #tpu.memory_space<hbm>>
        tpu.wait_indirect_dma semaphore(%arg13 : memref<!tpu.dma_semaphore, #tpu.memory_space<semaphore_mem>>) src(%dma_wait3A_144 : memref<25600x16xf32, #tpu.memory_space<hbm>>) dst(%arg9 : memref<125x16xf32, #tpu.memory_space<vmem>>)
        %add3A_145 = arith.constant 0 : i32
        %add3A_146 = arith.addi %mul3A_138, %add3A_145 : i32
        "tpu.region"() ({
          %run_scoped3A_167 = tpu.sem_alloc : memref<!tpu.dma_semaphore, #tpu.memory_space<semaphore_mem>>
          %dma_start3A_168 = arith.constant 0 : i32
          %dma_start3A_169 = tpu.memref_slice %arg8[%add3A_146, %dma_start3A_168] : memref<32x125xi32, #tpu.memory_space<vmem>> -> memref<1x125xi32, #tpu.memory_space<vmem>>
          %dma_start3A_170 = tpu.memref_squeeze %dma_start3A_169 : memref<1x125xi32, #tpu.memory_space<vmem>> -> memref<125xi32, #tpu.memory_space<vmem>>
          %dma_start3A_171 = arith.constant 0 : i32
          %dma_start3A_172 = arith.constant 0 : i32
          %dma_start3A_173 = tpu.memref_slice %arg12[%dma_start3A_171, %dma_start3A_172] : memref<25600x16xf32, #tpu.memory_space<vmem_shared>> -> memref<25600x16xf32, #tpu.memory_space<vmem_shared>>
          tpu.enqueue_indirect_dma source(%arg9 : memref<125x16xf32, #tpu.memory_space<vmem>>) target(%dma_start3A_173 : memref<25600x16xf32, #tpu.memory_space<vmem_shared>>) offsets(%dma_start3A_170 : memref<125xi32, #tpu.memory_space<vmem>>) semaphore(%run_scoped3A_167 : memref<!tpu.dma_semaphore, #tpu.memory_space<semaphore_mem>>) {add = true}
          %dma_wait3A_174 = arith.constant 0 : i32
          %dma_wait3A_175 = tpu.memref_slice %arg8[%add3A_146, %dma_wait3A_174] : memref<32x125xi32, #tpu.memory_space<vmem>> -> memref<1x125xi32, #tpu.memory_space<vmem>>
          %dma_wait3A_176 = tpu.memref_squeeze %dma_wait3A_175 : memref<1x125xi32, #tpu.memory_space<vmem>> -> memref<125xi32, #tpu.memory_space<vmem>>
          %dma_wait3A_177 = arith.constant 0 : i32
          %dma_wait3A_178 = arith.constant 0 : i32
          %dma_wait3A_179 = tpu.memref_slice %arg12[%dma_wait3A_177, %dma_wait3A_178] : memref<25600x16xf32, #tpu.memory_space<vmem_shared>> -> memref<25600x16xf32, #tpu.memory_space<vmem_shared>>
          tpu.wait_indirect_dma semaphore(%run_scoped3A_167 : memref<!tpu.dma_semaphore, #tpu.memory_space<semaphore_mem>>) src(%arg9 : memref<125x16xf32, #tpu.memory_space<vmem>>) dst(%dma_wait3A_179 : memref<25600x16xf32, #tpu.memory_space<vmem_shared>>)
          tpu.yield
        }) : () -> ()
        %lt3A = arith.constant 15 : i32
        %lt3A_147 = arith.cmpi slt, %scan3A_135, %lt3A : i32
        %convert_element_type3A_148 = arith.extui %lt3A_147 : i1 to i32
        %cond3A_149 = arith.constant 0 : i32
        %cond3A_150 = arith.cmpi ne, %convert_element_type3A_148, %cond3A_149 : i32
        scf.if %cond3A_150 {
          %add3A_167 = arith.constant 0 : i32
          %add3A_168 = arith.addi %mul3A_138, %add3A_167 : i32
          %add3A_169 = arith.constant 2 : i32
          %add3A_170 = arith.addi %add3A_168, %add3A_169 : i32
          %dma_start3A_171 = arith.constant 0 : i32
          %dma_start3A_172 = tpu.memref_slice %arg7[%add3A_170, %dma_start3A_171] : memref<32x125xi32, #tpu.memory_space<vmem>> -> memref<1x125xi32, #tpu.memory_space<vmem>>
          %dma_start3A_173 = tpu.memref_squeeze %dma_start3A_172 : memref<1x125xi32, #tpu.memory_space<vmem>> -> memref<125xi32, #tpu.memory_space<vmem>>
          %dma_start3A_174 = arith.constant 0 : i32
          %dma_start3A_175 = arith.constant 0 : i32
          %dma_start3A_176 = tpu.memref_slice %arg3[%dma_start3A_174, %dma_start3A_175] : memref<25600x16xf32, #tpu.memory_space<hbm>> -> memref<25600x16xf32, #tpu.memory_space<hbm>>
          tpu.enqueue_indirect_dma source(%dma_start3A_176 : memref<25600x16xf32, #tpu.memory_space<hbm>>) target(%arg9 : memref<125x16xf32, #tpu.memory_space<vmem>>) offsets(%dma_start3A_173 : memref<125xi32, #tpu.memory_space<vmem>>) semaphore(%arg13 : memref<!tpu.dma_semaphore, #tpu.memory_space<semaphore_mem>>)
        } else {
        }
        %add3A_151 = arith.constant 1 : i32
        %add3A_152 = arith.addi %mul3A_138, %add3A_151 : i32
        %dma_wait3A_153 = arith.constant 0 : i32
        %dma_wait3A_154 = tpu.memref_slice %arg7[%add3A_152, %dma_wait3A_153] : memref<32x125xi32, #tpu.memory_space<vmem>> -> memref<1x125xi32, #tpu.memory_space<vmem>>
        %dma_wait3A_155 = tpu.memref_squeeze %dma_wait3A_154 : memref<1x125xi32, #tpu.memory_space<vmem>> -> memref<125xi32, #tpu.memory_space<vmem>>
        %dma_wait3A_156 = arith.constant 0 : i32
        %dma_wait3A_157 = arith.constant 0 : i32
        %dma_wait3A_158 = tpu.memref_slice %arg3[%dma_wait3A_156, %dma_wait3A_157] : memref<25600x16xf32, #tpu.memory_space<hbm>> -> memref<25600x16xf32, #tpu.memory_space<hbm>>
        tpu.wait_indirect_dma semaphore(%arg14 : memref<!tpu.dma_semaphore, #tpu.memory_space<semaphore_mem>>) src(%dma_wait3A_158 : memref<25600x16xf32, #tpu.memory_space<hbm>>) dst(%arg10 : memref<125x16xf32, #tpu.memory_space<vmem>>)
        %add3A_159 = arith.constant 1 : i32
        %add3A_160 = arith.addi %mul3A_138, %add3A_159 : i32
        "tpu.region"() ({
          %run_scoped3A_167 = tpu.sem_alloc : memref<!tpu.dma_semaphore, #tpu.memory_space<semaphore_mem>>
          %dma_start3A_168 = arith.constant 0 : i32
          %dma_start3A_169 = tpu.memref_slice %arg8[%add3A_160, %dma_start3A_168] : memref<32x125xi32, #tpu.memory_space<vmem>> -> memref<1x125xi32, #tpu.memory_space<vmem>>
          %dma_start3A_170 = tpu.memref_squeeze %dma_start3A_169 : memref<1x125xi32, #tpu.memory_space<vmem>> -> memref<125xi32, #tpu.memory_space<vmem>>
          %dma_start3A_171 = arith.constant 0 : i32
          %dma_start3A_172 = arith.constant 0 : i32
          %dma_start3A_173 = tpu.memref_slice %arg12[%dma_start3A_171, %dma_start3A_172] : memref<25600x16xf32, #tpu.memory_space<vmem_shared>> -> memref<25600x16xf32, #tpu.memory_space<vmem_shared>>
          tpu.enqueue_indirect_dma source(%arg10 : memref<125x16xf32, #tpu.memory_space<vmem>>) target(%dma_start3A_173 : memref<25600x16xf32, #tpu.memory_space<vmem_shared>>) offsets(%dma_start3A_170 : memref<125xi32, #tpu.memory_space<vmem>>) semaphore(%run_scoped3A_167 : memref<!tpu.dma_semaphore, #tpu.memory_space<semaphore_mem>>) {add = true}
          %dma_wait3A_174 = arith.constant 0 : i32
          %dma_wait3A_175 = tpu.memref_slice %arg8[%add3A_160, %dma_wait3A_174] : memref<32x125xi32, #tpu.memory_space<vmem>> -> memref<1x125xi32, #tpu.memory_space<vmem>>
          %dma_wait3A_176 = tpu.memref_squeeze %dma_wait3A_175 : memref<1x125xi32, #tpu.memory_space<vmem>> -> memref<125xi32, #tpu.memory_space<vmem>>
          %dma_wait3A_177 = arith.constant 0 : i32
          %dma_wait3A_178 = arith.constant 0 : i32
          %dma_wait3A_179 = tpu.memref_slice %arg12[%dma_wait3A_177, %dma_wait3A_178] : memref<25600x16xf32, #tpu.memory_space<vmem_shared>> -> memref<25600x16xf32, #tpu.memory_space<vmem_shared>>
          tpu.wait_indirect_dma semaphore(%run_scoped3A_167 : memref<!tpu.dma_semaphore, #tpu.memory_space<semaphore_mem>>) src(%arg10 : memref<125x16xf32, #tpu.memory_space<vmem>>) dst(%dma_wait3A_179 : memref<25600x16xf32, #tpu.memory_space<vmem_shared>>)
          tpu.yield
        }) : () -> ()
        %lt3A_161 = arith.constant 15 : i32
        %lt3A_162 = arith.cmpi slt, %scan3A_135, %lt3A_161 : i32
        %convert_element_type3A_163 = arith.extui %lt3A_162 : i1 to i32
        %cond3A_164 = arith.constant 0 : i32
        %cond3A_165 = arith.cmpi ne, %convert_element_type3A_163, %cond3A_164 : i32
        scf.if %cond3A_165 {
          %add3A_167 = arith.constant 1 : i32
          %add3A_168 = arith.addi %mul3A_138, %add3A_167 : i32
          %add3A_169 = arith.constant 2 : i32
          %add3A_170 = arith.addi %add3A_168, %add3A_169 : i32
          %dma_start3A_171 = arith.constant 0 : i32
          %dma_start3A_172 = tpu.memref_slice %arg7[%add3A_170, %dma_start3A_171] : memref<32x125xi32, #tpu.memory_space<vmem>> -> memref<1x125xi32, #tpu.memory_space<vmem>>
          %dma_start3A_173 = tpu.memref_squeeze %dma_start3A_172 : memref<1x125xi32, #tpu.memory_space<vmem>> -> memref<125xi32, #tpu.memory_space<vmem>>
          %dma_start3A_174 = arith.constant 0 : i32
          %dma_start3A_175 = arith.constant 0 : i32
          %dma_start3A_176 = tpu.memref_slice %arg3[%dma_start3A_174, %dma_start3A_175] : memref<25600x16xf32, #tpu.memory_space<hbm>> -> memref<25600x16xf32, #tpu.memory_space<hbm>>
          tpu.enqueue_indirect_dma source(%dma_start3A_176 : memref<25600x16xf32, #tpu.memory_space<hbm>>) target(%arg10 : memref<125x16xf32, #tpu.memory_space<vmem>>) offsets(%dma_start3A_173 : memref<125xi32, #tpu.memory_space<vmem>>) semaphore(%arg14 : memref<!tpu.dma_semaphore, #tpu.memory_space<semaphore_mem>>)
        } else {
        }
        %scan3A_166 = arith.constant 0 : i32
        scf.yield %scan3A_166 : i32
      }
      %scan3A_134 = arith.constant 16 : i32
    } else {
    }
    %barrier3A_21 = arith.constant 0 : index
    tpu.barrier barrier_id(%barrier3A_21)
    "tpu.region"() ({
      %run_scoped3A = tpu.sem_alloc : memref<!tpu.dma_semaphore, #tpu.memory_space<semaphore_mem>>
      %dma_start3A = arith.constant 0 : i32
      %dma_start3A_22 = arith.constant 0 : i32
      %dma_start3A_23 = tpu.memref_slice %arg6[%arg0, %dma_start3A, %dma_start3A_22] : memref<2x25600x16xf32, #tpu.memory_space<hbm>> -> memref<1x25600x16xf32, #tpu.memory_space<hbm>>
      %dma_start3A_24 = tpu.memref_squeeze %dma_start3A_23 : memref<1x25600x16xf32, #tpu.memory_space<hbm>> -> memref<25600x16xf32, #tpu.memory_space<hbm>>
      %dma_start3A_25 = arith.constant 0 : i32
      %dma_start3A_26 = tpu.memref_slice %dma_start3A_24[%mul3A_0, %dma_start3A_25] : memref<25600x16xf32, #tpu.memory_space<hbm>> -> memref<1600x16xf32, #tpu.memory_space<hbm>>
      %dma_start3A_27 = arith.constant 0 : i32
      %dma_start3A_28 = tpu.memref_slice %arg12[%mul3A_0, %dma_start3A_27] : memref<25600x16xf32, #tpu.memory_space<vmem_shared>> -> memref<1600x16xf32, #tpu.memory_space<vmem_shared>>
      tpu.enqueue_dma source(%dma_start3A_28 : memref<1600x16xf32, #tpu.memory_space<vmem_shared>>) target(%dma_start3A_26 : memref<1600x16xf32, #tpu.memory_space<hbm>>) target_semaphore(%run_scoped3A : memref<!tpu.dma_semaphore, #tpu.memory_space<semaphore_mem>>)
      %dma_wait3A = arith.constant 0 : i32
      %dma_wait3A_29 = arith.constant 0 : i32
      %dma_wait3A_30 = tpu.memref_slice %arg6[%arg0, %dma_wait3A, %dma_wait3A_29] : memref<2x25600x16xf32, #tpu.memory_space<hbm>> -> memref<1x25600x16xf32, #tpu.memory_space<hbm>>
      %dma_wait3A_31 = tpu.memref_squeeze %dma_wait3A_30 : memref<1x25600x16xf32, #tpu.memory_space<hbm>> -> memref<25600x16xf32, #tpu.memory_space<hbm>>
      %dma_wait3A_32 = arith.constant 0 : i32
      %dma_wait3A_33 = tpu.memref_slice %dma_wait3A_31[%mul3A_0, %dma_wait3A_32] : memref<25600x16xf32, #tpu.memory_space<hbm>> -> memref<1600x16xf32, #tpu.memory_space<hbm>>
      %dma_wait3A_34 = arith.constant 0 : i32
      %dma_wait3A_35 = tpu.memref_slice %arg12[%mul3A_0, %dma_wait3A_34] : memref<25600x16xf32, #tpu.memory_space<vmem_shared>> -> memref<1600x16xf32, #tpu.memory_space<vmem_shared>>
      tpu.wait_dma2 semaphore(%run_scoped3A : memref<!tpu.dma_semaphore, #tpu.memory_space<semaphore_mem>>) src(%dma_wait3A_35 : memref<1600x16xf32, #tpu.memory_space<vmem_shared>>) dst(%dma_wait3A_33 : memref<1600x16xf32, #tpu.memory_space<hbm>>)
      tpu.yield
    }) : () -> ()
    return
  }
}

#map = affine_map<(d0, d1) -> (0, 0)>
#map1 = affine_map<(d0, d1) -> (0, 0, 0)>
module attributes {stable_mosaic.version = 14 : i64} {
  func.func @_egather_body(%arg0: i32, %arg1: i32, %arg2: memref<5120x48xf32, #tpu.memory_space<hbm>>, %arg3: memref<5120x48xf32, #tpu.memory_space<hbm>>, %arg4: memref<32x32x125xi32, #tpu.memory_space<hbm>>, %arg5: memref<32x32x125xi32, #tpu.memory_space<hbm>>, %arg6: memref<128000x128xf32, #tpu.memory_space<hbm>>, %arg7: memref<32x125xi32, #tpu.memory_space<vmem>>, %arg8: memref<125x48xf32, #tpu.memory_space<vmem>>, %arg9: memref<125x48xf32, #tpu.memory_space<vmem>>, %arg10: memref<!tpu.dma_semaphore, #tpu.memory_space<semaphore_mem>>, %arg11: memref<!tpu.dma_semaphore, #tpu.memory_space<semaphore_mem>>) attributes {dimension_semantics = [#tpu.dimension_semantics<core_parallel>, #tpu.dimension_semantics<subcore_parallel>], iteration_bounds = array<i64: 2, 16>, scalar_prefetch = 0 : i64, scratch_operands = 5 : i64, tpu.core_type = #tpu.core_type<sc_vector_subcore>, window_params = [{transform_indices = #map}, {transform_indices = #map}, {transform_indices = #map1}, {transform_indices = #map1}, {transform_indices = #map}]} {
    %mul3A = arith.constant 2 : i32
    %mul3A_0 = arith.muli %arg1, %mul3A : i32
    %add3A = arith.addi %mul3A_0, %arg0 : i32
    %mul3A_1 = arith.constant 32 : i32
    %mul3A_2 = arith.muli %add3A, %mul3A_1 : i32
    "tpu.region"() ({
      %run_scoped3A = tpu.sem_alloc : memref<!tpu.dma_semaphore, #tpu.memory_space<semaphore_mem>>
      %dma_start3A_43 = arith.constant 0 : i32
      %dma_start3A_44 = arith.constant 0 : i32
      %dma_start3A_45 = tpu.memref_slice %arg4[%add3A, %dma_start3A_43, %dma_start3A_44] : memref<32x32x125xi32, #tpu.memory_space<hbm>> -> memref<1x32x125xi32, #tpu.memory_space<hbm>>
      %dma_start3A_46 = tpu.memref_squeeze %dma_start3A_45 : memref<1x32x125xi32, #tpu.memory_space<hbm>> -> memref<32x125xi32, #tpu.memory_space<hbm>>
      %dma_start3A_47 = arith.constant 0 : i32
      %dma_start3A_48 = arith.constant 0 : i32
      %dma_start3A_49 = tpu.memref_slice %arg4[%add3A, %dma_start3A_47, %dma_start3A_48] : memref<32x32x125xi32, #tpu.memory_space<hbm>> -> memref<1x32x125xi32, #tpu.memory_space<hbm>>
      %dma_start3A_50 = tpu.memref_squeeze %dma_start3A_49 : memref<1x32x125xi32, #tpu.memory_space<hbm>> -> memref<32x125xi32, #tpu.memory_space<hbm>>
      tpu.enqueue_dma source(%dma_start3A_50 : memref<32x125xi32, #tpu.memory_space<hbm>>) target(%arg7 : memref<32x125xi32, #tpu.memory_space<vmem>>) target_semaphore(%run_scoped3A : memref<!tpu.dma_semaphore, #tpu.memory_space<semaphore_mem>>)
      %dma_wait3A = arith.constant 0 : i32
      %dma_wait3A_51 = arith.constant 0 : i32
      %dma_wait3A_52 = tpu.memref_slice %arg4[%add3A, %dma_wait3A, %dma_wait3A_51] : memref<32x32x125xi32, #tpu.memory_space<hbm>> -> memref<1x32x125xi32, #tpu.memory_space<hbm>>
      %dma_wait3A_53 = tpu.memref_squeeze %dma_wait3A_52 : memref<1x32x125xi32, #tpu.memory_space<hbm>> -> memref<32x125xi32, #tpu.memory_space<hbm>>
      %dma_wait3A_54 = arith.constant 0 : i32
      %dma_wait3A_55 = arith.constant 0 : i32
      %dma_wait3A_56 = tpu.memref_slice %arg4[%add3A, %dma_wait3A_54, %dma_wait3A_55] : memref<32x32x125xi32, #tpu.memory_space<hbm>> -> memref<1x32x125xi32, #tpu.memory_space<hbm>>
      %dma_wait3A_57 = tpu.memref_squeeze %dma_wait3A_56 : memref<1x32x125xi32, #tpu.memory_space<hbm>> -> memref<32x125xi32, #tpu.memory_space<hbm>>
      tpu.wait_dma2 semaphore(%run_scoped3A : memref<!tpu.dma_semaphore, #tpu.memory_space<semaphore_mem>>) src(%dma_wait3A_57 : memref<32x125xi32, #tpu.memory_space<hbm>>) dst(%arg7 : memref<32x125xi32, #tpu.memory_space<vmem>>)
      tpu.yield
    }) : () -> ()
    %dma_start3A = arith.constant 0 : i32
    %dma_start3A_3 = arith.constant 0 : i32
    %dma_start3A_4 = tpu.memref_slice %arg7[%dma_start3A, %dma_start3A_3] : memref<32x125xi32, #tpu.memory_space<vmem>> -> memref<1x125xi32, #tpu.memory_space<vmem>>
    %dma_start3A_5 = tpu.memref_squeeze %dma_start3A_4 : memref<1x125xi32, #tpu.memory_space<vmem>> -> memref<125xi32, #tpu.memory_space<vmem>>
    %dma_start3A_6 = arith.constant 0 : i32
    %dma_start3A_7 = arith.constant 0 : i32
    %dma_start3A_8 = tpu.memref_slice %arg2[%dma_start3A_6, %dma_start3A_7] : memref<5120x48xf32, #tpu.memory_space<hbm>> -> memref<5120x48xf32, #tpu.memory_space<hbm>>
    tpu.enqueue_indirect_dma source(%dma_start3A_8 : memref<5120x48xf32, #tpu.memory_space<hbm>>) target(%arg8 : memref<125x48xf32, #tpu.memory_space<vmem>>) offsets(%dma_start3A_5 : memref<125xi32, #tpu.memory_space<vmem>>) semaphore(%arg10 : memref<!tpu.dma_semaphore, #tpu.memory_space<semaphore_mem>>)
    %dma_start3A_9 = arith.constant 1 : i32
    %dma_start3A_10 = arith.constant 0 : i32
    %dma_start3A_11 = tpu.memref_slice %arg7[%dma_start3A_9, %dma_start3A_10] : memref<32x125xi32, #tpu.memory_space<vmem>> -> memref<1x125xi32, #tpu.memory_space<vmem>>
    %dma_start3A_12 = tpu.memref_squeeze %dma_start3A_11 : memref<1x125xi32, #tpu.memory_space<vmem>> -> memref<125xi32, #tpu.memory_space<vmem>>
    %dma_start3A_13 = arith.constant 0 : i32
    %dma_start3A_14 = arith.constant 0 : i32
    %dma_start3A_15 = tpu.memref_slice %arg2[%dma_start3A_13, %dma_start3A_14] : memref<5120x48xf32, #tpu.memory_space<hbm>> -> memref<5120x48xf32, #tpu.memory_space<hbm>>
    tpu.enqueue_indirect_dma source(%dma_start3A_15 : memref<5120x48xf32, #tpu.memory_space<hbm>>) target(%arg9 : memref<125x48xf32, #tpu.memory_space<vmem>>) offsets(%dma_start3A_12 : memref<125xi32, #tpu.memory_space<vmem>>) semaphore(%arg11 : memref<!tpu.dma_semaphore, #tpu.memory_space<semaphore_mem>>)
    %scan3A = arith.constant 0 : i32
    %scan3A_16 = arith.constant 0 : i32
    %scan3A_17 = arith.constant 16 : i32
    %scan3A_18 = arith.addi %scan3A_16, %scan3A_17 : i32
    %scan3A_19 = arith.constant 1 : i32
    %scan3A_20 = scf.for %scan3A_43 = %scan3A_16 to %scan3A_18 step %scan3A_19 iter_args(%scan3A_44 = %scan3A) -> (i32)  : i32 {
      %mul3A_45 = arith.constant 2 : i32
      %mul3A_46 = arith.muli %mul3A_45, %scan3A_43 : i32
      %add3A_47 = arith.constant 0 : i32
      %add3A_48 = arith.addi %mul3A_46, %add3A_47 : i32
      %dma_wait3A = arith.constant 0 : i32
      %dma_wait3A_49 = tpu.memref_slice %arg7[%add3A_48, %dma_wait3A] : memref<32x125xi32, #tpu.memory_space<vmem>> -> memref<1x125xi32, #tpu.memory_space<vmem>>
      %dma_wait3A_50 = tpu.memref_squeeze %dma_wait3A_49 : memref<1x125xi32, #tpu.memory_space<vmem>> -> memref<125xi32, #tpu.memory_space<vmem>>
      %dma_wait3A_51 = arith.constant 0 : i32
      %dma_wait3A_52 = arith.constant 0 : i32
      %dma_wait3A_53 = tpu.memref_slice %arg2[%dma_wait3A_51, %dma_wait3A_52] : memref<5120x48xf32, #tpu.memory_space<hbm>> -> memref<5120x48xf32, #tpu.memory_space<hbm>>
      tpu.wait_indirect_dma semaphore(%arg10 : memref<!tpu.dma_semaphore, #tpu.memory_space<semaphore_mem>>) src(%dma_wait3A_53 : memref<5120x48xf32, #tpu.memory_space<hbm>>) dst(%arg8 : memref<125x48xf32, #tpu.memory_space<vmem>>)
      %add3A_54 = arith.addi %mul3A_2, %mul3A_46 : i32
      %add3A_55 = arith.constant 0 : i32
      %add3A_56 = arith.addi %add3A_54, %add3A_55 : i32
      %mul3A_57 = arith.constant 125 : i32
      %mul3A_58 = arith.muli %add3A_56, %mul3A_57 : i32
      "tpu.region"() ({
        %run_scoped3A = tpu.sem_alloc : memref<!tpu.dma_semaphore, #tpu.memory_space<semaphore_mem>>
        %dma_start3A_80 = arith.constant 0 : i32
        %dma_start3A_81 = tpu.memref_slice %arg6[%mul3A_58, %dma_start3A_80] : memref<128000x128xf32, #tpu.memory_space<hbm>> -> memref<125x48xf32, #tpu.memory_space<hbm>>
        %dma_start3A_82 = arith.constant 0 : i32
        %dma_start3A_83 = tpu.memref_slice %arg6[%mul3A_58, %dma_start3A_82] : memref<128000x128xf32, #tpu.memory_space<hbm>> -> memref<125x48xf32, #tpu.memory_space<hbm>>
        tpu.enqueue_dma source(%arg8 : memref<125x48xf32, #tpu.memory_space<vmem>>) target(%dma_start3A_83 : memref<125x48xf32, #tpu.memory_space<hbm>>) target_semaphore(%run_scoped3A : memref<!tpu.dma_semaphore, #tpu.memory_space<semaphore_mem>>)
        %dma_wait3A_84 = arith.constant 0 : i32
        %dma_wait3A_85 = tpu.memref_slice %arg6[%mul3A_58, %dma_wait3A_84] : memref<128000x128xf32, #tpu.memory_space<hbm>> -> memref<125x48xf32, #tpu.memory_space<hbm>>
        %dma_wait3A_86 = arith.constant 0 : i32
        %dma_wait3A_87 = tpu.memref_slice %arg6[%mul3A_58, %dma_wait3A_86] : memref<128000x128xf32, #tpu.memory_space<hbm>> -> memref<125x48xf32, #tpu.memory_space<hbm>>
        tpu.wait_dma2 semaphore(%run_scoped3A : memref<!tpu.dma_semaphore, #tpu.memory_space<semaphore_mem>>) src(%arg8 : memref<125x48xf32, #tpu.memory_space<vmem>>) dst(%dma_wait3A_87 : memref<125x48xf32, #tpu.memory_space<hbm>>)
        tpu.yield
      }) : () -> ()
      %lt3A = arith.constant 15 : i32
      %lt3A_59 = arith.cmpi slt, %scan3A_43, %lt3A : i32
      %convert_element_type3A = arith.extui %lt3A_59 : i1 to i32
      %cond3A = arith.constant 0 : i32
      %cond3A_60 = arith.cmpi ne, %convert_element_type3A, %cond3A : i32
      scf.if %cond3A_60 {
        %add3A_80 = arith.constant 0 : i32
        %add3A_81 = arith.addi %mul3A_46, %add3A_80 : i32
        %add3A_82 = arith.constant 2 : i32
        %add3A_83 = arith.addi %add3A_81, %add3A_82 : i32
        %dma_start3A_84 = arith.constant 0 : i32
        %dma_start3A_85 = tpu.memref_slice %arg7[%add3A_83, %dma_start3A_84] : memref<32x125xi32, #tpu.memory_space<vmem>> -> memref<1x125xi32, #tpu.memory_space<vmem>>
        %dma_start3A_86 = tpu.memref_squeeze %dma_start3A_85 : memref<1x125xi32, #tpu.memory_space<vmem>> -> memref<125xi32, #tpu.memory_space<vmem>>
        %dma_start3A_87 = arith.constant 0 : i32
        %dma_start3A_88 = arith.constant 0 : i32
        %dma_start3A_89 = tpu.memref_slice %arg2[%dma_start3A_87, %dma_start3A_88] : memref<5120x48xf32, #tpu.memory_space<hbm>> -> memref<5120x48xf32, #tpu.memory_space<hbm>>
        tpu.enqueue_indirect_dma source(%dma_start3A_89 : memref<5120x48xf32, #tpu.memory_space<hbm>>) target(%arg8 : memref<125x48xf32, #tpu.memory_space<vmem>>) offsets(%dma_start3A_86 : memref<125xi32, #tpu.memory_space<vmem>>) semaphore(%arg10 : memref<!tpu.dma_semaphore, #tpu.memory_space<semaphore_mem>>)
      } else {
      }
      %add3A_61 = arith.constant 1 : i32
      %add3A_62 = arith.addi %mul3A_46, %add3A_61 : i32
      %dma_wait3A_63 = arith.constant 0 : i32
      %dma_wait3A_64 = tpu.memref_slice %arg7[%add3A_62, %dma_wait3A_63] : memref<32x125xi32, #tpu.memory_space<vmem>> -> memref<1x125xi32, #tpu.memory_space<vmem>>
      %dma_wait3A_65 = tpu.memref_squeeze %dma_wait3A_64 : memref<1x125xi32, #tpu.memory_space<vmem>> -> memref<125xi32, #tpu.memory_space<vmem>>
      %dma_wait3A_66 = arith.constant 0 : i32
      %dma_wait3A_67 = arith.constant 0 : i32
      %dma_wait3A_68 = tpu.memref_slice %arg2[%dma_wait3A_66, %dma_wait3A_67] : memref<5120x48xf32, #tpu.memory_space<hbm>> -> memref<5120x48xf32, #tpu.memory_space<hbm>>
      tpu.wait_indirect_dma semaphore(%arg11 : memref<!tpu.dma_semaphore, #tpu.memory_space<semaphore_mem>>) src(%dma_wait3A_68 : memref<5120x48xf32, #tpu.memory_space<hbm>>) dst(%arg9 : memref<125x48xf32, #tpu.memory_space<vmem>>)
      %add3A_69 = arith.addi %mul3A_2, %mul3A_46 : i32
      %add3A_70 = arith.constant 1 : i32
      %add3A_71 = arith.addi %add3A_69, %add3A_70 : i32
      %mul3A_72 = arith.constant 125 : i32
      %mul3A_73 = arith.muli %add3A_71, %mul3A_72 : i32
      "tpu.region"() ({
        %run_scoped3A = tpu.sem_alloc : memref<!tpu.dma_semaphore, #tpu.memory_space<semaphore_mem>>
        %dma_start3A_80 = arith.constant 0 : i32
        %dma_start3A_81 = tpu.memref_slice %arg6[%mul3A_73, %dma_start3A_80] : memref<128000x128xf32, #tpu.memory_space<hbm>> -> memref<125x48xf32, #tpu.memory_space<hbm>>
        %dma_start3A_82 = arith.constant 0 : i32
        %dma_start3A_83 = tpu.memref_slice %arg6[%mul3A_73, %dma_start3A_82] : memref<128000x128xf32, #tpu.memory_space<hbm>> -> memref<125x48xf32, #tpu.memory_space<hbm>>
        tpu.enqueue_dma source(%arg9 : memref<125x48xf32, #tpu.memory_space<vmem>>) target(%dma_start3A_83 : memref<125x48xf32, #tpu.memory_space<hbm>>) target_semaphore(%run_scoped3A : memref<!tpu.dma_semaphore, #tpu.memory_space<semaphore_mem>>)
        %dma_wait3A_84 = arith.constant 0 : i32
        %dma_wait3A_85 = tpu.memref_slice %arg6[%mul3A_73, %dma_wait3A_84] : memref<128000x128xf32, #tpu.memory_space<hbm>> -> memref<125x48xf32, #tpu.memory_space<hbm>>
        %dma_wait3A_86 = arith.constant 0 : i32
        %dma_wait3A_87 = tpu.memref_slice %arg6[%mul3A_73, %dma_wait3A_86] : memref<128000x128xf32, #tpu.memory_space<hbm>> -> memref<125x48xf32, #tpu.memory_space<hbm>>
        tpu.wait_dma2 semaphore(%run_scoped3A : memref<!tpu.dma_semaphore, #tpu.memory_space<semaphore_mem>>) src(%arg9 : memref<125x48xf32, #tpu.memory_space<vmem>>) dst(%dma_wait3A_87 : memref<125x48xf32, #tpu.memory_space<hbm>>)
        tpu.yield
      }) : () -> ()
      %lt3A_74 = arith.constant 15 : i32
      %lt3A_75 = arith.cmpi slt, %scan3A_43, %lt3A_74 : i32
      %convert_element_type3A_76 = arith.extui %lt3A_75 : i1 to i32
      %cond3A_77 = arith.constant 0 : i32
      %cond3A_78 = arith.cmpi ne, %convert_element_type3A_76, %cond3A_77 : i32
      scf.if %cond3A_78 {
        %add3A_80 = arith.constant 1 : i32
        %add3A_81 = arith.addi %mul3A_46, %add3A_80 : i32
        %add3A_82 = arith.constant 2 : i32
        %add3A_83 = arith.addi %add3A_81, %add3A_82 : i32
        %dma_start3A_84 = arith.constant 0 : i32
        %dma_start3A_85 = tpu.memref_slice %arg7[%add3A_83, %dma_start3A_84] : memref<32x125xi32, #tpu.memory_space<vmem>> -> memref<1x125xi32, #tpu.memory_space<vmem>>
        %dma_start3A_86 = tpu.memref_squeeze %dma_start3A_85 : memref<1x125xi32, #tpu.memory_space<vmem>> -> memref<125xi32, #tpu.memory_space<vmem>>
        %dma_start3A_87 = arith.constant 0 : i32
        %dma_start3A_88 = arith.constant 0 : i32
        %dma_start3A_89 = tpu.memref_slice %arg2[%dma_start3A_87, %dma_start3A_88] : memref<5120x48xf32, #tpu.memory_space<hbm>> -> memref<5120x48xf32, #tpu.memory_space<hbm>>
        tpu.enqueue_indirect_dma source(%dma_start3A_89 : memref<5120x48xf32, #tpu.memory_space<hbm>>) target(%arg9 : memref<125x48xf32, #tpu.memory_space<vmem>>) offsets(%dma_start3A_86 : memref<125xi32, #tpu.memory_space<vmem>>) semaphore(%arg11 : memref<!tpu.dma_semaphore, #tpu.memory_space<semaphore_mem>>)
      } else {
      }
      %scan3A_79 = arith.constant 0 : i32
      scf.yield %scan3A_79 : i32
    }
    %scan3A_21 = arith.constant 16 : i32
    "tpu.region"() ({
      %run_scoped3A = tpu.sem_alloc : memref<!tpu.dma_semaphore, #tpu.memory_space<semaphore_mem>>
      %dma_start3A_43 = arith.constant 0 : i32
      %dma_start3A_44 = arith.constant 0 : i32
      %dma_start3A_45 = tpu.memref_slice %arg5[%add3A, %dma_start3A_43, %dma_start3A_44] : memref<32x32x125xi32, #tpu.memory_space<hbm>> -> memref<1x32x125xi32, #tpu.memory_space<hbm>>
      %dma_start3A_46 = tpu.memref_squeeze %dma_start3A_45 : memref<1x32x125xi32, #tpu.memory_space<hbm>> -> memref<32x125xi32, #tpu.memory_space<hbm>>
      %dma_start3A_47 = arith.constant 0 : i32
      %dma_start3A_48 = arith.constant 0 : i32
      %dma_start3A_49 = tpu.memref_slice %arg5[%add3A, %dma_start3A_47, %dma_start3A_48] : memref<32x32x125xi32, #tpu.memory_space<hbm>> -> memref<1x32x125xi32, #tpu.memory_space<hbm>>
      %dma_start3A_50 = tpu.memref_squeeze %dma_start3A_49 : memref<1x32x125xi32, #tpu.memory_space<hbm>> -> memref<32x125xi32, #tpu.memory_space<hbm>>
      tpu.enqueue_dma source(%dma_start3A_50 : memref<32x125xi32, #tpu.memory_space<hbm>>) target(%arg7 : memref<32x125xi32, #tpu.memory_space<vmem>>) target_semaphore(%run_scoped3A : memref<!tpu.dma_semaphore, #tpu.memory_space<semaphore_mem>>)
      %dma_wait3A = arith.constant 0 : i32
      %dma_wait3A_51 = arith.constant 0 : i32
      %dma_wait3A_52 = tpu.memref_slice %arg5[%add3A, %dma_wait3A, %dma_wait3A_51] : memref<32x32x125xi32, #tpu.memory_space<hbm>> -> memref<1x32x125xi32, #tpu.memory_space<hbm>>
      %dma_wait3A_53 = tpu.memref_squeeze %dma_wait3A_52 : memref<1x32x125xi32, #tpu.memory_space<hbm>> -> memref<32x125xi32, #tpu.memory_space<hbm>>
      %dma_wait3A_54 = arith.constant 0 : i32
      %dma_wait3A_55 = arith.constant 0 : i32
      %dma_wait3A_56 = tpu.memref_slice %arg5[%add3A, %dma_wait3A_54, %dma_wait3A_55] : memref<32x32x125xi32, #tpu.memory_space<hbm>> -> memref<1x32x125xi32, #tpu.memory_space<hbm>>
      %dma_wait3A_57 = tpu.memref_squeeze %dma_wait3A_56 : memref<1x32x125xi32, #tpu.memory_space<hbm>> -> memref<32x125xi32, #tpu.memory_space<hbm>>
      tpu.wait_dma2 semaphore(%run_scoped3A : memref<!tpu.dma_semaphore, #tpu.memory_space<semaphore_mem>>) src(%dma_wait3A_57 : memref<32x125xi32, #tpu.memory_space<hbm>>) dst(%arg7 : memref<32x125xi32, #tpu.memory_space<vmem>>)
      tpu.yield
    }) : () -> ()
    %dma_start3A_22 = arith.constant 0 : i32
    %dma_start3A_23 = arith.constant 0 : i32
    %dma_start3A_24 = tpu.memref_slice %arg7[%dma_start3A_22, %dma_start3A_23] : memref<32x125xi32, #tpu.memory_space<vmem>> -> memref<1x125xi32, #tpu.memory_space<vmem>>
    %dma_start3A_25 = tpu.memref_squeeze %dma_start3A_24 : memref<1x125xi32, #tpu.memory_space<vmem>> -> memref<125xi32, #tpu.memory_space<vmem>>
    %dma_start3A_26 = arith.constant 0 : i32
    %dma_start3A_27 = arith.constant 0 : i32
    %dma_start3A_28 = tpu.memref_slice %arg3[%dma_start3A_26, %dma_start3A_27] : memref<5120x48xf32, #tpu.memory_space<hbm>> -> memref<5120x48xf32, #tpu.memory_space<hbm>>
    tpu.enqueue_indirect_dma source(%dma_start3A_28 : memref<5120x48xf32, #tpu.memory_space<hbm>>) target(%arg8 : memref<125x48xf32, #tpu.memory_space<vmem>>) offsets(%dma_start3A_25 : memref<125xi32, #tpu.memory_space<vmem>>) semaphore(%arg10 : memref<!tpu.dma_semaphore, #tpu.memory_space<semaphore_mem>>)
    %dma_start3A_29 = arith.constant 1 : i32
    %dma_start3A_30 = arith.constant 0 : i32
    %dma_start3A_31 = tpu.memref_slice %arg7[%dma_start3A_29, %dma_start3A_30] : memref<32x125xi32, #tpu.memory_space<vmem>> -> memref<1x125xi32, #tpu.memory_space<vmem>>
    %dma_start3A_32 = tpu.memref_squeeze %dma_start3A_31 : memref<1x125xi32, #tpu.memory_space<vmem>> -> memref<125xi32, #tpu.memory_space<vmem>>
    %dma_start3A_33 = arith.constant 0 : i32
    %dma_start3A_34 = arith.constant 0 : i32
    %dma_start3A_35 = tpu.memref_slice %arg3[%dma_start3A_33, %dma_start3A_34] : memref<5120x48xf32, #tpu.memory_space<hbm>> -> memref<5120x48xf32, #tpu.memory_space<hbm>>
    tpu.enqueue_indirect_dma source(%dma_start3A_35 : memref<5120x48xf32, #tpu.memory_space<hbm>>) target(%arg9 : memref<125x48xf32, #tpu.memory_space<vmem>>) offsets(%dma_start3A_32 : memref<125xi32, #tpu.memory_space<vmem>>) semaphore(%arg11 : memref<!tpu.dma_semaphore, #tpu.memory_space<semaphore_mem>>)
    %scan3A_36 = arith.constant 0 : i32
    %scan3A_37 = arith.constant 0 : i32
    %scan3A_38 = arith.constant 16 : i32
    %scan3A_39 = arith.addi %scan3A_37, %scan3A_38 : i32
    %scan3A_40 = arith.constant 1 : i32
    %scan3A_41 = scf.for %scan3A_43 = %scan3A_37 to %scan3A_39 step %scan3A_40 iter_args(%scan3A_44 = %scan3A_36) -> (i32)  : i32 {
      %mul3A_45 = arith.constant 2 : i32
      %mul3A_46 = arith.muli %mul3A_45, %scan3A_43 : i32
      %add3A_47 = arith.constant 0 : i32
      %add3A_48 = arith.addi %mul3A_46, %add3A_47 : i32
      %dma_wait3A = arith.constant 0 : i32
      %dma_wait3A_49 = tpu.memref_slice %arg7[%add3A_48, %dma_wait3A] : memref<32x125xi32, #tpu.memory_space<vmem>> -> memref<1x125xi32, #tpu.memory_space<vmem>>
      %dma_wait3A_50 = tpu.memref_squeeze %dma_wait3A_49 : memref<1x125xi32, #tpu.memory_space<vmem>> -> memref<125xi32, #tpu.memory_space<vmem>>
      %dma_wait3A_51 = arith.constant 0 : i32
      %dma_wait3A_52 = arith.constant 0 : i32
      %dma_wait3A_53 = tpu.memref_slice %arg3[%dma_wait3A_51, %dma_wait3A_52] : memref<5120x48xf32, #tpu.memory_space<hbm>> -> memref<5120x48xf32, #tpu.memory_space<hbm>>
      tpu.wait_indirect_dma semaphore(%arg10 : memref<!tpu.dma_semaphore, #tpu.memory_space<semaphore_mem>>) src(%dma_wait3A_53 : memref<5120x48xf32, #tpu.memory_space<hbm>>) dst(%arg8 : memref<125x48xf32, #tpu.memory_space<vmem>>)
      %add3A_54 = arith.addi %mul3A_2, %mul3A_46 : i32
      %add3A_55 = arith.constant 0 : i32
      %add3A_56 = arith.addi %add3A_54, %add3A_55 : i32
      %mul3A_57 = arith.constant 125 : i32
      %mul3A_58 = arith.muli %add3A_56, %mul3A_57 : i32
      "tpu.region"() ({
        %run_scoped3A = tpu.sem_alloc : memref<!tpu.dma_semaphore, #tpu.memory_space<semaphore_mem>>
        %dma_start3A_80 = arith.constant 48 : i32
        %dma_start3A_81 = tpu.memref_slice %arg6[%mul3A_58, %dma_start3A_80] : memref<128000x128xf32, #tpu.memory_space<hbm>> -> memref<125x48xf32, #tpu.memory_space<hbm>>
        %dma_start3A_82 = arith.constant 48 : i32
        %dma_start3A_83 = tpu.memref_slice %arg6[%mul3A_58, %dma_start3A_82] : memref<128000x128xf32, #tpu.memory_space<hbm>> -> memref<125x48xf32, #tpu.memory_space<hbm>>
        tpu.enqueue_dma source(%arg8 : memref<125x48xf32, #tpu.memory_space<vmem>>) target(%dma_start3A_83 : memref<125x48xf32, #tpu.memory_space<hbm>>) target_semaphore(%run_scoped3A : memref<!tpu.dma_semaphore, #tpu.memory_space<semaphore_mem>>)
        %dma_wait3A_84 = arith.constant 48 : i32
        %dma_wait3A_85 = tpu.memref_slice %arg6[%mul3A_58, %dma_wait3A_84] : memref<128000x128xf32, #tpu.memory_space<hbm>> -> memref<125x48xf32, #tpu.memory_space<hbm>>
        %dma_wait3A_86 = arith.constant 48 : i32
        %dma_wait3A_87 = tpu.memref_slice %arg6[%mul3A_58, %dma_wait3A_86] : memref<128000x128xf32, #tpu.memory_space<hbm>> -> memref<125x48xf32, #tpu.memory_space<hbm>>
        tpu.wait_dma2 semaphore(%run_scoped3A : memref<!tpu.dma_semaphore, #tpu.memory_space<semaphore_mem>>) src(%arg8 : memref<125x48xf32, #tpu.memory_space<vmem>>) dst(%dma_wait3A_87 : memref<125x48xf32, #tpu.memory_space<hbm>>)
        tpu.yield
      }) : () -> ()
      %lt3A = arith.constant 15 : i32
      %lt3A_59 = arith.cmpi slt, %scan3A_43, %lt3A : i32
      %convert_element_type3A = arith.extui %lt3A_59 : i1 to i32
      %cond3A = arith.constant 0 : i32
      %cond3A_60 = arith.cmpi ne, %convert_element_type3A, %cond3A : i32
      scf.if %cond3A_60 {
        %add3A_80 = arith.constant 0 : i32
        %add3A_81 = arith.addi %mul3A_46, %add3A_80 : i32
        %add3A_82 = arith.constant 2 : i32
        %add3A_83 = arith.addi %add3A_81, %add3A_82 : i32
        %dma_start3A_84 = arith.constant 0 : i32
        %dma_start3A_85 = tpu.memref_slice %arg7[%add3A_83, %dma_start3A_84] : memref<32x125xi32, #tpu.memory_space<vmem>> -> memref<1x125xi32, #tpu.memory_space<vmem>>
        %dma_start3A_86 = tpu.memref_squeeze %dma_start3A_85 : memref<1x125xi32, #tpu.memory_space<vmem>> -> memref<125xi32, #tpu.memory_space<vmem>>
        %dma_start3A_87 = arith.constant 0 : i32
        %dma_start3A_88 = arith.constant 0 : i32
        %dma_start3A_89 = tpu.memref_slice %arg3[%dma_start3A_87, %dma_start3A_88] : memref<5120x48xf32, #tpu.memory_space<hbm>> -> memref<5120x48xf32, #tpu.memory_space<hbm>>
        tpu.enqueue_indirect_dma source(%dma_start3A_89 : memref<5120x48xf32, #tpu.memory_space<hbm>>) target(%arg8 : memref<125x48xf32, #tpu.memory_space<vmem>>) offsets(%dma_start3A_86 : memref<125xi32, #tpu.memory_space<vmem>>) semaphore(%arg10 : memref<!tpu.dma_semaphore, #tpu.memory_space<semaphore_mem>>)
      } else {
      }
      %add3A_61 = arith.constant 1 : i32
      %add3A_62 = arith.addi %mul3A_46, %add3A_61 : i32
      %dma_wait3A_63 = arith.constant 0 : i32
      %dma_wait3A_64 = tpu.memref_slice %arg7[%add3A_62, %dma_wait3A_63] : memref<32x125xi32, #tpu.memory_space<vmem>> -> memref<1x125xi32, #tpu.memory_space<vmem>>
      %dma_wait3A_65 = tpu.memref_squeeze %dma_wait3A_64 : memref<1x125xi32, #tpu.memory_space<vmem>> -> memref<125xi32, #tpu.memory_space<vmem>>
      %dma_wait3A_66 = arith.constant 0 : i32
      %dma_wait3A_67 = arith.constant 0 : i32
      %dma_wait3A_68 = tpu.memref_slice %arg3[%dma_wait3A_66, %dma_wait3A_67] : memref<5120x48xf32, #tpu.memory_space<hbm>> -> memref<5120x48xf32, #tpu.memory_space<hbm>>
      tpu.wait_indirect_dma semaphore(%arg11 : memref<!tpu.dma_semaphore, #tpu.memory_space<semaphore_mem>>) src(%dma_wait3A_68 : memref<5120x48xf32, #tpu.memory_space<hbm>>) dst(%arg9 : memref<125x48xf32, #tpu.memory_space<vmem>>)
      %add3A_69 = arith.addi %mul3A_2, %mul3A_46 : i32
      %add3A_70 = arith.constant 1 : i32
      %add3A_71 = arith.addi %add3A_69, %add3A_70 : i32
      %mul3A_72 = arith.constant 125 : i32
      %mul3A_73 = arith.muli %add3A_71, %mul3A_72 : i32
      "tpu.region"() ({
        %run_scoped3A = tpu.sem_alloc : memref<!tpu.dma_semaphore, #tpu.memory_space<semaphore_mem>>
        %dma_start3A_80 = arith.constant 48 : i32
        %dma_start3A_81 = tpu.memref_slice %arg6[%mul3A_73, %dma_start3A_80] : memref<128000x128xf32, #tpu.memory_space<hbm>> -> memref<125x48xf32, #tpu.memory_space<hbm>>
        %dma_start3A_82 = arith.constant 48 : i32
        %dma_start3A_83 = tpu.memref_slice %arg6[%mul3A_73, %dma_start3A_82] : memref<128000x128xf32, #tpu.memory_space<hbm>> -> memref<125x48xf32, #tpu.memory_space<hbm>>
        tpu.enqueue_dma source(%arg9 : memref<125x48xf32, #tpu.memory_space<vmem>>) target(%dma_start3A_83 : memref<125x48xf32, #tpu.memory_space<hbm>>) target_semaphore(%run_scoped3A : memref<!tpu.dma_semaphore, #tpu.memory_space<semaphore_mem>>)
        %dma_wait3A_84 = arith.constant 48 : i32
        %dma_wait3A_85 = tpu.memref_slice %arg6[%mul3A_73, %dma_wait3A_84] : memref<128000x128xf32, #tpu.memory_space<hbm>> -> memref<125x48xf32, #tpu.memory_space<hbm>>
        %dma_wait3A_86 = arith.constant 48 : i32
        %dma_wait3A_87 = tpu.memref_slice %arg6[%mul3A_73, %dma_wait3A_86] : memref<128000x128xf32, #tpu.memory_space<hbm>> -> memref<125x48xf32, #tpu.memory_space<hbm>>
        tpu.wait_dma2 semaphore(%run_scoped3A : memref<!tpu.dma_semaphore, #tpu.memory_space<semaphore_mem>>) src(%arg9 : memref<125x48xf32, #tpu.memory_space<vmem>>) dst(%dma_wait3A_87 : memref<125x48xf32, #tpu.memory_space<hbm>>)
        tpu.yield
      }) : () -> ()
      %lt3A_74 = arith.constant 15 : i32
      %lt3A_75 = arith.cmpi slt, %scan3A_43, %lt3A_74 : i32
      %convert_element_type3A_76 = arith.extui %lt3A_75 : i1 to i32
      %cond3A_77 = arith.constant 0 : i32
      %cond3A_78 = arith.cmpi ne, %convert_element_type3A_76, %cond3A_77 : i32
      scf.if %cond3A_78 {
        %add3A_80 = arith.constant 1 : i32
        %add3A_81 = arith.addi %mul3A_46, %add3A_80 : i32
        %add3A_82 = arith.constant 2 : i32
        %add3A_83 = arith.addi %add3A_81, %add3A_82 : i32
        %dma_start3A_84 = arith.constant 0 : i32
        %dma_start3A_85 = tpu.memref_slice %arg7[%add3A_83, %dma_start3A_84] : memref<32x125xi32, #tpu.memory_space<vmem>> -> memref<1x125xi32, #tpu.memory_space<vmem>>
        %dma_start3A_86 = tpu.memref_squeeze %dma_start3A_85 : memref<1x125xi32, #tpu.memory_space<vmem>> -> memref<125xi32, #tpu.memory_space<vmem>>
        %dma_start3A_87 = arith.constant 0 : i32
        %dma_start3A_88 = arith.constant 0 : i32
        %dma_start3A_89 = tpu.memref_slice %arg3[%dma_start3A_87, %dma_start3A_88] : memref<5120x48xf32, #tpu.memory_space<hbm>> -> memref<5120x48xf32, #tpu.memory_space<hbm>>
        tpu.enqueue_indirect_dma source(%dma_start3A_89 : memref<5120x48xf32, #tpu.memory_space<hbm>>) target(%arg9 : memref<125x48xf32, #tpu.memory_space<vmem>>) offsets(%dma_start3A_86 : memref<125xi32, #tpu.memory_space<vmem>>) semaphore(%arg11 : memref<!tpu.dma_semaphore, #tpu.memory_space<semaphore_mem>>)
      } else {
      }
      %scan3A_79 = arith.constant 0 : i32
      scf.yield %scan3A_79 : i32
    }
    %scan3A_42 = arith.constant 16 : i32
    return
  }
}

#map = affine_map<(d0, d1) -> (0, 0)>
#map1 = affine_map<(d0, d1) -> (0, 0, 0)>
module attributes {stable_mosaic.version = 14 : i64} {
  func.func @_egather_body(%arg0: i32, %arg1: i32, %arg2: memref<5120x48xf32, #tpu.memory_space<hbm>>, %arg3: memref<5120x48xf32, #tpu.memory_space<hbm>>, %arg4: memref<32x48x125xi32, #tpu.memory_space<hbm>>, %arg5: memref<32x48x125xi32, #tpu.memory_space<hbm>>, %arg6: memref<192000x128xf32, #tpu.memory_space<hbm>>, %arg7: memref<48x125xi32, #tpu.memory_space<vmem>>, %arg8: memref<125x48xf32, #tpu.memory_space<vmem>>, %arg9: memref<125x48xf32, #tpu.memory_space<vmem>>, %arg10: memref<!tpu.dma_semaphore, #tpu.memory_space<semaphore_mem>>, %arg11: memref<!tpu.dma_semaphore, #tpu.memory_space<semaphore_mem>>) attributes {dimension_semantics = [#tpu.dimension_semantics<core_parallel>, #tpu.dimension_semantics<subcore_parallel>], iteration_bounds = array<i64: 2, 16>, scalar_prefetch = 0 : i64, scratch_operands = 5 : i64, tpu.core_type = #tpu.core_type<sc_vector_subcore>, window_params = [{transform_indices = #map}, {transform_indices = #map}, {transform_indices = #map1}, {transform_indices = #map1}, {transform_indices = #map}]} {
    %mul3A = arith.constant 2 : i32
    %mul3A_0 = arith.muli %arg1, %mul3A : i32
    %add3A = arith.addi %mul3A_0, %arg0 : i32
    %mul3A_1 = arith.constant 48 : i32
    %mul3A_2 = arith.muli %add3A, %mul3A_1 : i32
    "tpu.region"() ({
      %run_scoped3A = tpu.sem_alloc : memref<!tpu.dma_semaphore, #tpu.memory_space<semaphore_mem>>
      %dma_start3A_43 = arith.constant 0 : i32
      %dma_start3A_44 = arith.constant 0 : i32
      %dma_start3A_45 = tpu.memref_slice %arg4[%add3A, %dma_start3A_43, %dma_start3A_44] : memref<32x48x125xi32, #tpu.memory_space<hbm>> -> memref<1x48x125xi32, #tpu.memory_space<hbm>>
      %dma_start3A_46 = tpu.memref_squeeze %dma_start3A_45 : memref<1x48x125xi32, #tpu.memory_space<hbm>> -> memref<48x125xi32, #tpu.memory_space<hbm>>
      %dma_start3A_47 = arith.constant 0 : i32
      %dma_start3A_48 = arith.constant 0 : i32
      %dma_start3A_49 = tpu.memref_slice %arg4[%add3A, %dma_start3A_47, %dma_start3A_48] : memref<32x48x125xi32, #tpu.memory_space<hbm>> -> memref<1x48x125xi32, #tpu.memory_space<hbm>>
      %dma_start3A_50 = tpu.memref_squeeze %dma_start3A_49 : memref<1x48x125xi32, #tpu.memory_space<hbm>> -> memref<48x125xi32, #tpu.memory_space<hbm>>
      tpu.enqueue_dma source(%dma_start3A_50 : memref<48x125xi32, #tpu.memory_space<hbm>>) target(%arg7 : memref<48x125xi32, #tpu.memory_space<vmem>>) target_semaphore(%run_scoped3A : memref<!tpu.dma_semaphore, #tpu.memory_space<semaphore_mem>>)
      %dma_wait3A = arith.constant 0 : i32
      %dma_wait3A_51 = arith.constant 0 : i32
      %dma_wait3A_52 = tpu.memref_slice %arg4[%add3A, %dma_wait3A, %dma_wait3A_51] : memref<32x48x125xi32, #tpu.memory_space<hbm>> -> memref<1x48x125xi32, #tpu.memory_space<hbm>>
      %dma_wait3A_53 = tpu.memref_squeeze %dma_wait3A_52 : memref<1x48x125xi32, #tpu.memory_space<hbm>> -> memref<48x125xi32, #tpu.memory_space<hbm>>
      %dma_wait3A_54 = arith.constant 0 : i32
      %dma_wait3A_55 = arith.constant 0 : i32
      %dma_wait3A_56 = tpu.memref_slice %arg4[%add3A, %dma_wait3A_54, %dma_wait3A_55] : memref<32x48x125xi32, #tpu.memory_space<hbm>> -> memref<1x48x125xi32, #tpu.memory_space<hbm>>
      %dma_wait3A_57 = tpu.memref_squeeze %dma_wait3A_56 : memref<1x48x125xi32, #tpu.memory_space<hbm>> -> memref<48x125xi32, #tpu.memory_space<hbm>>
      tpu.wait_dma2 semaphore(%run_scoped3A : memref<!tpu.dma_semaphore, #tpu.memory_space<semaphore_mem>>) src(%dma_wait3A_57 : memref<48x125xi32, #tpu.memory_space<hbm>>) dst(%arg7 : memref<48x125xi32, #tpu.memory_space<vmem>>)
      tpu.yield
    }) : () -> ()
    %dma_start3A = arith.constant 0 : i32
    %dma_start3A_3 = arith.constant 0 : i32
    %dma_start3A_4 = tpu.memref_slice %arg7[%dma_start3A, %dma_start3A_3] : memref<48x125xi32, #tpu.memory_space<vmem>> -> memref<1x125xi32, #tpu.memory_space<vmem>>
    %dma_start3A_5 = tpu.memref_squeeze %dma_start3A_4 : memref<1x125xi32, #tpu.memory_space<vmem>> -> memref<125xi32, #tpu.memory_space<vmem>>
    %dma_start3A_6 = arith.constant 0 : i32
    %dma_start3A_7 = arith.constant 0 : i32
    %dma_start3A_8 = tpu.memref_slice %arg2[%dma_start3A_6, %dma_start3A_7] : memref<5120x48xf32, #tpu.memory_space<hbm>> -> memref<5120x48xf32, #tpu.memory_space<hbm>>
    tpu.enqueue_indirect_dma source(%dma_start3A_8 : memref<5120x48xf32, #tpu.memory_space<hbm>>) target(%arg8 : memref<125x48xf32, #tpu.memory_space<vmem>>) offsets(%dma_start3A_5 : memref<125xi32, #tpu.memory_space<vmem>>) semaphore(%arg10 : memref<!tpu.dma_semaphore, #tpu.memory_space<semaphore_mem>>)
    %dma_start3A_9 = arith.constant 1 : i32
    %dma_start3A_10 = arith.constant 0 : i32
    %dma_start3A_11 = tpu.memref_slice %arg7[%dma_start3A_9, %dma_start3A_10] : memref<48x125xi32, #tpu.memory_space<vmem>> -> memref<1x125xi32, #tpu.memory_space<vmem>>
    %dma_start3A_12 = tpu.memref_squeeze %dma_start3A_11 : memref<1x125xi32, #tpu.memory_space<vmem>> -> memref<125xi32, #tpu.memory_space<vmem>>
    %dma_start3A_13 = arith.constant 0 : i32
    %dma_start3A_14 = arith.constant 0 : i32
    %dma_start3A_15 = tpu.memref_slice %arg2[%dma_start3A_13, %dma_start3A_14] : memref<5120x48xf32, #tpu.memory_space<hbm>> -> memref<5120x48xf32, #tpu.memory_space<hbm>>
    tpu.enqueue_indirect_dma source(%dma_start3A_15 : memref<5120x48xf32, #tpu.memory_space<hbm>>) target(%arg9 : memref<125x48xf32, #tpu.memory_space<vmem>>) offsets(%dma_start3A_12 : memref<125xi32, #tpu.memory_space<vmem>>) semaphore(%arg11 : memref<!tpu.dma_semaphore, #tpu.memory_space<semaphore_mem>>)
    %scan3A = arith.constant 0 : i32
    %scan3A_16 = arith.constant 0 : i32
    %scan3A_17 = arith.constant 24 : i32
    %scan3A_18 = arith.addi %scan3A_16, %scan3A_17 : i32
    %scan3A_19 = arith.constant 1 : i32
    %scan3A_20 = scf.for %scan3A_43 = %scan3A_16 to %scan3A_18 step %scan3A_19 iter_args(%scan3A_44 = %scan3A) -> (i32)  : i32 {
      %mul3A_45 = arith.constant 2 : i32
      %mul3A_46 = arith.muli %mul3A_45, %scan3A_43 : i32
      %add3A_47 = arith.constant 0 : i32
      %add3A_48 = arith.addi %mul3A_46, %add3A_47 : i32
      %dma_wait3A = arith.constant 0 : i32
      %dma_wait3A_49 = tpu.memref_slice %arg7[%add3A_48, %dma_wait3A] : memref<48x125xi32, #tpu.memory_space<vmem>> -> memref<1x125xi32, #tpu.memory_space<vmem>>
      %dma_wait3A_50 = tpu.memref_squeeze %dma_wait3A_49 : memref<1x125xi32, #tpu.memory_space<vmem>> -> memref<125xi32, #tpu.memory_space<vmem>>
      %dma_wait3A_51 = arith.constant 0 : i32
      %dma_wait3A_52 = arith.constant 0 : i32
      %dma_wait3A_53 = tpu.memref_slice %arg2[%dma_wait3A_51, %dma_wait3A_52] : memref<5120x48xf32, #tpu.memory_space<hbm>> -> memref<5120x48xf32, #tpu.memory_space<hbm>>
      tpu.wait_indirect_dma semaphore(%arg10 : memref<!tpu.dma_semaphore, #tpu.memory_space<semaphore_mem>>) src(%dma_wait3A_53 : memref<5120x48xf32, #tpu.memory_space<hbm>>) dst(%arg8 : memref<125x48xf32, #tpu.memory_space<vmem>>)
      %add3A_54 = arith.addi %mul3A_2, %mul3A_46 : i32
      %add3A_55 = arith.constant 0 : i32
      %add3A_56 = arith.addi %add3A_54, %add3A_55 : i32
      %mul3A_57 = arith.constant 125 : i32
      %mul3A_58 = arith.muli %add3A_56, %mul3A_57 : i32
      "tpu.region"() ({
        %run_scoped3A = tpu.sem_alloc : memref<!tpu.dma_semaphore, #tpu.memory_space<semaphore_mem>>
        %dma_start3A_80 = arith.constant 0 : i32
        %dma_start3A_81 = tpu.memref_slice %arg6[%mul3A_58, %dma_start3A_80] : memref<192000x128xf32, #tpu.memory_space<hbm>> -> memref<125x48xf32, #tpu.memory_space<hbm>>
        %dma_start3A_82 = arith.constant 0 : i32
        %dma_start3A_83 = tpu.memref_slice %arg6[%mul3A_58, %dma_start3A_82] : memref<192000x128xf32, #tpu.memory_space<hbm>> -> memref<125x48xf32, #tpu.memory_space<hbm>>
        tpu.enqueue_dma source(%arg8 : memref<125x48xf32, #tpu.memory_space<vmem>>) target(%dma_start3A_83 : memref<125x48xf32, #tpu.memory_space<hbm>>) target_semaphore(%run_scoped3A : memref<!tpu.dma_semaphore, #tpu.memory_space<semaphore_mem>>)
        %dma_wait3A_84 = arith.constant 0 : i32
        %dma_wait3A_85 = tpu.memref_slice %arg6[%mul3A_58, %dma_wait3A_84] : memref<192000x128xf32, #tpu.memory_space<hbm>> -> memref<125x48xf32, #tpu.memory_space<hbm>>
        %dma_wait3A_86 = arith.constant 0 : i32
        %dma_wait3A_87 = tpu.memref_slice %arg6[%mul3A_58, %dma_wait3A_86] : memref<192000x128xf32, #tpu.memory_space<hbm>> -> memref<125x48xf32, #tpu.memory_space<hbm>>
        tpu.wait_dma2 semaphore(%run_scoped3A : memref<!tpu.dma_semaphore, #tpu.memory_space<semaphore_mem>>) src(%arg8 : memref<125x48xf32, #tpu.memory_space<vmem>>) dst(%dma_wait3A_87 : memref<125x48xf32, #tpu.memory_space<hbm>>)
        tpu.yield
      }) : () -> ()
      %lt3A = arith.constant 23 : i32
      %lt3A_59 = arith.cmpi slt, %scan3A_43, %lt3A : i32
      %convert_element_type3A = arith.extui %lt3A_59 : i1 to i32
      %cond3A = arith.constant 0 : i32
      %cond3A_60 = arith.cmpi ne, %convert_element_type3A, %cond3A : i32
      scf.if %cond3A_60 {
        %add3A_80 = arith.constant 0 : i32
        %add3A_81 = arith.addi %mul3A_46, %add3A_80 : i32
        %add3A_82 = arith.constant 2 : i32
        %add3A_83 = arith.addi %add3A_81, %add3A_82 : i32
        %dma_start3A_84 = arith.constant 0 : i32
        %dma_start3A_85 = tpu.memref_slice %arg7[%add3A_83, %dma_start3A_84] : memref<48x125xi32, #tpu.memory_space<vmem>> -> memref<1x125xi32, #tpu.memory_space<vmem>>
        %dma_start3A_86 = tpu.memref_squeeze %dma_start3A_85 : memref<1x125xi32, #tpu.memory_space<vmem>> -> memref<125xi32, #tpu.memory_space<vmem>>
        %dma_start3A_87 = arith.constant 0 : i32
        %dma_start3A_88 = arith.constant 0 : i32
        %dma_start3A_89 = tpu.memref_slice %arg2[%dma_start3A_87, %dma_start3A_88] : memref<5120x48xf32, #tpu.memory_space<hbm>> -> memref<5120x48xf32, #tpu.memory_space<hbm>>
        tpu.enqueue_indirect_dma source(%dma_start3A_89 : memref<5120x48xf32, #tpu.memory_space<hbm>>) target(%arg8 : memref<125x48xf32, #tpu.memory_space<vmem>>) offsets(%dma_start3A_86 : memref<125xi32, #tpu.memory_space<vmem>>) semaphore(%arg10 : memref<!tpu.dma_semaphore, #tpu.memory_space<semaphore_mem>>)
      } else {
      }
      %add3A_61 = arith.constant 1 : i32
      %add3A_62 = arith.addi %mul3A_46, %add3A_61 : i32
      %dma_wait3A_63 = arith.constant 0 : i32
      %dma_wait3A_64 = tpu.memref_slice %arg7[%add3A_62, %dma_wait3A_63] : memref<48x125xi32, #tpu.memory_space<vmem>> -> memref<1x125xi32, #tpu.memory_space<vmem>>
      %dma_wait3A_65 = tpu.memref_squeeze %dma_wait3A_64 : memref<1x125xi32, #tpu.memory_space<vmem>> -> memref<125xi32, #tpu.memory_space<vmem>>
      %dma_wait3A_66 = arith.constant 0 : i32
      %dma_wait3A_67 = arith.constant 0 : i32
      %dma_wait3A_68 = tpu.memref_slice %arg2[%dma_wait3A_66, %dma_wait3A_67] : memref<5120x48xf32, #tpu.memory_space<hbm>> -> memref<5120x48xf32, #tpu.memory_space<hbm>>
      tpu.wait_indirect_dma semaphore(%arg11 : memref<!tpu.dma_semaphore, #tpu.memory_space<semaphore_mem>>) src(%dma_wait3A_68 : memref<5120x48xf32, #tpu.memory_space<hbm>>) dst(%arg9 : memref<125x48xf32, #tpu.memory_space<vmem>>)
      %add3A_69 = arith.addi %mul3A_2, %mul3A_46 : i32
      %add3A_70 = arith.constant 1 : i32
      %add3A_71 = arith.addi %add3A_69, %add3A_70 : i32
      %mul3A_72 = arith.constant 125 : i32
      %mul3A_73 = arith.muli %add3A_71, %mul3A_72 : i32
      "tpu.region"() ({
        %run_scoped3A = tpu.sem_alloc : memref<!tpu.dma_semaphore, #tpu.memory_space<semaphore_mem>>
        %dma_start3A_80 = arith.constant 0 : i32
        %dma_start3A_81 = tpu.memref_slice %arg6[%mul3A_73, %dma_start3A_80] : memref<192000x128xf32, #tpu.memory_space<hbm>> -> memref<125x48xf32, #tpu.memory_space<hbm>>
        %dma_start3A_82 = arith.constant 0 : i32
        %dma_start3A_83 = tpu.memref_slice %arg6[%mul3A_73, %dma_start3A_82] : memref<192000x128xf32, #tpu.memory_space<hbm>> -> memref<125x48xf32, #tpu.memory_space<hbm>>
        tpu.enqueue_dma source(%arg9 : memref<125x48xf32, #tpu.memory_space<vmem>>) target(%dma_start3A_83 : memref<125x48xf32, #tpu.memory_space<hbm>>) target_semaphore(%run_scoped3A : memref<!tpu.dma_semaphore, #tpu.memory_space<semaphore_mem>>)
        %dma_wait3A_84 = arith.constant 0 : i32
        %dma_wait3A_85 = tpu.memref_slice %arg6[%mul3A_73, %dma_wait3A_84] : memref<192000x128xf32, #tpu.memory_space<hbm>> -> memref<125x48xf32, #tpu.memory_space<hbm>>
        %dma_wait3A_86 = arith.constant 0 : i32
        %dma_wait3A_87 = tpu.memref_slice %arg6[%mul3A_73, %dma_wait3A_86] : memref<192000x128xf32, #tpu.memory_space<hbm>> -> memref<125x48xf32, #tpu.memory_space<hbm>>
        tpu.wait_dma2 semaphore(%run_scoped3A : memref<!tpu.dma_semaphore, #tpu.memory_space<semaphore_mem>>) src(%arg9 : memref<125x48xf32, #tpu.memory_space<vmem>>) dst(%dma_wait3A_87 : memref<125x48xf32, #tpu.memory_space<hbm>>)
        tpu.yield
      }) : () -> ()
      %lt3A_74 = arith.constant 23 : i32
      %lt3A_75 = arith.cmpi slt, %scan3A_43, %lt3A_74 : i32
      %convert_element_type3A_76 = arith.extui %lt3A_75 : i1 to i32
      %cond3A_77 = arith.constant 0 : i32
      %cond3A_78 = arith.cmpi ne, %convert_element_type3A_76, %cond3A_77 : i32
      scf.if %cond3A_78 {
        %add3A_80 = arith.constant 1 : i32
        %add3A_81 = arith.addi %mul3A_46, %add3A_80 : i32
        %add3A_82 = arith.constant 2 : i32
        %add3A_83 = arith.addi %add3A_81, %add3A_82 : i32
        %dma_start3A_84 = arith.constant 0 : i32
        %dma_start3A_85 = tpu.memref_slice %arg7[%add3A_83, %dma_start3A_84] : memref<48x125xi32, #tpu.memory_space<vmem>> -> memref<1x125xi32, #tpu.memory_space<vmem>>
        %dma_start3A_86 = tpu.memref_squeeze %dma_start3A_85 : memref<1x125xi32, #tpu.memory_space<vmem>> -> memref<125xi32, #tpu.memory_space<vmem>>
        %dma_start3A_87 = arith.constant 0 : i32
        %dma_start3A_88 = arith.constant 0 : i32
        %dma_start3A_89 = tpu.memref_slice %arg2[%dma_start3A_87, %dma_start3A_88] : memref<5120x48xf32, #tpu.memory_space<hbm>> -> memref<5120x48xf32, #tpu.memory_space<hbm>>
        tpu.enqueue_indirect_dma source(%dma_start3A_89 : memref<5120x48xf32, #tpu.memory_space<hbm>>) target(%arg9 : memref<125x48xf32, #tpu.memory_space<vmem>>) offsets(%dma_start3A_86 : memref<125xi32, #tpu.memory_space<vmem>>) semaphore(%arg11 : memref<!tpu.dma_semaphore, #tpu.memory_space<semaphore_mem>>)
      } else {
      }
      %scan3A_79 = arith.constant 0 : i32
      scf.yield %scan3A_79 : i32
    }
    %scan3A_21 = arith.constant 24 : i32
    "tpu.region"() ({
      %run_scoped3A = tpu.sem_alloc : memref<!tpu.dma_semaphore, #tpu.memory_space<semaphore_mem>>
      %dma_start3A_43 = arith.constant 0 : i32
      %dma_start3A_44 = arith.constant 0 : i32
      %dma_start3A_45 = tpu.memref_slice %arg5[%add3A, %dma_start3A_43, %dma_start3A_44] : memref<32x48x125xi32, #tpu.memory_space<hbm>> -> memref<1x48x125xi32, #tpu.memory_space<hbm>>
      %dma_start3A_46 = tpu.memref_squeeze %dma_start3A_45 : memref<1x48x125xi32, #tpu.memory_space<hbm>> -> memref<48x125xi32, #tpu.memory_space<hbm>>
      %dma_start3A_47 = arith.constant 0 : i32
      %dma_start3A_48 = arith.constant 0 : i32
      %dma_start3A_49 = tpu.memref_slice %arg5[%add3A, %dma_start3A_47, %dma_start3A_48] : memref<32x48x125xi32, #tpu.memory_space<hbm>> -> memref<1x48x125xi32, #tpu.memory_space<hbm>>
      %dma_start3A_50 = tpu.memref_squeeze %dma_start3A_49 : memref<1x48x125xi32, #tpu.memory_space<hbm>> -> memref<48x125xi32, #tpu.memory_space<hbm>>
      tpu.enqueue_dma source(%dma_start3A_50 : memref<48x125xi32, #tpu.memory_space<hbm>>) target(%arg7 : memref<48x125xi32, #tpu.memory_space<vmem>>) target_semaphore(%run_scoped3A : memref<!tpu.dma_semaphore, #tpu.memory_space<semaphore_mem>>)
      %dma_wait3A = arith.constant 0 : i32
      %dma_wait3A_51 = arith.constant 0 : i32
      %dma_wait3A_52 = tpu.memref_slice %arg5[%add3A, %dma_wait3A, %dma_wait3A_51] : memref<32x48x125xi32, #tpu.memory_space<hbm>> -> memref<1x48x125xi32, #tpu.memory_space<hbm>>
      %dma_wait3A_53 = tpu.memref_squeeze %dma_wait3A_52 : memref<1x48x125xi32, #tpu.memory_space<hbm>> -> memref<48x125xi32, #tpu.memory_space<hbm>>
      %dma_wait3A_54 = arith.constant 0 : i32
      %dma_wait3A_55 = arith.constant 0 : i32
      %dma_wait3A_56 = tpu.memref_slice %arg5[%add3A, %dma_wait3A_54, %dma_wait3A_55] : memref<32x48x125xi32, #tpu.memory_space<hbm>> -> memref<1x48x125xi32, #tpu.memory_space<hbm>>
      %dma_wait3A_57 = tpu.memref_squeeze %dma_wait3A_56 : memref<1x48x125xi32, #tpu.memory_space<hbm>> -> memref<48x125xi32, #tpu.memory_space<hbm>>
      tpu.wait_dma2 semaphore(%run_scoped3A : memref<!tpu.dma_semaphore, #tpu.memory_space<semaphore_mem>>) src(%dma_wait3A_57 : memref<48x125xi32, #tpu.memory_space<hbm>>) dst(%arg7 : memref<48x125xi32, #tpu.memory_space<vmem>>)
      tpu.yield
    }) : () -> ()
    %dma_start3A_22 = arith.constant 0 : i32
    %dma_start3A_23 = arith.constant 0 : i32
    %dma_start3A_24 = tpu.memref_slice %arg7[%dma_start3A_22, %dma_start3A_23] : memref<48x125xi32, #tpu.memory_space<vmem>> -> memref<1x125xi32, #tpu.memory_space<vmem>>
    %dma_start3A_25 = tpu.memref_squeeze %dma_start3A_24 : memref<1x125xi32, #tpu.memory_space<vmem>> -> memref<125xi32, #tpu.memory_space<vmem>>
    %dma_start3A_26 = arith.constant 0 : i32
    %dma_start3A_27 = arith.constant 0 : i32
    %dma_start3A_28 = tpu.memref_slice %arg3[%dma_start3A_26, %dma_start3A_27] : memref<5120x48xf32, #tpu.memory_space<hbm>> -> memref<5120x48xf32, #tpu.memory_space<hbm>>
    tpu.enqueue_indirect_dma source(%dma_start3A_28 : memref<5120x48xf32, #tpu.memory_space<hbm>>) target(%arg8 : memref<125x48xf32, #tpu.memory_space<vmem>>) offsets(%dma_start3A_25 : memref<125xi32, #tpu.memory_space<vmem>>) semaphore(%arg10 : memref<!tpu.dma_semaphore, #tpu.memory_space<semaphore_mem>>)
    %dma_start3A_29 = arith.constant 1 : i32
    %dma_start3A_30 = arith.constant 0 : i32
    %dma_start3A_31 = tpu.memref_slice %arg7[%dma_start3A_29, %dma_start3A_30] : memref<48x125xi32, #tpu.memory_space<vmem>> -> memref<1x125xi32, #tpu.memory_space<vmem>>
    %dma_start3A_32 = tpu.memref_squeeze %dma_start3A_31 : memref<1x125xi32, #tpu.memory_space<vmem>> -> memref<125xi32, #tpu.memory_space<vmem>>
    %dma_start3A_33 = arith.constant 0 : i32
    %dma_start3A_34 = arith.constant 0 : i32
    %dma_start3A_35 = tpu.memref_slice %arg3[%dma_start3A_33, %dma_start3A_34] : memref<5120x48xf32, #tpu.memory_space<hbm>> -> memref<5120x48xf32, #tpu.memory_space<hbm>>
    tpu.enqueue_indirect_dma source(%dma_start3A_35 : memref<5120x48xf32, #tpu.memory_space<hbm>>) target(%arg9 : memref<125x48xf32, #tpu.memory_space<vmem>>) offsets(%dma_start3A_32 : memref<125xi32, #tpu.memory_space<vmem>>) semaphore(%arg11 : memref<!tpu.dma_semaphore, #tpu.memory_space<semaphore_mem>>)
    %scan3A_36 = arith.constant 0 : i32
    %scan3A_37 = arith.constant 0 : i32
    %scan3A_38 = arith.constant 24 : i32
    %scan3A_39 = arith.addi %scan3A_37, %scan3A_38 : i32
    %scan3A_40 = arith.constant 1 : i32
    %scan3A_41 = scf.for %scan3A_43 = %scan3A_37 to %scan3A_39 step %scan3A_40 iter_args(%scan3A_44 = %scan3A_36) -> (i32)  : i32 {
      %mul3A_45 = arith.constant 2 : i32
      %mul3A_46 = arith.muli %mul3A_45, %scan3A_43 : i32
      %add3A_47 = arith.constant 0 : i32
      %add3A_48 = arith.addi %mul3A_46, %add3A_47 : i32
      %dma_wait3A = arith.constant 0 : i32
      %dma_wait3A_49 = tpu.memref_slice %arg7[%add3A_48, %dma_wait3A] : memref<48x125xi32, #tpu.memory_space<vmem>> -> memref<1x125xi32, #tpu.memory_space<vmem>>
      %dma_wait3A_50 = tpu.memref_squeeze %dma_wait3A_49 : memref<1x125xi32, #tpu.memory_space<vmem>> -> memref<125xi32, #tpu.memory_space<vmem>>
      %dma_wait3A_51 = arith.constant 0 : i32
      %dma_wait3A_52 = arith.constant 0 : i32
      %dma_wait3A_53 = tpu.memref_slice %arg3[%dma_wait3A_51, %dma_wait3A_52] : memref<5120x48xf32, #tpu.memory_space<hbm>> -> memref<5120x48xf32, #tpu.memory_space<hbm>>
      tpu.wait_indirect_dma semaphore(%arg10 : memref<!tpu.dma_semaphore, #tpu.memory_space<semaphore_mem>>) src(%dma_wait3A_53 : memref<5120x48xf32, #tpu.memory_space<hbm>>) dst(%arg8 : memref<125x48xf32, #tpu.memory_space<vmem>>)
      %add3A_54 = arith.addi %mul3A_2, %mul3A_46 : i32
      %add3A_55 = arith.constant 0 : i32
      %add3A_56 = arith.addi %add3A_54, %add3A_55 : i32
      %mul3A_57 = arith.constant 125 : i32
      %mul3A_58 = arith.muli %add3A_56, %mul3A_57 : i32
      "tpu.region"() ({
        %run_scoped3A = tpu.sem_alloc : memref<!tpu.dma_semaphore, #tpu.memory_space<semaphore_mem>>
        %dma_start3A_80 = arith.constant 48 : i32
        %dma_start3A_81 = tpu.memref_slice %arg6[%mul3A_58, %dma_start3A_80] : memref<192000x128xf32, #tpu.memory_space<hbm>> -> memref<125x48xf32, #tpu.memory_space<hbm>>
        %dma_start3A_82 = arith.constant 48 : i32
        %dma_start3A_83 = tpu.memref_slice %arg6[%mul3A_58, %dma_start3A_82] : memref<192000x128xf32, #tpu.memory_space<hbm>> -> memref<125x48xf32, #tpu.memory_space<hbm>>
        tpu.enqueue_dma source(%arg8 : memref<125x48xf32, #tpu.memory_space<vmem>>) target(%dma_start3A_83 : memref<125x48xf32, #tpu.memory_space<hbm>>) target_semaphore(%run_scoped3A : memref<!tpu.dma_semaphore, #tpu.memory_space<semaphore_mem>>)
        %dma_wait3A_84 = arith.constant 48 : i32
        %dma_wait3A_85 = tpu.memref_slice %arg6[%mul3A_58, %dma_wait3A_84] : memref<192000x128xf32, #tpu.memory_space<hbm>> -> memref<125x48xf32, #tpu.memory_space<hbm>>
        %dma_wait3A_86 = arith.constant 48 : i32
        %dma_wait3A_87 = tpu.memref_slice %arg6[%mul3A_58, %dma_wait3A_86] : memref<192000x128xf32, #tpu.memory_space<hbm>> -> memref<125x48xf32, #tpu.memory_space<hbm>>
        tpu.wait_dma2 semaphore(%run_scoped3A : memref<!tpu.dma_semaphore, #tpu.memory_space<semaphore_mem>>) src(%arg8 : memref<125x48xf32, #tpu.memory_space<vmem>>) dst(%dma_wait3A_87 : memref<125x48xf32, #tpu.memory_space<hbm>>)
        tpu.yield
      }) : () -> ()
      %lt3A = arith.constant 23 : i32
      %lt3A_59 = arith.cmpi slt, %scan3A_43, %lt3A : i32
      %convert_element_type3A = arith.extui %lt3A_59 : i1 to i32
      %cond3A = arith.constant 0 : i32
      %cond3A_60 = arith.cmpi ne, %convert_element_type3A, %cond3A : i32
      scf.if %cond3A_60 {
        %add3A_80 = arith.constant 0 : i32
        %add3A_81 = arith.addi %mul3A_46, %add3A_80 : i32
        %add3A_82 = arith.constant 2 : i32
        %add3A_83 = arith.addi %add3A_81, %add3A_82 : i32
        %dma_start3A_84 = arith.constant 0 : i32
        %dma_start3A_85 = tpu.memref_slice %arg7[%add3A_83, %dma_start3A_84] : memref<48x125xi32, #tpu.memory_space<vmem>> -> memref<1x125xi32, #tpu.memory_space<vmem>>
        %dma_start3A_86 = tpu.memref_squeeze %dma_start3A_85 : memref<1x125xi32, #tpu.memory_space<vmem>> -> memref<125xi32, #tpu.memory_space<vmem>>
        %dma_start3A_87 = arith.constant 0 : i32
        %dma_start3A_88 = arith.constant 0 : i32
        %dma_start3A_89 = tpu.memref_slice %arg3[%dma_start3A_87, %dma_start3A_88] : memref<5120x48xf32, #tpu.memory_space<hbm>> -> memref<5120x48xf32, #tpu.memory_space<hbm>>
        tpu.enqueue_indirect_dma source(%dma_start3A_89 : memref<5120x48xf32, #tpu.memory_space<hbm>>) target(%arg8 : memref<125x48xf32, #tpu.memory_space<vmem>>) offsets(%dma_start3A_86 : memref<125xi32, #tpu.memory_space<vmem>>) semaphore(%arg10 : memref<!tpu.dma_semaphore, #tpu.memory_space<semaphore_mem>>)
      } else {
      }
      %add3A_61 = arith.constant 1 : i32
      %add3A_62 = arith.addi %mul3A_46, %add3A_61 : i32
      %dma_wait3A_63 = arith.constant 0 : i32
      %dma_wait3A_64 = tpu.memref_slice %arg7[%add3A_62, %dma_wait3A_63] : memref<48x125xi32, #tpu.memory_space<vmem>> -> memref<1x125xi32, #tpu.memory_space<vmem>>
      %dma_wait3A_65 = tpu.memref_squeeze %dma_wait3A_64 : memref<1x125xi32, #tpu.memory_space<vmem>> -> memref<125xi32, #tpu.memory_space<vmem>>
      %dma_wait3A_66 = arith.constant 0 : i32
      %dma_wait3A_67 = arith.constant 0 : i32
      %dma_wait3A_68 = tpu.memref_slice %arg3[%dma_wait3A_66, %dma_wait3A_67] : memref<5120x48xf32, #tpu.memory_space<hbm>> -> memref<5120x48xf32, #tpu.memory_space<hbm>>
      tpu.wait_indirect_dma semaphore(%arg11 : memref<!tpu.dma_semaphore, #tpu.memory_space<semaphore_mem>>) src(%dma_wait3A_68 : memref<5120x48xf32, #tpu.memory_space<hbm>>) dst(%arg9 : memref<125x48xf32, #tpu.memory_space<vmem>>)
      %add3A_69 = arith.addi %mul3A_2, %mul3A_46 : i32
      %add3A_70 = arith.constant 1 : i32
      %add3A_71 = arith.addi %add3A_69, %add3A_70 : i32
      %mul3A_72 = arith.constant 125 : i32
      %mul3A_73 = arith.muli %add3A_71, %mul3A_72 : i32
      "tpu.region"() ({
        %run_scoped3A = tpu.sem_alloc : memref<!tpu.dma_semaphore, #tpu.memory_space<semaphore_mem>>
        %dma_start3A_80 = arith.constant 48 : i32
        %dma_start3A_81 = tpu.memref_slice %arg6[%mul3A_73, %dma_start3A_80] : memref<192000x128xf32, #tpu.memory_space<hbm>> -> memref<125x48xf32, #tpu.memory_space<hbm>>
        %dma_start3A_82 = arith.constant 48 : i32
        %dma_start3A_83 = tpu.memref_slice %arg6[%mul3A_73, %dma_start3A_82] : memref<192000x128xf32, #tpu.memory_space<hbm>> -> memref<125x48xf32, #tpu.memory_space<hbm>>
        tpu.enqueue_dma source(%arg9 : memref<125x48xf32, #tpu.memory_space<vmem>>) target(%dma_start3A_83 : memref<125x48xf32, #tpu.memory_space<hbm>>) target_semaphore(%run_scoped3A : memref<!tpu.dma_semaphore, #tpu.memory_space<semaphore_mem>>)
        %dma_wait3A_84 = arith.constant 48 : i32
        %dma_wait3A_85 = tpu.memref_slice %arg6[%mul3A_73, %dma_wait3A_84] : memref<192000x128xf32, #tpu.memory_space<hbm>> -> memref<125x48xf32, #tpu.memory_space<hbm>>
        %dma_wait3A_86 = arith.constant 48 : i32
        %dma_wait3A_87 = tpu.memref_slice %arg6[%mul3A_73, %dma_wait3A_86] : memref<192000x128xf32, #tpu.memory_space<hbm>> -> memref<125x48xf32, #tpu.memory_space<hbm>>
        tpu.wait_dma2 semaphore(%run_scoped3A : memref<!tpu.dma_semaphore, #tpu.memory_space<semaphore_mem>>) src(%arg9 : memref<125x48xf32, #tpu.memory_space<vmem>>) dst(%dma_wait3A_87 : memref<125x48xf32, #tpu.memory_space<hbm>>)
        tpu.yield
      }) : () -> ()
      %lt3A_74 = arith.constant 23 : i32
      %lt3A_75 = arith.cmpi slt, %scan3A_43, %lt3A_74 : i32
      %convert_element_type3A_76 = arith.extui %lt3A_75 : i1 to i32
      %cond3A_77 = arith.constant 0 : i32
      %cond3A_78 = arith.cmpi ne, %convert_element_type3A_76, %cond3A_77 : i32
      scf.if %cond3A_78 {
        %add3A_80 = arith.constant 1 : i32
        %add3A_81 = arith.addi %mul3A_46, %add3A_80 : i32
        %add3A_82 = arith.constant 2 : i32
        %add3A_83 = arith.addi %add3A_81, %add3A_82 : i32
        %dma_start3A_84 = arith.constant 0 : i32
        %dma_start3A_85 = tpu.memref_slice %arg7[%add3A_83, %dma_start3A_84] : memref<48x125xi32, #tpu.memory_space<vmem>> -> memref<1x125xi32, #tpu.memory_space<vmem>>
        %dma_start3A_86 = tpu.memref_squeeze %dma_start3A_85 : memref<1x125xi32, #tpu.memory_space<vmem>> -> memref<125xi32, #tpu.memory_space<vmem>>
        %dma_start3A_87 = arith.constant 0 : i32
        %dma_start3A_88 = arith.constant 0 : i32
        %dma_start3A_89 = tpu.memref_slice %arg3[%dma_start3A_87, %dma_start3A_88] : memref<5120x48xf32, #tpu.memory_space<hbm>> -> memref<5120x48xf32, #tpu.memory_space<hbm>>
        tpu.enqueue_indirect_dma source(%dma_start3A_89 : memref<5120x48xf32, #tpu.memory_space<hbm>>) target(%arg9 : memref<125x48xf32, #tpu.memory_space<vmem>>) offsets(%dma_start3A_86 : memref<125xi32, #tpu.memory_space<vmem>>) semaphore(%arg11 : memref<!tpu.dma_semaphore, #tpu.memory_space<semaphore_mem>>)
      } else {
      }
      %scan3A_79 = arith.constant 0 : i32
      scf.yield %scan3A_79 : i32
    }
    %scan3A_42 = arith.constant 24 : i32
    return
  }
}

module attributes {stable_mosaic.version = 14 : i64} {
  func.func @_project_body(%arg0: i32, %arg1: memref<1024x128xf32, #tpu.memory_space<vmem>>, %arg2: memref<1024x128xf32, #tpu.memory_space<vmem>>, %arg3: memref<128x40xf32, #tpu.memory_space<vmem>>, %arg4: memref<128x40xf32, #tpu.memory_space<vmem>>, %arg5: memref<128x40xf32, #tpu.memory_space<vmem>>, %arg6: memref<128x40xf32, #tpu.memory_space<vmem>>, %arg7: memref<1x40xf32, #tpu.memory_space<vmem>>, %arg8: memref<1x40xf32, #tpu.memory_space<vmem>>, %arg9: memref<5x1024x16xf32, #tpu.memory_space<vmem>>, %arg10: memref<5x1024x16xf32, #tpu.memory_space<vmem>>, %arg11: memref<5x1024x8xf32, #tpu.memory_space<vmem>>, %arg12: memref<5x1024x8xf32, #tpu.memory_space<vmem>>) attributes {dimension_semantics = [#tpu.dimension_semantics<arbitrary>], iteration_bounds = array<i64: 5>, scalar_prefetch = 0 : i64, scratch_operands = 0 : i64, tpu.core_type = #tpu.core_type<tc>, window_params = [{transform_indices = @transform_0, window_bounds = array<i64: 1024, 128>}, {transform_indices = @transform_1, window_bounds = array<i64: 1024, 128>}, {pipeline_mode = #tpu.pipeline_mode<synchronous>, transform_indices = @transform_2, window_bounds = array<i64: 128, 40>}, {pipeline_mode = #tpu.pipeline_mode<synchronous>, transform_indices = @transform_3, window_bounds = array<i64: 128, 40>}, {pipeline_mode = #tpu.pipeline_mode<synchronous>, transform_indices = @transform_4, window_bounds = array<i64: 128, 40>}, {pipeline_mode = #tpu.pipeline_mode<synchronous>, transform_indices = @transform_5, window_bounds = array<i64: 128, 40>}, {pipeline_mode = #tpu.pipeline_mode<synchronous>, transform_indices = @transform_6, window_bounds = array<i64: 1, 40>}, {pipeline_mode = #tpu.pipeline_mode<synchronous>, transform_indices = @transform_7, window_bounds = array<i64: 1, 40>}, {transform_indices = @transform_8, window_bounds = array<i64: 5, 1024, 16>}, {transform_indices = @transform_9, window_bounds = array<i64: 5, 1024, 16>}, {transform_indices = @transform_10, window_bounds = array<i64: 5, 1024, 8>}, {transform_indices = @transform_11, window_bounds = array<i64: 5, 1024, 8>}]} {
    %get3A = arith.constant 0 : index
    %get3A_0 = arith.constant 0 : index
    %get3A_1 = vector.load %arg1[%get3A, %get3A_0] : memref<1024x128xf32, #tpu.memory_space<vmem>>, vector<1024x128xf32>
    %get3A_2 = arith.constant 0 : index
    %get3A_3 = arith.constant 0 : index
    %get3A_4 = vector.load %arg2[%get3A_2, %get3A_3] : memref<1024x128xf32, #tpu.memory_space<vmem>>, vector<1024x128xf32>
    %get3A_5 = arith.constant 0 : index
    %get3A_6 = arith.constant 0 : index
    %get3A_7 = vector.load %arg3[%get3A_5, %get3A_6] : memref<128x40xf32, #tpu.memory_space<vmem>>, vector<128x40xf32>
    %dot_general3A = arith.constant dense<0.000000e+00> : vector<1024x40xf32>
    %dot_general3A_8 = tpu.matmul %get3A_1, %get3A_7, %dot_general3A {dimension_numbers = #tpu.dot_dimension_numbers<[1], [0], [0], [1], [0, 0, 1, 1], [], []>, transpose_lhs_hint = false} : vector<1024x128xf32>, vector<128x40xf32>, vector<1024x40xf32> -> vector<1024x40xf32>
    %get3A_9 = arith.constant 0 : index
    %get3A_10 = arith.constant 0 : index
    %get3A_11 = vector.load %arg4[%get3A_9, %get3A_10] : memref<128x40xf32, #tpu.memory_space<vmem>>, vector<128x40xf32>
    %dot_general3A_12 = arith.constant dense<0.000000e+00> : vector<1024x40xf32>
    %dot_general3A_13 = tpu.matmul %get3A_4, %get3A_11, %dot_general3A_12 {dimension_numbers = #tpu.dot_dimension_numbers<[1], [0], [0], [1], [0, 0, 1, 1], [], []>, transpose_lhs_hint = false} : vector<1024x128xf32>, vector<128x40xf32>, vector<1024x40xf32> -> vector<1024x40xf32>
    %get3A_14 = arith.constant 0 : index
    %get3A_15 = arith.constant 0 : index
    %get3A_16 = vector.load %arg5[%get3A_14, %get3A_15] : memref<128x40xf32, #tpu.memory_space<vmem>>, vector<128x40xf32>
    %dot_general3A_17 = arith.constant dense<0.000000e+00> : vector<1024x40xf32>
    %dot_general3A_18 = tpu.matmul %get3A_4, %get3A_16, %dot_general3A_17 {dimension_numbers = #tpu.dot_dimension_numbers<[1], [0], [0], [1], [0, 0, 1, 1], [], []>, transpose_lhs_hint = false} : vector<1024x128xf32>, vector<128x40xf32>, vector<1024x40xf32> -> vector<1024x40xf32>
    %get3A_19 = arith.constant 0 : index
    %get3A_20 = arith.constant 0 : index
    %get3A_21 = vector.load %arg7[%get3A_19, %get3A_20] : memref<1x40xf32, #tpu.memory_space<vmem>>, vector<1x40xf32>
    %add3A = vector.broadcast %get3A_21 : vector<1x40xf32> to vector<1024x40xf32>
    %add3A_22 = arith.addf %dot_general3A_18, %add3A : vector<1024x40xf32>
    %get3A_23 = arith.constant 0 : index
    %get3A_24 = arith.constant 0 : index
    %get3A_25 = vector.load %arg6[%get3A_23, %get3A_24] : memref<128x40xf32, #tpu.memory_space<vmem>>, vector<128x40xf32>
    %dot_general3A_26 = arith.constant dense<0.000000e+00> : vector<1024x40xf32>
    %dot_general3A_27 = tpu.matmul %get3A_1, %get3A_25, %dot_general3A_26 {dimension_numbers = #tpu.dot_dimension_numbers<[1], [0], [0], [1], [0, 0, 1, 1], [], []>, transpose_lhs_hint = false} : vector<1024x128xf32>, vector<128x40xf32>, vector<1024x40xf32> -> vector<1024x40xf32>
    %get3A_28 = arith.constant 0 : index
    %get3A_29 = arith.constant 0 : index
    %get3A_30 = vector.load %arg8[%get3A_28, %get3A_29] : memref<1x40xf32, #tpu.memory_space<vmem>>, vector<1x40xf32>
    %add3A_31 = vector.broadcast %get3A_30 : vector<1x40xf32> to vector<1024x40xf32>
    %add3A_32 = arith.addf %dot_general3A_27, %add3A_31 : vector<1024x40xf32>
    %broadcast_in_dim3A = arith.constant 1.000000e+00 : f32
    %broadcast_in_dim3A_33 = vector.broadcast %broadcast_in_dim3A : f32 to vector<1024x1xf32>
    %broadcast_in_dim3A_34 = arith.constant 0.000000e+00 : f32
    %broadcast_in_dim3A_35 = vector.broadcast %broadcast_in_dim3A_34 : f32 to vector<1024x7xf32>
    %slice3A = vector.extract_strided_slice %dot_general3A_8 {offsets = [0, 0], sizes = [1024, 8], strides = [1, 1]} : vector<1024x40xf32> to vector<1024x8xf32>
    %concatenate3A = tpu.concatenate %slice3A, %broadcast_in_dim3A_33, %broadcast_in_dim3A_35 in 1 : vector<1024x8xf32>, vector<1024x1xf32>, vector<1024x7xf32> -> vector<1024x16xf32>
    %swap3A = arith.constant 0 : index
    %swap3A_36 = arith.constant 0 : index
    %swap3A_37 = arith.constant 0 : index
    %swap3A_38 = vector.load %arg9[%swap3A, %swap3A_36, %swap3A_37] : memref<5x1024x16xf32, #tpu.memory_space<vmem>>, vector<1x1024x16xf32>
    %swap3A_39 = vector.shape_cast %swap3A_38 : vector<1x1024x16xf32> to vector<1024x16xf32>
    %swap3A_40 = vector.shape_cast %concatenate3A : vector<1024x16xf32> to vector<1x1024x16xf32>
    tpu.vector_store %arg9[%swap3A, %swap3A_36, %swap3A_37], %swap3A_40 {strides = array<i32>} : memref<5x1024x16xf32, #tpu.memory_space<vmem>>, vector<1x1024x16xf32>,
    %slice3A_41 = vector.extract_strided_slice %dot_general3A_13 {offsets = [0, 0], sizes = [1024, 8], strides = [1, 1]} : vector<1024x40xf32> to vector<1024x8xf32>
    %concatenate3A_42 = tpu.concatenate %slice3A_41, %broadcast_in_dim3A_33, %broadcast_in_dim3A_35 in 1 : vector<1024x8xf32>, vector<1024x1xf32>, vector<1024x7xf32> -> vector<1024x16xf32>
    %swap3A_43 = arith.constant 0 : index
    %swap3A_44 = arith.constant 0 : index
    %swap3A_45 = arith.constant 0 : index
    %swap3A_46 = vector.load %arg10[%swap3A_43, %swap3A_44, %swap3A_45] : memref<5x1024x16xf32, #tpu.memory_space<vmem>>, vector<1x1024x16xf32>
    %swap3A_47 = vector.shape_cast %swap3A_46 : vector<1x1024x16xf32> to vector<1024x16xf32>
    %swap3A_48 = vector.shape_cast %concatenate3A_42 : vector<1024x16xf32> to vector<1x1024x16xf32>
    tpu.vector_store %arg10[%swap3A_43, %swap3A_44, %swap3A_45], %swap3A_48 {strides = array<i32>} : memref<5x1024x16xf32, #tpu.memory_space<vmem>>, vector<1x1024x16xf32>,
    %slice3A_49 = vector.extract_strided_slice %add3A_22 {offsets = [0, 0], sizes = [1024, 8], strides = [1, 1]} : vector<1024x40xf32> to vector<1024x8xf32>
    %swap3A_50 = arith.constant 0 : index
    %swap3A_51 = arith.constant 0 : index
    %swap3A_52 = arith.constant 0 : index
    %swap3A_53 = vector.load %arg11[%swap3A_50, %swap3A_51, %swap3A_52] : memref<5x1024x8xf32, #tpu.memory_space<vmem>>, vector<1x1024x8xf32>
    %swap3A_54 = vector.shape_cast %swap3A_53 : vector<1x1024x8xf32> to vector<1024x8xf32>
    %swap3A_55 = vector.shape_cast %slice3A_49 : vector<1024x8xf32> to vector<1x1024x8xf32>
    tpu.vector_store %arg11[%swap3A_50, %swap3A_51, %swap3A_52], %swap3A_55 {strides = array<i32>} : memref<5x1024x8xf32, #tpu.memory_space<vmem>>, vector<1x1024x8xf32>,
    %slice3A_56 = vector.extract_strided_slice %add3A_32 {offsets = [0, 0], sizes = [1024, 8], strides = [1, 1]} : vector<1024x40xf32> to vector<1024x8xf32>
    %swap3A_57 = arith.constant 0 : index
    %swap3A_58 = arith.constant 0 : index
    %swap3A_59 = arith.constant 0 : index
    %swap3A_60 = vector.load %arg12[%swap3A_57, %swap3A_58, %swap3A_59] : memref<5x1024x8xf32, #tpu.memory_space<vmem>>, vector<1x1024x8xf32>
    %swap3A_61 = vector.shape_cast %swap3A_60 : vector<1x1024x8xf32> to vector<1024x8xf32>
    %swap3A_62 = vector.shape_cast %slice3A_56 : vector<1024x8xf32> to vector<1x1024x8xf32>
    tpu.vector_store %arg12[%swap3A_57, %swap3A_58, %swap3A_59], %swap3A_62 {strides = array<i32>} : memref<5x1024x8xf32, #tpu.memory_space<vmem>>, vector<1x1024x8xf32>,
    %slice3A_63 = vector.extract_strided_slice %dot_general3A_8 {offsets = [0, 8], sizes = [1024, 8], strides = [1, 1]} : vector<1024x40xf32> to vector<1024x8xf32>
    %concatenate3A_64 = tpu.concatenate %slice3A_63, %broadcast_in_dim3A_33, %broadcast_in_dim3A_35 in 1 : vector<1024x8xf32>, vector<1024x1xf32>, vector<1024x7xf32> -> vector<1024x16xf32>
    %swap3A_65 = arith.constant 1 : index
    %swap3A_66 = arith.constant 0 : index
    %swap3A_67 = arith.constant 0 : index
    %swap3A_68 = vector.load %arg9[%swap3A_65, %swap3A_66, %swap3A_67] : memref<5x1024x16xf32, #tpu.memory_space<vmem>>, vector<1x1024x16xf32>
    %swap3A_69 = vector.shape_cast %swap3A_68 : vector<1x1024x16xf32> to vector<1024x16xf32>
    %swap3A_70 = vector.shape_cast %concatenate3A_64 : vector<1024x16xf32> to vector<1x1024x16xf32>
    tpu.vector_store %arg9[%swap3A_65, %swap3A_66, %swap3A_67], %swap3A_70 {strides = array<i32>} : memref<5x1024x16xf32, #tpu.memory_space<vmem>>, vector<1x1024x16xf32>,
    %slice3A_71 = vector.extract_strided_slice %dot_general3A_13 {offsets = [0, 8], sizes = [1024, 8], strides = [1, 1]} : vector<1024x40xf32> to vector<1024x8xf32>
    %concatenate3A_72 = tpu.concatenate %slice3A_71, %broadcast_in_dim3A_33, %broadcast_in_dim3A_35 in 1 : vector<1024x8xf32>, vector<1024x1xf32>, vector<1024x7xf32> -> vector<1024x16xf32>
    %swap3A_73 = arith.constant 1 : index
    %swap3A_74 = arith.constant 0 : index
    %swap3A_75 = arith.constant 0 : index
    %swap3A_76 = vector.load %arg10[%swap3A_73, %swap3A_74, %swap3A_75] : memref<5x1024x16xf32, #tpu.memory_space<vmem>>, vector<1x1024x16xf32>
    %swap3A_77 = vector.shape_cast %swap3A_76 : vector<1x1024x16xf32> to vector<1024x16xf32>
    %swap3A_78 = vector.shape_cast %concatenate3A_72 : vector<1024x16xf32> to vector<1x1024x16xf32>
    tpu.vector_store %arg10[%swap3A_73, %swap3A_74, %swap3A_75], %swap3A_78 {strides = array<i32>} : memref<5x1024x16xf32, #tpu.memory_space<vmem>>, vector<1x1024x16xf32>,
    %slice3A_79 = vector.extract_strided_slice %add3A_22 {offsets = [0, 8], sizes = [1024, 8], strides = [1, 1]} : vector<1024x40xf32> to vector<1024x8xf32>
    %swap3A_80 = arith.constant 1 : index
    %swap3A_81 = arith.constant 0 : index
    %swap3A_82 = arith.constant 0 : index
    %swap3A_83 = vector.load %arg11[%swap3A_80, %swap3A_81, %swap3A_82] : memref<5x1024x8xf32, #tpu.memory_space<vmem>>, vector<1x1024x8xf32>
    %swap3A_84 = vector.shape_cast %swap3A_83 : vector<1x1024x8xf32> to vector<1024x8xf32>
    %swap3A_85 = vector.shape_cast %slice3A_79 : vector<1024x8xf32> to vector<1x1024x8xf32>
    tpu.vector_store %arg11[%swap3A_80, %swap3A_81, %swap3A_82], %swap3A_85 {strides = array<i32>} : memref<5x1024x8xf32, #tpu.memory_space<vmem>>, vector<1x1024x8xf32>,
    %slice3A_86 = vector.extract_strided_slice %add3A_32 {offsets = [0, 8], sizes = [1024, 8], strides = [1, 1]} : vector<1024x40xf32> to vector<1024x8xf32>
    %swap3A_87 = arith.constant 1 : index
    %swap3A_88 = arith.constant 0 : index
    %swap3A_89 = arith.constant 0 : index
    %swap3A_90 = vector.load %arg12[%swap3A_87, %swap3A_88, %swap3A_89] : memref<5x1024x8xf32, #tpu.memory_space<vmem>>, vector<1x1024x8xf32>
    %swap3A_91 = vector.shape_cast %swap3A_90 : vector<1x1024x8xf32> to vector<1024x8xf32>
    %swap3A_92 = vector.shape_cast %slice3A_86 : vector<1024x8xf32> to vector<1x1024x8xf32>
    tpu.vector_store %arg12[%swap3A_87, %swap3A_88, %swap3A_89], %swap3A_92 {strides = array<i32>} : memref<5x1024x8xf32, #tpu.memory_space<vmem>>, vector<1x1024x8xf32>,
    %slice3A_93 = vector.extract_strided_slice %dot_general3A_8 {offsets = [0, 16], sizes = [1024, 8], strides = [1, 1]} : vector<1024x40xf32> to vector<1024x8xf32>
    %concatenate3A_94 = tpu.concatenate %slice3A_93, %broadcast_in_dim3A_33, %broadcast_in_dim3A_35 in 1 : vector<1024x8xf32>, vector<1024x1xf32>, vector<1024x7xf32> -> vector<1024x16xf32>
    %swap3A_95 = arith.constant 2 : index
    %swap3A_96 = arith.constant 0 : index
    %swap3A_97 = arith.constant 0 : index
    %swap3A_98 = vector.load %arg9[%swap3A_95, %swap3A_96, %swap3A_97] : memref<5x1024x16xf32, #tpu.memory_space<vmem>>, vector<1x1024x16xf32>
    %swap3A_99 = vector.shape_cast %swap3A_98 : vector<1x1024x16xf32> to vector<1024x16xf32>
    %swap3A_100 = vector.shape_cast %concatenate3A_94 : vector<1024x16xf32> to vector<1x1024x16xf32>
    tpu.vector_store %arg9[%swap3A_95, %swap3A_96, %swap3A_97], %swap3A_100 {strides = array<i32>} : memref<5x1024x16xf32, #tpu.memory_space<vmem>>, vector<1x1024x16xf32>,
    %slice3A_101 = vector.extract_strided_slice %dot_general3A_13 {offsets = [0, 16], sizes = [1024, 8], strides = [1, 1]} : vector<1024x40xf32> to vector<1024x8xf32>
    %concatenate3A_102 = tpu.concatenate %slice3A_101, %broadcast_in_dim3A_33, %broadcast_in_dim3A_35 in 1 : vector<1024x8xf32>, vector<1024x1xf32>, vector<1024x7xf32> -> vector<1024x16xf32>
    %swap3A_103 = arith.constant 2 : index
    %swap3A_104 = arith.constant 0 : index
    %swap3A_105 = arith.constant 0 : index
    %swap3A_106 = vector.load %arg10[%swap3A_103, %swap3A_104, %swap3A_105] : memref<5x1024x16xf32, #tpu.memory_space<vmem>>, vector<1x1024x16xf32>
    %swap3A_107 = vector.shape_cast %swap3A_106 : vector<1x1024x16xf32> to vector<1024x16xf32>
    %swap3A_108 = vector.shape_cast %concatenate3A_102 : vector<1024x16xf32> to vector<1x1024x16xf32>
    tpu.vector_store %arg10[%swap3A_103, %swap3A_104, %swap3A_105], %swap3A_108 {strides = array<i32>} : memref<5x1024x16xf32, #tpu.memory_space<vmem>>, vector<1x1024x16xf32>,
    %slice3A_109 = vector.extract_strided_slice %add3A_22 {offsets = [0, 16], sizes = [1024, 8], strides = [1, 1]} : vector<1024x40xf32> to vector<1024x8xf32>
    %swap3A_110 = arith.constant 2 : index
    %swap3A_111 = arith.constant 0 : index
    %swap3A_112 = arith.constant 0 : index
    %swap3A_113 = vector.load %arg11[%swap3A_110, %swap3A_111, %swap3A_112] : memref<5x1024x8xf32, #tpu.memory_space<vmem>>, vector<1x1024x8xf32>
    %swap3A_114 = vector.shape_cast %swap3A_113 : vector<1x1024x8xf32> to vector<1024x8xf32>
    %swap3A_115 = vector.shape_cast %slice3A_109 : vector<1024x8xf32> to vector<1x1024x8xf32>
    tpu.vector_store %arg11[%swap3A_110, %swap3A_111, %swap3A_112], %swap3A_115 {strides = array<i32>} : memref<5x1024x8xf32, #tpu.memory_space<vmem>>, vector<1x1024x8xf32>,
    %slice3A_116 = vector.extract_strided_slice %add3A_32 {offsets = [0, 16], sizes = [1024, 8], strides = [1, 1]} : vector<1024x40xf32> to vector<1024x8xf32>
    %swap3A_117 = arith.constant 2 : index
    %swap3A_118 = arith.constant 0 : index
    %swap3A_119 = arith.constant 0 : index
    %swap3A_120 = vector.load %arg12[%swap3A_117, %swap3A_118, %swap3A_119] : memref<5x1024x8xf32, #tpu.memory_space<vmem>>, vector<1x1024x8xf32>
    %swap3A_121 = vector.shape_cast %swap3A_120 : vector<1x1024x8xf32> to vector<1024x8xf32>
    %swap3A_122 = vector.shape_cast %slice3A_116 : vector<1024x8xf32> to vector<1x1024x8xf32>
    tpu.vector_store %arg12[%swap3A_117, %swap3A_118, %swap3A_119], %swap3A_122 {strides = array<i32>} : memref<5x1024x8xf32, #tpu.memory_space<vmem>>, vector<1x1024x8xf32>,
    %slice3A_123 = vector.extract_strided_slice %dot_general3A_8 {offsets = [0, 24], sizes = [1024, 8], strides = [1, 1]} : vector<1024x40xf32> to vector<1024x8xf32>
    %concatenate3A_124 = tpu.concatenate %slice3A_123, %broadcast_in_dim3A_33, %broadcast_in_dim3A_35 in 1 : vector<1024x8xf32>, vector<1024x1xf32>, vector<1024x7xf32> -> vector<1024x16xf32>
    %swap3A_125 = arith.constant 3 : index
    %swap3A_126 = arith.constant 0 : index
    %swap3A_127 = arith.constant 0 : index
    %swap3A_128 = vector.load %arg9[%swap3A_125, %swap3A_126, %swap3A_127] : memref<5x1024x16xf32, #tpu.memory_space<vmem>>, vector<1x1024x16xf32>
    %swap3A_129 = vector.shape_cast %swap3A_128 : vector<1x1024x16xf32> to vector<1024x16xf32>
    %swap3A_130 = vector.shape_cast %concatenate3A_124 : vector<1024x16xf32> to vector<1x1024x16xf32>
    tpu.vector_store %arg9[%swap3A_125, %swap3A_126, %swap3A_127], %swap3A_130 {strides = array<i32>} : memref<5x1024x16xf32, #tpu.memory_space<vmem>>, vector<1x1024x16xf32>,
    %slice3A_131 = vector.extract_strided_slice %dot_general3A_13 {offsets = [0, 24], sizes = [1024, 8], strides = [1, 1]} : vector<1024x40xf32> to vector<1024x8xf32>
    %concatenate3A_132 = tpu.concatenate %slice3A_131, %broadcast_in_dim3A_33, %broadcast_in_dim3A_35 in 1 : vector<1024x8xf32>, vector<1024x1xf32>, vector<1024x7xf32> -> vector<1024x16xf32>
    %swap3A_133 = arith.constant 3 : index
    %swap3A_134 = arith.constant 0 : index
    %swap3A_135 = arith.constant 0 : index
    %swap3A_136 = vector.load %arg10[%swap3A_133, %swap3A_134, %swap3A_135] : memref<5x1024x16xf32, #tpu.memory_space<vmem>>, vector<1x1024x16xf32>
    %swap3A_137 = vector.shape_cast %swap3A_136 : vector<1x1024x16xf32> to vector<1024x16xf32>
    %swap3A_138 = vector.shape_cast %concatenate3A_132 : vector<1024x16xf32> to vector<1x1024x16xf32>
    tpu.vector_store %arg10[%swap3A_133, %swap3A_134, %swap3A_135], %swap3A_138 {strides = array<i32>} : memref<5x1024x16xf32, #tpu.memory_space<vmem>>, vector<1x1024x16xf32>,
    %slice3A_139 = vector.extract_strided_slice %add3A_22 {offsets = [0, 24], sizes = [1024, 8], strides = [1, 1]} : vector<1024x40xf32> to vector<1024x8xf32>
    %swap3A_140 = arith.constant 3 : index
    %swap3A_141 = arith.constant 0 : index
    %swap3A_142 = arith.constant 0 : index
    %swap3A_143 = vector.load %arg11[%swap3A_140, %swap3A_141, %swap3A_142] : memref<5x1024x8xf32, #tpu.memory_space<vmem>>, vector<1x1024x8xf32>
    %swap3A_144 = vector.shape_cast %swap3A_143 : vector<1x1024x8xf32> to vector<1024x8xf32>
    %swap3A_145 = vector.shape_cast %slice3A_139 : vector<1024x8xf32> to vector<1x1024x8xf32>
    tpu.vector_store %arg11[%swap3A_140, %swap3A_141, %swap3A_142], %swap3A_145 {strides = array<i32>} : memref<5x1024x8xf32, #tpu.memory_space<vmem>>, vector<1x1024x8xf32>,
    %slice3A_146 = vector.extract_strided_slice %add3A_32 {offsets = [0, 24], sizes = [1024, 8], strides = [1, 1]} : vector<1024x40xf32> to vector<1024x8xf32>
    %swap3A_147 = arith.constant 3 : index
    %swap3A_148 = arith.constant 0 : index
    %swap3A_149 = arith.constant 0 : index
    %swap3A_150 = vector.load %arg12[%swap3A_147, %swap3A_148, %swap3A_149] : memref<5x1024x8xf32, #tpu.memory_space<vmem>>, vector<1x1024x8xf32>
    %swap3A_151 = vector.shape_cast %swap3A_150 : vector<1x1024x8xf32> to vector<1024x8xf32>
    %swap3A_152 = vector.shape_cast %slice3A_146 : vector<1024x8xf32> to vector<1x1024x8xf32>
    tpu.vector_store %arg12[%swap3A_147, %swap3A_148, %swap3A_149], %swap3A_152 {strides = array<i32>} : memref<5x1024x8xf32, #tpu.memory_space<vmem>>, vector<1x1024x8xf32>,
    %slice3A_153 = vector.extract_strided_slice %dot_general3A_8 {offsets = [0, 32], sizes = [1024, 8], strides = [1, 1]} : vector<1024x40xf32> to vector<1024x8xf32>
    %concatenate3A_154 = tpu.concatenate %slice3A_153, %broadcast_in_dim3A_33, %broadcast_in_dim3A_35 in 1 : vector<1024x8xf32>, vector<1024x1xf32>, vector<1024x7xf32> -> vector<1024x16xf32>
    %swap3A_155 = arith.constant 4 : index
    %swap3A_156 = arith.constant 0 : index
    %swap3A_157 = arith.constant 0 : index
    %swap3A_158 = vector.load %arg9[%swap3A_155, %swap3A_156, %swap3A_157] : memref<5x1024x16xf32, #tpu.memory_space<vmem>>, vector<1x1024x16xf32>
    %swap3A_159 = vector.shape_cast %swap3A_158 : vector<1x1024x16xf32> to vector<1024x16xf32>
    %swap3A_160 = vector.shape_cast %concatenate3A_154 : vector<1024x16xf32> to vector<1x1024x16xf32>
    tpu.vector_store %arg9[%swap3A_155, %swap3A_156, %swap3A_157], %swap3A_160 {strides = array<i32>} : memref<5x1024x16xf32, #tpu.memory_space<vmem>>, vector<1x1024x16xf32>,
    %slice3A_161 = vector.extract_strided_slice %dot_general3A_13 {offsets = [0, 32], sizes = [1024, 8], strides = [1, 1]} : vector<1024x40xf32> to vector<1024x8xf32>
    %concatenate3A_162 = tpu.concatenate %slice3A_161, %broadcast_in_dim3A_33, %broadcast_in_dim3A_35 in 1 : vector<1024x8xf32>, vector<1024x1xf32>, vector<1024x7xf32> -> vector<1024x16xf32>
    %swap3A_163 = arith.constant 4 : index
    %swap3A_164 = arith.constant 0 : index
    %swap3A_165 = arith.constant 0 : index
    %swap3A_166 = vector.load %arg10[%swap3A_163, %swap3A_164, %swap3A_165] : memref<5x1024x16xf32, #tpu.memory_space<vmem>>, vector<1x1024x16xf32>
    %swap3A_167 = vector.shape_cast %swap3A_166 : vector<1x1024x16xf32> to vector<1024x16xf32>
    %swap3A_168 = vector.shape_cast %concatenate3A_162 : vector<1024x16xf32> to vector<1x1024x16xf32>
    tpu.vector_store %arg10[%swap3A_163, %swap3A_164, %swap3A_165], %swap3A_168 {strides = array<i32>} : memref<5x1024x16xf32, #tpu.memory_space<vmem>>, vector<1x1024x16xf32>,
    %slice3A_169 = vector.extract_strided_slice %add3A_22 {offsets = [0, 32], sizes = [1024, 8], strides = [1, 1]} : vector<1024x40xf32> to vector<1024x8xf32>
    %swap3A_170 = arith.constant 4 : index
    %swap3A_171 = arith.constant 0 : index
    %swap3A_172 = arith.constant 0 : index
    %swap3A_173 = vector.load %arg11[%swap3A_170, %swap3A_171, %swap3A_172] : memref<5x1024x8xf32, #tpu.memory_space<vmem>>, vector<1x1024x8xf32>
    %swap3A_174 = vector.shape_cast %swap3A_173 : vector<1x1024x8xf32> to vector<1024x8xf32>
    %swap3A_175 = vector.shape_cast %slice3A_169 : vector<1024x8xf32> to vector<1x1024x8xf32>
    tpu.vector_store %arg11[%swap3A_170, %swap3A_171, %swap3A_172], %swap3A_175 {strides = array<i32>} : memref<5x1024x8xf32, #tpu.memory_space<vmem>>, vector<1x1024x8xf32>,
    %slice3A_176 = vector.extract_strided_slice %add3A_32 {offsets = [0, 32], sizes = [1024, 8], strides = [1, 1]} : vector<1024x40xf32> to vector<1024x8xf32>
    %swap3A_177 = arith.constant 4 : index
    %swap3A_178 = arith.constant 0 : index
    %swap3A_179 = arith.constant 0 : index
    %swap3A_180 = vector.load %arg12[%swap3A_177, %swap3A_178, %swap3A_179] : memref<5x1024x8xf32, #tpu.memory_space<vmem>>, vector<1x1024x8xf32>
    %swap3A_181 = vector.shape_cast %swap3A_180 : vector<1x1024x8xf32> to vector<1024x8xf32>
    %swap3A_182 = vector.shape_cast %slice3A_176 : vector<1024x8xf32> to vector<1x1024x8xf32>
    tpu.vector_store %arg12[%swap3A_177, %swap3A_178, %swap3A_179], %swap3A_182 {strides = array<i32>} : memref<5x1024x8xf32, #tpu.memory_space<vmem>>, vector<1x1024x8xf32>,
    return
  }
  func.func @transform_0(%arg0: i32) -> (i32, i32) {
    %c0_i32 = arith.constant 0 : i32
    %c0_i32_0 = arith.constant 0 : i32
    return %arg0, %c0_i32 : i32, i32
  }
  func.func @transform_1(%arg0: i32) -> (i32, i32) {
    %c0_i32 = arith.constant 0 : i32
    %c0_i32_0 = arith.constant 0 : i32
    return %arg0, %c0_i32 : i32, i32
  }
  func.func @transform_2(%arg0: i32) -> (i32, i32) {
    %c0_i32 = arith.constant 0 : i32
    %c0_i32_0 = arith.constant 0 : i32
    %c0_i32_1 = arith.constant 0 : i32
    return %c0_i32, %c0_i32_0 : i32, i32
  }
  func.func @transform_3(%arg0: i32) -> (i32, i32) {
    %c0_i32 = arith.constant 0 : i32
    %c0_i32_0 = arith.constant 0 : i32
    %c0_i32_1 = arith.constant 0 : i32
    return %c0_i32, %c0_i32_0 : i32, i32
  }
  func.func @transform_4(%arg0: i32) -> (i32, i32) {
    %c0_i32 = arith.constant 0 : i32
    %c0_i32_0 = arith.constant 0 : i32
    %c0_i32_1 = arith.constant 0 : i32
    return %c0_i32, %c0_i32_0 : i32, i32
  }
  func.func @transform_5(%arg0: i32) -> (i32, i32) {
    %c0_i32 = arith.constant 0 : i32
    %c0_i32_0 = arith.constant 0 : i32
    %c0_i32_1 = arith.constant 0 : i32
    return %c0_i32, %c0_i32_0 : i32, i32
  }
  func.func @transform_6(%arg0: i32) -> (i32, i32) {
    %c0_i32 = arith.constant 0 : i32
    %c0_i32_0 = arith.constant 0 : i32
    %c0_i32_1 = arith.constant 0 : i32
    return %c0_i32, %c0_i32_0 : i32, i32
  }
  func.func @transform_7(%arg0: i32) -> (i32, i32) {
    %c0_i32 = arith.constant 0 : i32
    %c0_i32_0 = arith.constant 0 : i32
    %c0_i32_1 = arith.constant 0 : i32
    return %c0_i32, %c0_i32_0 : i32, i32
  }
  func.func @transform_8(%arg0: i32) -> (i32, i32, i32) {
    %c0_i32 = arith.constant 0 : i32
    %c0_i32_0 = arith.constant 0 : i32
    %c0_i32_1 = arith.constant 0 : i32
    return %c0_i32, %arg0, %c0_i32_0 : i32, i32, i32
  }
  func.func @transform_9(%arg0: i32) -> (i32, i32, i32) {
    %c0_i32 = arith.constant 0 : i32
    %c0_i32_0 = arith.constant 0 : i32
    %c0_i32_1 = arith.constant 0 : i32
    return %c0_i32, %arg0, %c0_i32_0 : i32, i32, i32
  }
  func.func @transform_10(%arg0: i32) -> (i32, i32, i32) {
    %c0_i32 = arith.constant 0 : i32
    %c0_i32_0 = arith.constant 0 : i32
    %c0_i32_1 = arith.constant 0 : i32
    return %c0_i32, %arg0, %c0_i32_0 : i32, i32, i32
  }
  func.func @transform_11(%arg0: i32) -> (i32, i32, i32) {
    %c0_i32 = arith.constant 0 : i32
    %c0_i32_0 = arith.constant 0 : i32
    %c0_i32_1 = arith.constant 0 : i32
    return %c0_i32, %arg0, %c0_i32_0 : i32, i32, i32
  }
}

module attributes {stable_mosaic.version = 14 : i64} {
  func.func @_normalize_body(%arg0: i32, %arg1: memref<2x5x1024x16xf32, #tpu.memory_space<vmem>>, %arg2: memref<5x1024x8xf32, #tpu.memory_space<vmem>>, %arg3: memref<5x1024x8xf32, #tpu.memory_space<vmem>>, %arg4: memref<1024x48xf32, #tpu.memory_space<vmem>>, %arg5: memref<1024x48xf32, #tpu.memory_space<vmem>>) attributes {dimension_semantics = [#tpu.dimension_semantics<arbitrary>], iteration_bounds = array<i64: 5>, scalar_prefetch = 0 : i64, scratch_operands = 0 : i64, tpu.core_type = #tpu.core_type<tc>, window_params = [{transform_indices = @transform_0, window_bounds = array<i64: 2, 5, 1024, 16>}, {transform_indices = @transform_1, window_bounds = array<i64: 5, 1024, 8>}, {transform_indices = @transform_2, window_bounds = array<i64: 5, 1024, 8>}, {transform_indices = @transform_3, window_bounds = array<i64: 1024, 48>}, {transform_indices = @transform_4, window_bounds = array<i64: 1024, 48>}]} {
    %broadcast_in_dim3A = arith.constant 0.000000e+00 : f32
    %broadcast_in_dim3A_0 = vector.broadcast %broadcast_in_dim3A : f32 to vector<1024x8xf32>
    %get3A = arith.constant 0 : index
    %get3A_1 = arith.constant 0 : index
    %get3A_2 = arith.constant 0 : index
    %get3A_3 = arith.constant 0 : index
    %get3A_4 = vector.load %arg1[%get3A, %get3A_1, %get3A_2, %get3A_3] : memref<2x5x1024x16xf32, #tpu.memory_space<vmem>>, vector<1x1x1024x16xf32>
    %get3A_5 = vector.shape_cast %get3A_4 : vector<1x1x1024x16xf32> to vector<1024x16xf32>
    %slice3A = vector.extract_strided_slice %get3A_5 {offsets = [0, 0], sizes = [1024, 8], strides = [1, 1]} : vector<1024x16xf32> to vector<1024x8xf32>
    %slice3A_6 = vector.extract_strided_slice %get3A_5 {offsets = [0, 8], sizes = [1024, 1], strides = [1, 1]} : vector<1024x16xf32> to vector<1024x1xf32>
    %max3A = arith.constant 1.000000e+00 : f32
    %max3A_7 = vector.broadcast %max3A : f32 to vector<1024x1xf32>
    %max3A_8 = arith.maximumf %slice3A_6, %max3A_7 : vector<1024x1xf32>
    %div3A = vector.broadcast %max3A_8 : vector<1024x1xf32> to vector<1024x8xf32>
    %div3A_9 = arith.divf %slice3A, %div3A : vector<1024x8xf32>
    %get3A_10 = arith.constant 0 : index
    %get3A_11 = arith.constant 0 : index
    %get3A_12 = arith.constant 0 : index
    %get3A_13 = vector.load %arg2[%get3A_10, %get3A_11, %get3A_12] : memref<5x1024x8xf32, #tpu.memory_space<vmem>>, vector<1x1024x8xf32>
    %get3A_14 = vector.shape_cast %get3A_13 : vector<1x1024x8xf32> to vector<1024x8xf32>
    %add3A = arith.addf %get3A_14, %div3A_9 : vector<1024x8xf32>
    %max3A_15 = arith.constant 0.000000e+00 : f32
    %max3A_16 = vector.broadcast %max3A_15 : f32 to vector<1024x8xf32>
    %max3A_17 = arith.maximumf %add3A, %max3A_16 : vector<1024x8xf32>
    %mul3A = arith.mulf %max3A_17, %max3A_17 : vector<1024x8xf32>
    %reduce_sum3A = arith.constant dense<0.000000e+00> : vector<1024xf32>
    %reduce_sum3A_18 = vector.multi_reduction <add>, %mul3A, %reduce_sum3A [1] : vector<1024x8xf32> to vector<1024xf32>
    %broadcast_in_dim3A_19 = vector.shape_cast %reduce_sum3A_18 : vector<1024xf32> to vector<1024x1xf32>
    %sqrt3A = math.sqrt %broadcast_in_dim3A_19 : vector<1024x1xf32>
    %max3A_20 = arith.constant 9.99999996E-13 : f32
    %max3A_21 = vector.broadcast %max3A_20 : f32 to vector<1024x1xf32>
    %max3A_22 = arith.maximumf %sqrt3A, %max3A_21 : vector<1024x1xf32>
    %div3A_23 = vector.broadcast %max3A_22 : vector<1024x1xf32> to vector<1024x8xf32>
    %div3A_24 = arith.divf %max3A_17, %div3A_23 : vector<1024x8xf32>
    %get3A_25 = arith.constant 0 : index
    %get3A_26 = arith.constant 1 : index
    %get3A_27 = arith.constant 0 : index
    %get3A_28 = arith.constant 0 : index
    %get3A_29 = vector.load %arg1[%get3A_25, %get3A_26, %get3A_27, %get3A_28] : memref<2x5x1024x16xf32, #tpu.memory_space<vmem>>, vector<1x1x1024x16xf32>
    %get3A_30 = vector.shape_cast %get3A_29 : vector<1x1x1024x16xf32> to vector<1024x16xf32>
    %slice3A_31 = vector.extract_strided_slice %get3A_30 {offsets = [0, 0], sizes = [1024, 8], strides = [1, 1]} : vector<1024x16xf32> to vector<1024x8xf32>
    %slice3A_32 = vector.extract_strided_slice %get3A_30 {offsets = [0, 8], sizes = [1024, 1], strides = [1, 1]} : vector<1024x16xf32> to vector<1024x1xf32>
    %max3A_33 = arith.constant 1.000000e+00 : f32
    %max3A_34 = vector.broadcast %max3A_33 : f32 to vector<1024x1xf32>
    %max3A_35 = arith.maximumf %slice3A_32, %max3A_34 : vector<1024x1xf32>
    %div3A_36 = vector.broadcast %max3A_35 : vector<1024x1xf32> to vector<1024x8xf32>
    %div3A_37 = arith.divf %slice3A_31, %div3A_36 : vector<1024x8xf32>
    %get3A_38 = arith.constant 1 : index
    %get3A_39 = arith.constant 0 : index
    %get3A_40 = arith.constant 0 : index
    %get3A_41 = vector.load %arg2[%get3A_38, %get3A_39, %get3A_40] : memref<5x1024x8xf32, #tpu.memory_space<vmem>>, vector<1x1024x8xf32>
    %get3A_42 = vector.shape_cast %get3A_41 : vector<1x1024x8xf32> to vector<1024x8xf32>
    %add3A_43 = arith.addf %get3A_42, %div3A_37 : vector<1024x8xf32>
    %max3A_44 = arith.constant 0.000000e+00 : f32
    %max3A_45 = vector.broadcast %max3A_44 : f32 to vector<1024x8xf32>
    %max3A_46 = arith.maximumf %add3A_43, %max3A_45 : vector<1024x8xf32>
    %mul3A_47 = arith.mulf %max3A_46, %max3A_46 : vector<1024x8xf32>
    %reduce_sum3A_48 = arith.constant dense<0.000000e+00> : vector<1024xf32>
    %reduce_sum3A_49 = vector.multi_reduction <add>, %mul3A_47, %reduce_sum3A_48 [1] : vector<1024x8xf32> to vector<1024xf32>
    %broadcast_in_dim3A_50 = vector.shape_cast %reduce_sum3A_49 : vector<1024xf32> to vector<1024x1xf32>
    %sqrt3A_51 = math.sqrt %broadcast_in_dim3A_50 : vector<1024x1xf32>
    %max3A_52 = arith.constant 9.99999996E-13 : f32
    %max3A_53 = vector.broadcast %max3A_52 : f32 to vector<1024x1xf32>
    %max3A_54 = arith.maximumf %sqrt3A_51, %max3A_53 : vector<1024x1xf32>
    %div3A_55 = vector.broadcast %max3A_54 : vector<1024x1xf32> to vector<1024x8xf32>
    %div3A_56 = arith.divf %max3A_46, %div3A_55 : vector<1024x8xf32>
    %get3A_57 = arith.constant 0 : index
    %get3A_58 = arith.constant 2 : index
    %get3A_59 = arith.constant 0 : index
    %get3A_60 = arith.constant 0 : index
    %get3A_61 = vector.load %arg1[%get3A_57, %get3A_58, %get3A_59, %get3A_60] : memref<2x5x1024x16xf32, #tpu.memory_space<vmem>>, vector<1x1x1024x16xf32>
    %get3A_62 = vector.shape_cast %get3A_61 : vector<1x1x1024x16xf32> to vector<1024x16xf32>
    %slice3A_63 = vector.extract_strided_slice %get3A_62 {offsets = [0, 0], sizes = [1024, 8], strides = [1, 1]} : vector<1024x16xf32> to vector<1024x8xf32>
    %slice3A_64 = vector.extract_strided_slice %get3A_62 {offsets = [0, 8], sizes = [1024, 1], strides = [1, 1]} : vector<1024x16xf32> to vector<1024x1xf32>
    %max3A_65 = arith.constant 1.000000e+00 : f32
    %max3A_66 = vector.broadcast %max3A_65 : f32 to vector<1024x1xf32>
    %max3A_67 = arith.maximumf %slice3A_64, %max3A_66 : vector<1024x1xf32>
    %div3A_68 = vector.broadcast %max3A_67 : vector<1024x1xf32> to vector<1024x8xf32>
    %div3A_69 = arith.divf %slice3A_63, %div3A_68 : vector<1024x8xf32>
    %get3A_70 = arith.constant 2 : index
    %get3A_71 = arith.constant 0 : index
    %get3A_72 = arith.constant 0 : index
    %get3A_73 = vector.load %arg2[%get3A_70, %get3A_71, %get3A_72] : memref<5x1024x8xf32, #tpu.memory_space<vmem>>, vector<1x1024x8xf32>
    %get3A_74 = vector.shape_cast %get3A_73 : vector<1x1024x8xf32> to vector<1024x8xf32>
    %add3A_75 = arith.addf %get3A_74, %div3A_69 : vector<1024x8xf32>
    %max3A_76 = arith.constant 0.000000e+00 : f32
    %max3A_77 = vector.broadcast %max3A_76 : f32 to vector<1024x8xf32>
    %max3A_78 = arith.maximumf %add3A_75, %max3A_77 : vector<1024x8xf32>
    %mul3A_79 = arith.mulf %max3A_78, %max3A_78 : vector<1024x8xf32>
    %reduce_sum3A_80 = arith.constant dense<0.000000e+00> : vector<1024xf32>
    %reduce_sum3A_81 = vector.multi_reduction <add>, %mul3A_79, %reduce_sum3A_80 [1] : vector<1024x8xf32> to vector<1024xf32>
    %broadcast_in_dim3A_82 = vector.shape_cast %reduce_sum3A_81 : vector<1024xf32> to vector<1024x1xf32>
    %sqrt3A_83 = math.sqrt %broadcast_in_dim3A_82 : vector<1024x1xf32>
    %max3A_84 = arith.constant 9.99999996E-13 : f32
    %max3A_85 = vector.broadcast %max3A_84 : f32 to vector<1024x1xf32>
    %max3A_86 = arith.maximumf %sqrt3A_83, %max3A_85 : vector<1024x1xf32>
    %div3A_87 = vector.broadcast %max3A_86 : vector<1024x1xf32> to vector<1024x8xf32>
    %div3A_88 = arith.divf %max3A_78, %div3A_87 : vector<1024x8xf32>
    %get3A_89 = arith.constant 0 : index
    %get3A_90 = arith.constant 3 : index
    %get3A_91 = arith.constant 0 : index
    %get3A_92 = arith.constant 0 : index
    %get3A_93 = vector.load %arg1[%get3A_89, %get3A_90, %get3A_91, %get3A_92] : memref<2x5x1024x16xf32, #tpu.memory_space<vmem>>, vector<1x1x1024x16xf32>
    %get3A_94 = vector.shape_cast %get3A_93 : vector<1x1x1024x16xf32> to vector<1024x16xf32>
    %slice3A_95 = vector.extract_strided_slice %get3A_94 {offsets = [0, 0], sizes = [1024, 8], strides = [1, 1]} : vector<1024x16xf32> to vector<1024x8xf32>
    %slice3A_96 = vector.extract_strided_slice %get3A_94 {offsets = [0, 8], sizes = [1024, 1], strides = [1, 1]} : vector<1024x16xf32> to vector<1024x1xf32>
    %max3A_97 = arith.constant 1.000000e+00 : f32
    %max3A_98 = vector.broadcast %max3A_97 : f32 to vector<1024x1xf32>
    %max3A_99 = arith.maximumf %slice3A_96, %max3A_98 : vector<1024x1xf32>
    %div3A_100 = vector.broadcast %max3A_99 : vector<1024x1xf32> to vector<1024x8xf32>
    %div3A_101 = arith.divf %slice3A_95, %div3A_100 : vector<1024x8xf32>
    %get3A_102 = arith.constant 3 : index
    %get3A_103 = arith.constant 0 : index
    %get3A_104 = arith.constant 0 : index
    %get3A_105 = vector.load %arg2[%get3A_102, %get3A_103, %get3A_104] : memref<5x1024x8xf32, #tpu.memory_space<vmem>>, vector<1x1024x8xf32>
    %get3A_106 = vector.shape_cast %get3A_105 : vector<1x1024x8xf32> to vector<1024x8xf32>
    %add3A_107 = arith.addf %get3A_106, %div3A_101 : vector<1024x8xf32>
    %max3A_108 = arith.constant 0.000000e+00 : f32
    %max3A_109 = vector.broadcast %max3A_108 : f32 to vector<1024x8xf32>
    %max3A_110 = arith.maximumf %add3A_107, %max3A_109 : vector<1024x8xf32>
    %mul3A_111 = arith.mulf %max3A_110, %max3A_110 : vector<1024x8xf32>
    %reduce_sum3A_112 = arith.constant dense<0.000000e+00> : vector<1024xf32>
    %reduce_sum3A_113 = vector.multi_reduction <add>, %mul3A_111, %reduce_sum3A_112 [1] : vector<1024x8xf32> to vector<1024xf32>
    %broadcast_in_dim3A_114 = vector.shape_cast %reduce_sum3A_113 : vector<1024xf32> to vector<1024x1xf32>
    %sqrt3A_115 = math.sqrt %broadcast_in_dim3A_114 : vector<1024x1xf32>
    %max3A_116 = arith.constant 9.99999996E-13 : f32
    %max3A_117 = vector.broadcast %max3A_116 : f32 to vector<1024x1xf32>
    %max3A_118 = arith.maximumf %sqrt3A_115, %max3A_117 : vector<1024x1xf32>
    %div3A_119 = vector.broadcast %max3A_118 : vector<1024x1xf32> to vector<1024x8xf32>
    %div3A_120 = arith.divf %max3A_110, %div3A_119 : vector<1024x8xf32>
    %get3A_121 = arith.constant 0 : index
    %get3A_122 = arith.constant 4 : index
    %get3A_123 = arith.constant 0 : index
    %get3A_124 = arith.constant 0 : index
    %get3A_125 = vector.load %arg1[%get3A_121, %get3A_122, %get3A_123, %get3A_124] : memref<2x5x1024x16xf32, #tpu.memory_space<vmem>>, vector<1x1x1024x16xf32>
    %get3A_126 = vector.shape_cast %get3A_125 : vector<1x1x1024x16xf32> to vector<1024x16xf32>
    %slice3A_127 = vector.extract_strided_slice %get3A_126 {offsets = [0, 0], sizes = [1024, 8], strides = [1, 1]} : vector<1024x16xf32> to vector<1024x8xf32>
    %slice3A_128 = vector.extract_strided_slice %get3A_126 {offsets = [0, 8], sizes = [1024, 1], strides = [1, 1]} : vector<1024x16xf32> to vector<1024x1xf32>
    %max3A_129 = arith.constant 1.000000e+00 : f32
    %max3A_130 = vector.broadcast %max3A_129 : f32 to vector<1024x1xf32>
    %max3A_131 = arith.maximumf %slice3A_128, %max3A_130 : vector<1024x1xf32>
    %div3A_132 = vector.broadcast %max3A_131 : vector<1024x1xf32> to vector<1024x8xf32>
    %div3A_133 = arith.divf %slice3A_127, %div3A_132 : vector<1024x8xf32>
    %get3A_134 = arith.constant 4 : index
    %get3A_135 = arith.constant 0 : index
    %get3A_136 = arith.constant 0 : index
    %get3A_137 = vector.load %arg2[%get3A_134, %get3A_135, %get3A_136] : memref<5x1024x8xf32, #tpu.memory_space<vmem>>, vector<1x1024x8xf32>
    %get3A_138 = vector.shape_cast %get3A_137 : vector<1x1024x8xf32> to vector<1024x8xf32>
    %add3A_139 = arith.addf %get3A_138, %div3A_133 : vector<1024x8xf32>
    %max3A_140 = arith.constant 0.000000e+00 : f32
    %max3A_141 = vector.broadcast %max3A_140 : f32 to vector<1024x8xf32>
    %max3A_142 = arith.maximumf %add3A_139, %max3A_141 : vector<1024x8xf32>
    %mul3A_143 = arith.mulf %max3A_142, %max3A_142 : vector<1024x8xf32>
    %reduce_sum3A_144 = arith.constant dense<0.000000e+00> : vector<1024xf32>
    %reduce_sum3A_145 = vector.multi_reduction <add>, %mul3A_143, %reduce_sum3A_144 [1] : vector<1024x8xf32> to vector<1024xf32>
    %broadcast_in_dim3A_146 = vector.shape_cast %reduce_sum3A_145 : vector<1024xf32> to vector<1024x1xf32>
    %sqrt3A_147 = math.sqrt %broadcast_in_dim3A_146 : vector<1024x1xf32>
    %max3A_148 = arith.constant 9.99999996E-13 : f32
    %max3A_149 = vector.broadcast %max3A_148 : f32 to vector<1024x1xf32>
    %max3A_150 = arith.maximumf %sqrt3A_147, %max3A_149 : vector<1024x1xf32>
    %div3A_151 = vector.broadcast %max3A_150 : vector<1024x1xf32> to vector<1024x8xf32>
    %div3A_152 = arith.divf %max3A_142, %div3A_151 : vector<1024x8xf32>
    %concatenate3A = tpu.concatenate %div3A_24, %div3A_56, %div3A_88, %div3A_120, %div3A_152, %broadcast_in_dim3A_0 in 1 : vector<1024x8xf32>, vector<1024x8xf32>, vector<1024x8xf32>, vector<1024x8xf32>, vector<1024x8xf32>, vector<1024x8xf32> -> vector<1024x48xf32>
    %swap3A = arith.constant 0 : index
    %swap3A_153 = arith.constant 0 : index
    %swap3A_154 = vector.load %arg4[%swap3A, %swap3A_153] : memref<1024x48xf32, #tpu.memory_space<vmem>>, vector<1024x48xf32>
    tpu.vector_store %arg4[%swap3A, %swap3A_153], %concatenate3A {strides = array<i32>} : memref<1024x48xf32, #tpu.memory_space<vmem>>, vector<1024x48xf32>,
    %get3A_155 = arith.constant 1 : index
    %get3A_156 = arith.constant 0 : index
    %get3A_157 = arith.constant 0 : index
    %get3A_158 = arith.constant 0 : index
    %get3A_159 = vector.load %arg1[%get3A_155, %get3A_156, %get3A_157, %get3A_158] : memref<2x5x1024x16xf32, #tpu.memory_space<vmem>>, vector<1x1x1024x16xf32>
    %get3A_160 = vector.shape_cast %get3A_159 : vector<1x1x1024x16xf32> to vector<1024x16xf32>
    %slice3A_161 = vector.extract_strided_slice %get3A_160 {offsets = [0, 0], sizes = [1024, 8], strides = [1, 1]} : vector<1024x16xf32> to vector<1024x8xf32>
    %slice3A_162 = vector.extract_strided_slice %get3A_160 {offsets = [0, 8], sizes = [1024, 1], strides = [1, 1]} : vector<1024x16xf32> to vector<1024x1xf32>
    %max3A_163 = arith.constant 1.000000e+00 : f32
    %max3A_164 = vector.broadcast %max3A_163 : f32 to vector<1024x1xf32>
    %max3A_165 = arith.maximumf %slice3A_162, %max3A_164 : vector<1024x1xf32>
    %div3A_166 = vector.broadcast %max3A_165 : vector<1024x1xf32> to vector<1024x8xf32>
    %div3A_167 = arith.divf %slice3A_161, %div3A_166 : vector<1024x8xf32>
    %get3A_168 = arith.constant 0 : index
    %get3A_169 = arith.constant 0 : index
    %get3A_170 = arith.constant 0 : index
    %get3A_171 = vector.load %arg3[%get3A_168, %get3A_169, %get3A_170] : memref<5x1024x8xf32, #tpu.memory_space<vmem>>, vector<1x1024x8xf32>
    %get3A_172 = vector.shape_cast %get3A_171 : vector<1x1024x8xf32> to vector<1024x8xf32>
    %add3A_173 = arith.addf %get3A_172, %div3A_167 : vector<1024x8xf32>
    %max3A_174 = arith.constant 0.000000e+00 : f32
    %max3A_175 = vector.broadcast %max3A_174 : f32 to vector<1024x8xf32>
    %max3A_176 = arith.maximumf %add3A_173, %max3A_175 : vector<1024x8xf32>
    %mul3A_177 = arith.mulf %max3A_176, %max3A_176 : vector<1024x8xf32>
    %reduce_sum3A_178 = arith.constant dense<0.000000e+00> : vector<1024xf32>
    %reduce_sum3A_179 = vector.multi_reduction <add>, %mul3A_177, %reduce_sum3A_178 [1] : vector<1024x8xf32> to vector<1024xf32>
    %broadcast_in_dim3A_180 = vector.shape_cast %reduce_sum3A_179 : vector<1024xf32> to vector<1024x1xf32>
    %sqrt3A_181 = math.sqrt %broadcast_in_dim3A_180 : vector<1024x1xf32>
    %max3A_182 = arith.constant 9.99999996E-13 : f32
    %max3A_183 = vector.broadcast %max3A_182 : f32 to vector<1024x1xf32>
    %max3A_184 = arith.maximumf %sqrt3A_181, %max3A_183 : vector<1024x1xf32>
    %div3A_185 = vector.broadcast %max3A_184 : vector<1024x1xf32> to vector<1024x8xf32>
    %div3A_186 = arith.divf %max3A_176, %div3A_185 : vector<1024x8xf32>
    %get3A_187 = arith.constant 1 : index
    %get3A_188 = arith.constant 1 : index
    %get3A_189 = arith.constant 0 : index
    %get3A_190 = arith.constant 0 : index
    %get3A_191 = vector.load %arg1[%get3A_187, %get3A_188, %get3A_189, %get3A_190] : memref<2x5x1024x16xf32, #tpu.memory_space<vmem>>, vector<1x1x1024x16xf32>
    %get3A_192 = vector.shape_cast %get3A_191 : vector<1x1x1024x16xf32> to vector<1024x16xf32>
    %slice3A_193 = vector.extract_strided_slice %get3A_192 {offsets = [0, 0], sizes = [1024, 8], strides = [1, 1]} : vector<1024x16xf32> to vector<1024x8xf32>
    %slice3A_194 = vector.extract_strided_slice %get3A_192 {offsets = [0, 8], sizes = [1024, 1], strides = [1, 1]} : vector<1024x16xf32> to vector<1024x1xf32>
    %max3A_195 = arith.constant 1.000000e+00 : f32
    %max3A_196 = vector.broadcast %max3A_195 : f32 to vector<1024x1xf32>
    %max3A_197 = arith.maximumf %slice3A_194, %max3A_196 : vector<1024x1xf32>
    %div3A_198 = vector.broadcast %max3A_197 : vector<1024x1xf32> to vector<1024x8xf32>
    %div3A_199 = arith.divf %slice3A_193, %div3A_198 : vector<1024x8xf32>
    %get3A_200 = arith.constant 1 : index
    %get3A_201 = arith.constant 0 : index
    %get3A_202 = arith.constant 0 : index
    %get3A_203 = vector.load %arg3[%get3A_200, %get3A_201, %get3A_202] : memref<5x1024x8xf32, #tpu.memory_space<vmem>>, vector<1x1024x8xf32>
    %get3A_204 = vector.shape_cast %get3A_203 : vector<1x1024x8xf32> to vector<1024x8xf32>
    %add3A_205 = arith.addf %get3A_204, %div3A_199 : vector<1024x8xf32>
    %max3A_206 = arith.constant 0.000000e+00 : f32
    %max3A_207 = vector.broadcast %max3A_206 : f32 to vector<1024x8xf32>
    %max3A_208 = arith.maximumf %add3A_205, %max3A_207 : vector<1024x8xf32>
    %mul3A_209 = arith.mulf %max3A_208, %max3A_208 : vector<1024x8xf32>
    %reduce_sum3A_210 = arith.constant dense<0.000000e+00> : vector<1024xf32>
    %reduce_sum3A_211 = vector.multi_reduction <add>, %mul3A_209, %reduce_sum3A_210 [1] : vector<1024x8xf32> to vector<1024xf32>
    %broadcast_in_dim3A_212 = vector.shape_cast %reduce_sum3A_211 : vector<1024xf32> to vector<1024x1xf32>
    %sqrt3A_213 = math.sqrt %broadcast_in_dim3A_212 : vector<1024x1xf32>
    %max3A_214 = arith.constant 9.99999996E-13 : f32
    %max3A_215 = vector.broadcast %max3A_214 : f32 to vector<1024x1xf32>
    %max3A_216 = arith.maximumf %sqrt3A_213, %max3A_215 : vector<1024x1xf32>
    %div3A_217 = vector.broadcast %max3A_216 : vector<1024x1xf32> to vector<1024x8xf32>
    %div3A_218 = arith.divf %max3A_208, %div3A_217 : vector<1024x8xf32>
    %get3A_219 = arith.constant 1 : index
    %get3A_220 = arith.constant 2 : index
    %get3A_221 = arith.constant 0 : index
    %get3A_222 = arith.constant 0 : index
    %get3A_223 = vector.load %arg1[%get3A_219, %get3A_220, %get3A_221, %get3A_222] : memref<2x5x1024x16xf32, #tpu.memory_space<vmem>>, vector<1x1x1024x16xf32>
    %get3A_224 = vector.shape_cast %get3A_223 : vector<1x1x1024x16xf32> to vector<1024x16xf32>
    %slice3A_225 = vector.extract_strided_slice %get3A_224 {offsets = [0, 0], sizes = [1024, 8], strides = [1, 1]} : vector<1024x16xf32> to vector<1024x8xf32>
    %slice3A_226 = vector.extract_strided_slice %get3A_224 {offsets = [0, 8], sizes = [1024, 1], strides = [1, 1]} : vector<1024x16xf32> to vector<1024x1xf32>
    %max3A_227 = arith.constant 1.000000e+00 : f32
    %max3A_228 = vector.broadcast %max3A_227 : f32 to vector<1024x1xf32>
    %max3A_229 = arith.maximumf %slice3A_226, %max3A_228 : vector<1024x1xf32>
    %div3A_230 = vector.broadcast %max3A_229 : vector<1024x1xf32> to vector<1024x8xf32>
    %div3A_231 = arith.divf %slice3A_225, %div3A_230 : vector<1024x8xf32>
    %get3A_232 = arith.constant 2 : index
    %get3A_233 = arith.constant 0 : index
    %get3A_234 = arith.constant 0 : index
    %get3A_235 = vector.load %arg3[%get3A_232, %get3A_233, %get3A_234] : memref<5x1024x8xf32, #tpu.memory_space<vmem>>, vector<1x1024x8xf32>
    %get3A_236 = vector.shape_cast %get3A_235 : vector<1x1024x8xf32> to vector<1024x8xf32>
    %add3A_237 = arith.addf %get3A_236, %div3A_231 : vector<1024x8xf32>
    %max3A_238 = arith.constant 0.000000e+00 : f32
    %max3A_239 = vector.broadcast %max3A_238 : f32 to vector<1024x8xf32>
    %max3A_240 = arith.maximumf %add3A_237, %max3A_239 : vector<1024x8xf32>
    %mul3A_241 = arith.mulf %max3A_240, %max3A_240 : vector<1024x8xf32>
    %reduce_sum3A_242 = arith.constant dense<0.000000e+00> : vector<1024xf32>
    %reduce_sum3A_243 = vector.multi_reduction <add>, %mul3A_241, %reduce_sum3A_242 [1] : vector<1024x8xf32> to vector<1024xf32>
    %broadcast_in_dim3A_244 = vector.shape_cast %reduce_sum3A_243 : vector<1024xf32> to vector<1024x1xf32>
    %sqrt3A_245 = math.sqrt %broadcast_in_dim3A_244 : vector<1024x1xf32>
    %max3A_246 = arith.constant 9.99999996E-13 : f32
    %max3A_247 = vector.broadcast %max3A_246 : f32 to vector<1024x1xf32>
    %max3A_248 = arith.maximumf %sqrt3A_245, %max3A_247 : vector<1024x1xf32>
    %div3A_249 = vector.broadcast %max3A_248 : vector<1024x1xf32> to vector<1024x8xf32>
    %div3A_250 = arith.divf %max3A_240, %div3A_249 : vector<1024x8xf32>
    %get3A_251 = arith.constant 1 : index
    %get3A_252 = arith.constant 3 : index
    %get3A_253 = arith.constant 0 : index
    %get3A_254 = arith.constant 0 : index
    %get3A_255 = vector.load %arg1[%get3A_251, %get3A_252, %get3A_253, %get3A_254] : memref<2x5x1024x16xf32, #tpu.memory_space<vmem>>, vector<1x1x1024x16xf32>
    %get3A_256 = vector.shape_cast %get3A_255 : vector<1x1x1024x16xf32> to vector<1024x16xf32>
    %slice3A_257 = vector.extract_strided_slice %get3A_256 {offsets = [0, 0], sizes = [1024, 8], strides = [1, 1]} : vector<1024x16xf32> to vector<1024x8xf32>
    %slice3A_258 = vector.extract_strided_slice %get3A_256 {offsets = [0, 8], sizes = [1024, 1], strides = [1, 1]} : vector<1024x16xf32> to vector<1024x1xf32>
    %max3A_259 = arith.constant 1.000000e+00 : f32
    %max3A_260 = vector.broadcast %max3A_259 : f32 to vector<1024x1xf32>
    %max3A_261 = arith.maximumf %slice3A_258, %max3A_260 : vector<1024x1xf32>
    %div3A_262 = vector.broadcast %max3A_261 : vector<1024x1xf32> to vector<1024x8xf32>
    %div3A_263 = arith.divf %slice3A_257, %div3A_262 : vector<1024x8xf32>
    %get3A_264 = arith.constant 3 : index
    %get3A_265 = arith.constant 0 : index
    %get3A_266 = arith.constant 0 : index
    %get3A_267 = vector.load %arg3[%get3A_264, %get3A_265, %get3A_266] : memref<5x1024x8xf32, #tpu.memory_space<vmem>>, vector<1x1024x8xf32>
    %get3A_268 = vector.shape_cast %get3A_267 : vector<1x1024x8xf32> to vector<1024x8xf32>
    %add3A_269 = arith.addf %get3A_268, %div3A_263 : vector<1024x8xf32>
    %max3A_270 = arith.constant 0.000000e+00 : f32
    %max3A_271 = vector.broadcast %max3A_270 : f32 to vector<1024x8xf32>
    %max3A_272 = arith.maximumf %add3A_269, %max3A_271 : vector<1024x8xf32>
    %mul3A_273 = arith.mulf %max3A_272, %max3A_272 : vector<1024x8xf32>
    %reduce_sum3A_274 = arith.constant dense<0.000000e+00> : vector<1024xf32>
    %reduce_sum3A_275 = vector.multi_reduction <add>, %mul3A_273, %reduce_sum3A_274 [1] : vector<1024x8xf32> to vector<1024xf32>
    %broadcast_in_dim3A_276 = vector.shape_cast %reduce_sum3A_275 : vector<1024xf32> to vector<1024x1xf32>
    %sqrt3A_277 = math.sqrt %broadcast_in_dim3A_276 : vector<1024x1xf32>
    %max3A_278 = arith.constant 9.99999996E-13 : f32
    %max3A_279 = vector.broadcast %max3A_278 : f32 to vector<1024x1xf32>
    %max3A_280 = arith.maximumf %sqrt3A_277, %max3A_279 : vector<1024x1xf32>
    %div3A_281 = vector.broadcast %max3A_280 : vector<1024x1xf32> to vector<1024x8xf32>
    %div3A_282 = arith.divf %max3A_272, %div3A_281 : vector<1024x8xf32>
    %get3A_283 = arith.constant 1 : index
    %get3A_284 = arith.constant 4 : index
    %get3A_285 = arith.constant 0 : index
    %get3A_286 = arith.constant 0 : index
    %get3A_287 = vector.load %arg1[%get3A_283, %get3A_284, %get3A_285, %get3A_286] : memref<2x5x1024x16xf32, #tpu.memory_space<vmem>>, vector<1x1x1024x16xf32>
    %get3A_288 = vector.shape_cast %get3A_287 : vector<1x1x1024x16xf32> to vector<1024x16xf32>
    %slice3A_289 = vector.extract_strided_slice %get3A_288 {offsets = [0, 0], sizes = [1024, 8], strides = [1, 1]} : vector<1024x16xf32> to vector<1024x8xf32>
    %slice3A_290 = vector.extract_strided_slice %get3A_288 {offsets = [0, 8], sizes = [1024, 1], strides = [1, 1]} : vector<1024x16xf32> to vector<1024x1xf32>
    %max3A_291 = arith.constant 1.000000e+00 : f32
    %max3A_292 = vector.broadcast %max3A_291 : f32 to vector<1024x1xf32>
    %max3A_293 = arith.maximumf %slice3A_290, %max3A_292 : vector<1024x1xf32>
    %div3A_294 = vector.broadcast %max3A_293 : vector<1024x1xf32> to vector<1024x8xf32>
    %div3A_295 = arith.divf %slice3A_289, %div3A_294 : vector<1024x8xf32>
    %get3A_296 = arith.constant 4 : index
    %get3A_297 = arith.constant 0 : index
    %get3A_298 = arith.constant 0 : index
    %get3A_299 = vector.load %arg3[%get3A_296, %get3A_297, %get3A_298] : memref<5x1024x8xf32, #tpu.memory_space<vmem>>, vector<1x1024x8xf32>
    %get3A_300 = vector.shape_cast %get3A_299 : vector<1x1024x8xf32> to vector<1024x8xf32>
    %add3A_301 = arith.addf %get3A_300, %div3A_295 : vector<1024x8xf32>
    %max3A_302 = arith.constant 0.000000e+00 : f32
    %max3A_303 = vector.broadcast %max3A_302 : f32 to vector<1024x8xf32>
    %max3A_304 = arith.maximumf %add3A_301, %max3A_303 : vector<1024x8xf32>
    %mul3A_305 = arith.mulf %max3A_304, %max3A_304 : vector<1024x8xf32>
    %reduce_sum3A_306 = arith.constant dense<0.000000e+00> : vector<1024xf32>
    %reduce_sum3A_307 = vector.multi_reduction <add>, %mul3A_305, %reduce_sum3A_306 [1] : vector<1024x8xf32> to vector<1024xf32>
    %broadcast_in_dim3A_308 = vector.shape_cast %reduce_sum3A_307 : vector<1024xf32> to vector<1024x1xf32>
    %sqrt3A_309 = math.sqrt %broadcast_in_dim3A_308 : vector<1024x1xf32>
    %max3A_310 = arith.constant 9.99999996E-13 : f32
    %max3A_311 = vector.broadcast %max3A_310 : f32 to vector<1024x1xf32>
    %max3A_312 = arith.maximumf %sqrt3A_309, %max3A_311 : vector<1024x1xf32>
    %div3A_313 = vector.broadcast %max3A_312 : vector<1024x1xf32> to vector<1024x8xf32>
    %div3A_314 = arith.divf %max3A_304, %div3A_313 : vector<1024x8xf32>
    %concatenate3A_315 = tpu.concatenate %div3A_186, %div3A_218, %div3A_250, %div3A_282, %div3A_314, %broadcast_in_dim3A_0 in 1 : vector<1024x8xf32>, vector<1024x8xf32>, vector<1024x8xf32>, vector<1024x8xf32>, vector<1024x8xf32>, vector<1024x8xf32> -> vector<1024x48xf32>
    %swap3A_316 = arith.constant 0 : index
    %swap3A_317 = arith.constant 0 : index
    %swap3A_318 = vector.load %arg5[%swap3A_316, %swap3A_317] : memref<1024x48xf32, #tpu.memory_space<vmem>>, vector<1024x48xf32>
    tpu.vector_store %arg5[%swap3A_316, %swap3A_317], %concatenate3A_315 {strides = array<i32>} : memref<1024x48xf32, #tpu.memory_space<vmem>>, vector<1024x48xf32>,
    return
  }
  func.func @transform_0(%arg0: i32) -> (i32, i32, i32, i32) {
    %c0_i32 = arith.constant 0 : i32
    %c0_i32_0 = arith.constant 0 : i32
    %c0_i32_1 = arith.constant 0 : i32
    %c0_i32_2 = arith.constant 0 : i32
    return %c0_i32, %c0_i32_0, %arg0, %c0_i32_1 : i32, i32, i32, i32
  }
  func.func @transform_1(%arg0: i32) -> (i32, i32, i32) {
    %c0_i32 = arith.constant 0 : i32
    %c0_i32_0 = arith.constant 0 : i32
    %c0_i32_1 = arith.constant 0 : i32
    return %c0_i32, %arg0, %c0_i32_0 : i32, i32, i32
  }
  func.func @transform_2(%arg0: i32) -> (i32, i32, i32) {
    %c0_i32 = arith.constant 0 : i32
    %c0_i32_0 = arith.constant 0 : i32
    %c0_i32_1 = arith.constant 0 : i32
    return %c0_i32, %arg0, %c0_i32_0 : i32, i32, i32
  }
  func.func @transform_3(%arg0: i32) -> (i32, i32) {
    %c0_i32 = arith.constant 0 : i32
    %c0_i32_0 = arith.constant 0 : i32
    return %arg0, %c0_i32 : i32, i32
  }
  func.func @transform_4(%arg0: i32) -> (i32, i32) {
    %c0_i32 = arith.constant 0 : i32
    %c0_i32_0 = arith.constant 0 : i32
    return %arg0, %c0_i32 : i32, i32
  }
}

module attributes {stable_mosaic.version = 14 : i64} {
  func.func @_decoder_body(%arg0: i32, %arg1: memref<3x2000x128xf32, #tpu.memory_space<vmem>>, %arg2: memref<40x200xf32, #tpu.memory_space<vmem>>, %arg3: memref<200x5xf32, #tpu.memory_space<vmem>>, %arg4: memref<40x200xf32, #tpu.memory_space<vmem>>, %arg5: memref<2000x5xf32, #tpu.memory_space<vmem>>, %arg6: memref<2000x5xf32, #tpu.memory_space<vmem>>, %arg7: memref<2000x5xf32, #tpu.memory_space<vmem>>) attributes {dimension_semantics = [#tpu.dimension_semantics<arbitrary>], iteration_bounds = array<i64: 32>, scalar_prefetch = 0 : i64, scratch_operands = 0 : i64, tpu.core_type = #tpu.core_type<tc>, window_params = [{transform_indices = @transform_0, window_bounds = array<i64: 3, 2000, 128>}, {pipeline_mode = #tpu.pipeline_mode<synchronous>, transform_indices = @transform_1, window_bounds = array<i64: 40, 200>}, {pipeline_mode = #tpu.pipeline_mode<synchronous>, transform_indices = @transform_2, window_bounds = array<i64: 200, 5>}, {pipeline_mode = #tpu.pipeline_mode<synchronous>, transform_indices = @transform_3, window_bounds = array<i64: 40, 200>}, {transform_indices = @transform_4, window_bounds = array<i64: 2000, 5>}, {transform_indices = @transform_5, window_bounds = array<i64: 2000, 5>}, {transform_indices = @transform_6, window_bounds = array<i64: 2000, 5>}]} {
    %get3A = arith.constant 0 : index
    %get3A_0 = arith.constant 0 : index
    %get3A_1 = arith.constant 0 : index
    %get3A_2 = vector.load %arg1[%get3A, %get3A_0, %get3A_1] : memref<3x2000x128xf32, #tpu.memory_space<vmem>>, vector<1x2000x40xf32>
    %get3A_3 = vector.shape_cast %get3A_2 : vector<1x2000x40xf32> to vector<2000x40xf32>
    %get3A_4 = arith.constant 0 : index
    %get3A_5 = arith.constant 0 : index
    %get3A_6 = arith.constant 48 : index
    %get3A_7 = vector.load %arg1[%get3A_4, %get3A_5, %get3A_6] : memref<3x2000x128xf32, #tpu.memory_space<vmem>>, vector<1x2000x40xf32>
    %get3A_8 = vector.shape_cast %get3A_7 : vector<1x2000x40xf32> to vector<2000x40xf32>
    %get3A_9 = arith.constant 0 : index
    %get3A_10 = arith.constant 0 : index
    %get3A_11 = vector.load %arg2[%get3A_9, %get3A_10] : memref<40x200xf32, #tpu.memory_space<vmem>>, vector<40x200xf32>
    %dot_general3A = arith.constant dense<0.000000e+00> : vector<2000x200xf32>
    %dot_general3A_12 = tpu.matmul %get3A_3, %get3A_11, %dot_general3A {dimension_numbers = #tpu.dot_dimension_numbers<[1], [0], [0], [1], [0, 0, 1, 1], [], []>, transpose_lhs_hint = false} : vector<2000x40xf32>, vector<40x200xf32>, vector<2000x200xf32> -> vector<2000x200xf32>
    %get3A_13 = arith.constant 0 : index
    %get3A_14 = arith.constant 0 : index
    %get3A_15 = vector.load %arg4[%get3A_13, %get3A_14] : memref<40x200xf32, #tpu.memory_space<vmem>>, vector<40x200xf32>
    %dot_general3A_16 = arith.constant dense<0.000000e+00> : vector<2000x200xf32>
    %dot_general3A_17 = tpu.matmul %get3A_8, %get3A_15, %dot_general3A_16 {dimension_numbers = #tpu.dot_dimension_numbers<[1], [0], [0], [1], [0, 0, 1, 1], [], []>, transpose_lhs_hint = false} : vector<2000x40xf32>, vector<40x200xf32>, vector<2000x200xf32> -> vector<2000x200xf32>
    %mul3A = arith.mulf %dot_general3A_12, %dot_general3A_17 : vector<2000x200xf32>
    %get3A_18 = arith.constant 0 : index
    %get3A_19 = arith.constant 0 : index
    %get3A_20 = vector.load %arg3[%get3A_18, %get3A_19] : memref<200x5xf32, #tpu.memory_space<vmem>>, vector<200x5xf32>
    %dot_general3A_21 = arith.constant dense<0.000000e+00> : vector<2000x5xf32>
    %dot_general3A_22 = tpu.matmul %mul3A, %get3A_20, %dot_general3A_21 {dimension_numbers = #tpu.dot_dimension_numbers<[1], [0], [0], [1], [0, 0, 1, 1], [], []>, transpose_lhs_hint = false} : vector<2000x200xf32>, vector<200x5xf32>, vector<2000x5xf32> -> vector<2000x5xf32>
    %reduce_max3A = arith.constant dense<0xFF800000> : vector<2000xf32>
    %reduce_max3A_23 = vector.multi_reduction <maximumf>, %dot_general3A_22, %reduce_max3A [1] : vector<2000x5xf32> to vector<2000xf32>
    %broadcast_in_dim3A = vector.shape_cast %reduce_max3A_23 : vector<2000xf32> to vector<2000x1xf32>
    %sub3A = vector.broadcast %broadcast_in_dim3A : vector<2000x1xf32> to vector<2000x5xf32>
    %sub3A_24 = arith.subf %dot_general3A_22, %sub3A : vector<2000x5xf32>
    %exp3A = math.exp %sub3A_24 : vector<2000x5xf32>
    %reduce_sum3A = arith.constant dense<0.000000e+00> : vector<2000xf32>
    %reduce_sum3A_25 = vector.multi_reduction <add>, %exp3A, %reduce_sum3A [1] : vector<2000x5xf32> to vector<2000xf32>
    %broadcast_in_dim3A_26 = vector.shape_cast %reduce_sum3A_25 : vector<2000xf32> to vector<2000x1xf32>
    %log3A = math.log %broadcast_in_dim3A_26 : vector<2000x1xf32>
    %sub3A_27 = vector.broadcast %broadcast_in_dim3A : vector<2000x1xf32> to vector<2000x5xf32>
    %sub3A_28 = arith.subf %dot_general3A_22, %sub3A_27 : vector<2000x5xf32>
    %sub3A_29 = vector.broadcast %log3A : vector<2000x1xf32> to vector<2000x5xf32>
    %sub3A_30 = arith.subf %sub3A_28, %sub3A_29 : vector<2000x5xf32>
    %swap3A = arith.constant 0 : index
    %swap3A_31 = arith.constant 0 : index
    %swap3A_32 = vector.load %arg5[%swap3A, %swap3A_31] : memref<2000x5xf32, #tpu.memory_space<vmem>>, vector<2000x5xf32>
    tpu.vector_store %arg5[%swap3A, %swap3A_31], %sub3A_30 {strides = array<i32>} : memref<2000x5xf32, #tpu.memory_space<vmem>>, vector<2000x5xf32>,
    %get3A_33 = arith.constant 1 : index
    %get3A_34 = arith.constant 0 : index
    %get3A_35 = arith.constant 0 : index
    %get3A_36 = vector.load %arg1[%get3A_33, %get3A_34, %get3A_35] : memref<3x2000x128xf32, #tpu.memory_space<vmem>>, vector<1x2000x40xf32>
    %get3A_37 = vector.shape_cast %get3A_36 : vector<1x2000x40xf32> to vector<2000x40xf32>
    %get3A_38 = arith.constant 1 : index
    %get3A_39 = arith.constant 0 : index
    %get3A_40 = arith.constant 48 : index
    %get3A_41 = vector.load %arg1[%get3A_38, %get3A_39, %get3A_40] : memref<3x2000x128xf32, #tpu.memory_space<vmem>>, vector<1x2000x40xf32>
    %get3A_42 = vector.shape_cast %get3A_41 : vector<1x2000x40xf32> to vector<2000x40xf32>
    %get3A_43 = arith.constant 0 : index
    %get3A_44 = arith.constant 0 : index
    %get3A_45 = vector.load %arg2[%get3A_43, %get3A_44] : memref<40x200xf32, #tpu.memory_space<vmem>>, vector<40x200xf32>
    %dot_general3A_46 = arith.constant dense<0.000000e+00> : vector<2000x200xf32>
    %dot_general3A_47 = tpu.matmul %get3A_37, %get3A_45, %dot_general3A_46 {dimension_numbers = #tpu.dot_dimension_numbers<[1], [0], [0], [1], [0, 0, 1, 1], [], []>, transpose_lhs_hint = false} : vector<2000x40xf32>, vector<40x200xf32>, vector<2000x200xf32> -> vector<2000x200xf32>
    %get3A_48 = arith.constant 0 : index
    %get3A_49 = arith.constant 0 : index
    %get3A_50 = vector.load %arg4[%get3A_48, %get3A_49] : memref<40x200xf32, #tpu.memory_space<vmem>>, vector<40x200xf32>
    %dot_general3A_51 = arith.constant dense<0.000000e+00> : vector<2000x200xf32>
    %dot_general3A_52 = tpu.matmul %get3A_42, %get3A_50, %dot_general3A_51 {dimension_numbers = #tpu.dot_dimension_numbers<[1], [0], [0], [1], [0, 0, 1, 1], [], []>, transpose_lhs_hint = false} : vector<2000x40xf32>, vector<40x200xf32>, vector<2000x200xf32> -> vector<2000x200xf32>
    %mul3A_53 = arith.mulf %dot_general3A_47, %dot_general3A_52 : vector<2000x200xf32>
    %get3A_54 = arith.constant 0 : index
    %get3A_55 = arith.constant 0 : index
    %get3A_56 = vector.load %arg3[%get3A_54, %get3A_55] : memref<200x5xf32, #tpu.memory_space<vmem>>, vector<200x5xf32>
    %dot_general3A_57 = arith.constant dense<0.000000e+00> : vector<2000x5xf32>
    %dot_general3A_58 = tpu.matmul %mul3A_53, %get3A_56, %dot_general3A_57 {dimension_numbers = #tpu.dot_dimension_numbers<[1], [0], [0], [1], [0, 0, 1, 1], [], []>, transpose_lhs_hint = false} : vector<2000x200xf32>, vector<200x5xf32>, vector<2000x5xf32> -> vector<2000x5xf32>
    %reduce_max3A_59 = arith.constant dense<0xFF800000> : vector<2000xf32>
    %reduce_max3A_60 = vector.multi_reduction <maximumf>, %dot_general3A_58, %reduce_max3A_59 [1] : vector<2000x5xf32> to vector<2000xf32>
    %broadcast_in_dim3A_61 = vector.shape_cast %reduce_max3A_60 : vector<2000xf32> to vector<2000x1xf32>
    %sub3A_62 = vector.broadcast %broadcast_in_dim3A_61 : vector<2000x1xf32> to vector<2000x5xf32>
    %sub3A_63 = arith.subf %dot_general3A_58, %sub3A_62 : vector<2000x5xf32>
    %exp3A_64 = math.exp %sub3A_63 : vector<2000x5xf32>
    %reduce_sum3A_65 = arith.constant dense<0.000000e+00> : vector<2000xf32>
    %reduce_sum3A_66 = vector.multi_reduction <add>, %exp3A_64, %reduce_sum3A_65 [1] : vector<2000x5xf32> to vector<2000xf32>
    %broadcast_in_dim3A_67 = vector.shape_cast %reduce_sum3A_66 : vector<2000xf32> to vector<2000x1xf32>
    %log3A_68 = math.log %broadcast_in_dim3A_67 : vector<2000x1xf32>
    %sub3A_69 = vector.broadcast %broadcast_in_dim3A_61 : vector<2000x1xf32> to vector<2000x5xf32>
    %sub3A_70 = arith.subf %dot_general3A_58, %sub3A_69 : vector<2000x5xf32>
    %sub3A_71 = vector.broadcast %log3A_68 : vector<2000x1xf32> to vector<2000x5xf32>
    %sub3A_72 = arith.subf %sub3A_70, %sub3A_71 : vector<2000x5xf32>
    %swap3A_73 = arith.constant 0 : index
    %swap3A_74 = arith.constant 0 : index
    %swap3A_75 = vector.load %arg6[%swap3A_73, %swap3A_74] : memref<2000x5xf32, #tpu.memory_space<vmem>>, vector<2000x5xf32>
    tpu.vector_store %arg6[%swap3A_73, %swap3A_74], %sub3A_72 {strides = array<i32>} : memref<2000x5xf32, #tpu.memory_space<vmem>>, vector<2000x5xf32>,
    %get3A_76 = arith.constant 2 : index
    %get3A_77 = arith.constant 0 : index
    %get3A_78 = arith.constant 0 : index
    %get3A_79 = vector.load %arg1[%get3A_76, %get3A_77, %get3A_78] : memref<3x2000x128xf32, #tpu.memory_space<vmem>>, vector<1x2000x40xf32>
    %get3A_80 = vector.shape_cast %get3A_79 : vector<1x2000x40xf32> to vector<2000x40xf32>
    %get3A_81 = arith.constant 2 : index
    %get3A_82 = arith.constant 0 : index
    %get3A_83 = arith.constant 48 : index
    %get3A_84 = vector.load %arg1[%get3A_81, %get3A_82, %get3A_83] : memref<3x2000x128xf32, #tpu.memory_space<vmem>>, vector<1x2000x40xf32>
    %get3A_85 = vector.shape_cast %get3A_84 : vector<1x2000x40xf32> to vector<2000x40xf32>
    %get3A_86 = arith.constant 0 : index
    %get3A_87 = arith.constant 0 : index
    %get3A_88 = vector.load %arg2[%get3A_86, %get3A_87] : memref<40x200xf32, #tpu.memory_space<vmem>>, vector<40x200xf32>
    %dot_general3A_89 = arith.constant dense<0.000000e+00> : vector<2000x200xf32>
    %dot_general3A_90 = tpu.matmul %get3A_80, %get3A_88, %dot_general3A_89 {dimension_numbers = #tpu.dot_dimension_numbers<[1], [0], [0], [1], [0, 0, 1, 1], [], []>, transpose_lhs_hint = false} : vector<2000x40xf32>, vector<40x200xf32>, vector<2000x200xf32> -> vector<2000x200xf32>
    %get3A_91 = arith.constant 0 : index
    %get3A_92 = arith.constant 0 : index
    %get3A_93 = vector.load %arg4[%get3A_91, %get3A_92] : memref<40x200xf32, #tpu.memory_space<vmem>>, vector<40x200xf32>
    %dot_general3A_94 = arith.constant dense<0.000000e+00> : vector<2000x200xf32>
    %dot_general3A_95 = tpu.matmul %get3A_85, %get3A_93, %dot_general3A_94 {dimension_numbers = #tpu.dot_dimension_numbers<[1], [0], [0], [1], [0, 0, 1, 1], [], []>, transpose_lhs_hint = false} : vector<2000x40xf32>, vector<40x200xf32>, vector<2000x200xf32> -> vector<2000x200xf32>
    %mul3A_96 = arith.mulf %dot_general3A_90, %dot_general3A_95 : vector<2000x200xf32>
    %get3A_97 = arith.constant 0 : index
    %get3A_98 = arith.constant 0 : index
    %get3A_99 = vector.load %arg3[%get3A_97, %get3A_98] : memref<200x5xf32, #tpu.memory_space<vmem>>, vector<200x5xf32>
    %dot_general3A_100 = arith.constant dense<0.000000e+00> : vector<2000x5xf32>
    %dot_general3A_101 = tpu.matmul %mul3A_96, %get3A_99, %dot_general3A_100 {dimension_numbers = #tpu.dot_dimension_numbers<[1], [0], [0], [1], [0, 0, 1, 1], [], []>, transpose_lhs_hint = false} : vector<2000x200xf32>, vector<200x5xf32>, vector<2000x5xf32> -> vector<2000x5xf32>
    %reduce_max3A_102 = arith.constant dense<0xFF800000> : vector<2000xf32>
    %reduce_max3A_103 = vector.multi_reduction <maximumf>, %dot_general3A_101, %reduce_max3A_102 [1] : vector<2000x5xf32> to vector<2000xf32>
    %broadcast_in_dim3A_104 = vector.shape_cast %reduce_max3A_103 : vector<2000xf32> to vector<2000x1xf32>
    %sub3A_105 = vector.broadcast %broadcast_in_dim3A_104 : vector<2000x1xf32> to vector<2000x5xf32>
    %sub3A_106 = arith.subf %dot_general3A_101, %sub3A_105 : vector<2000x5xf32>
    %exp3A_107 = math.exp %sub3A_106 : vector<2000x5xf32>
    %reduce_sum3A_108 = arith.constant dense<0.000000e+00> : vector<2000xf32>
    %reduce_sum3A_109 = vector.multi_reduction <add>, %exp3A_107, %reduce_sum3A_108 [1] : vector<2000x5xf32> to vector<2000xf32>
    %broadcast_in_dim3A_110 = vector.shape_cast %reduce_sum3A_109 : vector<2000xf32> to vector<2000x1xf32>
    %log3A_111 = math.log %broadcast_in_dim3A_110 : vector<2000x1xf32>
    %sub3A_112 = vector.broadcast %broadcast_in_dim3A_104 : vector<2000x1xf32> to vector<2000x5xf32>
    %sub3A_113 = arith.subf %dot_general3A_101, %sub3A_112 : vector<2000x5xf32>
    %sub3A_114 = vector.broadcast %log3A_111 : vector<2000x1xf32> to vector<2000x5xf32>
    %sub3A_115 = arith.subf %sub3A_113, %sub3A_114 : vector<2000x5xf32>
    %swap3A_116 = arith.constant 0 : index
    %swap3A_117 = arith.constant 0 : index
    %swap3A_118 = vector.load %arg7[%swap3A_116, %swap3A_117] : memref<2000x5xf32, #tpu.memory_space<vmem>>, vector<2000x5xf32>
    tpu.vector_store %arg7[%swap3A_116, %swap3A_117], %sub3A_115 {strides = array<i32>} : memref<2000x5xf32, #tpu.memory_space<vmem>>, vector<2000x5xf32>,
    return
  }
  func.func @transform_0(%arg0: i32) -> (i32, i32, i32) {
    %c0_i32 = arith.constant 0 : i32
    %c0_i32_0 = arith.constant 0 : i32
    %c0_i32_1 = arith.constant 0 : i32
    return %c0_i32, %arg0, %c0_i32_0 : i32, i32, i32
  }
  func.func @transform_1(%arg0: i32) -> (i32, i32) {
    %c0_i32 = arith.constant 0 : i32
    %c0_i32_0 = arith.constant 0 : i32
    %c0_i32_1 = arith.constant 0 : i32
    return %c0_i32, %c0_i32_0 : i32, i32
  }
  func.func @transform_2(%arg0: i32) -> (i32, i32) {
    %c0_i32 = arith.constant 0 : i32
    %c0_i32_0 = arith.constant 0 : i32
    %c0_i32_1 = arith.constant 0 : i32
    return %c0_i32, %c0_i32_0 : i32, i32
  }
  func.func @transform_3(%arg0: i32) -> (i32, i32) {
    %c0_i32 = arith.constant 0 : i32
    %c0_i32_0 = arith.constant 0 : i32
    %c0_i32_1 = arith.constant 0 : i32
    return %c0_i32, %c0_i32_0 : i32, i32
  }
  func.func @transform_4(%arg0: i32) -> (i32, i32) {
    %c0_i32 = arith.constant 0 : i32
    %c0_i32_0 = arith.constant 0 : i32
    return %arg0, %c0_i32 : i32, i32
  }
  func.func @transform_5(%arg0: i32) -> (i32, i32) {
    %c0_i32 = arith.constant 0 : i32
    %c0_i32_0 = arith.constant 0 : i32
    return %arg0, %c0_i32 : i32, i32
  }
  func.func @transform_6(%arg0: i32) -> (i32, i32) {
    %c0_i32 = arith.constant 0 : i32
    %c0_i32_0 = arith.constant 0 : i32
    return %arg0, %c0_i32 : i32, i32
  }
}

module attributes {stable_mosaic.version = 14 : i64} {
  func.func @_decoder_body(%arg0: i32, %arg1: memref<2x2000x128xf32, #tpu.memory_space<vmem>>, %arg2: memref<40x200xf32, #tpu.memory_space<vmem>>, %arg3: memref<200x5xf32, #tpu.memory_space<vmem>>, %arg4: memref<40x200xf32, #tpu.memory_space<vmem>>, %arg5: memref<2000x5xf32, #tpu.memory_space<vmem>>, %arg6: memref<2000x5xf32, #tpu.memory_space<vmem>>) attributes {dimension_semantics = [#tpu.dimension_semantics<arbitrary>], iteration_bounds = array<i64: 32>, scalar_prefetch = 0 : i64, scratch_operands = 0 : i64, tpu.core_type = #tpu.core_type<tc>, window_params = [{transform_indices = @transform_0, window_bounds = array<i64: 2, 2000, 128>}, {pipeline_mode = #tpu.pipeline_mode<synchronous>, transform_indices = @transform_1, window_bounds = array<i64: 40, 200>}, {pipeline_mode = #tpu.pipeline_mode<synchronous>, transform_indices = @transform_2, window_bounds = array<i64: 200, 5>}, {pipeline_mode = #tpu.pipeline_mode<synchronous>, transform_indices = @transform_3, window_bounds = array<i64: 40, 200>}, {transform_indices = @transform_4, window_bounds = array<i64: 2000, 5>}, {transform_indices = @transform_5, window_bounds = array<i64: 2000, 5>}]} {
    %get3A = arith.constant 0 : index
    %get3A_0 = arith.constant 0 : index
    %get3A_1 = arith.constant 0 : index
    %get3A_2 = vector.load %arg1[%get3A, %get3A_0, %get3A_1] : memref<2x2000x128xf32, #tpu.memory_space<vmem>>, vector<1x2000x40xf32>
    %get3A_3 = vector.shape_cast %get3A_2 : vector<1x2000x40xf32> to vector<2000x40xf32>
    %get3A_4 = arith.constant 0 : index
    %get3A_5 = arith.constant 0 : index
    %get3A_6 = arith.constant 48 : index
    %get3A_7 = vector.load %arg1[%get3A_4, %get3A_5, %get3A_6] : memref<2x2000x128xf32, #tpu.memory_space<vmem>>, vector<1x2000x40xf32>
    %get3A_8 = vector.shape_cast %get3A_7 : vector<1x2000x40xf32> to vector<2000x40xf32>
    %get3A_9 = arith.constant 0 : index
    %get3A_10 = arith.constant 0 : index
    %get3A_11 = vector.load %arg2[%get3A_9, %get3A_10] : memref<40x200xf32, #tpu.memory_space<vmem>>, vector<40x200xf32>
    %dot_general3A = arith.constant dense<0.000000e+00> : vector<2000x200xf32>
    %dot_general3A_12 = tpu.matmul %get3A_3, %get3A_11, %dot_general3A {dimension_numbers = #tpu.dot_dimension_numbers<[1], [0], [0], [1], [0, 0, 1, 1], [], []>, transpose_lhs_hint = false} : vector<2000x40xf32>, vector<40x200xf32>, vector<2000x200xf32> -> vector<2000x200xf32>
    %get3A_13 = arith.constant 0 : index
    %get3A_14 = arith.constant 0 : index
    %get3A_15 = vector.load %arg4[%get3A_13, %get3A_14] : memref<40x200xf32, #tpu.memory_space<vmem>>, vector<40x200xf32>
    %dot_general3A_16 = arith.constant dense<0.000000e+00> : vector<2000x200xf32>
    %dot_general3A_17 = tpu.matmul %get3A_8, %get3A_15, %dot_general3A_16 {dimension_numbers = #tpu.dot_dimension_numbers<[1], [0], [0], [1], [0, 0, 1, 1], [], []>, transpose_lhs_hint = false} : vector<2000x40xf32>, vector<40x200xf32>, vector<2000x200xf32> -> vector<2000x200xf32>
    %mul3A = arith.mulf %dot_general3A_12, %dot_general3A_17 : vector<2000x200xf32>
    %get3A_18 = arith.constant 0 : index
    %get3A_19 = arith.constant 0 : index
    %get3A_20 = vector.load %arg3[%get3A_18, %get3A_19] : memref<200x5xf32, #tpu.memory_space<vmem>>, vector<200x5xf32>
    %dot_general3A_21 = arith.constant dense<0.000000e+00> : vector<2000x5xf32>
    %dot_general3A_22 = tpu.matmul %mul3A, %get3A_20, %dot_general3A_21 {dimension_numbers = #tpu.dot_dimension_numbers<[1], [0], [0], [1], [0, 0, 1, 1], [], []>, transpose_lhs_hint = false} : vector<2000x200xf32>, vector<200x5xf32>, vector<2000x5xf32> -> vector<2000x5xf32>
    %reduce_max3A = arith.constant dense<0xFF800000> : vector<2000xf32>
    %reduce_max3A_23 = vector.multi_reduction <maximumf>, %dot_general3A_22, %reduce_max3A [1] : vector<2000x5xf32> to vector<2000xf32>
    %broadcast_in_dim3A = vector.shape_cast %reduce_max3A_23 : vector<2000xf32> to vector<2000x1xf32>
    %sub3A = vector.broadcast %broadcast_in_dim3A : vector<2000x1xf32> to vector<2000x5xf32>
    %sub3A_24 = arith.subf %dot_general3A_22, %sub3A : vector<2000x5xf32>
    %exp3A = math.exp %sub3A_24 : vector<2000x5xf32>
    %reduce_sum3A = arith.constant dense<0.000000e+00> : vector<2000xf32>
    %reduce_sum3A_25 = vector.multi_reduction <add>, %exp3A, %reduce_sum3A [1] : vector<2000x5xf32> to vector<2000xf32>
    %broadcast_in_dim3A_26 = vector.shape_cast %reduce_sum3A_25 : vector<2000xf32> to vector<2000x1xf32>
    %log3A = math.log %broadcast_in_dim3A_26 : vector<2000x1xf32>
    %sub3A_27 = vector.broadcast %broadcast_in_dim3A : vector<2000x1xf32> to vector<2000x5xf32>
    %sub3A_28 = arith.subf %dot_general3A_22, %sub3A_27 : vector<2000x5xf32>
    %sub3A_29 = vector.broadcast %log3A : vector<2000x1xf32> to vector<2000x5xf32>
    %sub3A_30 = arith.subf %sub3A_28, %sub3A_29 : vector<2000x5xf32>
    %swap3A = arith.constant 0 : index
    %swap3A_31 = arith.constant 0 : index
    %swap3A_32 = vector.load %arg5[%swap3A, %swap3A_31] : memref<2000x5xf32, #tpu.memory_space<vmem>>, vector<2000x5xf32>
    tpu.vector_store %arg5[%swap3A, %swap3A_31], %sub3A_30 {strides = array<i32>} : memref<2000x5xf32, #tpu.memory_space<vmem>>, vector<2000x5xf32>,
    %get3A_33 = arith.constant 1 : index
    %get3A_34 = arith.constant 0 : index
    %get3A_35 = arith.constant 0 : index
    %get3A_36 = vector.load %arg1[%get3A_33, %get3A_34, %get3A_35] : memref<2x2000x128xf32, #tpu.memory_space<vmem>>, vector<1x2000x40xf32>
    %get3A_37 = vector.shape_cast %get3A_36 : vector<1x2000x40xf32> to vector<2000x40xf32>
    %get3A_38 = arith.constant 1 : index
    %get3A_39 = arith.constant 0 : index
    %get3A_40 = arith.constant 48 : index
    %get3A_41 = vector.load %arg1[%get3A_38, %get3A_39, %get3A_40] : memref<2x2000x128xf32, #tpu.memory_space<vmem>>, vector<1x2000x40xf32>
    %get3A_42 = vector.shape_cast %get3A_41 : vector<1x2000x40xf32> to vector<2000x40xf32>
    %get3A_43 = arith.constant 0 : index
    %get3A_44 = arith.constant 0 : index
    %get3A_45 = vector.load %arg2[%get3A_43, %get3A_44] : memref<40x200xf32, #tpu.memory_space<vmem>>, vector<40x200xf32>
    %dot_general3A_46 = arith.constant dense<0.000000e+00> : vector<2000x200xf32>
    %dot_general3A_47 = tpu.matmul %get3A_37, %get3A_45, %dot_general3A_46 {dimension_numbers = #tpu.dot_dimension_numbers<[1], [0], [0], [1], [0, 0, 1, 1], [], []>, transpose_lhs_hint = false} : vector<2000x40xf32>, vector<40x200xf32>, vector<2000x200xf32> -> vector<2000x200xf32>
    %get3A_48 = arith.constant 0 : index
    %get3A_49 = arith.constant 0 : index
    %get3A_50 = vector.load %arg4[%get3A_48, %get3A_49] : memref<40x200xf32, #tpu.memory_space<vmem>>, vector<40x200xf32>
    %dot_general3A_51 = arith.constant dense<0.000000e+00> : vector<2000x200xf32>
    %dot_general3A_52 = tpu.matmul %get3A_42, %get3A_50, %dot_general3A_51 {dimension_numbers = #tpu.dot_dimension_numbers<[1], [0], [0], [1], [0, 0, 1, 1], [], []>, transpose_lhs_hint = false} : vector<2000x40xf32>, vector<40x200xf32>, vector<2000x200xf32> -> vector<2000x200xf32>
    %mul3A_53 = arith.mulf %dot_general3A_47, %dot_general3A_52 : vector<2000x200xf32>
    %get3A_54 = arith.constant 0 : index
    %get3A_55 = arith.constant 0 : index
    %get3A_56 = vector.load %arg3[%get3A_54, %get3A_55] : memref<200x5xf32, #tpu.memory_space<vmem>>, vector<200x5xf32>
    %dot_general3A_57 = arith.constant dense<0.000000e+00> : vector<2000x5xf32>
    %dot_general3A_58 = tpu.matmul %mul3A_53, %get3A_56, %dot_general3A_57 {dimension_numbers = #tpu.dot_dimension_numbers<[1], [0], [0], [1], [0, 0, 1, 1], [], []>, transpose_lhs_hint = false} : vector<2000x200xf32>, vector<200x5xf32>, vector<2000x5xf32> -> vector<2000x5xf32>
    %reduce_max3A_59 = arith.constant dense<0xFF800000> : vector<2000xf32>
    %reduce_max3A_60 = vector.multi_reduction <maximumf>, %dot_general3A_58, %reduce_max3A_59 [1] : vector<2000x5xf32> to vector<2000xf32>
    %broadcast_in_dim3A_61 = vector.shape_cast %reduce_max3A_60 : vector<2000xf32> to vector<2000x1xf32>
    %sub3A_62 = vector.broadcast %broadcast_in_dim3A_61 : vector<2000x1xf32> to vector<2000x5xf32>
    %sub3A_63 = arith.subf %dot_general3A_58, %sub3A_62 : vector<2000x5xf32>
    %exp3A_64 = math.exp %sub3A_63 : vector<2000x5xf32>
    %reduce_sum3A_65 = arith.constant dense<0.000000e+00> : vector<2000xf32>
    %reduce_sum3A_66 = vector.multi_reduction <add>, %exp3A_64, %reduce_sum3A_65 [1] : vector<2000x5xf32> to vector<2000xf32>
    %broadcast_in_dim3A_67 = vector.shape_cast %reduce_sum3A_66 : vector<2000xf32> to vector<2000x1xf32>
    %log3A_68 = math.log %broadcast_in_dim3A_67 : vector<2000x1xf32>
    %sub3A_69 = vector.broadcast %broadcast_in_dim3A_61 : vector<2000x1xf32> to vector<2000x5xf32>
    %sub3A_70 = arith.subf %dot_general3A_58, %sub3A_69 : vector<2000x5xf32>
    %sub3A_71 = vector.broadcast %log3A_68 : vector<2000x1xf32> to vector<2000x5xf32>
    %sub3A_72 = arith.subf %sub3A_70, %sub3A_71 : vector<2000x5xf32>
    %swap3A_73 = arith.constant 0 : index
    %swap3A_74 = arith.constant 0 : index
    %swap3A_75 = vector.load %arg6[%swap3A_73, %swap3A_74] : memref<2000x5xf32, #tpu.memory_space<vmem>>, vector<2000x5xf32>
    tpu.vector_store %arg6[%swap3A_73, %swap3A_74], %sub3A_72 {strides = array<i32>} : memref<2000x5xf32, #tpu.memory_space<vmem>>, vector<2000x5xf32>,
    return
  }
  func.func @transform_0(%arg0: i32) -> (i32, i32, i32) {
    %c0_i32 = arith.constant 0 : i32
    %c0_i32_0 = arith.constant 0 : i32
    %c0_i32_1 = arith.constant 0 : i32
    return %c0_i32, %arg0, %c0_i32_0 : i32, i32, i32
  }
  func.func @transform_1(%arg0: i32) -> (i32, i32) {
    %c0_i32 = arith.constant 0 : i32
    %c0_i32_0 = arith.constant 0 : i32
    %c0_i32_1 = arith.constant 0 : i32
    return %c0_i32, %c0_i32_0 : i32, i32
  }
  func.func @transform_2(%arg0: i32) -> (i32, i32) {
    %c0_i32 = arith.constant 0 : i32
    %c0_i32_0 = arith.constant 0 : i32
    %c0_i32_1 = arith.constant 0 : i32
    return %c0_i32, %c0_i32_0 : i32, i32
  }
  func.func @transform_3(%arg0: i32) -> (i32, i32) {
    %c0_i32 = arith.constant 0 : i32
    %c0_i32_0 = arith.constant 0 : i32
    %c0_i32_1 = arith.constant 0 : i32
    return %c0_i32, %c0_i32_0 : i32, i32
  }
  func.func @transform_4(%arg0: i32) -> (i32, i32) {
    %c0_i32 = arith.constant 0 : i32
    %c0_i32_0 = arith.constant 0 : i32
    return %arg0, %c0_i32 : i32, i32
  }
  func.func @transform_5(%arg0: i32) -> (i32, i32) {
    %c0_i32 = arith.constant 0 : i32
    %c0_i32_0 = arith.constant 0 : i32
    return %arg0, %c0_i32 : i32, i32
  }
}

</mosaic_0001>

<sc_bundles>
// kernel: kernel.12.cloned.1.call-start
scs
__scs_entry_jumppad:
0x0: {  	(pc) =	sbr.rel $0x88, $3  }
0x1: {  	(tag) =	ssettag $0x0;
	lr =	simm.s32 $0x1  }
0x2: {  	[smem:$0x3F96] =	sst lr;
	_ =	strace $0xD0000000  }
0x3: {  	_ = 	snop  }
0x4: {  	_ = 	snop  }
0x5: {  	_ = 	snop  }
0x6: {  	_ = 	snop  }
0x7: {  	_ = 	snop  }
__scs_overlays_trampoline_lowered:
0x8: {  	[smem:$0x3FA5] =	sst s0  }
0x9: {  	[smem:$0x3FA6] =	sst s1  }
0xa: {  	[smem:$0x3FA7] =	sst s2  }
0xb: {  	[smem:$0x3FA8] =	sst s3  }
0xc: {  	[smem:$0x3FA9] =	sst s4  }
0xd: {  	[smem:$0x3FAA] =	sst s5  }
0xe: {  	[smem:$0x3FAB] =	sst s6  }
0xf: {  	[smem:$0x3FAC] =	sst s7  }
0x10: {  	[smem:$0x3FAD] =	sst s8  }
0x11: {  	[smem:$0x3FAE] =	sst s9;
	s0 =	simm.s32 @!p0 $0x0  }
0x12: {  	s1 =	sld [smem:$0x3F94];
	s0 =	simm.s32 @p0 $0x1  }
0x13: {  	[smem:$0x3FAF] =	sst s0;
	s0 =	simm.s32 @!p1 $0x0  }
0x14: {  	s2 =	sld [smem:$0x3F93];
	s0 =	simm.s32 @p1 $0x1  }
0x15: {  	[smem:$0x3FB0] =	sst s0;
	s0 =	simm.s32 @!p2 $0x0  }
0x16: {  	s3 =	sld [smem:$0x3FDB];
	s0 =	simm.s32 @p2 $0x1  }
0x17: {  	s4 =	simm.s32 $0x1BF5;
	[smem:$0x3FB2] =	sst s0  }
0x18: {  	s0 =	sld [smem:$0x3F95];
	_ =	swait.ge [sflag:s4], $0x0  }
0x19: {  	s7 =	sld [smem:$0x3F96]  }
0x1a: {  	s8 =	sadd.s32 $0xFFFFE003, lr  }
0x1b: {  	s9 =	sadd.s32 $0xFFFFFEF7, lr;
	s5 =	simm.s32 $0xFFFFFFFF;
	p2 =	slt.u32 s8, $0xFFFFF086  }
0x1c: {  	p1 =	slt.u32 s9, $0xF7A;
	s5 =	simm.s32 @!p2 $0x0  }
0x1d: {  	s5 =	simm.s32 @p1 $0x1;
	p0 =	seq.s32 s7, s2  }
0x1e: {  	s7 =	smul.u32 @!p0 $0xF7A, s2;
	p2 =	seq.s32 @!p0 s5, $0x0  }
0x1f: {  	s9 =	smul.u32 $0xF7A, s1;
	s8 =	simm.s32 @!p0 $0x1BF5;
	p2 =	por !p2, p0  }
0x20: {  	[sflag:s8] =	ssyncset.s32 @!p0 $0xFFFFF086;
	s6 =	sadd.s32 @!p0 s3, s7;
	s7 =	simm.s32 @!p0 $0x108  }
0x21: {  	s3 =	sadd.s32 s3, s9;
	s6 =	sadd.s32 @!p0 $0x88, s6;
	s7 =	simm.s32 @p2 $0x1082  }
0x22: {  	[simem:s7], [sflag:s8] =	dma.local @!p0 [hbm:s6], $0xF7A  }
0x23: {  	s9 =	sor.u32 $0xD0000000, s2;
	s6 =	simm.s32 $0x108;
	_ =	swait.ge @!p0 [sflag:s8], $0x0  }
0x24: {  	s3 =	sadd.s32 $0x88, s3;
	s6 =	simm.s32 @!p1 $0x1082;
	[sflag:s4] =	ssyncset.s32 $0xFFFFF086  }
0x25: {  	[simem:s6], [sflag:s4] =	dma.local [hbm:s3], $0xF7A  }
0x26: {  	[smem:$0x3F96] =	sst s1;
	(tag) =	ssettag s2;
	_ =	strace s9  }
0x27: {  	s1 =	sld [smem:$0x3FA6]  }
0x28: {  	s2 =	sld [smem:$0x3FA7]  }
0x29: {  	s4 =	sld [smem:$0x3FA9]  }
0x2a: {  	p0 =	seq.s32 s5, $0x0;
	s5 =	sld [smem:$0x3FAA]  }
0x2b: {  	s6 =	sld [smem:$0x3FAB]  }
0x2c: {  	s7 =	sld [smem:$0x3FAC]  }
0x2d: {  	s3 =	simm.s32 $0x108;
	s8 =	sld [smem:$0x3FAD]  }
0x2e: {  	s3 =	simm.s32 @!p0 $0x1082;
	s9 =	sld [smem:$0x3FAE]  }
0x2f: {  	lr =	sadd.s32 s0, s3;
	s0 =	sld [smem:$0x3FA5]  }
0x30: {  	s3 =	sld [smem:$0x3FA8]  }
0x31: {  	[smem:$0x3FB1] =	sst s10  }
0x32: {  	s10 =	sld [smem:$0x3FAF];
	_ =	sdelay $0x3  }
0x33: {  	p0 =	seq.s32 s10, $0x1;
	s10 =	sld [smem:$0x3FB1];
	_ =	sdelay $0x3  }
0x34: {  	[smem:$0x3FB1] =	sst s10  }
0x35: {  	s10 =	sld [smem:$0x3FB0];
	_ =	sdelay $0x3  }
0x36: {  	p1 =	seq.s32 s10, $0x1;
	s10 =	sld [smem:$0x3FB1];
	_ =	sdelay $0x3  }
0x37: {  	[smem:$0x3FB1] =	sst s10  }
0x38: {  	s10 =	sld [smem:$0x3FB2]  }
0x39: {  	_ = 	snop;
	(pc) =	sbr.ind lr, $3  }
0x3a: {  	_ = 	snop  }
0x3b: {  	_ = 	snop  }
0x3c: {  	p2 =	seq.s32 s10, $0x1;
	s10 =	sld [smem:$0x3FB1]  }
0x3d: {  	_ =	shalt  }
0x3e: {  	_ =	shalt  }
0x3f: {  	_ =	shalt  }
0x40: {  	_ =	shalt  }
0x41: {  	_ =	shalt  }
0x42: {  	_ =	shalt  }
0x43: {  	_ =	shalt  }
0x44: {  	_ =	shalt  }
0x45: {  	_ =	shalt  }
0x46: {  	_ =	shalt  }
0x47: {  	_ =	shalt  }
0x48: {  	_ =	shalt  }
0x49: {  	_ =	shalt  }
0x4a: {  	_ =	shalt  }
0x4b: {  	_ =	shalt  }
0x4c: {  	_ =	shalt  }
0x4d: {  	_ =	shalt  }
0x4e: {  	_ =	shalt  }
0x4f: {  	_ =	shalt  }
0x50: {  	_ =	shalt  }
0x51: {  	_ =	shalt  }
0x52: {  	_ =	shalt  }
0x53: {  	_ =	shalt  }
0x54: {  	_ =	shalt  }
0x55: {  	_ =	shalt  }
0x56: {  	_ =	shalt  }
0x57: {  	_ =	shalt  }
0x58: {  	_ =	shalt  }
0x59: {  	_ =	shalt  }
0x5a: {  	_ =	shalt  }
0x5b: {  	_ =	shalt  }
0x5c: {  	_ =	shalt  }
0x5d: {  	_ =	shalt  }
0x5e: {  	_ =	shalt  }
0x5f: {  	_ =	shalt  }
0x60: {  	_ =	shalt  }
0x61: {  	_ =	shalt  }
0x62: {  	_ =	shalt  }
0x63: {  	_ =	shalt  }
0x64: {  	_ =	shalt  }
0x65: {  	_ =	shalt  }
0x66: {  	_ =	shalt  }
0x67: {  	_ =	shalt  }
0x68: {  	_ =	shalt  }
0x69: {  	_ =	shalt  }
0x6a: {  	_ =	shalt  }
0x6b: {  	_ =	shalt  }
0x6c: {  	_ =	shalt  }
0x6d: {  	_ =	shalt  }
0x6e: {  	_ =	shalt  }
0x6f: {  	_ =	shalt  }
0x70: {  	_ =	shalt  }
0x71: {  	_ =	shalt  }
0x72: {  	_ =	shalt  }
0x73: {  	_ =	shalt  }
0x74: {  	_ =	shalt  }
0x75: {  	_ =	shalt  }
0x76: {  	_ =	shalt  }
0x77: {  	_ =	shalt  }
0x78: {  	_ =	shalt  }
0x79: {  	_ =	shalt  }
0x7a: {  	_ =	shalt  }
0x7b: {  	_ =	shalt  }
0x7c: {  	_ =	shalt  }
0x7d: {  	_ =	shalt  }
0x7e: {  	_ =	shalt  }
0x7f: {  	_ =	shalt  }
0x80: {  	_ =	shalt  }
0x81: {  	_ =	shalt  }
0x82: {  	_ =	shalt  }
0x83: {  	_ =	shalt  }
0x84: {  	_ =	shalt  }
0x85: {  	_ =	shalt  }
0x86: {  	_ =	shalt  }
0x87: {  	_ =	shalt  }
.Lfunc_end0:
.L_simem_size_0:
called_computation.1_lowered:
.L_overlay_start_0:
0x88: {  	s2 =	sld [smem:$0x3FD9]  }
0x89: {  	s3 =	sld [smem:$0x3FFE];
	_ =	sdelay $0x1  }
0x8a: {  	s1 =	srdreg.scid  }
0x8b: {  	s0 =	sand.u32 $0x1, s1  }
0x8c: {  	s15 =	sshll.u32 s0, $0xA;
	s2 =	sadd.s32 s3, s2  }
0x8d: {  	s2 =	sadd.s32 s2, s15  }
0x8e: {  	[smem:$0x3FBD] =	sst s2  }
0x8f: {  	_ = 	snop  }
0x90: {  	s2 =	sld [smem:$0x3FD0];
	_ =	sdelay $0x2  }
0x91: {  	s4 =	simm.s32 $0xB;
	s16 =	simm.s32 $0x10  }
0x92: {  	[smem:s16], [sflag:s4] =	dma.local [hbm:s2], $0x1  }
0x93: {  	_ =	swait.eq [sflag:s4], $0x1  }
0x94: {  	[sflag:s4] =	ssyncset.done $0x0  }
0x95: {  	s17 =	sld [smem:$0x10];
	[sflag:s4] =	ssyncadd.s32 $0xFFFFFFFF  }
0x96: {  	s18 =	sld [smem:$0x11];
	(tm) =	ssettm $0x1  }
0x97: {  	s19 =	sld [smem:$0x3FFB];
	_ =	sdelay $0x3  }
0x98: {  	_ =	strace s19  }
0x99: {  	s2 =	sld [smem:$0x3FFC];
	_ =	sdelay $0x3  }
0x9a: {  	_ =	strace s2  }
0x9b: {  	s2 =	sld [smem:$0x3FFD];
	_ =	sdelay $0x3  }
0x9c: {  	_ =	strace s2  }
0x9d: {  	_ =	strace $0x8FFFFFFF  }
0x9e: {  	s20 =	sld [smem:$0x3FDB];
	_ =	sdelay $0x1  }
0x9f: {  	s5 =	simm.s32 $_scs_section_size  }
0xa0: {  	s6 =	simm.s32 $_size__tile_overlayer_lowered;
	s7 =	simm.s32 $_tile_overlayer_lowered  }
0xa1: {  	s8 =	simm.s32 $0x1BFF;
	s21 =	sshll.u32 s7, $0x1;
	s5 =	sadd.s32 s5, s20  }
0xa2: {  	s22 =	simm.s32 $0x0;
	s6 =	sshll.u32 s6, $0x1;
	s7 =	sadd.s32 s21, s5  }
0xa3: {  	[timem:s22], [sflag:s8] =	dma.local [hbm:s7], s6  }
0xa4: {  	_ =	swait.ge [sflag:s8], s6  }
0xa5: {  	s6 =	ssub.s32 $0x0, s6;
	[sflag:s8] =	ssyncset.done $0x0  }
0xa6: {  	[sflag:s8] =	ssyncadd.s32 s6;
	_ =	sdelay $0x1  }
0xa7: {  	s23 =	simm.s32 $0x1B8B  }
0xa8: {  	_ =	swait.ge [sflag:s23], $0x1  }
0xa9: {  	[sflag:s23] =	ssyncset.done $0x0  }
0xaa: {  	[sflag:s23] =	ssyncadd.s32 $0xFFFFFFFF  }
0xab: {  	s6 =	sld [smem:$0x0]  }
0xac: {  	s7 =	sand.u32 $0xFFFFFFFE, s1  }
0xad: {  	p0 =	sne.s32 s1, s7  }
0xae: {  	s7 =	sshll.u32 @p0 s7, $0xE  }
0xaf: {  	s7 =	sadd.s32 @p0 $0x11B8D, s7;
	s8 =	sshll.u32 @p0 s6, $0x11  }
0xb0: {  	s7 =	sor.u32 @p0 s8, s7  }
0xb1: {  	[sflag:s7] =	ssyncadd.remote.s32 @p0 $0x1;
	_ =	sdelay $0x1  }
0xb2: {  	s7 =	simm.s32 @p0 $0x1B8D  }
0xb3: {  	_ =	swait.eq @p0 [sflag:s7], $0x1  }
0xb4: {  	[sflag:s7] =	ssyncadd.s32 @p0 $0xFFFFFFFF  }
0xb5: {  	s8 =	sshll.u32 @!p0 s1, $0xE  }
0xb6: {  	s8 =	sor.u32 @!p0 $0x4000, s8;
	s7 =	simm.s32 @!p0 $0x1B8D  }
0xb7: {  	s6 =	sshll.u32 @!p0 s6, $0x11;
	s8 =	sadd.s32 @!p0 $0x11B8D, s8;
	_ =	swait.eq @!p0 [sflag:s7], $0x1  }
0xb8: {  	s6 =	sor.u32 @!p0 s6, s8;
	[sflag:s7] =	ssyncadd.s32 @!p0 $0xFFFFFFFF  }
0xb9: {  	s25 =	simm.s32 $0x1B8E;
	s24 =	sld [smem:$0x3FFE];
	[sflag:s6] =	ssyncadd.remote.s32 @!p0 $0x1  }
0xba: {  	s26 =	simm.s32 $execute0_lowered;
	[smem:$0x3FD2] =	sst s25  }
0xbb: {  	s7 =	sshll.u32 s26, $0x1;
	_ =	strace $0x8000004C;
	[dreg:$0x1] =	wrdreg $0xFFFFFFFF  }
0xbc: {  	s28 =	simm.s32 $_size_execute0_lowered;
	s5 =	sadd.s32 s5, s7;
	[dreg:$0x0] =	wrdreg $0x0  }
0xbd: {  	s7 =	sshll.u32 s28, $0x1;
	[dreg:$0x2] =	wrdreg s5  }
0xbe: {  	[dreg:$0x3] =	wrdreg s7  }
0xbf: {  	[dreg:$0x4] =	wrdreg $0xC0  }
0xc0: {  	_ =	task [dreg:s22], $0x5FFFF  }
0xc1: {  	[dreg:$0x1] =	wrdreg $0xFFFFFFFF  }
0xc2: {  	[dreg:$0x0] =	wrdreg $0x60  }
0xc3: {  	[dreg:$0x2] =	wrdreg s18  }
0xc4: {  	[dreg:$0x3] =	wrdreg s17  }
0xc5: {  	[dreg:$0x4] =	wrdreg s24  }
0xc6: {  	[dreg:$0x5] =	wrdreg $0x9  }
0xc7: {  	_ =	task.clear_ibuf [dreg:s22], $0x6FFFF;
	_ =	strace $0x9000004C  }
0xc8: {  	s29 =	simm.s32 $0x9;
	_ =	strace $0x8000004E  }
0xc9: {  	_ =	swait.ge [sflag:s29], $0x1  }
0xca: {  	[sflag:s29] =	ssyncadd.s32 $0xFFFFFFFF  }
0xcb: {  	_ =	strace $0x9000004E  }
0xcc: {  	_ =	sfence  }
0xcd: {  	s30 =	sld [smem:$0x0];
	_ =	sdelay $0x2  }
0xce: {  	s31 =	sshll.u32 s1, $0xD;
	s1 =	sshrl.u32 s1, $0x2  }
0xcf: {  	s4 =	sand.u32 $0x4000, s31;
	s1 =	sadd.s32 s1, s30  }
0xd0: {  	s0 =	sor.u32 s4, s0;
	s1 =	sshll.u32 s1, $0x11  }
0xd1: {  	s0 =	sor.u32 s1, s0  }
0xd2: {  	s0 =	sadd.s32 $0x8F2B, s0  }
0xd3: {  	[sflag:s0] =	ssyncadd.remote.s32 $0x1  }
0xd4: {  	_ =	sfence.sel $0xFFFF  }
0xd5: {  	[dreg:$0x0] =	wrdreg $0xFFFFFFFF;
	(pc) =	sbr.abs _section_cstart, $3  }
0xd6: {  	[dreg:$0x1] =	wrdreg $0xFFFFFFFF  }
0xd7: {  	_ =	task.clear_ibuf [dreg:s22], $0x2FFFF;
	_ =	strace $0x9FFFFFFF  }
0xd8: {  	(tm) =	ssettm $0x7FFFFFFF  }
0xd9: {  	_ =	shalt  }
tec
execute0_lowered:
.L_overlay_start_1:
0x0: {  	(tag) =	ssettag $0x1  }
0x1: {  	s1 =	rddreg [dreg:$0x0]  }
0x2: {  	s2 =	rddreg [dreg:$0x1]  }
0x3: {  	s5 =	rddreg [dreg:$0x2]  }
0x4: {  	s0 =	rddreg [dreg:$0x3];
	s4 =	simm.s32 $0x0;
	s6 =	srdreg.scid  }
0x5: {  	s3 =	stileid.u32;
	s17 =	simm.s32 $0x7D;
	s18 =	simm.s32 $0x1000  }
0x6: {  	s19 =	simm.s32 $0x80;
	s20 =	simm.s32 $0x2770;
	s21 =	simm.s32 $0x1  }
0x7: {  	s22 =	simm.s32 $0x30;
	s23 =	simm.s32 $0x2;
	s24 =	simm.s32 $0x0  }
0x8: {  	[smem:$0x7FF] =	sst s4;
	s12 =	sand.u32 $0x1, s6;
	s13 =	smul.u32 $0xFA000, s3  }
0x9: {  	s29 =	sshll.u32 s3, $0x1;
	s14 =	sadd.s32 $0x318A00, s5;
	s16 =	smul.u32 $0x1F400, s3  }
0xa: {  	_ =	strace $0x8000004D;
	s6 =	sor.u32 s12, s29;
	s15 =	smul.u32 $0x7D000, s12  }
0xb: {  	s8 =	ssub.s32 $0x2, s12;
	s12 =	smul.u32 $0xFA00, s12;
	s7 =	sshll.u32 s6, $0x9  }
0xc: {  	s6 =	sshll.u32 s6, $0x5;
	s9 =	sshrl.u32 s8, $0x1;
	s16 =	sadd.s32 s16, s14  }
0xd: {  	s7 =	sadd.s32 s7, s5;
	s10 =	sor.u32 $0x1E, s6;
	s8 =	ssub.s32 s8, s9  }
0xe: {  	s13 =	sadd.s32 s15, s13;
	s12 =	sadd.s32 s12, s16;
	s16 =	simm.s32 $0x3  }
0xf: {  	s30 =	smul.u32 $0x3E80, s10;
	s5 =	sadd.s32 $0x9A00, s7;
	s6 =	sadd.s32 $0x5A00, s7  }
0x10: {  	s10 =	smul.u32 $0x7D0, s10;
	s15 =	sadd.s32 $0x3E80, s13;
	s13 =	sadd.s32 $0x3EB0, s13  }
0x11: {  	s7 =	smax.u32 s8, $0x1;
	s15 =	sshrl.u32 s15, $0x3;
	s31 =	sshrl.u32 s13, $0x3  }
0x12: {  	s9 =	sshrl.u32 s30, $0x3;
	s8 =	sadd.s32 s14, s10;
	s13 =	sadd.s32 s15, s14  }
0x13: {  	s15 =	sadd.s32 $0x6, s12;
	s11 =	sadd.s32 s14, s9;
	s10 =	sadd.s32 $0x6, s8  }
0x14: {  	s14 =	sadd.s32 s31, s14;
	s9 =	sadd.s32 $0x7D0, s11;
	s11 =	sadd.s32 $0x7D6, s11  }
.LBB2_1:
0x15: {  	[tilespmem:s4], [sflag:$0x3] =	stream.linear.gather [hbm4b:s5+s4], $0x1000, $0x38;
	[tilespmem:$0x3EE0] =	vst v63  }
0x16: {  	_ =	swait.ge [sflag:s16], $0x1000  }
0x17: {  	[sflag:s16] =	ssyncset.done $0x0  }
0x18: {  	[sflag:s16] =	ssyncadd.s32 $0xFFFFF000  }
0x19: {  	[tilespmem:s18], [sflag:$0x1] =	stream.indirect.gather [hbm4b:s1+s17], $0x30, s4, s17, $0xb8;
	[tilespmem:$0x3EE0] =	vst v63  }
0x1a: {  	_ = 	snop  }
0x1b: {  	[tilespmem:s20], [sflag:$0x2] =	stream.indirect.gather [hbm4b:s1+s17], $0x30, s19, s17, $0xb8;
	[tilespmem:$0x3EE0] =	vst v63  }
0x1c: {  	_ =	swait.ge [sflag:s21], $0x1770  }
0x1d: {  	[sflag:s21] =	ssyncset.done $0x0  }
0x1e: {  	s25 =	sadd.s32 $0x0, s12;
	[sflag:s21] =	ssyncadd.s32 $0xFFFFE890  }
0x1f: {  	[hbm4b:s25+s22] =	stream.strided.scatter [tilespmem:s18], [sflag:$0x3], $0x1770, s19, s22, $0x38;
	[tilespmem:$0x3EE0] =	vst v63  }
0x20: {  	_ =	swait.ge [sflag:s16], $0x1770  }
0x21: {  	[sflag:s16] =	ssyncset.done $0x0  }
0x22: {  	s30 =	simm.s32 $0x100;
	[sflag:s16] =	ssyncadd.s32 $0xFFFFE890  }
0x23: {  	[tilespmem:s18], [sflag:$0x1] =	stream.indirect.gather [hbm4b:s1+s17], $0x30, s30, s17, $0xb8;
	[tilespmem:$0x3EE0] =	vst v63  }
0x24: {  	_ =	swait.ge [sflag:s23], $0x1770  }
0x25: {  	[sflag:s23] =	ssyncset.done $0x0  }
0x26: {  	s31 =	sadd.s32 $0x0, s13;
	[sflag:s23] =	ssyncadd.s32 $0xFFFFE890  }
0x27: {  	[hbm4b:s31+s22] =	stream.strided.scatter [tilespmem:s20], [sflag:$0x3], $0x1770, s19, s22, $0x38;
	[tilespmem:$0x3EE0] =	vst v63  }
0x28: {  	_ =	swait.ge [sflag:s16], $0x1770  }
0x29: {  	s26 =	simm.s32 $0xFA0;
	[sflag:s16] =	ssyncset.done $0x0  }
0x2a: {  	s28 =	simm.s32 $0x280;
	s25 =	simm.s32 $0x180;
	[sflag:s16] =	ssyncadd.s32 $0xFFFFE890  }
.LBB2_2:
0x2b: {  	[tilespmem:s20], [sflag:$0x2] =	stream.indirect.gather [hbm4b:s1+s17], $0x30, s25, s17, $0xb8;
	[tilespmem:$0x3EE0] =	vst v63  }
0x2c: {  	s29 =	smov.u32 s26;
	s25 =	smov.u32 s28  }
0x2d: {  	p0 =	sne.s32 s26, $0xDAC0;
	s26 =	sadd.s32 $0xFA0, s26;
	_ =	swait.ge [sflag:s21], $0x1770  }
0x2e: {  	[sflag:s21] =	ssyncset.done $0x0  }
0x2f: {  	s30 =	sadd.s32 s29, s12;
	[sflag:s21] =	ssyncadd.s32 $0xFFFFE890  }
0x30: {  	[hbm4b:s30+s22] =	stream.strided.scatter [tilespmem:s18], [sflag:$0x3], $0x1770, s19, s22, $0x38;
	[tilespmem:$0x3EE0] =	vst v63  }
0x31: {  	_ =	swait.ge [sflag:s16], $0x1770  }
0x32: {  	[sflag:s16] =	ssyncset.done $0x0  }
0x33: {  	s30 =	sadd.s32 $0xFFFFFF80, s28;
	[sflag:s16] =	ssyncadd.s32 $0xFFFFE890  }
0x34: {  	[tilespmem:s18], [sflag:$0x1] =	stream.indirect.gather [hbm4b:s1+s17], $0x30, s30, s17, $0xb8;
	[tilespmem:$0x3EE0] =	vst v63  }
0x35: {  	_ =	swait.ge [sflag:s23], $0x1770  }
0x36: {  	[sflag:s23] =	ssyncset.done $0x0  }
.Ltmp0:
0x37: {  	s29 =	sadd.s32 s29, s13;
	[sflag:s23] =	ssyncadd.s32 $0xFFFFE890;
	(pc) =	sbr.rel @p0 .LBB2_2-.Ltmp0, $4  }
0x38: {  	[hbm4b:s29+s22] =	stream.strided.scatter [tilespmem:s20], [sflag:$0x3], $0x1770, s19, s22, $0x38;
	[tilespmem:$0x3EE0] =	vst v63  }
0x39: {  	_ =	swait.ge [sflag:s16], $0x1770  }
0x3a: {  	[sflag:s16] =	ssyncset.done $0x0  }
0x3b: {  	s28 =	sadd.s32 $0x100, s28;
	[sflag:s16] =	ssyncadd.s32 $0xFFFFE890  }
0x3c: {  	[tilespmem:s20], [sflag:$0x2] =	stream.indirect.gather [hbm4b:s1+s17], $0x30, s25, s17, $0xb8;
	[tilespmem:$0x3EE0] =	vst v63  }
0x3d: {  	_ =	swait.ge [sflag:s21], $0x1770  }
0x3e: {  	[sflag:s21] =	ssyncset.done $0x0  }
0x3f: {  	[sflag:s21] =	ssyncadd.s32 $0xFFFFE890  }
0x40: {  	[hbm4b:s8+s22] =	stream.strided.scatter [tilespmem:s18], [sflag:$0x3], $0x1770, s19, s22, $0x38;
	[tilespmem:$0x3EE0] =	vst v63  }
0x41: {  	_ =	swait.ge [sflag:s16], $0x1770  }
0x42: {  	[sflag:s16] =	ssyncset.done $0x0  }
0x43: {  	[sflag:s16] =	ssyncadd.s32 $0xFFFFE890  }
0x44: {  	_ =	swait.ge [sflag:s23], $0x1770  }
0x45: {  	[sflag:s23] =	ssyncset.done $0x0  }
0x46: {  	[sflag:s23] =	ssyncadd.s32 $0xFFFFE890  }
0x47: {  	[hbm4b:s9+s22] =	stream.strided.scatter [tilespmem:s20], [sflag:$0x3], $0x1770, s19, s22, $0x38;
	[tilespmem:$0x3EE0] =	vst v63  }
0x48: {  	_ =	swait.ge [sflag:s16], $0x1770  }
0x49: {  	[sflag:s16] =	ssyncset.done $0x0  }
0x4a: {  	s26 =	simm.s32 $0x0;
	[sflag:s16] =	ssyncadd.s32 $0xFFFFE890  }
0x4b: {  	[tilespmem:s26], [sflag:$0x3] =	stream.linear.gather [hbm4b:s6+s26], $0x1000, $0x38;
	[tilespmem:$0x3EE0] =	vst v63  }
0x4c: {  	_ =	swait.ge [sflag:s16], $0x1000  }
0x4d: {  	[sflag:s16] =	ssyncset.done $0x0  }
0x4e: {  	[sflag:s16] =	ssyncadd.s32 $0xFFFFF000  }
0x4f: {  	[tilespmem:s18], [sflag:$0x1] =	stream.indirect.gather [hbm4b:s2+s17], $0x30, s26, s17, $0xb8;
	[tilespmem:$0x3EE0] =	vst v63  }
0x50: {  	_ = 	snop  }
0x51: {  	[tilespmem:s20], [sflag:$0x2] =	stream.indirect.gather [hbm4b:s2+s17], $0x30, s19, s17, $0xb8;
	[tilespmem:$0x3EE0] =	vst v63  }
0x52: {  	_ =	swait.ge [sflag:s21], $0x1770  }
0x53: {  	[sflag:s21] =	ssyncset.done $0x0  }
0x54: {  	s29 =	sadd.s32 $0x0, s15;
	[sflag:s21] =	ssyncadd.s32 $0xFFFFE890  }
0x55: {  	[hbm4b:s29+s22] =	stream.strided.scatter [tilespmem:s18], [sflag:$0x3], $0x1770, s19, s22, $0x38;
	[tilespmem:$0x3EE0] =	vst v63  }
0x56: {  	_ =	swait.ge [sflag:s16], $0x1770  }
0x57: {  	[sflag:s16] =	ssyncset.done $0x0  }
0x58: {  	s30 =	simm.s32 $0x100;
	[sflag:s16] =	ssyncadd.s32 $0xFFFFE890  }
0x59: {  	[tilespmem:s18], [sflag:$0x1] =	stream.indirect.gather [hbm4b:s2+s17], $0x30, s30, s17, $0xb8;
	[tilespmem:$0x3EE0] =	vst v63  }
0x5a: {  	_ =	swait.ge [sflag:s23], $0x1770  }
0x5b: {  	[sflag:s23] =	ssyncset.done $0x0  }
0x5c: {  	s31 =	sadd.s32 $0x0, s14;
	[sflag:s23] =	ssyncadd.s32 $0xFFFFE890  }
0x5d: {  	[hbm4b:s31+s22] =	stream.strided.scatter [tilespmem:s20], [sflag:$0x3], $0x1770, s19, s22, $0x38;
	[tilespmem:$0x3EE0] =	vst v63  }
0x5e: {  	_ =	swait.ge [sflag:s16], $0x1770  }
0x5f: {  	s25 =	simm.s32 $0x180;
	[sflag:s16] =	ssyncset.done $0x0  }
0x60: {  	s28 =	simm.s32 $0x280;
	s26 =	simm.s32 $0xFA0;
	[sflag:s16] =	ssyncadd.s32 $0xFFFFE890  }
.LBB2_4:
0x61: {  	[tilespmem:s20], [sflag:$0x2] =	stream.indirect.gather [hbm4b:s2+s17], $0x30, s25, s17, $0xb8;
	[tilespmem:$0x3EE0] =	vst v63  }
0x62: {  	s29 =	smov.u32 s26;
	s25 =	smov.u32 s28  }
0x63: {  	p0 =	sne.s32 s26, $0xDAC0;
	s26 =	sadd.s32 $0xFA0, s26;
	_ =	swait.ge [sflag:s21], $0x1770  }
0x64: {  	[sflag:s21] =	ssyncset.done $0x0  }
0x65: {  	s30 =	sadd.s32 s29, s15;
	[sflag:s21] =	ssyncadd.s32 $0xFFFFE890  }
0x66: {  	[hbm4b:s30+s22] =	stream.strided.scatter [tilespmem:s18], [sflag:$0x3], $0x1770, s19, s22, $0x38;
	[tilespmem:$0x3EE0] =	vst v63  }
0x67: {  	_ =	swait.ge [sflag:s16], $0x1770  }
0x68: {  	[sflag:s16] =	ssyncset.done $0x0  }
0x69: {  	s30 =	sadd.s32 $0xFFFFFF80, s28;
	[sflag:s16] =	ssyncadd.s32 $0xFFFFE890  }
0x6a: {  	[tilespmem:s18], [sflag:$0x1] =	stream.indirect.gather [hbm4b:s2+s17], $0x30, s30, s17, $0xb8;
	[tilespmem:$0x3EE0] =	vst v63  }
0x6b: {  	_ =	swait.ge [sflag:s23], $0x1770  }
0x6c: {  	[sflag:s23] =	ssyncset.done $0x0  }
.Ltmp1:
0x6d: {  	s29 =	sadd.s32 s29, s14;
	[sflag:s23] =	ssyncadd.s32 $0xFFFFE890;
	(pc) =	sbr.rel @p0 .LBB2_4-.Ltmp1, $4  }
0x6e: {  	[hbm4b:s29+s22] =	stream.strided.scatter [tilespmem:s20], [sflag:$0x3], $0x1770, s19, s22, $0x38;
	[tilespmem:$0x3EE0] =	vst v63  }
0x6f: {  	_ =	swait.ge [sflag:s16], $0x1770  }
0x70: {  	[sflag:s16] =	ssyncset.done $0x0  }
0x71: {  	s28 =	sadd.s32 $0x100, s28;
	[sflag:s16] =	ssyncadd.s32 $0xFFFFE890  }
0x72: {  	[tilespmem:s20], [sflag:$0x2] =	stream.indirect.gather [hbm4b:s2+s17], $0x30, s25, s17, $0xb8;
	[tilespmem:$0x3EE0] =	vst v63  }
0x73: {  	_ =	swait.ge [sflag:s21], $0x1770  }
0x74: {  	[sflag:s21] =	ssyncset.done $0x0  }
0x75: {  	[sflag:s21] =	ssyncadd.s32 $0xFFFFE890  }
0x76: {  	[hbm4b:s10+s22] =	stream.strided.scatter [tilespmem:s18], [sflag:$0x3], $0x1770, s19, s22, $0x38;
	[tilespmem:$0x3EE0] =	vst v63  }
0x77: {  	_ =	swait.ge [sflag:s16], $0x1770  }
0x78: {  	[sflag:s16] =	ssyncset.done $0x0  }
0x79: {  	[sflag:s16] =	ssyncadd.s32 $0xFFFFE890  }
0x7a: {  	s24 =	sadd.s32 $0x1, s24;
	_ =	swait.ge [sflag:s23], $0x1770  }
0x7b: {  	p0 =	sne.s32 s24, s7;
	[sflag:s23] =	ssyncset.done $0x0  }
.Ltmp2:
0x7c: {  	[sflag:s23] =	ssyncadd.s32 $0xFFFFE890;
	(pc) =	sbr.rel @p0 .LBB2_1-.Ltmp2, $4  }
0x7d: {  	[hbm4b:s11+s22] =	stream.strided.scatter [tilespmem:s20], [sflag:$0x3], $0x1770, s19, s22, $0x38;
	[tilespmem:$0x3EE0] =	vst v63  }
0x7e: {  	_ =	swait.ge [sflag:s16], $0x1770  }
0x7f: {  	[sflag:s16] =	ssyncset.done $0x0  }
0x80: {  	[sflag:s16] =	ssyncadd.s32 $0xFFFFE890  }
0x81: {  	_ =	sfence.sel $0x180000  }
0x82: {  	[bflag:$0x0] =	sbarrier.arrive $0xFFFF  }
0x83: {  	p0 =	sne.s32 s3, $0x0;
	_ =	strace $0x9000004D  }
0x84: {  	s0 =	sadd.s32 @!p0 $0x100000, s0;
	[bflag:$0x2] =	sbarrier.arrive $0xFFFF  }
0x85: {  	[sflag:s0] =	ssyncadd.tile.s32 @!p0 $0x1;
	_ =	shalt  }
.Lfunc_end2:
_tile_overlayer_lowered:
.L_overlay_start_2:
0x86: {  	(tag) =	ssettag $0x2  }
0x87: {  	s0 =	rddreg [dreg:$0x0];
	s2 =	stileid.u32  }
0x88: {  	s1 =	rddreg [dreg:$0x1];
	p0 =	sne.s32 s2, $0x0  }
0x89: {  	s3 =	rddreg [dreg:$0x2];
	[bflag:$0x3] =	sbarrier.arrive $0xFFFF;
	s2 =	simm.s32 @!p0 $0x1C03  }
0x8a: {  	[timem:s3], [sflag:s2] =	dma.local @!p0 [hbm:s0], s1  }
0x8b: {  	s0 =	simm.s32 @!p0 $0x3  }
0x8c: {  	_ =	swait.ge @!p0 [sflag:s0], s1  }
0x8d: {  	s1 =	ssub.s32 @!p0 $0x0, s1;
	[sflag:s0] =	ssyncset.done @!p0 $0x0  }
0x8e: {  	[sflag:s0] =	ssyncadd.s32 @!p0 s1  }
0x8f: {  	[bflag:$0x3] =	sbarrier.arrive $0xFFFF  }
0x90: {  	_ =	shalt  }

// kernel: kernel.15.cloned.1.call-start
scs
__scs_entry_jumppad:
0x0: {  	(pc) =	sbr.rel $0x88, $3  }
0x1: {  	(tag) =	ssettag $0x0;
	lr =	simm.s32 $0x1  }
0x2: {  	[smem:$0x3F96] =	sst lr;
	_ =	strace $0xD0000000  }
0x3: {  	_ = 	snop  }
0x4: {  	_ = 	snop  }
0x5: {  	_ = 	snop  }
0x6: {  	_ = 	snop  }
0x7: {  	_ = 	snop  }
__scs_overlays_trampoline_lowered:
0x8: {  	[smem:$0x3FA5] =	sst s0  }
0x9: {  	[smem:$0x3FA6] =	sst s1  }
0xa: {  	[smem:$0x3FA7] =	sst s2  }
0xb: {  	[smem:$0x3FA8] =	sst s3  }
0xc: {  	[smem:$0x3FA9] =	sst s4  }
0xd: {  	[smem:$0x3FAA] =	sst s5  }
0xe: {  	[smem:$0x3FAB] =	sst s6  }
0xf: {  	[smem:$0x3FAC] =	sst s7  }
0x10: {  	[smem:$0x3FAD] =	sst s8  }
0x11: {  	[smem:$0x3FAE] =	sst s9;
	s0 =	simm.s32 @!p0 $0x0  }
0x12: {  	s1 =	sld [smem:$0x3F94];
	s0 =	simm.s32 @p0 $0x1  }
0x13: {  	[smem:$0x3FAF] =	sst s0;
	s0 =	simm.s32 @!p1 $0x0  }
0x14: {  	s2 =	sld [smem:$0x3F93];
	s0 =	simm.s32 @p1 $0x1  }
0x15: {  	[smem:$0x3FB0] =	sst s0;
	s0 =	simm.s32 @!p2 $0x0  }
0x16: {  	s3 =	sld [smem:$0x3FDB];
	s0 =	simm.s32 @p2 $0x1  }
0x17: {  	s4 =	simm.s32 $0x1BF5;
	[smem:$0x3FB2] =	sst s0  }
0x18: {  	s0 =	sld [smem:$0x3F95];
	_ =	swait.ge [sflag:s4], $0x0  }
0x19: {  	s7 =	sld [smem:$0x3F96]  }
0x1a: {  	s8 =	sadd.s32 $0xFFFFE003, lr  }
0x1b: {  	s9 =	sadd.s32 $0xFFFFFEF7, lr;
	s5 =	simm.s32 $0xFFFFFFFF;
	p2 =	slt.u32 s8, $0xFFFFF086  }
0x1c: {  	p1 =	slt.u32 s9, $0xF7A;
	s5 =	simm.s32 @!p2 $0x0  }
0x1d: {  	s5 =	simm.s32 @p1 $0x1;
	p0 =	seq.s32 s7, s2  }
0x1e: {  	s7 =	smul.u32 @!p0 $0xF7A, s2;
	p2 =	seq.s32 @!p0 s5, $0x0  }
0x1f: {  	s9 =	smul.u32 $0xF7A, s1;
	s8 =	simm.s32 @!p0 $0x1BF5;
	p2 =	por !p2, p0  }
0x20: {  	[sflag:s8] =	ssyncset.s32 @!p0 $0xFFFFF086;
	s6 =	sadd.s32 @!p0 s3, s7;
	s7 =	simm.s32 @!p0 $0x108  }
0x21: {  	s3 =	sadd.s32 s3, s9;
	s6 =	sadd.s32 @!p0 $0x88, s6;
	s7 =	simm.s32 @p2 $0x1082  }
0x22: {  	[simem:s7], [sflag:s8] =	dma.local @!p0 [hbm:s6], $0xF7A  }
0x23: {  	s9 =	sor.u32 $0xD0000000, s2;
	s6 =	simm.s32 $0x108;
	_ =	swait.ge @!p0 [sflag:s8], $0x0  }
0x24: {  	s3 =	sadd.s32 $0x88, s3;
	s6 =	simm.s32 @!p1 $0x1082;
	[sflag:s4] =	ssyncset.s32 $0xFFFFF086  }
0x25: {  	[simem:s6], [sflag:s4] =	dma.local [hbm:s3], $0xF7A  }
0x26: {  	[smem:$0x3F96] =	sst s1;
	(tag) =	ssettag s2;
	_ =	strace s9  }
0x27: {  	s1 =	sld [smem:$0x3FA6]  }
0x28: {  	s2 =	sld [smem:$0x3FA7]  }
0x29: {  	s4 =	sld [smem:$0x3FA9]  }
0x2a: {  	p0 =	seq.s32 s5, $0x0;
	s5 =	sld [smem:$0x3FAA]  }
0x2b: {  	s6 =	sld [smem:$0x3FAB]  }
0x2c: {  	s7 =	sld [smem:$0x3FAC]  }
0x2d: {  	s3 =	simm.s32 $0x108;
	s8 =	sld [smem:$0x3FAD]  }
0x2e: {  	s3 =	simm.s32 @!p0 $0x1082;
	s9 =	sld [smem:$0x3FAE]  }
0x2f: {  	lr =	sadd.s32 s0, s3;
	s0 =	sld [smem:$0x3FA5]  }
0x30: {  	s3 =	sld [smem:$0x3FA8]  }
0x31: {  	[smem:$0x3FB1] =	sst s10  }
0x32: {  	s10 =	sld [smem:$0x3FAF];
	_ =	sdelay $0x3  }
0x33: {  	p0 =	seq.s32 s10, $0x1;
	s10 =	sld [smem:$0x3FB1];
	_ =	sdelay $0x3  }
0x34: {  	[smem:$0x3FB1] =	sst s10  }
0x35: {  	s10 =	sld [smem:$0x3FB0];
	_ =	sdelay $0x3  }
0x36: {  	p1 =	seq.s32 s10, $0x1;
	s10 =	sld [smem:$0x3FB1];
	_ =	sdelay $0x3  }
0x37: {  	[smem:$0x3FB1] =	sst s10  }
0x38: {  	s10 =	sld [smem:$0x3FB2]  }
0x39: {  	_ = 	snop;
	(pc) =	sbr.ind lr, $3  }
0x3a: {  	_ = 	snop  }
0x3b: {  	_ = 	snop  }
0x3c: {  	p2 =	seq.s32 s10, $0x1;
	s10 =	sld [smem:$0x3FB1]  }
0x3d: {  	_ =	shalt  }
0x3e: {  	_ =	shalt  }
0x3f: {  	_ =	shalt  }
0x40: {  	_ =	shalt  }
0x41: {  	_ =	shalt  }
0x42: {  	_ =	shalt  }
0x43: {  	_ =	shalt  }
0x44: {  	_ =	shalt  }
0x45: {  	_ =	shalt  }
0x46: {  	_ =	shalt  }
0x47: {  	_ =	shalt  }
0x48: {  	_ =	shalt  }
0x49: {  	_ =	shalt  }
0x4a: {  	_ =	shalt  }
0x4b: {  	_ =	shalt  }
0x4c: {  	_ =	shalt  }
0x4d: {  	_ =	shalt  }
0x4e: {  	_ =	shalt  }
0x4f: {  	_ =	shalt  }
0x50: {  	_ =	shalt  }
0x51: {  	_ =	shalt  }
0x52: {  	_ =	shalt  }
0x53: {  	_ =	shalt  }
0x54: {  	_ =	shalt  }
0x55: {  	_ =	shalt  }
0x56: {  	_ =	shalt  }
0x57: {  	_ =	shalt  }
0x58: {  	_ =	shalt  }
0x59: {  	_ =	shalt  }
0x5a: {  	_ =	shalt  }
0x5b: {  	_ =	shalt  }
0x5c: {  	_ =	shalt  }
0x5d: {  	_ =	shalt  }
0x5e: {  	_ =	shalt  }
0x5f: {  	_ =	shalt  }
0x60: {  	_ =	shalt  }
0x61: {  	_ =	shalt  }
0x62: {  	_ =	shalt  }
0x63: {  	_ =	shalt  }
0x64: {  	_ =	shalt  }
0x65: {  	_ =	shalt  }
0x66: {  	_ =	shalt  }
0x67: {  	_ =	shalt  }
0x68: {  	_ =	shalt  }
0x69: {  	_ =	shalt  }
0x6a: {  	_ =	shalt  }
0x6b: {  	_ =	shalt  }
0x6c: {  	_ =	shalt  }
0x6d: {  	_ =	shalt  }
0x6e: {  	_ =	shalt  }
0x6f: {  	_ =	shalt  }
0x70: {  	_ =	shalt  }
0x71: {  	_ =	shalt  }
0x72: {  	_ =	shalt  }
0x73: {  	_ =	shalt  }
0x74: {  	_ =	shalt  }
0x75: {  	_ =	shalt  }
0x76: {  	_ =	shalt  }
0x77: {  	_ =	shalt  }
0x78: {  	_ =	shalt  }
0x79: {  	_ =	shalt  }
0x7a: {  	_ =	shalt  }
0x7b: {  	_ =	shalt  }
0x7c: {  	_ =	shalt  }
0x7d: {  	_ =	shalt  }
0x7e: {  	_ =	shalt  }
0x7f: {  	_ =	shalt  }
0x80: {  	_ =	shalt  }
0x81: {  	_ =	shalt  }
0x82: {  	_ =	shalt  }
0x83: {  	_ =	shalt  }
0x84: {  	_ =	shalt  }
0x85: {  	_ =	shalt  }
0x86: {  	_ =	shalt  }
0x87: {  	_ =	shalt  }
.Lfunc_end0:
.L_simem_size_0:
called_computation.2_lowered:
.L_overlay_start_0:
0x88: {  	s2 =	sld [smem:$0x3FD9]  }
0x89: {  	s3 =	sld [smem:$0x3FFE];
	_ =	sdelay $0x1  }
0x8a: {  	s1 =	srdreg.scid  }
0x8b: {  	s0 =	sand.u32 $0x1, s1  }
0x8c: {  	s14 =	sshll.u32 s0, $0xA;
	s2 =	sadd.s32 s3, s2  }
0x8d: {  	s2 =	sadd.s32 s2, s14  }
0x8e: {  	[smem:$0x3FBD] =	sst s2  }
0x8f: {  	_ = 	snop  }
0x90: {  	s2 =	sld [smem:$0x3FD0];
	_ =	sdelay $0x2  }
0x91: {  	s15 =	simm.s32 $0xB;
	s4 =	simm.s32 $0x10  }
0x92: {  	[smem:s4], [sflag:s15] =	dma.local [hbm:s2], $0x1  }
0x93: {  	_ =	swait.eq [sflag:s15], $0x1  }
0x94: {  	[sflag:s15] =	ssyncset.done $0x0  }
0x95: {  	s16 =	sld [smem:$0x10];
	[sflag:s15] =	ssyncadd.s32 $0xFFFFFFFF  }
0x96: {  	s17 =	sld [smem:$0x11];
	(tm) =	ssettm $0x1  }
0x97: {  	s18 =	sld [smem:$0x3FFB];
	_ =	sdelay $0x3  }
0x98: {  	_ =	strace s18  }
0x99: {  	s4 =	sld [smem:$0x3FFC];
	_ =	sdelay $0x3  }
0x9a: {  	_ =	strace s4  }
0x9b: {  	s4 =	sld [smem:$0x3FFD];
	_ =	sdelay $0x3  }
0x9c: {  	_ =	strace s4  }
0x9d: {  	_ =	strace $0x8FFFFFFF  }
0x9e: {  	s19 =	sld [smem:$0x3FDB];
	_ =	sdelay $0x1  }
0x9f: {  	s5 =	simm.s32 $_scs_section_size  }
0xa0: {  	s6 =	simm.s32 $_size__tile_overlayer_lowered;
	s7 =	simm.s32 $_tile_overlayer_lowered  }
0xa1: {  	s22 =	simm.s32 $0x1BFF;
	s21 =	sshll.u32 s7, $0x1;
	s4 =	sadd.s32 s5, s19  }
0xa2: {  	s8 =	simm.s32 $0x0;
	s20 =	sshll.u32 s6, $0x1;
	s6 =	sadd.s32 s21, s4  }
0xa3: {  	[timem:s8], [sflag:s22] =	dma.local [hbm:s6], s20  }
0xa4: {  	_ =	swait.ge [sflag:s22], s20  }
0xa5: {  	s5 =	ssub.s32 $0x0, s20;
	[sflag:s22] =	ssyncset.done $0x0  }
0xa6: {  	[sflag:s22] =	ssyncadd.s32 s5;
	_ =	sdelay $0x1  }
0xa7: {  	s23 =	simm.s32 $0x1B8B  }
0xa8: {  	_ =	swait.ge [sflag:s23], $0x1  }
0xa9: {  	[sflag:s23] =	ssyncset.done $0x0  }
0xaa: {  	s25 =	simm.s32 $0x1B8E;
	s24 =	sld [smem:$0x3FFE];
	[sflag:s23] =	ssyncadd.s32 $0xFFFFFFFF  }
0xab: {  	s26 =	simm.s32 $execute0_lowered;
	[smem:$0x3FD2] =	sst s25  }
0xac: {  	s6 =	sshll.u32 s26, $0x1;
	_ =	strace $0x80000049;
	[dreg:$0x1] =	wrdreg $0xFFFFFFFF  }
0xad: {  	s28 =	simm.s32 $_size_execute0_lowered;
	s4 =	sadd.s32 s4, s6;
	[dreg:$0x0] =	wrdreg $0x0  }
0xae: {  	s6 =	sshll.u32 s28, $0x1;
	[dreg:$0x2] =	wrdreg s4  }
0xaf: {  	[dreg:$0x3] =	wrdreg s6  }
0xb0: {  	[dreg:$0x4] =	wrdreg $0xC0  }
0xb1: {  	_ =	task [dreg:s8], $0x5FFFF  }
0xb2: {  	[dreg:$0x1] =	wrdreg $0xFFFFFFFF  }
0xb3: {  	[dreg:$0x0] =	wrdreg $0x60  }
0xb4: {  	[dreg:$0x2] =	wrdreg s17  }
0xb5: {  	[dreg:$0x3] =	wrdreg s16  }
0xb6: {  	[dreg:$0x4] =	wrdreg s24  }
0xb7: {  	[dreg:$0x5] =	wrdreg $0xA  }
0xb8: {  	_ =	task.clear_ibuf [dreg:s8], $0x6FFFF;
	_ =	strace $0x90000049  }
0xb9: {  	s29 =	simm.s32 $0xA;
	_ =	strace $0x8000004B  }
0xba: {  	_ =	swait.ge [sflag:s29], $0x1  }
0xbb: {  	[sflag:s29] =	ssyncadd.s32 $0xFFFFFFFF  }
0xbc: {  	_ =	strace $0x9000004B  }
0xbd: {  	_ =	sfence  }
0xbe: {  	s30 =	sld [smem:$0x0];
	_ =	sdelay $0x2  }
0xbf: {  	s31 =	sshll.u32 s1, $0xD;
	s1 =	sshrl.u32 s1, $0x2  }
0xc0: {  	s3 =	sand.u32 $0x4000, s31;
	s1 =	sadd.s32 s1, s30  }
0xc1: {  	s0 =	sor.u32 s3, s0;
	s1 =	sshll.u32 s1, $0x11  }
0xc2: {  	s0 =	sor.u32 s1, s0  }
0xc3: {  	s0 =	sadd.s32 $0x8F2B, s0  }
0xc4: {  	[sflag:s0] =	ssyncadd.remote.s32 $0x1  }
0xc5: {  	_ =	sfence.sel $0xFFFF  }
0xc6: {  	[dreg:$0x0] =	wrdreg $0xFFFFFFFF;
	(pc) =	sbr.abs _section_cstart, $3  }
0xc7: {  	[dreg:$0x1] =	wrdreg $0xFFFFFFFF  }
0xc8: {  	_ =	task.clear_ibuf [dreg:s8], $0x2FFFF;
	_ =	strace $0x9FFFFFFF  }
0xc9: {  	(tm) =	ssettm $0x7FFFFFFF  }
tec
execute0_lowered:
.L_overlay_start_1:
0x0: {  	(tag) =	ssettag $0x1  }
0x1: {  	s1 =	rddreg [dreg:$0x0]  }
0x2: {  	s2 =	srdreg.scid;
	s3 =	rddreg [dreg:$0x1]  }
0x3: {  	s0 =	stileid.u32;
	s5 =	rddreg [dreg:$0x2];
	s4 =	simm.s32 $0x0  }
0x4: {  	s17 =	simm.s32 $0x7D;
	s18 =	simm.s32 $0x1800;
	s19 =	simm.s32 $0x80  }
0x5: {  	s20 =	simm.s32 $0x2F70;
	s21 =	simm.s32 $0x1;
	s22 =	simm.s32 $0x30  }
0x6: {  	s23 =	simm.s32 $0x2;
	s24 =	simm.s32 $0x0;
	s13 =	smul.u32 $0x177000, s0  }
0x7: {  	s12 =	sand.u32 $0x1, s2;
	s2 =	rddreg [dreg:$0x3];
	s16 =	smul.u32 $0x2EE00, s0  }
0x8: {  	s25 =	sshll.u32 s0, $0x1;
	[smem:$0x7FF] =	sst s4;
	s14 =	smul.u32 $0xBB800, s12  }
0x9: {  	s6 =	sor.u32 s12, s25;
	s8 =	ssub.s32 $0x2, s12;
	s12 =	smul.u32 $0x17700, s12  }
0xa: {  	s15 =	sadd.s32 $0x2AA00, s5;
	_ =	strace $0x8000004A;
	s7 =	smul.u32 $0x300, s6  }
0xb: {  	s6 =	smul.u32 $0x30, s6;
	s9 =	sshrl.u32 s8, $0x1;
	s28 =	sadd.s32 s16, s15  }
0xc: {  	s16 =	simm.s32 $0x3;
	s8 =	ssub.s32 s8, s9;
	s13 =	sadd.s32 s14, s13  }
0xd: {  	s12 =	sadd.s32 s12, s28;
	s7 =	sadd.s32 s7, s5;
	s10 =	sadd.s32 $0x2E, s6  }
0xe: {  	s29 =	sadd.s32 $0x3E80, s13;
	s13 =	sadd.s32 $0x3EB0, s13;
	s26 =	smul.u32 $0x3E80, s10  }
0xf: {  	s14 =	sadd.s32 $0x6, s12;
	s5 =	sadd.s32 $0x24A00, s7;
	s10 =	smul.u32 $0x7D0, s10  }
0x10: {  	s6 =	sadd.s32 $0x1EA00, s7;
	s7 =	smax.u32 s8, $0x1;
	s30 =	sshrl.u32 s29, $0x3  }
0x11: {  	s31 =	sshrl.u32 s13, $0x3;
	s9 =	sshrl.u32 s26, $0x3;
	s8 =	sadd.s32 s15, s10  }
0x12: {  	s13 =	sadd.s32 s30, s15;
	s11 =	sadd.s32 s15, s9;
	s10 =	sadd.s32 $0x6, s8  }
0x13: {  	s15 =	sadd.s32 s31, s15;
	s9 =	sadd.s32 $0x7D0, s11;
	s11 =	sadd.s32 $0x7D6, s11  }
.LBB2_1:
0x14: {  	[tilespmem:s4], [sflag:$0x3] =	stream.linear.gather [hbm4b:s5+s4], $0x1800, $0x38;
	[tilespmem:$0x46E0] =	vst v63  }
0x15: {  	_ =	swait.ge [sflag:s16], $0x1800  }
0x16: {  	[sflag:s16] =	ssyncset.done $0x0  }
0x17: {  	[sflag:s16] =	ssyncadd.s32 $0xFFFFE800  }
0x18: {  	[tilespmem:s18], [sflag:$0x1] =	stream.indirect.gather [hbm4b:s1+s17], $0x30, s4, s17, $0xb8;
	[tilespmem:$0x46E0] =	vst v63  }
0x19: {  	_ = 	snop  }
0x1a: {  	[tilespmem:s20], [sflag:$0x2] =	stream.indirect.gather [hbm4b:s1+s17], $0x30, s19, s17, $0xb8;
	[tilespmem:$0x46E0] =	vst v63  }
0x1b: {  	_ =	swait.ge [sflag:s21], $0x1770  }
0x1c: {  	[sflag:s21] =	ssyncset.done $0x0  }
0x1d: {  	s25 =	sadd.s32 $0x0, s12;
	[sflag:s21] =	ssyncadd.s32 $0xFFFFE890  }
0x1e: {  	[hbm4b:s25+s22] =	stream.strided.scatter [tilespmem:s18], [sflag:$0x3], $0x1770, s19, s22, $0x38;
	[tilespmem:$0x46E0] =	vst v63  }
0x1f: {  	_ =	swait.ge [sflag:s16], $0x1770  }
0x20: {  	[sflag:s16] =	ssyncset.done $0x0  }
0x21: {  	s30 =	simm.s32 $0x100;
	[sflag:s16] =	ssyncadd.s32 $0xFFFFE890  }
0x22: {  	[tilespmem:s18], [sflag:$0x1] =	stream.indirect.gather [hbm4b:s1+s17], $0x30, s30, s17, $0xb8;
	[tilespmem:$0x46E0] =	vst v63  }
0x23: {  	_ =	swait.ge [sflag:s23], $0x1770  }
0x24: {  	[sflag:s23] =	ssyncset.done $0x0  }
0x25: {  	s31 =	sadd.s32 $0x0, s13;
	[sflag:s23] =	ssyncadd.s32 $0xFFFFE890  }
0x26: {  	[hbm4b:s31+s22] =	stream.strided.scatter [tilespmem:s20], [sflag:$0x3], $0x1770, s19, s22, $0x38;
	[tilespmem:$0x46E0] =	vst v63  }
0x27: {  	_ =	swait.ge [sflag:s16], $0x1770  }
0x28: {  	s26 =	simm.s32 $0xFA0;
	[sflag:s16] =	ssyncset.done $0x0  }
0x29: {  	s28 =	simm.s32 $0x280;
	s25 =	simm.s32 $0x180;
	[sflag:s16] =	ssyncadd.s32 $0xFFFFE890  }
.LBB2_2:
0x2a: {  	[tilespmem:s20], [sflag:$0x2] =	stream.indirect.gather [hbm4b:s1+s17], $0x30, s25, s17, $0xb8;
	[tilespmem:$0x46E0] =	vst v63  }
0x2b: {  	s29 =	smov.u32 s26;
	s25 =	smov.u32 s28  }
0x2c: {  	p0 =	sne.s32 s26, $0x157C0;
	s26 =	sadd.s32 $0xFA0, s26;
	_ =	swait.ge [sflag:s21], $0x1770  }
0x2d: {  	[sflag:s21] =	ssyncset.done $0x0  }
0x2e: {  	s30 =	sadd.s32 s29, s12;
	[sflag:s21] =	ssyncadd.s32 $0xFFFFE890  }
0x2f: {  	[hbm4b:s30+s22] =	stream.strided.scatter [tilespmem:s18], [sflag:$0x3], $0x1770, s19, s22, $0x38;
	[tilespmem:$0x46E0] =	vst v63  }
0x30: {  	_ =	swait.ge [sflag:s16], $0x1770  }
0x31: {  	[sflag:s16] =	ssyncset.done $0x0  }
0x32: {  	s30 =	sadd.s32 $0xFFFFFF80, s28;
	[sflag:s16] =	ssyncadd.s32 $0xFFFFE890  }
0x33: {  	[tilespmem:s18], [sflag:$0x1] =	stream.indirect.gather [hbm4b:s1+s17], $0x30, s30, s17, $0xb8;
	[tilespmem:$0x46E0] =	vst v63  }
0x34: {  	_ =	swait.ge [sflag:s23], $0x1770  }
0x35: {  	[sflag:s23] =	ssyncset.done $0x0  }
.Ltmp0:
0x36: {  	s29 =	sadd.s32 s29, s13;
	[sflag:s23] =	ssyncadd.s32 $0xFFFFE890;
	(pc) =	sbr.rel @p0 .LBB2_2-.Ltmp0, $4  }
0x37: {  	[hbm4b:s29+s22] =	stream.strided.scatter [tilespmem:s20], [sflag:$0x3], $0x1770, s19, s22, $0x38;
	[tilespmem:$0x46E0] =	vst v63  }
0x38: {  	_ =	swait.ge [sflag:s16], $0x1770  }
0x39: {  	[sflag:s16] =	ssyncset.done $0x0  }
0x3a: {  	s28 =	sadd.s32 $0x100, s28;
	[sflag:s16] =	ssyncadd.s32 $0xFFFFE890  }
0x3b: {  	[tilespmem:s20], [sflag:$0x2] =	stream.indirect.gather [hbm4b:s1+s17], $0x30, s25, s17, $0xb8;
	[tilespmem:$0x46E0] =	vst v63  }
0x3c: {  	_ =	swait.ge [sflag:s21], $0x1770  }
0x3d: {  	[sflag:s21] =	ssyncset.done $0x0  }
0x3e: {  	[sflag:s21] =	ssyncadd.s32 $0xFFFFE890  }
0x3f: {  	[hbm4b:s8+s22] =	stream.strided.scatter [tilespmem:s18], [sflag:$0x3], $0x1770, s19, s22, $0x38;
	[tilespmem:$0x46E0] =	vst v63  }
0x40: {  	_ =	swait.ge [sflag:s16], $0x1770  }
0x41: {  	[sflag:s16] =	ssyncset.done $0x0  }
0x42: {  	[sflag:s16] =	ssyncadd.s32 $0xFFFFE890  }
0x43: {  	_ =	swait.ge [sflag:s23], $0x1770  }
0x44: {  	[sflag:s23] =	ssyncset.done $0x0  }
0x45: {  	[sflag:s23] =	ssyncadd.s32 $0xFFFFE890  }
0x46: {  	[hbm4b:s9+s22] =	stream.strided.scatter [tilespmem:s20], [sflag:$0x3], $0x1770, s19, s22, $0x38;
	[tilespmem:$0x46E0] =	vst v63  }
0x47: {  	_ =	swait.ge [sflag:s16], $0x1770  }
0x48: {  	[sflag:s16] =	ssyncset.done $0x0  }
0x49: {  	s26 =	simm.s32 $0x0;
	[sflag:s16] =	ssyncadd.s32 $0xFFFFE890  }
0x4a: {  	[tilespmem:s26], [sflag:$0x3] =	stream.linear.gather [hbm4b:s6+s26], $0x1800, $0x38;
	[tilespmem:$0x46E0] =	vst v63  }
0x4b: {  	_ =	swait.ge [sflag:s16], $0x1800  }
0x4c: {  	[sflag:s16] =	ssyncset.done $0x0  }
0x4d: {  	[sflag:s16] =	ssyncadd.s32 $0xFFFFE800  }
0x4e: {  	[tilespmem:s18], [sflag:$0x1] =	stream.indirect.gather [hbm4b:s3+s17], $0x30, s26, s17, $0xb8;
	[tilespmem:$0x46E0] =	vst v63  }
0x4f: {  	_ = 	snop  }
0x50: {  	[tilespmem:s20], [sflag:$0x2] =	stream.indirect.gather [hbm4b:s3+s17], $0x30, s19, s17, $0xb8;
	[tilespmem:$0x46E0] =	vst v63  }
0x51: {  	_ =	swait.ge [sflag:s21], $0x1770  }
0x52: {  	[sflag:s21] =	ssyncset.done $0x0  }
0x53: {  	s29 =	sadd.s32 $0x0, s14;
	[sflag:s21] =	ssyncadd.s32 $0xFFFFE890  }
0x54: {  	[hbm4b:s29+s22] =	stream.strided.scatter [tilespmem:s18], [sflag:$0x3], $0x1770, s19, s22, $0x38;
	[tilespmem:$0x46E0] =	vst v63  }
0x55: {  	_ =	swait.ge [sflag:s16], $0x1770  }
0x56: {  	[sflag:s16] =	ssyncset.done $0x0  }
0x57: {  	s30 =	simm.s32 $0x100;
	[sflag:s16] =	ssyncadd.s32 $0xFFFFE890  }
0x58: {  	[tilespmem:s18], [sflag:$0x1] =	stream.indirect.gather [hbm4b:s3+s17], $0x30, s30, s17, $0xb8;
	[tilespmem:$0x46E0] =	vst v63  }
0x59: {  	_ =	swait.ge [sflag:s23], $0x1770  }
0x5a: {  	[sflag:s23] =	ssyncset.done $0x0  }
0x5b: {  	s31 =	sadd.s32 $0x0, s15;
	[sflag:s23] =	ssyncadd.s32 $0xFFFFE890  }
0x5c: {  	[hbm4b:s31+s22] =	stream.strided.scatter [tilespmem:s20], [sflag:$0x3], $0x1770, s19, s22, $0x38;
	[tilespmem:$0x46E0] =	vst v63  }
0x5d: {  	_ =	swait.ge [sflag:s16], $0x1770  }
0x5e: {  	s25 =	simm.s32 $0x180;
	[sflag:s16] =	ssyncset.done $0x0  }
0x5f: {  	s28 =	simm.s32 $0x280;
	s26 =	simm.s32 $0xFA0;
	[sflag:s16] =	ssyncadd.s32 $0xFFFFE890  }
.LBB2_4:
0x60: {  	[tilespmem:s20], [sflag:$0x2] =	stream.indirect.gather [hbm4b:s3+s17], $0x30, s25, s17, $0xb8;
	[tilespmem:$0x46E0] =	vst v63  }
0x61: {  	s29 =	smov.u32 s26;
	s25 =	smov.u32 s28  }
0x62: {  	p0 =	sne.s32 s26, $0x157C0;
	s26 =	sadd.s32 $0xFA0, s26;
	_ =	swait.ge [sflag:s21], $0x1770  }
0x63: {  	[sflag:s21] =	ssyncset.done $0x0  }
0x64: {  	s30 =	sadd.s32 s29, s14;
	[sflag:s21] =	ssyncadd.s32 $0xFFFFE890  }
0x65: {  	[hbm4b:s30+s22] =	stream.strided.scatter [tilespmem:s18], [sflag:$0x3], $0x1770, s19, s22, $0x38;
	[tilespmem:$0x46E0] =	vst v63  }
0x66: {  	_ =	swait.ge [sflag:s16], $0x1770  }
0x67: {  	[sflag:s16] =	ssyncset.done $0x0  }
0x68: {  	s30 =	sadd.s32 $0xFFFFFF80, s28;
	[sflag:s16] =	ssyncadd.s32 $0xFFFFE890  }
0x69: {  	[tilespmem:s18], [sflag:$0x1] =	stream.indirect.gather [hbm4b:s3+s17], $0x30, s30, s17, $0xb8;
	[tilespmem:$0x46E0] =	vst v63  }
0x6a: {  	_ =	swait.ge [sflag:s23], $0x1770  }
0x6b: {  	[sflag:s23] =	ssyncset.done $0x0  }
.Ltmp1:
0x6c: {  	s29 =	sadd.s32 s29, s15;
	[sflag:s23] =	ssyncadd.s32 $0xFFFFE890;
	(pc) =	sbr.rel @p0 .LBB2_4-.Ltmp1, $4  }
0x6d: {  	[hbm4b:s29+s22] =	stream.strided.scatter [tilespmem:s20], [sflag:$0x3], $0x1770, s19, s22, $0x38;
	[tilespmem:$0x46E0] =	vst v63  }
0x6e: {  	_ =	swait.ge [sflag:s16], $0x1770  }
0x6f: {  	[sflag:s16] =	ssyncset.done $0x0  }
0x70: {  	s28 =	sadd.s32 $0x100, s28;
	[sflag:s16] =	ssyncadd.s32 $0xFFFFE890  }
0x71: {  	[tilespmem:s20], [sflag:$0x2] =	stream.indirect.gather [hbm4b:s3+s17], $0x30, s25, s17, $0xb8;
	[tilespmem:$0x46E0] =	vst v63  }
0x72: {  	_ =	swait.ge [sflag:s21], $0x1770  }
0x73: {  	[sflag:s21] =	ssyncset.done $0x0  }
0x74: {  	[sflag:s21] =	ssyncadd.s32 $0xFFFFE890  }
0x75: {  	[hbm4b:s10+s22] =	stream.strided.scatter [tilespmem:s18], [sflag:$0x3], $0x1770, s19, s22, $0x38;
	[tilespmem:$0x46E0] =	vst v63  }
0x76: {  	_ =	swait.ge [sflag:s16], $0x1770  }
0x77: {  	[sflag:s16] =	ssyncset.done $0x0  }
0x78: {  	[sflag:s16] =	ssyncadd.s32 $0xFFFFE890  }
0x79: {  	s24 =	sadd.s32 $0x1, s24;
	_ =	swait.ge [sflag:s23], $0x1770  }
0x7a: {  	p0 =	sne.s32 s24, s7;
	[sflag:s23] =	ssyncset.done $0x0  }
.Ltmp2:
0x7b: {  	[sflag:s23] =	ssyncadd.s32 $0xFFFFE890;
	(pc) =	sbr.rel @p0 .LBB2_1-.Ltmp2, $4  }
0x7c: {  	[hbm4b:s11+s22] =	stream.strided.scatter [tilespmem:s20], [sflag:$0x3], $0x1770, s19, s22, $0x38;
	[tilespmem:$0x46E0] =	vst v63  }
0x7d: {  	_ =	swait.ge [sflag:s16], $0x1770  }
0x7e: {  	[sflag:s16] =	ssyncset.done $0x0  }
0x7f: {  	[sflag:s16] =	ssyncadd.s32 $0xFFFFE890  }
0x80: {  	_ =	sfence.sel $0x180000  }
0x81: {  	[bflag:$0x0] =	sbarrier.arrive $0xFFFF  }
0x82: {  	p0 =	sne.s32 s0, $0x0;
	_ =	strace $0x9000004A  }
0x83: {  	s0 =	sadd.s32 @!p0 $0x100000, s2;
	[bflag:$0x2] =	sbarrier.arrive $0xFFFF  }
0x84: {  	[sflag:s0] =	ssyncadd.tile.s32 @!p0 $0x1;
	_ =	shalt  }
.Lfunc_end2:
_tile_overlayer_lowered:
.L_overlay_start_2:
0x85: {  	(tag) =	ssettag $0x2  }
0x86: {  	s0 =	rddreg [dreg:$0x0];
	s2 =	stileid.u32  }
0x87: {  	s1 =	rddreg [dreg:$0x1];
	p0 =	sne.s32 s2, $0x0  }
0x88: {  	s3 =	rddreg [dreg:$0x2];
	[bflag:$0x3] =	sbarrier.arrive $0xFFFF;
	s2 =	simm.s32 @!p0 $0x1C03  }
0x89: {  	[timem:s3], [sflag:s2] =	dma.local @!p0 [hbm:s0], s1  }
0x8a: {  	s0 =	simm.s32 @!p0 $0x3  }
0x8b: {  	_ =	swait.ge @!p0 [sflag:s0], s1  }
0x8c: {  	s1 =	ssub.s32 @!p0 $0x0, s1;
	[sflag:s0] =	ssyncset.done @!p0 $0x0  }
0x8d: {  	[sflag:s0] =	ssyncadd.s32 @!p0 s1  }
0x8e: {  	[bflag:$0x3] =	sbarrier.arrive $0xFFFF  }
0x8f: {  	_ =	shalt  }

// kernel: kernel.9.cloned.1.call-start
scs
__scs_entry_jumppad:
0x0: {  	(pc) =	sbr.rel $0x88, $3  }
0x1: {  	(tag) =	ssettag $0x0;
	lr =	simm.s32 $0x1  }
0x2: {  	[smem:$0x3F96] =	sst lr;
	_ =	strace $0xD0000000  }
0x3: {  	_ = 	snop  }
0x4: {  	_ = 	snop  }
0x5: {  	_ = 	snop  }
0x6: {  	_ = 	snop  }
0x7: {  	_ = 	snop  }
__scs_overlays_trampoline_lowered:
0x8: {  	[smem:$0x3FA5] =	sst s0  }
0x9: {  	[smem:$0x3FA6] =	sst s1  }
0xa: {  	[smem:$0x3FA7] =	sst s2  }
0xb: {  	[smem:$0x3FA8] =	sst s3  }
0xc: {  	[smem:$0x3FA9] =	sst s4  }
0xd: {  	[smem:$0x3FAA] =	sst s5  }
0xe: {  	[smem:$0x3FAB] =	sst s6  }
0xf: {  	[smem:$0x3FAC] =	sst s7  }
0x10: {  	[smem:$0x3FAD] =	sst s8  }
0x11: {  	[smem:$0x3FAE] =	sst s9;
	s0 =	simm.s32 @!p0 $0x0  }
0x12: {  	s1 =	sld [smem:$0x3F94];
	s0 =	simm.s32 @p0 $0x1  }
0x13: {  	[smem:$0x3FAF] =	sst s0;
	s0 =	simm.s32 @!p1 $0x0  }
0x14: {  	s2 =	sld [smem:$0x3F93];
	s0 =	simm.s32 @p1 $0x1  }
0x15: {  	[smem:$0x3FB0] =	sst s0;
	s0 =	simm.s32 @!p2 $0x0  }
0x16: {  	s3 =	sld [smem:$0x3FDB];
	s0 =	simm.s32 @p2 $0x1  }
0x17: {  	s4 =	simm.s32 $0x1BF5;
	[smem:$0x3FB2] =	sst s0  }
0x18: {  	s0 =	sld [smem:$0x3F95];
	_ =	swait.ge [sflag:s4], $0x0  }
0x19: {  	s7 =	sld [smem:$0x3F96]  }
0x1a: {  	s8 =	sadd.s32 $0xFFFFE003, lr  }
0x1b: {  	s9 =	sadd.s32 $0xFFFFFEF7, lr;
	s5 =	simm.s32 $0xFFFFFFFF;
	p2 =	slt.u32 s8, $0xFFFFF086  }
0x1c: {  	p1 =	slt.u32 s9, $0xF7A;
	s5 =	simm.s32 @!p2 $0x0  }
0x1d: {  	s5 =	simm.s32 @p1 $0x1;
	p0 =	seq.s32 s7, s2  }
0x1e: {  	s7 =	smul.u32 @!p0 $0xF7A, s2;
	p2 =	seq.s32 @!p0 s5, $0x0  }
0x1f: {  	s9 =	smul.u32 $0xF7A, s1;
	s8 =	simm.s32 @!p0 $0x1BF5;
	p2 =	por !p2, p0  }
0x20: {  	[sflag:s8] =	ssyncset.s32 @!p0 $0xFFFFF086;
	s6 =	sadd.s32 @!p0 s3, s7;
	s7 =	simm.s32 @!p0 $0x108  }
0x21: {  	s3 =	sadd.s32 s3, s9;
	s6 =	sadd.s32 @!p0 $0x88, s6;
	s7 =	simm.s32 @p2 $0x1082  }
0x22: {  	[simem:s7], [sflag:s8] =	dma.local @!p0 [hbm:s6], $0xF7A  }
0x23: {  	s9 =	sor.u32 $0xD0000000, s2;
	s6 =	simm.s32 $0x108;
	_ =	swait.ge @!p0 [sflag:s8], $0x0  }
0x24: {  	s3 =	sadd.s32 $0x88, s3;
	s6 =	simm.s32 @!p1 $0x1082;
	[sflag:s4] =	ssyncset.s32 $0xFFFFF086  }
0x25: {  	[simem:s6], [sflag:s4] =	dma.local [hbm:s3], $0xF7A  }
0x26: {  	[smem:$0x3F96] =	sst s1;
	(tag) =	ssettag s2;
	_ =	strace s9  }
0x27: {  	s1 =	sld [smem:$0x3FA6]  }
0x28: {  	s2 =	sld [smem:$0x3FA7]  }
0x29: {  	s4 =	sld [smem:$0x3FA9]  }
0x2a: {  	p0 =	seq.s32 s5, $0x0;
	s5 =	sld [smem:$0x3FAA]  }
0x2b: {  	s6 =	sld [smem:$0x3FAB]  }
0x2c: {  	s7 =	sld [smem:$0x3FAC]  }
0x2d: {  	s3 =	simm.s32 $0x108;
	s8 =	sld [smem:$0x3FAD]  }
0x2e: {  	s3 =	simm.s32 @!p0 $0x1082;
	s9 =	sld [smem:$0x3FAE]  }
0x2f: {  	lr =	sadd.s32 s0, s3;
	s0 =	sld [smem:$0x3FA5]  }
0x30: {  	s3 =	sld [smem:$0x3FA8]  }
0x31: {  	[smem:$0x3FB1] =	sst s10  }
0x32: {  	s10 =	sld [smem:$0x3FAF];
	_ =	sdelay $0x3  }
0x33: {  	p0 =	seq.s32 s10, $0x1;
	s10 =	sld [smem:$0x3FB1];
	_ =	sdelay $0x3  }
0x34: {  	[smem:$0x3FB1] =	sst s10  }
0x35: {  	s10 =	sld [smem:$0x3FB0];
	_ =	sdelay $0x3  }
0x36: {  	p1 =	seq.s32 s10, $0x1;
	s10 =	sld [smem:$0x3FB1];
	_ =	sdelay $0x3  }
0x37: {  	[smem:$0x3FB1] =	sst s10  }
0x38: {  	s10 =	sld [smem:$0x3FB2]  }
0x39: {  	_ = 	snop;
	(pc) =	sbr.ind lr, $3  }
0x3a: {  	_ = 	snop  }
0x3b: {  	_ = 	snop  }
0x3c: {  	p2 =	seq.s32 s10, $0x1;
	s10 =	sld [smem:$0x3FB1]  }
0x3d: {  	_ =	shalt  }
0x3e: {  	_ =	shalt  }
0x3f: {  	_ =	shalt  }
0x40: {  	_ =	shalt  }
0x41: {  	_ =	shalt  }
0x42: {  	_ =	shalt  }
0x43: {  	_ =	shalt  }
0x44: {  	_ =	shalt  }
0x45: {  	_ =	shalt  }
0x46: {  	_ =	shalt  }
0x47: {  	_ =	shalt  }
0x48: {  	_ =	shalt  }
0x49: {  	_ =	shalt  }
0x4a: {  	_ =	shalt  }
0x4b: {  	_ =	shalt  }
0x4c: {  	_ =	shalt  }
0x4d: {  	_ =	shalt  }
0x4e: {  	_ =	shalt  }
0x4f: {  	_ =	shalt  }
0x50: {  	_ =	shalt  }
0x51: {  	_ =	shalt  }
0x52: {  	_ =	shalt  }
0x53: {  	_ =	shalt  }
0x54: {  	_ =	shalt  }
0x55: {  	_ =	shalt  }
0x56: {  	_ =	shalt  }
0x57: {  	_ =	shalt  }
0x58: {  	_ =	shalt  }
0x59: {  	_ =	shalt  }
0x5a: {  	_ =	shalt  }
0x5b: {  	_ =	shalt  }
0x5c: {  	_ =	shalt  }
0x5d: {  	_ =	shalt  }
0x5e: {  	_ =	shalt  }
0x5f: {  	_ =	shalt  }
0x60: {  	_ =	shalt  }
0x61: {  	_ =	shalt  }
0x62: {  	_ =	shalt  }
0x63: {  	_ =	shalt  }
0x64: {  	_ =	shalt  }
0x65: {  	_ =	shalt  }
0x66: {  	_ =	shalt  }
0x67: {  	_ =	shalt  }
0x68: {  	_ =	shalt  }
0x69: {  	_ =	shalt  }
0x6a: {  	_ =	shalt  }
0x6b: {  	_ =	shalt  }
0x6c: {  	_ =	shalt  }
0x6d: {  	_ =	shalt  }
0x6e: {  	_ =	shalt  }
0x6f: {  	_ =	shalt  }
0x70: {  	_ =	shalt  }
0x71: {  	_ =	shalt  }
0x72: {  	_ =	shalt  }
0x73: {  	_ =	shalt  }
0x74: {  	_ =	shalt  }
0x75: {  	_ =	shalt  }
0x76: {  	_ =	shalt  }
0x77: {  	_ =	shalt  }
0x78: {  	_ =	shalt  }
0x79: {  	_ =	shalt  }
0x7a: {  	_ =	shalt  }
0x7b: {  	_ =	shalt  }
0x7c: {  	_ =	shalt  }
0x7d: {  	_ =	shalt  }
0x7e: {  	_ =	shalt  }
0x7f: {  	_ =	shalt  }
0x80: {  	_ =	shalt  }
0x81: {  	_ =	shalt  }
0x82: {  	_ =	shalt  }
0x83: {  	_ =	shalt  }
0x84: {  	_ =	shalt  }
0x85: {  	_ =	shalt  }
0x86: {  	_ =	shalt  }
0x87: {  	_ =	shalt  }
.Lfunc_end0:
.L_simem_size_0:
called_computation_lowered:
.L_overlay_start_0:
0x88: {  	s2 =	sld [smem:$0x3FD9]  }
0x89: {  	s3 =	sld [smem:$0x3FFE];
	_ =	sdelay $0x1  }
0x8a: {  	s1 =	srdreg.scid  }
0x8b: {  	s0 =	sand.u32 $0x1, s1  }
0x8c: {  	s14 =	sshll.u32 s0, $0xA;
	s2 =	sadd.s32 s3, s2  }
0x8d: {  	s2 =	sadd.s32 s2, s14  }
0x8e: {  	[smem:$0x3FBD] =	sst s2  }
0x8f: {  	_ = 	snop  }
0x90: {  	s2 =	sld [smem:$0x3FD0];
	_ =	sdelay $0x2  }
0x91: {  	s15 =	simm.s32 $0xB;
	s4 =	simm.s32 $0x10  }
0x92: {  	[smem:s4], [sflag:s15] =	dma.local [hbm:s2], $0x1  }
0x93: {  	_ =	swait.eq [sflag:s15], $0x1  }
0x94: {  	s16 =	sld [smem:$0x11]  }
0x95: {  	s17 =	sld [smem:$0x12];
	[sflag:s15] =	ssyncset.done $0x0  }
0x96: {  	s5 =	sld [smem:$0x13];
	[sflag:s15] =	ssyncadd.s32 $0xFFFFFFFF  }
0x97: {  	s18 =	sld [smem:$0x14];
	(tm) =	ssettm $0x1  }
0x98: {  	s6 =	sld [smem:$0x3FFB];
	_ =	sdelay $0x3  }
0x99: {  	_ =	strace s6  }
0x9a: {  	s6 =	sld [smem:$0x3FFC];
	_ =	sdelay $0x3  }
0x9b: {  	_ =	strace s6  }
0x9c: {  	s6 =	sld [smem:$0x3FFD];
	_ =	sdelay $0x3  }
0x9d: {  	_ =	strace s6  }
0x9e: {  	_ =	strace $0x8FFFFFFF  }
0x9f: {  	s19 =	sld [smem:$0x3FDB];
	_ =	sdelay $0x1  }
0xa0: {  	s7 =	simm.s32 $_scs_section_size  }
0xa1: {  	s8 =	simm.s32 $_size__tile_overlayer_lowered;
	s9 =	simm.s32 $_tile_overlayer_lowered  }
0xa2: {  	s22 =	simm.s32 $0x1BFF;
	s21 =	sshll.u32 s9, $0x1;
	s6 =	sadd.s32 s7, s19  }
0xa3: {  	s10 =	simm.s32 $0x0;
	s20 =	sshll.u32 s8, $0x1;
	s8 =	sadd.s32 s21, s6  }
0xa4: {  	[timem:s10], [sflag:s22] =	dma.local [hbm:s8], s20  }
0xa5: {  	_ =	swait.ge [sflag:s22], s20  }
0xa6: {  	s7 =	ssub.s32 $0x0, s20;
	[sflag:s22] =	ssyncset.done $0x0  }
0xa7: {  	[sflag:s22] =	ssyncadd.s32 s7;
	_ =	sdelay $0x1  }
0xa8: {  	s23 =	simm.s32 $0x1B8B  }
0xa9: {  	_ =	swait.ge [sflag:s23], $0x1  }
0xaa: {  	[sflag:s23] =	ssyncset.done $0x0  }
0xab: {  	s25 =	simm.s32 $0x1B8E;
	s24 =	sld [smem:$0x3FFE];
	[sflag:s23] =	ssyncadd.s32 $0xFFFFFFFF  }
0xac: {  	s26 =	simm.s32 $execute0_lowered;
	[smem:$0x3FD2] =	sst s25  }
0xad: {  	s8 =	sshll.u32 s26, $0x1;
	_ =	strace $0x80000046;
	[dreg:$0x1] =	wrdreg $0xFFFFFFFF  }
0xae: {  	s28 =	simm.s32 $_size_execute0_lowered;
	s6 =	sadd.s32 s6, s8;
	[dreg:$0x0] =	wrdreg $0x0  }
0xaf: {  	s8 =	sshll.u32 s28, $0x1;
	[dreg:$0x2] =	wrdreg s6  }
0xb0: {  	[dreg:$0x3] =	wrdreg s8  }
0xb1: {  	[dreg:$0x4] =	wrdreg $0xC0  }
0xb2: {  	_ =	task [dreg:s10], $0x5FFFF  }
0xb3: {  	[dreg:$0x1] =	wrdreg $0xFFFFFFFF  }
0xb4: {  	[dreg:$0x0] =	wrdreg $0x60  }
0xb5: {  	[dreg:$0x2] =	wrdreg s18  }
0xb6: {  	[dreg:$0x3] =	wrdreg s5  }
0xb7: {  	[dreg:$0x4] =	wrdreg s17  }
0xb8: {  	[dreg:$0x5] =	wrdreg s16  }
0xb9: {  	[dreg:$0x6] =	wrdreg s24  }
0xba: {  	[dreg:$0x7] =	wrdreg $0x39A00  }
0xbb: {  	[dreg:$0x8] =	wrdreg $0x9  }
0xbc: {  	_ =	task.clear_ibuf [dreg:s10], $0x9FFFF;
	_ =	strace $0x90000046  }
0xbd: {  	s29 =	simm.s32 $0x9;
	_ =	strace $0x80000048  }
0xbe: {  	_ =	swait.ge [sflag:s29], $0x1  }
0xbf: {  	[sflag:s29] =	ssyncadd.s32 $0xFFFFFFFF  }
0xc0: {  	_ =	strace $0x90000048  }
0xc1: {  	_ =	sfence  }
0xc2: {  	s30 =	sld [smem:$0x0];
	_ =	sdelay $0x2  }
0xc3: {  	s31 =	sshll.u32 s1, $0xD;
	s1 =	sshrl.u32 s1, $0x2  }
0xc4: {  	s3 =	sand.u32 $0x4000, s31;
	s1 =	sadd.s32 s1, s30  }
0xc5: {  	s0 =	sor.u32 s3, s0;
	s1 =	sshll.u32 s1, $0x11  }
0xc6: {  	s0 =	sor.u32 s1, s0  }
0xc7: {  	s0 =	sadd.s32 $0x8F2B, s0  }
0xc8: {  	[sflag:s0] =	ssyncadd.remote.s32 $0x1  }
0xc9: {  	_ =	sfence.sel $0xFFFF  }
0xca: {  	[dreg:$0x0] =	wrdreg $0xFFFFFFFF;
	(pc) =	sbr.abs _section_cstart, $3  }
0xcb: {  	[dreg:$0x1] =	wrdreg $0xFFFFFFFF  }
0xcc: {  	_ =	task.clear_ibuf [dreg:s10], $0x2FFFF;
	_ =	strace $0x9FFFFFFF  }
0xcd: {  	(tm) =	ssettm $0x7FFFFFFF  }
tec
execute0_lowered:
.L_overlay_start_1:
0x0: {  	(tag) =	ssettag $0x1  }
0x1: {  	s0 =	rddreg [dreg:$0x0]  }
0x2: {  	s2 =	rddreg [dreg:$0x1]  }
0x3: {  	s1 =	rddreg [dreg:$0x2]  }
0x4: {  	s5 =	rddreg [dreg:$0x3]  }
0x5: {  	s6 =	rddreg [dreg:$0x4]  }
0x6: {  	s3 =	rddreg [dreg:$0x5];
	s7 =	srdreg.scid;
	s4 =	simm.s32 $0x0  }
0x7: {  	s11 =	stileid.u32;
	s30 =	simm.s32 $0x2FA0;
	s31 =	simm.s32 $0x3  }
0x8: {  	s7 =	sand.u32 $0x1, s7;
	[smem:$0x7FF] =	sst s4;
	s19 =	smul.u32 $0x19000, s11  }
0x9: {  	s26 =	sshll.u32 s11, $0x9;
	s21 =	smul.u32 $0x6400, s11;
	s11 =	simm.s32 $0x1F00  }
0xa: {  	s8 =	smul.u32 $0xC800, s7;
	s9 =	ssub.s32 $0x2, s7;
	_ =	strace $0x80000047  }
0xb: {  	p0 =	seq.s32 s7, $0x1;
	s12 =	sor.u32 $0x2000, s26;
	s13 =	sadd.s32 s5, s26  }
0xc: {  	s15 =	sor.u32 $0x4000, s26;
	s17 =	sor.u32 $0x6000, s26;
	s20 =	sor.u32 $0x8000, s26  }
0xd: {  	s10 =	sshrl.u32 s9, $0x1;
	[dreg:$0x8] =	wrdreg s13;
	s14 =	sadd.s32 s1, s12  }
0xe: {  	s7 =	sadd.s32 s5, s12;
	s16 =	sadd.s32 s1, s15;
	[dreg:$0x9] =	wrdreg s14  }
0xf: {  	s18 =	sadd.s32 s1, s17;
	s22 =	sadd.s32 s5, s20;
	[dreg:$0xa] =	wrdreg s7  }
0x10: {  	s23 =	sshrl.u32 s19, $0x2;
	s25 =	sshrl.u32 s21, $0x3;
	[dreg:$0xb] =	wrdreg s16  }
0x11: {  	s12 =	simm.s32 $0x1F80;
	s6 =	sadd.s32 s8, s6;
	[dreg:$0xd] =	wrdreg s18  }
0x12: {  	s8 =	ssub.s32 s9, s10;
	s10 =	sadd.s32 s1, s26;
	[dreg:$0x10] =	wrdreg s22  }
0x13: {  	s7 =	sadd.s32 s5, s17;
	s1 =	sadd.s32 s1, s20;
	[dreg:$0x7] =	wrdreg s10  }
0x14: {  	s16 =	sadd.s32 s23, s3;
	s26 =	sadd.s32 s21, s3;
	[dreg:$0xe] =	wrdreg s7  }
0x15: {  	s9 =	simm.s32 $0x1;
	s10 =	sadd.s32 s5, s15;
	[dreg:$0xf] =	wrdreg s1  }
0x16: {  	s24 =	sadd.s32 $0x5A00, s6;
	s17 =	smax.u32 s8, $0x1;
	s18 =	sadd.s32 $0xA00, s16  }
0x17: {  	s19 =	sadd.s32 $0x1400, s16;
	s20 =	sadd.s32 $0x1E00, s16;
	s21 =	sadd.s32 $0x2800, s16  }
.Ltmp0:
0x18: {  	s22 =	sadd.s32 $0x3200, s16;
	s28 =	sadd.s32 $0x5000, s16;
	(pc) =	sbr.rel .LBB2_1-.Ltmp0, $4  }
0x19: {  	s29 =	sadd.s32 $0x5A00, s16;
	s1 =	simm.s32 $0x1000;
	s5 =	simm.s32 $0x7D  }
0x1a: {  	s6 =	simm.s32 $0x2000;
	s7 =	simm.s32 $0x80;
	s8 =	simm.s32 $0x27D0  }
0x1b: {  	[dreg:$0xc] =	wrdreg s10;
	s23 =	sadd.s32 s25, s24;
	s24 =	sadd.s32 $0x3C00, s16  }
0x1c: {  	v0 =	vimm.f32 $0.0e+00;
	s25 =	sshrl.u32 s26, $0x3;
	s26 =	sadd.s32 $0x4600, s16;
	s10 =	simm.s32 $0x2  }
.LBB2_14:
0x1d: {  	[tilespmem:s8], [sflag:$0x2] =	stream.indirect.gather [hbm4b:s0+s5], $0x10, s14, s5, $0xb8;
	[tilespmem:$0x9DA0] =	vst v63  }
.LBB2_26:
0x1e: {  	_ =	swait.ge [sflag:s9], $0x7D0  }
0x1f: {  	[sflag:s9] =	ssyncset.done $0x0  }
0x20: {  	[sflag:s9] =	ssyncadd.s32 $0xFFFFF830  }
0x21: {  	[spmem:s3] =	stream.indirect.scatter.add.f32 [tilespmem:s6], [sflag:$0x3], $0x10, s11, s5, $0xb8;
	[tilespmem:$0x9DA0] =	vst v63  }
0x22: {  	_ =	swait.ge [sflag:s31], $0x7D0  }
0x23: {  	[sflag:s31] =	ssyncset.done $0x0  }
0x24: {  	[sflag:s31] =	ssyncadd.s32 $0xFFFFF830  }
0x25: {  	_ =	swait.ge [sflag:s10], $0x7D0  }
0x26: {  	[sflag:s10] =	ssyncset.done $0x0  }
0x27: {  	[sflag:s10] =	ssyncadd.s32 $0xFFFFF830  }
0x28: {  	[spmem:s3] =	stream.indirect.scatter.add.f32 [tilespmem:s8], [sflag:$0x3], $0x10, s12, s5, $0xb8;
	[tilespmem:$0x9DA0] =	vst v63  }
0x29: {  	_ =	swait.ge [sflag:s31], $0x7D0  }
0x2a: {  	s13 =	stileid.u32;
	s4 =	sadd.s32 $0x1, s4;
	[sflag:s31] =	ssyncset.done $0x0  }
0x2b: {  	s13 =	sshll.u32 s13, $0x6;
	p1 =	sne.s32 s4, s17;
	[sflag:s31] =	ssyncadd.s32 $0xFFFFF830  }
.Ltmp1:
0x2c: {  	s13 =	sor.u32 $0x1C03, s13;
	[bflag:$0x0] =	sbarrier.arrive $0xFFFF;
	(pc) =	sbr.rel @!p1 .LBB2_27-.Ltmp1, $4  }
0x2d: {  	[hbm:s23], [sflag:s13] =	dma.local [spmem:s25], $0xC80  }
0x2e: {  	_ =	swait.ge [sflag:s31], $0xC80  }
0x2f: {  	[sflag:s31] =	ssyncset.done $0x0  }
0x30: {  	[sflag:s31] =	ssyncadd.s32 $0xFFFFF380  }
.LBB2_1:
0x31: {  	s13 =	simm.s32 $0x40;
	s14 =	simm.s32 $0x0  }
.LBB2_2:
0x32: {  	p1 =	sne.s32 s13, $0x27C0;
	[tilespmem:s14+$0x2FA0] =	vst v0;
	s14 =	smov.u32 s13;
	s13 =	sadd.s32 $0x40, s13  }
.Ltmp2:
0x33: {  	(pc) =	sbr.rel @p1 .LBB2_2-.Ltmp2, $2  }
0x34: {  	_ =	sdelay $0x2  }
0x35: {  	s14 =	sshra.s32 s14, $0x2  }
0x36: {  	[tilespmem:s14+$0x2FA0] =	vst v0  }
0x37: {  	[spmem:s16] =	stream.linear.scatter [tilespmem:s30], [sflag:$0x3], $0xA00, $0x38;
	[tilespmem:$0x9DA0] =	vst v63  }
0x38: {  	_ =	swait.ge [sflag:s31], $0xA00  }
0x39: {  	[sflag:s31] =	ssyncset.done $0x0  }
0x3a: {  	[sflag:s31] =	ssyncadd.s32 $0xFFFFF600  }
0x3b: {  	[spmem:s18] =	stream.linear.scatter [tilespmem:s30], [sflag:$0x3], $0xA00, $0x38;
	[tilespmem:$0x9DA0] =	vst v63  }
0x3c: {  	_ =	swait.ge [sflag:s31], $0xA00  }
0x3d: {  	[sflag:s31] =	ssyncset.done $0x0  }
0x3e: {  	[sflag:s31] =	ssyncadd.s32 $0xFFFFF600  }
0x3f: {  	[spmem:s19] =	stream.linear.scatter [tilespmem:s30], [sflag:$0x3], $0xA00, $0x38;
	[tilespmem:$0x9DA0] =	vst v63  }
0x40: {  	_ =	swait.ge [sflag:s31], $0xA00  }
0x41: {  	[sflag:s31] =	ssyncset.done $0x0  }
0x42: {  	[sflag:s31] =	ssyncadd.s32 $0xFFFFF600  }
0x43: {  	[spmem:s20] =	stream.linear.scatter [tilespmem:s30], [sflag:$0x3], $0xA00, $0x38;
	[tilespmem:$0x9DA0] =	vst v63  }
0x44: {  	_ =	swait.ge [sflag:s31], $0xA00  }
0x45: {  	[sflag:s31] =	ssyncset.done $0x0  }
0x46: {  	[sflag:s31] =	ssyncadd.s32 $0xFFFFF600  }
0x47: {  	[spmem:s21] =	stream.linear.scatter [tilespmem:s30], [sflag:$0x3], $0xA00, $0x38;
	[tilespmem:$0x9DA0] =	vst v63  }
0x48: {  	_ =	swait.ge [sflag:s31], $0xA00  }
0x49: {  	[sflag:s31] =	ssyncset.done $0x0  }
0x4a: {  	[sflag:s31] =	ssyncadd.s32 $0xFFFFF600  }
0x4b: {  	[spmem:s22] =	stream.linear.scatter [tilespmem:s30], [sflag:$0x3], $0xA00, $0x38;
	[tilespmem:$0x9DA0] =	vst v63  }
0x4c: {  	_ =	swait.ge [sflag:s31], $0xA00  }
0x4d: {  	[sflag:s31] =	ssyncset.done $0x0  }
0x4e: {  	[sflag:s31] =	ssyncadd.s32 $0xFFFFF600  }
0x4f: {  	[spmem:s24] =	stream.linear.scatter [tilespmem:s30], [sflag:$0x3], $0xA00, $0x38;
	[tilespmem:$0x9DA0] =	vst v63  }
0x50: {  	_ =	swait.ge [sflag:s31], $0xA00  }
0x51: {  	[sflag:s31] =	ssyncset.done $0x0  }
0x52: {  	[sflag:s31] =	ssyncadd.s32 $0xFFFFF600  }
0x53: {  	[spmem:s26] =	stream.linear.scatter [tilespmem:s30], [sflag:$0x3], $0xA00, $0x38;
	[tilespmem:$0x9DA0] =	vst v63  }
0x54: {  	_ =	swait.ge [sflag:s31], $0xA00  }
0x55: {  	[sflag:s31] =	ssyncset.done $0x0  }
0x56: {  	[sflag:s31] =	ssyncadd.s32 $0xFFFFF600  }
0x57: {  	[spmem:s28] =	stream.linear.scatter [tilespmem:s30], [sflag:$0x3], $0xA00, $0x38;
	[tilespmem:$0x9DA0] =	vst v63  }
0x58: {  	_ =	swait.ge [sflag:s31], $0xA00  }
0x59: {  	[sflag:s31] =	ssyncset.done $0x0  }
0x5a: {  	[sflag:s31] =	ssyncadd.s32 $0xFFFFF600  }
0x5b: {  	[spmem:s29] =	stream.linear.scatter [tilespmem:s30], [sflag:$0x3], $0xA00, $0x38;
	[tilespmem:$0x9DA0] =	vst v63  }
.Ltmp3:
0x5c: {  	_ =	swait.ge [sflag:s31], $0xA00;
	(pc) =	sbr.rel @!p0 .LBB2_4-.Ltmp3, $4  }
0x5d: {  	[sflag:s31] =	ssyncset.done $0x0  }
0x5e: {  	[sflag:s31] =	ssyncadd.s32 $0xFFFFF600  }
0x5f: {  	[bflag:$0x0] =	sbarrier.arrive $0xFFFF  }
0x60: {  	s13 =	simm.s32 $0x0  }
0x61: {  	s14 =	rddreg [dreg:$0x8]  }
0x62: {  	[tilespmem:s13], [sflag:$0x3] =	stream.linear.gather [hbm4b:s14+s13], $0x1000, $0x38;
	[tilespmem:$0x9DA0] =	vst v63  }
0x63: {  	_ =	swait.ge [sflag:s31], $0x1000  }
0x64: {  	[sflag:s31] =	ssyncset.done $0x0  }
0x65: {  	s15 =	rddreg [dreg:$0x7];
	[sflag:s31] =	ssyncadd.s32 $0xFFFFF000  }
0x66: {  	[tilespmem:s1], [sflag:$0x3] =	stream.linear.gather [hbm4b:s15+s13], $0x1000, $0x38;
	[tilespmem:$0x9DA0] =	vst v63  }
0x67: {  	_ =	swait.ge [sflag:s31], $0x1000  }
0x68: {  	[sflag:s31] =	ssyncset.done $0x0  }
0x69: {  	[sflag:s31] =	ssyncadd.s32 $0xFFFFF000  }
0x6a: {  	[tilespmem:s6], [sflag:$0x1] =	stream.indirect.gather [hbm4b:s2+s5], $0x10, s13, s5, $0xb8;
	[tilespmem:$0x9DA0] =	vst v63  }
0x6b: {  	_ = 	snop  }
0x6c: {  	[tilespmem:s8], [sflag:$0x2] =	stream.indirect.gather [hbm4b:s2+s5], $0x10, s7, s5, $0xb8;
	[tilespmem:$0x9DA0] =	vst v63  }
0x6d: {  	_ =	swait.ge [sflag:s9], $0x7D0  }
0x6e: {  	[sflag:s9] =	ssyncset.done $0x0  }
0x6f: {  	s15 =	simm.s32 $0x1000;
	[sflag:s9] =	ssyncadd.s32 $0xFFFFF830  }
0x70: {  	[spmem:s3] =	stream.indirect.scatter.add.f32 [tilespmem:s6], [sflag:$0x3], $0x10, s15, s5, $0xb8;
	[tilespmem:$0x9DA0] =	vst v63  }
0x71: {  	_ =	swait.ge [sflag:s31], $0x7D0  }
0x72: {  	[sflag:s31] =	ssyncset.done $0x0  }
0x73: {  	s14 =	simm.s32 $0x100;
	[sflag:s31] =	ssyncadd.s32 $0xFFFFF830  }
0x74: {  	[tilespmem:s6], [sflag:$0x1] =	stream.indirect.gather [hbm4b:s2+s5], $0x10, s14, s5, $0xb8;
	[tilespmem:$0x9DA0] =	vst v63  }
0x75: {  	_ =	swait.ge [sflag:s10], $0x7D0  }
0x76: {  	[sflag:s10] =	ssyncset.done $0x0  }
0x77: {  	s15 =	simm.s32 $0x1080;
	[sflag:s10] =	ssyncadd.s32 $0xFFFFF830  }
0x78: {  	[spmem:s3] =	stream.indirect.scatter.add.f32 [tilespmem:s8], [sflag:$0x3], $0x10, s15, s5, $0xb8;
	[tilespmem:$0x9DA0] =	vst v63  }
0x79: {  	_ =	swait.ge [sflag:s31], $0x7D0  }
0x7a: {  	[sflag:s31] =	ssyncset.done $0x0  }
0x7b: {  	s13 =	simm.s32 $0x400;
	s14 =	simm.s32 $0x180;
	[sflag:s31] =	ssyncadd.s32 $0xFFFFF830  }
.LBB2_16:
0x7c: {  	[tilespmem:s8], [sflag:$0x2] =	stream.indirect.gather [hbm4b:s2+s5], $0x10, s14, s5, $0xb8;
	[tilespmem:$0x9DA0] =	vst v63  }
0x7d: {  	s14 =	smov.u32 s13  }
0x7e: {  	p1 =	sne.s32 s13, $0x3800;
	s13 =	sadd.s32 $0x400, s13;
	_ =	swait.ge [sflag:s9], $0x7D0  }
0x7f: {  	s14 =	sshra.s32 s14, $0x2;
	[sflag:s9] =	ssyncset.done $0x0  }
0x80: {  	s15 =	sadd.s32 $0x1000, s14;
	[sflag:s9] =	ssyncadd.s32 $0xFFFFF830  }
0x81: {  	[spmem:s3] =	stream.indirect.scatter.add.f32 [tilespmem:s6], [sflag:$0x3], $0x10, s15, s5, $0xb8;
	[tilespmem:$0x9DA0] =	vst v63  }
0x82: {  	_ =	swait.ge [sflag:s31], $0x7D0  }
0x83: {  	[sflag:s31] =	ssyncset.done $0x0  }
0x84: {  	s15 =	sadd.s32 $0x100, s14;
	[sflag:s31] =	ssyncadd.s32 $0xFFFFF830  }
0x85: {  	[tilespmem:s6], [sflag:$0x1] =	stream.indirect.gather [hbm4b:s2+s5], $0x10, s15, s5, $0xb8;
	[tilespmem:$0x9DA0] =	vst v63  }
0x86: {  	_ =	swait.ge [sflag:s10], $0x7D0  }
0x87: {  	[sflag:s10] =	ssyncset.done $0x0  }
.Ltmp4:
0x88: {  	s15 =	sadd.s32 $0x1080, s14;
	[sflag:s10] =	ssyncadd.s32 $0xFFFFF830;
	(pc) =	sbr.rel @p1 .LBB2_16-.Ltmp4, $4  }
0x89: {  	[spmem:s3] =	stream.indirect.scatter.add.f32 [tilespmem:s8], [sflag:$0x3], $0x10, s15, s5, $0xb8;
	[tilespmem:$0x9DA0] =	vst v63  }
0x8a: {  	_ =	swait.ge [sflag:s31], $0x7D0  }
0x8b: {  	[sflag:s31] =	ssyncset.done $0x0  }
0x8c: {  	s14 =	sadd.s32 $0x180, s14;
	[sflag:s31] =	ssyncadd.s32 $0xFFFFF830  }
0x8d: {  	[tilespmem:s8], [sflag:$0x2] =	stream.indirect.gather [hbm4b:s2+s5], $0x10, s14, s5, $0xb8;
	[tilespmem:$0x9DA0] =	vst v63  }
0x8e: {  	_ =	swait.ge [sflag:s9], $0x7D0  }
0x8f: {  	[sflag:s9] =	ssyncset.done $0x0  }
0x90: {  	[sflag:s9] =	ssyncadd.s32 $0xFFFFF830  }
0x91: {  	[spmem:s3] =	stream.indirect.scatter.add.f32 [tilespmem:s6], [sflag:$0x3], $0x10, s11, s5, $0xb8;
	[tilespmem:$0x9DA0] =	vst v63  }
0x92: {  	_ =	swait.ge [sflag:s31], $0x7D0  }
0x93: {  	[sflag:s31] =	ssyncset.done $0x0  }
0x94: {  	[sflag:s31] =	ssyncadd.s32 $0xFFFFF830  }
0x95: {  	_ =	swait.ge [sflag:s10], $0x7D0  }
0x96: {  	[sflag:s10] =	ssyncset.done $0x0  }
0x97: {  	[sflag:s10] =	ssyncadd.s32 $0xFFFFF830  }
0x98: {  	[spmem:s3] =	stream.indirect.scatter.add.f32 [tilespmem:s8], [sflag:$0x3], $0x10, s12, s5, $0xb8;
	[tilespmem:$0x9DA0] =	vst v63  }
0x99: {  	_ =	swait.ge [sflag:s31], $0x7D0  }
0x9a: {  	[sflag:s31] =	ssyncset.done $0x0  }
0x9b: {  	s13 =	simm.s32 $0x0;
	s15 =	rddreg [dreg:$0xa];
	[sflag:s31] =	ssyncadd.s32 $0xFFFFF830  }
0x9c: {  	[tilespmem:s13], [sflag:$0x3] =	stream.linear.gather [hbm4b:s15+s13], $0x1000, $0x38;
	[tilespmem:$0x9DA0] =	vst v63  }
0x9d: {  	_ =	swait.ge [sflag:s31], $0x1000  }
0x9e: {  	[sflag:s31] =	ssyncset.done $0x0  }
0x9f: {  	s15 =	rddreg [dreg:$0x9];
	[sflag:s31] =	ssyncadd.s32 $0xFFFFF000  }
0xa0: {  	[tilespmem:s1], [sflag:$0x3] =	stream.linear.gather [hbm4b:s15+s13], $0x1000, $0x38;
	[tilespmem:$0x9DA0] =	vst v63  }
0xa1: {  	_ =	swait.ge [sflag:s31], $0x1000  }
0xa2: {  	[sflag:s31] =	ssyncset.done $0x0  }
0xa3: {  	[sflag:s31] =	ssyncadd.s32 $0xFFFFF000  }
0xa4: {  	[tilespmem:s6], [sflag:$0x1] =	stream.indirect.gather [hbm4b:s2+s5], $0x10, s13, s5, $0xb8;
	[tilespmem:$0x9DA0] =	vst v63  }
0xa5: {  	_ = 	snop  }
0xa6: {  	[tilespmem:s8], [sflag:$0x2] =	stream.indirect.gather [hbm4b:s2+s5], $0x10, s7, s5, $0xb8;
	[tilespmem:$0x9DA0] =	vst v63  }
0xa7: {  	_ =	swait.ge [sflag:s9], $0x7D0  }
0xa8: {  	[sflag:s9] =	ssyncset.done $0x0  }
0xa9: {  	s15 =	simm.s32 $0x1000;
	[sflag:s9] =	ssyncadd.s32 $0xFFFFF830  }
0xaa: {  	[spmem:s3] =	stream.indirect.scatter.add.f32 [tilespmem:s6], [sflag:$0x3], $0x10, s15, s5, $0xb8;
	[tilespmem:$0x9DA0] =	vst v63  }
0xab: {  	_ =	swait.ge [sflag:s31], $0x7D0  }
0xac: {  	[sflag:s31] =	ssyncset.done $0x0  }
0xad: {  	s14 =	simm.s32 $0x100;
	[sflag:s31] =	ssyncadd.s32 $0xFFFFF830  }
0xae: {  	[tilespmem:s6], [sflag:$0x1] =	stream.indirect.gather [hbm4b:s2+s5], $0x10, s14, s5, $0xb8;
	[tilespmem:$0x9DA0] =	vst v63  }
0xaf: {  	_ =	swait.ge [sflag:s10], $0x7D0  }
0xb0: {  	[sflag:s10] =	ssyncset.done $0x0  }
0xb1: {  	s15 =	simm.s32 $0x1080;
	[sflag:s10] =	ssyncadd.s32 $0xFFFFF830  }
0xb2: {  	[spmem:s3] =	stream.indirect.scatter.add.f32 [tilespmem:s8], [sflag:$0x3], $0x10, s15, s5, $0xb8;
	[tilespmem:$0x9DA0] =	vst v63  }
0xb3: {  	_ =	swait.ge [sflag:s31], $0x7D0  }
0xb4: {  	[sflag:s31] =	ssyncset.done $0x0  }
0xb5: {  	s13 =	simm.s32 $0x400;
	s14 =	simm.s32 $0x180;
	[sflag:s31] =	ssyncadd.s32 $0xFFFFF830  }
.LBB2_18:
0xb6: {  	[tilespmem:s8], [sflag:$0x2] =	stream.indirect.gather [hbm4b:s2+s5], $0x10, s14, s5, $0xb8;
	[tilespmem:$0x9DA0] =	vst v63  }
0xb7: {  	s14 =	smov.u32 s13  }
0xb8: {  	p1 =	sne.s32 s13, $0x3800;
	s13 =	sadd.s32 $0x400, s13;
	_ =	swait.ge [sflag:s9], $0x7D0  }
0xb9: {  	s14 =	sshra.s32 s14, $0x2;
	[sflag:s9] =	ssyncset.done $0x0  }
0xba: {  	s15 =	sadd.s32 $0x1000, s14;
	[sflag:s9] =	ssyncadd.s32 $0xFFFFF830  }
0xbb: {  	[spmem:s3] =	stream.indirect.scatter.add.f32 [tilespmem:s6], [sflag:$0x3], $0x10, s15, s5, $0xb8;
	[tilespmem:$0x9DA0] =	vst v63  }
0xbc: {  	_ =	swait.ge [sflag:s31], $0x7D0  }
0xbd: {  	[sflag:s31] =	ssyncset.done $0x0  }
0xbe: {  	s15 =	sadd.s32 $0x100, s14;
	[sflag:s31] =	ssyncadd.s32 $0xFFFFF830  }
0xbf: {  	[tilespmem:s6], [sflag:$0x1] =	stream.indirect.gather [hbm4b:s2+s5], $0x10, s15, s5, $0xb8;
	[tilespmem:$0x9DA0] =	vst v63  }
0xc0: {  	_ =	swait.ge [sflag:s10], $0x7D0  }
0xc1: {  	[sflag:s10] =	ssyncset.done $0x0  }
.Ltmp5:
0xc2: {  	s15 =	sadd.s32 $0x1080, s14;
	[sflag:s10] =	ssyncadd.s32 $0xFFFFF830;
	(pc) =	sbr.rel @p1 .LBB2_18-.Ltmp5, $4  }
0xc3: {  	[spmem:s3] =	stream.indirect.scatter.add.f32 [tilespmem:s8], [sflag:$0x3], $0x10, s15, s5, $0xb8;
	[tilespmem:$0x9DA0] =	vst v63  }
0xc4: {  	_ =	swait.ge [sflag:s31], $0x7D0  }
0xc5: {  	[sflag:s31] =	ssyncset.done $0x0  }
0xc6: {  	s14 =	sadd.s32 $0x180, s14;
	[sflag:s31] =	ssyncadd.s32 $0xFFFFF830  }
0xc7: {  	[tilespmem:s8], [sflag:$0x2] =	stream.indirect.gather [hbm4b:s2+s5], $0x10, s14, s5, $0xb8;
	[tilespmem:$0x9DA0] =	vst v63  }
0xc8: {  	_ =	swait.ge [sflag:s9], $0x7D0  }
0xc9: {  	[sflag:s9] =	ssyncset.done $0x0  }
0xca: {  	[sflag:s9] =	ssyncadd.s32 $0xFFFFF830  }
0xcb: {  	[spmem:s3] =	stream.indirect.scatter.add.f32 [tilespmem:s6], [sflag:$0x3], $0x10, s11, s5, $0xb8;
	[tilespmem:$0x9DA0] =	vst v63  }
0xcc: {  	_ =	swait.ge [sflag:s31], $0x7D0  }
0xcd: {  	[sflag:s31] =	ssyncset.done $0x0  }
0xce: {  	[sflag:s31] =	ssyncadd.s32 $0xFFFFF830  }
0xcf: {  	_ =	swait.ge [sflag:s10], $0x7D0  }
0xd0: {  	[sflag:s10] =	ssyncset.done $0x0  }
0xd1: {  	[sflag:s10] =	ssyncadd.s32 $0xFFFFF830  }
0xd2: {  	[spmem:s3] =	stream.indirect.scatter.add.f32 [tilespmem:s8], [sflag:$0x3], $0x10, s12, s5, $0xb8;
	[tilespmem:$0x9DA0] =	vst v63  }
0xd3: {  	_ =	swait.ge [sflag:s31], $0x7D0  }
0xd4: {  	[sflag:s31] =	ssyncset.done $0x0  }
0xd5: {  	s13 =	simm.s32 $0x0;
	s15 =	rddreg [dreg:$0xc];
	[sflag:s31] =	ssyncadd.s32 $0xFFFFF830  }
0xd6: {  	[tilespmem:s13], [sflag:$0x3] =	stream.linear.gather [hbm4b:s15+s13], $0x1000, $0x38;
	[tilespmem:$0x9DA0] =	vst v63  }
0xd7: {  	_ =	swait.ge [sflag:s31], $0x1000  }
0xd8: {  	[sflag:s31] =	ssyncset.done $0x0  }
0xd9: {  	s15 =	rddreg [dreg:$0xb];
	[sflag:s31] =	ssyncadd.s32 $0xFFFFF000  }
0xda: {  	[tilespmem:s1], [sflag:$0x3] =	stream.linear.gather [hbm4b:s15+s13], $0x1000, $0x38;
	[tilespmem:$0x9DA0] =	vst v63  }
0xdb: {  	_ =	swait.ge [sflag:s31], $0x1000  }
0xdc: {  	[sflag:s31] =	ssyncset.done $0x0  }
0xdd: {  	[sflag:s31] =	ssyncadd.s32 $0xFFFFF000  }
0xde: {  	[tilespmem:s6], [sflag:$0x1] =	stream.indirect.gather [hbm4b:s2+s5], $0x10, s13, s5, $0xb8;
	[tilespmem:$0x9DA0] =	vst v63  }
0xdf: {  	_ = 	snop  }
0xe0: {  	[tilespmem:s8], [sflag:$0x2] =	stream.indirect.gather [hbm4b:s2+s5], $0x10, s7, s5, $0xb8;
	[tilespmem:$0x9DA0] =	vst v63  }
0xe1: {  	_ =	swait.ge [sflag:s9], $0x7D0  }
0xe2: {  	[sflag:s9] =	ssyncset.done $0x0  }
0xe3: {  	s15 =	simm.s32 $0x1000;
	[sflag:s9] =	ssyncadd.s32 $0xFFFFF830  }
0xe4: {  	[spmem:s3] =	stream.indirect.scatter.add.f32 [tilespmem:s6], [sflag:$0x3], $0x10, s15, s5, $0xb8;
	[tilespmem:$0x9DA0] =	vst v63  }
0xe5: {  	_ =	swait.ge [sflag:s31], $0x7D0  }
0xe6: {  	[sflag:s31] =	ssyncset.done $0x0  }
0xe7: {  	s14 =	simm.s32 $0x100;
	[sflag:s31] =	ssyncadd.s32 $0xFFFFF830  }
0xe8: {  	[tilespmem:s6], [sflag:$0x1] =	stream.indirect.gather [hbm4b:s2+s5], $0x10, s14, s5, $0xb8;
	[tilespmem:$0x9DA0] =	vst v63  }
0xe9: {  	_ =	swait.ge [sflag:s10], $0x7D0  }
0xea: {  	[sflag:s10] =	ssyncset.done $0x0  }
0xeb: {  	s15 =	simm.s32 $0x1080;
	[sflag:s10] =	ssyncadd.s32 $0xFFFFF830  }
0xec: {  	[spmem:s3] =	stream.indirect.scatter.add.f32 [tilespmem:s8], [sflag:$0x3], $0x10, s15, s5, $0xb8;
	[tilespmem:$0x9DA0] =	vst v63  }
0xed: {  	_ =	swait.ge [sflag:s31], $0x7D0  }
0xee: {  	[sflag:s31] =	ssyncset.done $0x0  }
0xef: {  	s13 =	simm.s32 $0x400;
	s14 =	simm.s32 $0x180;
	[sflag:s31] =	ssyncadd.s32 $0xFFFFF830  }
.LBB2_20:
0xf0: {  	[tilespmem:s8], [sflag:$0x2] =	stream.indirect.gather [hbm4b:s2+s5], $0x10, s14, s5, $0xb8;
	[tilespmem:$0x9DA0] =	vst v63  }
0xf1: {  	s14 =	smov.u32 s13  }
0xf2: {  	p1 =	sne.s32 s13, $0x3800;
	s13 =	sadd.s32 $0x400, s13;
	_ =	swait.ge [sflag:s9], $0x7D0  }
0xf3: {  	s14 =	sshra.s32 s14, $0x2;
	[sflag:s9] =	ssyncset.done $0x0  }
0xf4: {  	s15 =	sadd.s32 $0x1000, s14;
	[sflag:s9] =	ssyncadd.s32 $0xFFFFF830  }
0xf5: {  	[spmem:s3] =	stream.indirect.scatter.add.f32 [tilespmem:s6], [sflag:$0x3], $0x10, s15, s5, $0xb8;
	[tilespmem:$0x9DA0] =	vst v63  }
0xf6: {  	_ =	swait.ge [sflag:s31], $0x7D0  }
0xf7: {  	[sflag:s31] =	ssyncset.done $0x0  }
0xf8: {  	s15 =	sadd.s32 $0x100, s14;
	[sflag:s31] =	ssyncadd.s32 $0xFFFFF830  }
0xf9: {  	[tilespmem:s6], [sflag:$0x1] =	stream.indirect.gather [hbm4b:s2+s5], $0x10, s15, s5, $0xb8;
	[tilespmem:$0x9DA0] =	vst v63  }
0xfa: {  	_ =	swait.ge [sflag:s10], $0x7D0  }
0xfb: {  	[sflag:s10] =	ssyncset.done $0x0  }
.Ltmp6:
0xfc: {  	s15 =	sadd.s32 $0x1080, s14;
	[sflag:s10] =	ssyncadd.s32 $0xFFFFF830;
	(pc) =	sbr.rel @p1 .LBB2_20-.Ltmp6, $4  }
0xfd: {  	[spmem:s3] =	stream.indirect.scatter.add.f32 [tilespmem:s8], [sflag:$0x3], $0x10, s15, s5, $0xb8;
	[tilespmem:$0x9DA0] =	vst v63  }
0xfe: {  	_ =	swait.ge [sflag:s31], $0x7D0  }
0xff: {  	[sflag:s31] =	ssyncset.done $0x0  }
0x100: {  	s14 =	sadd.s32 $0x180, s14;
	[sflag:s31] =	ssyncadd.s32 $0xFFFFF830  }
0x101: {  	[tilespmem:s8], [sflag:$0x2] =	stream.indirect.gather [hbm4b:s2+s5], $0x10, s14, s5, $0xb8;
	[tilespmem:$0x9DA0] =	vst v63  }
0x102: {  	_ =	swait.ge [sflag:s9], $0x7D0  }
0x103: {  	[sflag:s9] =	ssyncset.done $0x0  }
0x104: {  	[sflag:s9] =	ssyncadd.s32 $0xFFFFF830  }
0x105: {  	[spmem:s3] =	stream.indirect.scatter.add.f32 [tilespmem:s6], [sflag:$0x3], $0x10, s11, s5, $0xb8;
	[tilespmem:$0x9DA0] =	vst v63  }
0x106: {  	_ =	swait.ge [sflag:s31], $0x7D0  }
0x107: {  	[sflag:s31] =	ssyncset.done $0x0  }
0x108: {  	[sflag:s31] =	ssyncadd.s32 $0xFFFFF830  }
0x109: {  	_ =	swait.ge [sflag:s10], $0x7D0  }
0x10a: {  	[sflag:s10] =	ssyncset.done $0x0  }
0x10b: {  	[sflag:s10] =	ssyncadd.s32 $0xFFFFF830  }
0x10c: {  	[spmem:s3] =	stream.indirect.scatter.add.f32 [tilespmem:s8], [sflag:$0x3], $0x10, s12, s5, $0xb8;
	[tilespmem:$0x9DA0] =	vst v63  }
0x10d: {  	_ =	swait.ge [sflag:s31], $0x7D0  }
0x10e: {  	[sflag:s31] =	ssyncset.done $0x0  }
0x10f: {  	s13 =	simm.s32 $0x0;
	s15 =	rddreg [dreg:$0xe];
	[sflag:s31] =	ssyncadd.s32 $0xFFFFF830  }
0x110: {  	[tilespmem:s13], [sflag:$0x3] =	stream.linear.gather [hbm4b:s15+s13], $0x1000, $0x38;
	[tilespmem:$0x9DA0] =	vst v63  }
0x111: {  	_ =	swait.ge [sflag:s31], $0x1000  }
0x112: {  	[sflag:s31] =	ssyncset.done $0x0  }
0x113: {  	s15 =	rddreg [dreg:$0xd];
	[sflag:s31] =	ssyncadd.s32 $0xFFFFF000  }
0x114: {  	[tilespmem:s1], [sflag:$0x3] =	stream.linear.gather [hbm4b:s15+s13], $0x1000, $0x38;
	[tilespmem:$0x9DA0] =	vst v63  }
0x115: {  	_ =	swait.ge [sflag:s31], $0x1000  }
0x116: {  	[sflag:s31] =	ssyncset.done $0x0  }
0x117: {  	[sflag:s31] =	ssyncadd.s32 $0xFFFFF000  }
0x118: {  	[tilespmem:s6], [sflag:$0x1] =	stream.indirect.gather [hbm4b:s2+s5], $0x10, s13, s5, $0xb8;
	[tilespmem:$0x9DA0] =	vst v63  }
0x119: {  	_ = 	snop  }
0x11a: {  	[tilespmem:s8], [sflag:$0x2] =	stream.indirect.gather [hbm4b:s2+s5], $0x10, s7, s5, $0xb8;
	[tilespmem:$0x9DA0] =	vst v63  }
0x11b: {  	_ =	swait.ge [sflag:s9], $0x7D0  }
0x11c: {  	[sflag:s9] =	ssyncset.done $0x0  }
0x11d: {  	s15 =	simm.s32 $0x1000;
	[sflag:s9] =	ssyncadd.s32 $0xFFFFF830  }
0x11e: {  	[spmem:s3] =	stream.indirect.scatter.add.f32 [tilespmem:s6], [sflag:$0x3], $0x10, s15, s5, $0xb8;
	[tilespmem:$0x9DA0] =	vst v63  }
0x11f: {  	_ =	swait.ge [sflag:s31], $0x7D0  }
0x120: {  	[sflag:s31] =	ssyncset.done $0x0  }
0x121: {  	s14 =	simm.s32 $0x100;
	[sflag:s31] =	ssyncadd.s32 $0xFFFFF830  }
0x122: {  	[tilespmem:s6], [sflag:$0x1] =	stream.indirect.gather [hbm4b:s2+s5], $0x10, s14, s5, $0xb8;
	[tilespmem:$0x9DA0] =	vst v63  }
0x123: {  	_ =	swait.ge [sflag:s10], $0x7D0  }
0x124: {  	[sflag:s10] =	ssyncset.done $0x0  }
0x125: {  	s15 =	simm.s32 $0x1080;
	[sflag:s10] =	ssyncadd.s32 $0xFFFFF830  }
0x126: {  	[spmem:s3] =	stream.indirect.scatter.add.f32 [tilespmem:s8], [sflag:$0x3], $0x10, s15, s5, $0xb8;
	[tilespmem:$0x9DA0] =	vst v63  }
0x127: {  	_ =	swait.ge [sflag:s31], $0x7D0  }
0x128: {  	[sflag:s31] =	ssyncset.done $0x0  }
0x129: {  	s13 =	simm.s32 $0x400;
	s14 =	simm.s32 $0x180;
	[sflag:s31] =	ssyncadd.s32 $0xFFFFF830  }
.LBB2_22:
0x12a: {  	[tilespmem:s8], [sflag:$0x2] =	stream.indirect.gather [hbm4b:s2+s5], $0x10, s14, s5, $0xb8;
	[tilespmem:$0x9DA0] =	vst v63  }
0x12b: {  	s14 =	smov.u32 s13  }
0x12c: {  	p1 =	sne.s32 s13, $0x3800;
	s13 =	sadd.s32 $0x400, s13;
	_ =	swait.ge [sflag:s9], $0x7D0  }
0x12d: {  	s14 =	sshra.s32 s14, $0x2;
	[sflag:s9] =	ssyncset.done $0x0  }
0x12e: {  	s15 =	sadd.s32 $0x1000, s14;
	[sflag:s9] =	ssyncadd.s32 $0xFFFFF830  }
0x12f: {  	[spmem:s3] =	stream.indirect.scatter.add.f32 [tilespmem:s6], [sflag:$0x3], $0x10, s15, s5, $0xb8;
	[tilespmem:$0x9DA0] =	vst v63  }
0x130: {  	_ =	swait.ge [sflag:s31], $0x7D0  }
0x131: {  	[sflag:s31] =	ssyncset.done $0x0  }
0x132: {  	s15 =	sadd.s32 $0x100, s14;
	[sflag:s31] =	ssyncadd.s32 $0xFFFFF830  }
0x133: {  	[tilespmem:s6], [sflag:$0x1] =	stream.indirect.gather [hbm4b:s2+s5], $0x10, s15, s5, $0xb8;
	[tilespmem:$0x9DA0] =	vst v63  }
0x134: {  	_ =	swait.ge [sflag:s10], $0x7D0  }
0x135: {  	[sflag:s10] =	ssyncset.done $0x0  }
.Ltmp7:
0x136: {  	s15 =	sadd.s32 $0x1080, s14;
	[sflag:s10] =	ssyncadd.s32 $0xFFFFF830;
	(pc) =	sbr.rel @p1 .LBB2_22-.Ltmp7, $4  }
0x137: {  	[spmem:s3] =	stream.indirect.scatter.add.f32 [tilespmem:s8], [sflag:$0x3], $0x10, s15, s5, $0xb8;
	[tilespmem:$0x9DA0] =	vst v63  }
0x138: {  	_ =	swait.ge [sflag:s31], $0x7D0  }
0x139: {  	[sflag:s31] =	ssyncset.done $0x0  }
0x13a: {  	s14 =	sadd.s32 $0x180, s14;
	[sflag:s31] =	ssyncadd.s32 $0xFFFFF830  }
0x13b: {  	[tilespmem:s8], [sflag:$0x2] =	stream.indirect.gather [hbm4b:s2+s5], $0x10, s14, s5, $0xb8;
	[tilespmem:$0x9DA0] =	vst v63  }
0x13c: {  	_ =	swait.ge [sflag:s9], $0x7D0  }
0x13d: {  	[sflag:s9] =	ssyncset.done $0x0  }
0x13e: {  	[sflag:s9] =	ssyncadd.s32 $0xFFFFF830  }
0x13f: {  	[spmem:s3] =	stream.indirect.scatter.add.f32 [tilespmem:s6], [sflag:$0x3], $0x10, s11, s5, $0xb8;
	[tilespmem:$0x9DA0] =	vst v63  }
0x140: {  	_ =	swait.ge [sflag:s31], $0x7D0  }
0x141: {  	[sflag:s31] =	ssyncset.done $0x0  }
0x142: {  	[sflag:s31] =	ssyncadd.s32 $0xFFFFF830  }
0x143: {  	_ =	swait.ge [sflag:s10], $0x7D0  }
0x144: {  	[sflag:s10] =	ssyncset.done $0x0  }
0x145: {  	[sflag:s10] =	ssyncadd.s32 $0xFFFFF830  }
0x146: {  	[spmem:s3] =	stream.indirect.scatter.add.f32 [tilespmem:s8], [sflag:$0x3], $0x10, s12, s5, $0xb8;
	[tilespmem:$0x9DA0] =	vst v63  }
0x147: {  	_ =	swait.ge [sflag:s31], $0x7D0  }
0x148: {  	[sflag:s31] =	ssyncset.done $0x0  }
0x149: {  	s13 =	simm.s32 $0x0;
	s15 =	rddreg [dreg:$0x10];
	[sflag:s31] =	ssyncadd.s32 $0xFFFFF830  }
0x14a: {  	[tilespmem:s13], [sflag:$0x3] =	stream.linear.gather [hbm4b:s15+s13], $0x1000, $0x38;
	[tilespmem:$0x9DA0] =	vst v63  }
0x14b: {  	_ =	swait.ge [sflag:s31], $0x1000  }
0x14c: {  	[sflag:s31] =	ssyncset.done $0x0  }
0x14d: {  	s15 =	rddreg [dreg:$0xf];
	[sflag:s31] =	ssyncadd.s32 $0xFFFFF000  }
0x14e: {  	[tilespmem:s1], [sflag:$0x3] =	stream.linear.gather [hbm4b:s15+s13], $0x1000, $0x38;
	[tilespmem:$0x9DA0] =	vst v63  }
0x14f: {  	_ =	swait.ge [sflag:s31], $0x1000  }
0x150: {  	[sflag:s31] =	ssyncset.done $0x0  }
0x151: {  	[sflag:s31] =	ssyncadd.s32 $0xFFFFF000  }
0x152: {  	[tilespmem:s6], [sflag:$0x1] =	stream.indirect.gather [hbm4b:s2+s5], $0x10, s13, s5, $0xb8;
	[tilespmem:$0x9DA0] =	vst v63  }
0x153: {  	_ = 	snop  }
0x154: {  	[tilespmem:s8], [sflag:$0x2] =	stream.indirect.gather [hbm4b:s2+s5], $0x10, s7, s5, $0xb8;
	[tilespmem:$0x9DA0] =	vst v63  }
0x155: {  	_ =	swait.ge [sflag:s9], $0x7D0  }
0x156: {  	[sflag:s9] =	ssyncset.done $0x0  }
0x157: {  	s15 =	simm.s32 $0x1000;
	[sflag:s9] =	ssyncadd.s32 $0xFFFFF830  }
0x158: {  	[spmem:s3] =	stream.indirect.scatter.add.f32 [tilespmem:s6], [sflag:$0x3], $0x10, s15, s5, $0xb8;
	[tilespmem:$0x9DA0] =	vst v63  }
0x159: {  	_ =	swait.ge [sflag:s31], $0x7D0  }
0x15a: {  	[sflag:s31] =	ssyncset.done $0x0  }
0x15b: {  	s14 =	simm.s32 $0x100;
	[sflag:s31] =	ssyncadd.s32 $0xFFFFF830  }
0x15c: {  	[tilespmem:s6], [sflag:$0x1] =	stream.indirect.gather [hbm4b:s2+s5], $0x10, s14, s5, $0xb8;
	[tilespmem:$0x9DA0] =	vst v63  }
0x15d: {  	_ =	swait.ge [sflag:s10], $0x7D0  }
0x15e: {  	[sflag:s10] =	ssyncset.done $0x0  }
0x15f: {  	s15 =	simm.s32 $0x1080;
	[sflag:s10] =	ssyncadd.s32 $0xFFFFF830  }
0x160: {  	[spmem:s3] =	stream.indirect.scatter.add.f32 [tilespmem:s8], [sflag:$0x3], $0x10, s15, s5, $0xb8;
	[tilespmem:$0x9DA0] =	vst v63  }
0x161: {  	_ =	swait.ge [sflag:s31], $0x7D0  }
0x162: {  	[sflag:s31] =	ssyncset.done $0x0  }
0x163: {  	s13 =	simm.s32 $0x400;
	s14 =	simm.s32 $0x180;
	[sflag:s31] =	ssyncadd.s32 $0xFFFFF830  }
.LBB2_24:
0x164: {  	[tilespmem:s8], [sflag:$0x2] =	stream.indirect.gather [hbm4b:s2+s5], $0x10, s14, s5, $0xb8;
	[tilespmem:$0x9DA0] =	vst v63  }
0x165: {  	s14 =	smov.u32 s13  }
0x166: {  	p1 =	sne.s32 s13, $0x3800;
	s13 =	sadd.s32 $0x400, s13;
	_ =	swait.ge [sflag:s9], $0x7D0  }
0x167: {  	s14 =	sshra.s32 s14, $0x2;
	[sflag:s9] =	ssyncset.done $0x0  }
0x168: {  	s15 =	sadd.s32 $0x1000, s14;
	[sflag:s9] =	ssyncadd.s32 $0xFFFFF830  }
0x169: {  	[spmem:s3] =	stream.indirect.scatter.add.f32 [tilespmem:s6], [sflag:$0x3], $0x10, s15, s5, $0xb8;
	[tilespmem:$0x9DA0] =	vst v63  }
0x16a: {  	_ =	swait.ge [sflag:s31], $0x7D0  }
0x16b: {  	[sflag:s31] =	ssyncset.done $0x0  }
0x16c: {  	s15 =	sadd.s32 $0x100, s14;
	[sflag:s31] =	ssyncadd.s32 $0xFFFFF830  }
0x16d: {  	[tilespmem:s6], [sflag:$0x1] =	stream.indirect.gather [hbm4b:s2+s5], $0x10, s15, s5, $0xb8;
	[tilespmem:$0x9DA0] =	vst v63  }
0x16e: {  	_ =	swait.ge [sflag:s10], $0x7D0  }
0x16f: {  	[sflag:s10] =	ssyncset.done $0x0  }
.Ltmp8:
0x170: {  	s15 =	sadd.s32 $0x1080, s14;
	[sflag:s10] =	ssyncadd.s32 $0xFFFFF830;
	(pc) =	sbr.rel @p1 .LBB2_24-.Ltmp8, $4  }
0x171: {  	[spmem:s3] =	stream.indirect.scatter.add.f32 [tilespmem:s8], [sflag:$0x3], $0x10, s15, s5, $0xb8;
	[tilespmem:$0x9DA0] =	vst v63  }
0x172: {  	_ =	swait.ge [sflag:s31], $0x7D0  }
0x173: {  	[sflag:s31] =	ssyncset.done $0x0  }
0x174: {  	s14 =	sadd.s32 $0x180, s14;
	[sflag:s31] =	ssyncadd.s32 $0xFFFFF830  }
.Ltmp9:
0x175: {  	(pc) =	sbr.rel .LBB2_26-.Ltmp9, $2  }
0x176: {  	_ =	sdelay $0x2  }
0x177: {  	[tilespmem:s8], [sflag:$0x2] =	stream.indirect.gather [hbm4b:s2+s5], $0x10, s14, s5, $0xb8;
	[tilespmem:$0x9DA0] =	vst v63  }
.LBB2_4:
0x178: {  	s14 =	rddreg [dreg:$0x7]  }
0x179: {  	[tilespmem:s13], [sflag:$0x3] =	stream.linear.gather [hbm4b:s14+s13], $0x1000, $0x38;
	[tilespmem:$0x9DA0] =	vst v63  }
0x17a: {  	_ =	swait.ge [sflag:s31], $0x1000  }
0x17b: {  	[sflag:s31] =	ssyncset.done $0x0  }
0x17c: {  	s15 =	rddreg [dreg:$0x8];
	[sflag:s31] =	ssyncadd.s32 $0xFFFFF000  }
0x17d: {  	[tilespmem:s1], [sflag:$0x3] =	stream.linear.gather [hbm4b:s15+s13], $0x1000, $0x38;
	[tilespmem:$0x9DA0] =	vst v63  }
0x17e: {  	_ =	swait.ge [sflag:s31], $0x1000  }
0x17f: {  	[sflag:s31] =	ssyncset.done $0x0  }
0x180: {  	[sflag:s31] =	ssyncadd.s32 $0xFFFFF000  }
0x181: {  	[tilespmem:s6], [sflag:$0x1] =	stream.indirect.gather [hbm4b:s0+s5], $0x10, s13, s5, $0xb8;
	[tilespmem:$0x9DA0] =	vst v63  }
0x182: {  	_ = 	snop  }
0x183: {  	[tilespmem:s8], [sflag:$0x2] =	stream.indirect.gather [hbm4b:s0+s5], $0x10, s7, s5, $0xb8;
	[tilespmem:$0x9DA0] =	vst v63  }
0x184: {  	_ =	swait.ge [sflag:s9], $0x7D0  }
0x185: {  	[sflag:s9] =	ssyncset.done $0x0  }
0x186: {  	s15 =	simm.s32 $0x1000;
	[sflag:s9] =	ssyncadd.s32 $0xFFFFF830  }
0x187: {  	[spmem:s3] =	stream.indirect.scatter.add.f32 [tilespmem:s6], [sflag:$0x3], $0x10, s15, s5, $0xb8;
	[tilespmem:$0x9DA0] =	vst v63  }
0x188: {  	_ =	swait.ge [sflag:s31], $0x7D0  }
0x189: {  	[sflag:s31] =	ssyncset.done $0x0  }
0x18a: {  	s14 =	simm.s32 $0x100;
	[sflag:s31] =	ssyncadd.s32 $0xFFFFF830  }
0x18b: {  	[tilespmem:s6], [sflag:$0x1] =	stream.indirect.gather [hbm4b:s0+s5], $0x10, s14, s5, $0xb8;
	[tilespmem:$0x9DA0] =	vst v63  }
0x18c: {  	_ =	swait.ge [sflag:s10], $0x7D0  }
0x18d: {  	[sflag:s10] =	ssyncset.done $0x0  }
0x18e: {  	s15 =	simm.s32 $0x1080;
	[sflag:s10] =	ssyncadd.s32 $0xFFFFF830  }
0x18f: {  	[spmem:s3] =	stream.indirect.scatter.add.f32 [tilespmem:s8], [sflag:$0x3], $0x10, s15, s5, $0xb8;
	[tilespmem:$0x9DA0] =	vst v63  }
0x190: {  	_ =	swait.ge [sflag:s31], $0x7D0  }
0x191: {  	[sflag:s31] =	ssyncset.done $0x0  }
0x192: {  	s13 =	simm.s32 $0x400;
	s14 =	simm.s32 $0x180;
	[sflag:s31] =	ssyncadd.s32 $0xFFFFF830  }
.LBB2_5:
0x193: {  	[tilespmem:s8], [sflag:$0x2] =	stream.indirect.gather [hbm4b:s0+s5], $0x10, s14, s5, $0xb8;
	[tilespmem:$0x9DA0] =	vst v63  }
0x194: {  	s14 =	smov.u32 s13  }
0x195: {  	p1 =	sne.s32 s13, $0x3800;
	s13 =	sadd.s32 $0x400, s13;
	_ =	swait.ge [sflag:s9], $0x7D0  }
0x196: {  	s14 =	sshra.s32 s14, $0x2;
	[sflag:s9] =	ssyncset.done $0x0  }
0x197: {  	s15 =	sadd.s32 $0x1000, s14;
	[sflag:s9] =	ssyncadd.s32 $0xFFFFF830  }
0x198: {  	[spmem:s3] =	stream.indirect.scatter.add.f32 [tilespmem:s6], [sflag:$0x3], $0x10, s15, s5, $0xb8;
	[tilespmem:$0x9DA0] =	vst v63  }
0x199: {  	_ =	swait.ge [sflag:s31], $0x7D0  }
0x19a: {  	[sflag:s31] =	ssyncset.done $0x0  }
0x19b: {  	s15 =	sadd.s32 $0x100, s14;
	[sflag:s31] =	ssyncadd.s32 $0xFFFFF830  }
0x19c: {  	[tilespmem:s6], [sflag:$0x1] =	stream.indirect.gather [hbm4b:s0+s5], $0x10, s15, s5, $0xb8;
	[tilespmem:$0x9DA0] =	vst v63  }
0x19d: {  	_ =	swait.ge [sflag:s10], $0x7D0  }
0x19e: {  	[sflag:s10] =	ssyncset.done $0x0  }
.Ltmp10:
0x19f: {  	s15 =	sadd.s32 $0x1080, s14;
	[sflag:s10] =	ssyncadd.s32 $0xFFFFF830;
	(pc) =	sbr.rel @p1 .LBB2_5-.Ltmp10, $4  }
0x1a0: {  	[spmem:s3] =	stream.indirect.scatter.add.f32 [tilespmem:s8], [sflag:$0x3], $0x10, s15, s5, $0xb8;
	[tilespmem:$0x9DA0] =	vst v63  }
0x1a1: {  	_ =	swait.ge [sflag:s31], $0x7D0  }
0x1a2: {  	[sflag:s31] =	ssyncset.done $0x0  }
0x1a3: {  	s14 =	sadd.s32 $0x180, s14;
	[sflag:s31] =	ssyncadd.s32 $0xFFFFF830  }
0x1a4: {  	[tilespmem:s8], [sflag:$0x2] =	stream.indirect.gather [hbm4b:s0+s5], $0x10, s14, s5, $0xb8;
	[tilespmem:$0x9DA0] =	vst v63  }
0x1a5: {  	_ =	swait.ge [sflag:s9], $0x7D0  }
0x1a6: {  	[sflag:s9] =	ssyncset.done $0x0  }
0x1a7: {  	[sflag:s9] =	ssyncadd.s32 $0xFFFFF830  }
0x1a8: {  	[spmem:s3] =	stream.indirect.scatter.add.f32 [tilespmem:s6], [sflag:$0x3], $0x10, s11, s5, $0xb8;
	[tilespmem:$0x9DA0] =	vst v63  }
0x1a9: {  	_ =	swait.ge [sflag:s31], $0x7D0  }
0x1aa: {  	[sflag:s31] =	ssyncset.done $0x0  }
0x1ab: {  	[sflag:s31] =	ssyncadd.s32 $0xFFFFF830  }
0x1ac: {  	_ =	swait.ge [sflag:s10], $0x7D0  }
0x1ad: {  	[sflag:s10] =	ssyncset.done $0x0  }
0x1ae: {  	[sflag:s10] =	ssyncadd.s32 $0xFFFFF830  }
0x1af: {  	[spmem:s3] =	stream.indirect.scatter.add.f32 [tilespmem:s8], [sflag:$0x3], $0x10, s12, s5, $0xb8;
	[tilespmem:$0x9DA0] =	vst v63  }
0x1b0: {  	_ =	swait.ge [sflag:s31], $0x7D0  }
0x1b1: {  	[sflag:s31] =	ssyncset.done $0x0  }
0x1b2: {  	s13 =	simm.s32 $0x0;
	s15 =	rddreg [dreg:$0x9];
	[sflag:s31] =	ssyncadd.s32 $0xFFFFF830  }
0x1b3: {  	[tilespmem:s13], [sflag:$0x3] =	stream.linear.gather [hbm4b:s15+s13], $0x1000, $0x38;
	[tilespmem:$0x9DA0] =	vst v63  }
0x1b4: {  	_ =	swait.ge [sflag:s31], $0x1000  }
0x1b5: {  	[sflag:s31] =	ssyncset.done $0x0  }
0x1b6: {  	s15 =	rddreg [dreg:$0xa];
	[sflag:s31] =	ssyncadd.s32 $0xFFFFF000  }
0x1b7: {  	[tilespmem:s1], [sflag:$0x3] =	stream.linear.gather [hbm4b:s15+s13], $0x1000, $0x38;
	[tilespmem:$0x9DA0] =	vst v63  }
0x1b8: {  	_ =	swait.ge [sflag:s31], $0x1000  }
0x1b9: {  	[sflag:s31] =	ssyncset.done $0x0  }
0x1ba: {  	[sflag:s31] =	ssyncadd.s32 $0xFFFFF000  }
0x1bb: {  	[tilespmem:s6], [sflag:$0x1] =	stream.indirect.gather [hbm4b:s0+s5], $0x10, s13, s5, $0xb8;
	[tilespmem:$0x9DA0] =	vst v63  }
0x1bc: {  	_ = 	snop  }
0x1bd: {  	[tilespmem:s8], [sflag:$0x2] =	stream.indirect.gather [hbm4b:s0+s5], $0x10, s7, s5, $0xb8;
	[tilespmem:$0x9DA0] =	vst v63  }
0x1be: {  	_ =	swait.ge [sflag:s9], $0x7D0  }
0x1bf: {  	[sflag:s9] =	ssyncset.done $0x0  }
0x1c0: {  	s15 =	simm.s32 $0x1000;
	[sflag:s9] =	ssyncadd.s32 $0xFFFFF830  }
0x1c1: {  	[spmem:s3] =	stream.indirect.scatter.add.f32 [tilespmem:s6], [sflag:$0x3], $0x10, s15, s5, $0xb8;
	[tilespmem:$0x9DA0] =	vst v63  }
0x1c2: {  	_ =	swait.ge [sflag:s31], $0x7D0  }
0x1c3: {  	[sflag:s31] =	ssyncset.done $0x0  }
0x1c4: {  	s14 =	simm.s32 $0x100;
	[sflag:s31] =	ssyncadd.s32 $0xFFFFF830  }
0x1c5: {  	[tilespmem:s6], [sflag:$0x1] =	stream.indirect.gather [hbm4b:s0+s5], $0x10, s14, s5, $0xb8;
	[tilespmem:$0x9DA0] =	vst v63  }
0x1c6: {  	_ =	swait.ge [sflag:s10], $0x7D0  }
0x1c7: {  	[sflag:s10] =	ssyncset.done $0x0  }
0x1c8: {  	s15 =	simm.s32 $0x1080;
	[sflag:s10] =	ssyncadd.s32 $0xFFFFF830  }
0x1c9: {  	[spmem:s3] =	stream.indirect.scatter.add.f32 [tilespmem:s8], [sflag:$0x3], $0x10, s15, s5, $0xb8;
	[tilespmem:$0x9DA0] =	vst v63  }
0x1ca: {  	_ =	swait.ge [sflag:s31], $0x7D0  }
0x1cb: {  	[sflag:s31] =	ssyncset.done $0x0  }
0x1cc: {  	s13 =	simm.s32 $0x400;
	s14 =	simm.s32 $0x180;
	[sflag:s31] =	ssyncadd.s32 $0xFFFFF830  }
.LBB2_7:
0x1cd: {  	[tilespmem:s8], [sflag:$0x2] =	stream.indirect.gather [hbm4b:s0+s5], $0x10, s14, s5, $0xb8;
	[tilespmem:$0x9DA0] =	vst v63  }
0x1ce: {  	s14 =	smov.u32 s13  }
0x1cf: {  	p1 =	sne.s32 s13, $0x3800;
	s13 =	sadd.s32 $0x400, s13;
	_ =	swait.ge [sflag:s9], $0x7D0  }
0x1d0: {  	s14 =	sshra.s32 s14, $0x2;
	[sflag:s9] =	ssyncset.done $0x0  }
0x1d1: {  	s15 =	sadd.s32 $0x1000, s14;
	[sflag:s9] =	ssyncadd.s32 $0xFFFFF830  }
0x1d2: {  	[spmem:s3] =	stream.indirect.scatter.add.f32 [tilespmem:s6], [sflag:$0x3], $0x10, s15, s5, $0xb8;
	[tilespmem:$0x9DA0] =	vst v63  }
0x1d3: {  	_ =	swait.ge [sflag:s31], $0x7D0  }
0x1d4: {  	[sflag:s31] =	ssyncset.done $0x0  }
0x1d5: {  	s15 =	sadd.s32 $0x100, s14;
	[sflag:s31] =	ssyncadd.s32 $0xFFFFF830  }
0x1d6: {  	[tilespmem:s6], [sflag:$0x1] =	stream.indirect.gather [hbm4b:s0+s5], $0x10, s15, s5, $0xb8;
	[tilespmem:$0x9DA0] =	vst v63  }
0x1d7: {  	_ =	swait.ge [sflag:s10], $0x7D0  }
0x1d8: {  	[sflag:s10] =	ssyncset.done $0x0  }
.Ltmp11:
0x1d9: {  	s15 =	sadd.s32 $0x1080, s14;
	[sflag:s10] =	ssyncadd.s32 $0xFFFFF830;
	(pc) =	sbr.rel @p1 .LBB2_7-.Ltmp11, $4  }
0x1da: {  	[spmem:s3] =	stream.indirect.scatter.add.f32 [tilespmem:s8], [sflag:$0x3], $0x10, s15, s5, $0xb8;
	[tilespmem:$0x9DA0] =	vst v63  }
0x1db: {  	_ =	swait.ge [sflag:s31], $0x7D0  }
0x1dc: {  	[sflag:s31] =	ssyncset.done $0x0  }
0x1dd: {  	s14 =	sadd.s32 $0x180, s14;
	[sflag:s31] =	ssyncadd.s32 $0xFFFFF830  }
0x1de: {  	[tilespmem:s8], [sflag:$0x2] =	stream.indirect.gather [hbm4b:s0+s5], $0x10, s14, s5, $0xb8;
	[tilespmem:$0x9DA0] =	vst v63  }
0x1df: {  	_ =	swait.ge [sflag:s9], $0x7D0  }
0x1e0: {  	[sflag:s9] =	ssyncset.done $0x0  }
0x1e1: {  	[sflag:s9] =	ssyncadd.s32 $0xFFFFF830  }
0x1e2: {  	[spmem:s3] =	stream.indirect.scatter.add.f32 [tilespmem:s6], [sflag:$0x3], $0x10, s11, s5, $0xb8;
	[tilespmem:$0x9DA0] =	vst v63  }
0x1e3: {  	_ =	swait.ge [sflag:s31], $0x7D0  }
0x1e4: {  	[sflag:s31] =	ssyncset.done $0x0  }
0x1e5: {  	[sflag:s31] =	ssyncadd.s32 $0xFFFFF830  }
0x1e6: {  	_ =	swait.ge [sflag:s10], $0x7D0  }
0x1e7: {  	[sflag:s10] =	ssyncset.done $0x0  }
0x1e8: {  	[sflag:s10] =	ssyncadd.s32 $0xFFFFF830  }
0x1e9: {  	[spmem:s3] =	stream.indirect.scatter.add.f32 [tilespmem:s8], [sflag:$0x3], $0x10, s12, s5, $0xb8;
	[tilespmem:$0x9DA0] =	vst v63  }
0x1ea: {  	_ =	swait.ge [sflag:s31], $0x7D0  }
0x1eb: {  	[sflag:s31] =	ssyncset.done $0x0  }
0x1ec: {  	s13 =	simm.s32 $0x0;
	s15 =	rddreg [dreg:$0xb];
	[sflag:s31] =	ssyncadd.s32 $0xFFFFF830  }
0x1ed: {  	[tilespmem:s13], [sflag:$0x3] =	stream.linear.gather [hbm4b:s15+s13], $0x1000, $0x38;
	[tilespmem:$0x9DA0] =	vst v63  }
0x1ee: {  	_ =	swait.ge [sflag:s31], $0x1000  }
0x1ef: {  	[sflag:s31] =	ssyncset.done $0x0  }
0x1f0: {  	s15 =	rddreg [dreg:$0xc];
	[sflag:s31] =	ssyncadd.s32 $0xFFFFF000  }
0x1f1: {  	[tilespmem:s1], [sflag:$0x3] =	stream.linear.gather [hbm4b:s15+s13], $0x1000, $0x38;
	[tilespmem:$0x9DA0] =	vst v63  }
0x1f2: {  	_ =	swait.ge [sflag:s31], $0x1000  }
0x1f3: {  	[sflag:s31] =	ssyncset.done $0x0  }
0x1f4: {  	[sflag:s31] =	ssyncadd.s32 $0xFFFFF000  }
0x1f5: {  	[tilespmem:s6], [sflag:$0x1] =	stream.indirect.gather [hbm4b:s0+s5], $0x10, s13, s5, $0xb8;
	[tilespmem:$0x9DA0] =	vst v63  }
0x1f6: {  	_ = 	snop  }
0x1f7: {  	[tilespmem:s8], [sflag:$0x2] =	stream.indirect.gather [hbm4b:s0+s5], $0x10, s7, s5, $0xb8;
	[tilespmem:$0x9DA0] =	vst v63  }
0x1f8: {  	_ =	swait.ge [sflag:s9], $0x7D0  }
0x1f9: {  	[sflag:s9] =	ssyncset.done $0x0  }
0x1fa: {  	s15 =	simm.s32 $0x1000;
	[sflag:s9] =	ssyncadd.s32 $0xFFFFF830  }
0x1fb: {  	[spmem:s3] =	stream.indirect.scatter.add.f32 [tilespmem:s6], [sflag:$0x3], $0x10, s15, s5, $0xb8;
	[tilespmem:$0x9DA0] =	vst v63  }
0x1fc: {  	_ =	swait.ge [sflag:s31], $0x7D0  }
0x1fd: {  	[sflag:s31] =	ssyncset.done $0x0  }
0x1fe: {  	s14 =	simm.s32 $0x100;
	[sflag:s31] =	ssyncadd.s32 $0xFFFFF830  }
0x1ff: {  	[tilespmem:s6], [sflag:$0x1] =	stream.indirect.gather [hbm4b:s0+s5], $0x10, s14, s5, $0xb8;
	[tilespmem:$0x9DA0] =	vst v63  }
0x200: {  	_ =	swait.ge [sflag:s10], $0x7D0  }
0x201: {  	[sflag:s10] =	ssyncset.done $0x0  }
0x202: {  	s15 =	simm.s32 $0x1080;
	[sflag:s10] =	ssyncadd.s32 $0xFFFFF830  }
0x203: {  	[spmem:s3] =	stream.indirect.scatter.add.f32 [tilespmem:s8], [sflag:$0x3], $0x10, s15, s5, $0xb8;
	[tilespmem:$0x9DA0] =	vst v63  }
0x204: {  	_ =	swait.ge [sflag:s31], $0x7D0  }
0x205: {  	[sflag:s31] =	ssyncset.done $0x0  }
0x206: {  	s13 =	simm.s32 $0x400;
	s14 =	simm.s32 $0x180;
	[sflag:s31] =	ssyncadd.s32 $0xFFFFF830  }
.LBB2_9:
0x207: {  	[tilespmem:s8], [sflag:$0x2] =	stream.indirect.gather [hbm4b:s0+s5], $0x10, s14, s5, $0xb8;
	[tilespmem:$0x9DA0] =	vst v63  }
0x208: {  	s14 =	smov.u32 s13  }
0x209: {  	p1 =	sne.s32 s13, $0x3800;
	s13 =	sadd.s32 $0x400, s13;
	_ =	swait.ge [sflag:s9], $0x7D0  }
0x20a: {  	s14 =	sshra.s32 s14, $0x2;
	[sflag:s9] =	ssyncset.done $0x0  }
0x20b: {  	s15 =	sadd.s32 $0x1000, s14;
	[sflag:s9] =	ssyncadd.s32 $0xFFFFF830  }
0x20c: {  	[spmem:s3] =	stream.indirect.scatter.add.f32 [tilespmem:s6], [sflag:$0x3], $0x10, s15, s5, $0xb8;
	[tilespmem:$0x9DA0] =	vst v63  }
0x20d: {  	_ =	swait.ge [sflag:s31], $0x7D0  }
0x20e: {  	[sflag:s31] =	ssyncset.done $0x0  }
0x20f: {  	s15 =	sadd.s32 $0x100, s14;
	[sflag:s31] =	ssyncadd.s32 $0xFFFFF830  }
0x210: {  	[tilespmem:s6], [sflag:$0x1] =	stream.indirect.gather [hbm4b:s0+s5], $0x10, s15, s5, $0xb8;
	[tilespmem:$0x9DA0] =	vst v63  }
0x211: {  	_ =	swait.ge [sflag:s10], $0x7D0  }
0x212: {  	[sflag:s10] =	ssyncset.done $0x0  }
.Ltmp12:
0x213: {  	s15 =	sadd.s32 $0x1080, s14;
	[sflag:s10] =	ssyncadd.s32 $0xFFFFF830;
	(pc) =	sbr.rel @p1 .LBB2_9-.Ltmp12, $4  }
0x214: {  	[spmem:s3] =	stream.indirect.scatter.add.f32 [tilespmem:s8], [sflag:$0x3], $0x10, s15, s5, $0xb8;
	[tilespmem:$0x9DA0] =	vst v63  }
0x215: {  	_ =	swait.ge [sflag:s31], $0x7D0  }
0x216: {  	[sflag:s31] =	ssyncset.done $0x0  }
0x217: {  	s14 =	sadd.s32 $0x180, s14;
	[sflag:s31] =	ssyncadd.s32 $0xFFFFF830  }
0x218: {  	[tilespmem:s8], [sflag:$0x2] =	stream.indirect.gather [hbm4b:s0+s5], $0x10, s14, s5, $0xb8;
	[tilespmem:$0x9DA0] =	vst v63  }
0x219: {  	_ =	swait.ge [sflag:s9], $0x7D0  }
0x21a: {  	[sflag:s9] =	ssyncset.done $0x0  }
0x21b: {  	[sflag:s9] =	ssyncadd.s32 $0xFFFFF830  }
0x21c: {  	[spmem:s3] =	stream.indirect.scatter.add.f32 [tilespmem:s6], [sflag:$0x3], $0x10, s11, s5, $0xb8;
	[tilespmem:$0x9DA0] =	vst v63  }
0x21d: {  	_ =	swait.ge [sflag:s31], $0x7D0  }
0x21e: {  	[sflag:s31] =	ssyncset.done $0x0  }
0x21f: {  	[sflag:s31] =	ssyncadd.s32 $0xFFFFF830  }
0x220: {  	_ =	swait.ge [sflag:s10], $0x7D0  }
0x221: {  	[sflag:s10] =	ssyncset.done $0x0  }
0x222: {  	[sflag:s10] =	ssyncadd.s32 $0xFFFFF830  }
0x223: {  	[spmem:s3] =	stream.indirect.scatter.add.f32 [tilespmem:s8], [sflag:$0x3], $0x10, s12, s5, $0xb8;
	[tilespmem:$0x9DA0] =	vst v63  }
0x224: {  	_ =	swait.ge [sflag:s31], $0x7D0  }
0x225: {  	[sflag:s31] =	ssyncset.done $0x0  }
0x226: {  	s13 =	simm.s32 $0x0;
	s15 =	rddreg [dreg:$0xd];
	[sflag:s31] =	ssyncadd.s32 $0xFFFFF830  }
0x227: {  	[tilespmem:s13], [sflag:$0x3] =	stream.linear.gather [hbm4b:s15+s13], $0x1000, $0x38;
	[tilespmem:$0x9DA0] =	vst v63  }
0x228: {  	_ =	swait.ge [sflag:s31], $0x1000  }
0x229: {  	[sflag:s31] =	ssyncset.done $0x0  }
0x22a: {  	s15 =	rddreg [dreg:$0xe];
	[sflag:s31] =	ssyncadd.s32 $0xFFFFF000  }
0x22b: {  	[tilespmem:s1], [sflag:$0x3] =	stream.linear.gather [hbm4b:s15+s13], $0x1000, $0x38;
	[tilespmem:$0x9DA0] =	vst v63  }
0x22c: {  	_ =	swait.ge [sflag:s31], $0x1000  }
0x22d: {  	[sflag:s31] =	ssyncset.done $0x0  }
0x22e: {  	[sflag:s31] =	ssyncadd.s32 $0xFFFFF000  }
0x22f: {  	[tilespmem:s6], [sflag:$0x1] =	stream.indirect.gather [hbm4b:s0+s5], $0x10, s13, s5, $0xb8;
	[tilespmem:$0x9DA0] =	vst v63  }
0x230: {  	_ = 	snop  }
0x231: {  	[tilespmem:s8], [sflag:$0x2] =	stream.indirect.gather [hbm4b:s0+s5], $0x10, s7, s5, $0xb8;
	[tilespmem:$0x9DA0] =	vst v63  }
0x232: {  	_ =	swait.ge [sflag:s9], $0x7D0  }
0x233: {  	[sflag:s9] =	ssyncset.done $0x0  }
0x234: {  	s15 =	simm.s32 $0x1000;
	[sflag:s9] =	ssyncadd.s32 $0xFFFFF830  }
0x235: {  	[spmem:s3] =	stream.indirect.scatter.add.f32 [tilespmem:s6], [sflag:$0x3], $0x10, s15, s5, $0xb8;
	[tilespmem:$0x9DA0] =	vst v63  }
0x236: {  	_ =	swait.ge [sflag:s31], $0x7D0  }
0x237: {  	[sflag:s31] =	ssyncset.done $0x0  }
0x238: {  	s14 =	simm.s32 $0x100;
	[sflag:s31] =	ssyncadd.s32 $0xFFFFF830  }
0x239: {  	[tilespmem:s6], [sflag:$0x1] =	stream.indirect.gather [hbm4b:s0+s5], $0x10, s14, s5, $0xb8;
	[tilespmem:$0x9DA0] =	vst v63  }
0x23a: {  	_ =	swait.ge [sflag:s10], $0x7D0  }
0x23b: {  	[sflag:s10] =	ssyncset.done $0x0  }
0x23c: {  	s15 =	simm.s32 $0x1080;
	[sflag:s10] =	ssyncadd.s32 $0xFFFFF830  }
0x23d: {  	[spmem:s3] =	stream.indirect.scatter.add.f32 [tilespmem:s8], [sflag:$0x3], $0x10, s15, s5, $0xb8;
	[tilespmem:$0x9DA0] =	vst v63  }
0x23e: {  	_ =	swait.ge [sflag:s31], $0x7D0  }
0x23f: {  	[sflag:s31] =	ssyncset.done $0x0  }
0x240: {  	s13 =	simm.s32 $0x400;
	s14 =	simm.s32 $0x180;
	[sflag:s31] =	ssyncadd.s32 $0xFFFFF830  }
.LBB2_11:
0x241: {  	[tilespmem:s8], [sflag:$0x2] =	stream.indirect.gather [hbm4b:s0+s5], $0x10, s14, s5, $0xb8;
	[tilespmem:$0x9DA0] =	vst v63  }
0x242: {  	s14 =	smov.u32 s13  }
0x243: {  	p1 =	sne.s32 s13, $0x3800;
	s13 =	sadd.s32 $0x400, s13;
	_ =	swait.ge [sflag:s9], $0x7D0  }
0x244: {  	s14 =	sshra.s32 s14, $0x2;
	[sflag:s9] =	ssyncset.done $0x0  }
0x245: {  	s15 =	sadd.s32 $0x1000, s14;
	[sflag:s9] =	ssyncadd.s32 $0xFFFFF830  }
0x246: {  	[spmem:s3] =	stream.indirect.scatter.add.f32 [tilespmem:s6], [sflag:$0x3], $0x10, s15, s5, $0xb8;
	[tilespmem:$0x9DA0] =	vst v63  }
0x247: {  	_ =	swait.ge [sflag:s31], $0x7D0  }
0x248: {  	[sflag:s31] =	ssyncset.done $0x0  }
0x249: {  	s15 =	sadd.s32 $0x100, s14;
	[sflag:s31] =	ssyncadd.s32 $0xFFFFF830  }
0x24a: {  	[tilespmem:s6], [sflag:$0x1] =	stream.indirect.gather [hbm4b:s0+s5], $0x10, s15, s5, $0xb8;
	[tilespmem:$0x9DA0] =	vst v63  }
0x24b: {  	_ =	swait.ge [sflag:s10], $0x7D0  }
0x24c: {  	[sflag:s10] =	ssyncset.done $0x0  }
.Ltmp13:
0x24d: {  	s15 =	sadd.s32 $0x1080, s14;
	[sflag:s10] =	ssyncadd.s32 $0xFFFFF830;
	(pc) =	sbr.rel @p1 .LBB2_11-.Ltmp13, $4  }
0x24e: {  	[spmem:s3] =	stream.indirect.scatter.add.f32 [tilespmem:s8], [sflag:$0x3], $0x10, s15, s5, $0xb8;
	[tilespmem:$0x9DA0] =	vst v63  }
0x24f: {  	_ =	swait.ge [sflag:s31], $0x7D0  }
0x250: {  	[sflag:s31] =	ssyncset.done $0x0  }
0x251: {  	s14 =	sadd.s32 $0x180, s14;
	[sflag:s31] =	ssyncadd.s32 $0xFFFFF830  }
0x252: {  	[tilespmem:s8], [sflag:$0x2] =	stream.indirect.gather [hbm4b:s0+s5], $0x10, s14, s5, $0xb8;
	[tilespmem:$0x9DA0] =	vst v63  }
0x253: {  	_ =	swait.ge [sflag:s9], $0x7D0  }
0x254: {  	[sflag:s9] =	ssyncset.done $0x0  }
0x255: {  	[sflag:s9] =	ssyncadd.s32 $0xFFFFF830  }
0x256: {  	[spmem:s3] =	stream.indirect.scatter.add.f32 [tilespmem:s6], [sflag:$0x3], $0x10, s11, s5, $0xb8;
	[tilespmem:$0x9DA0] =	vst v63  }
0x257: {  	_ =	swait.ge [sflag:s31], $0x7D0  }
0x258: {  	[sflag:s31] =	ssyncset.done $0x0  }
0x259: {  	[sflag:s31] =	ssyncadd.s32 $0xFFFFF830  }
0x25a: {  	_ =	swait.ge [sflag:s10], $0x7D0  }
0x25b: {  	[sflag:s10] =	ssyncset.done $0x0  }
0x25c: {  	[sflag:s10] =	ssyncadd.s32 $0xFFFFF830  }
0x25d: {  	[spmem:s3] =	stream.indirect.scatter.add.f32 [tilespmem:s8], [sflag:$0x3], $0x10, s12, s5, $0xb8;
	[tilespmem:$0x9DA0] =	vst v63  }
0x25e: {  	_ =	swait.ge [sflag:s31], $0x7D0  }
0x25f: {  	[sflag:s31] =	ssyncset.done $0x0  }
0x260: {  	s13 =	simm.s32 $0x0;
	s15 =	rddreg [dreg:$0xf];
	[sflag:s31] =	ssyncadd.s32 $0xFFFFF830  }
0x261: {  	[tilespmem:s13], [sflag:$0x3] =	stream.linear.gather [hbm4b:s15+s13], $0x1000, $0x38;
	[tilespmem:$0x9DA0] =	vst v63  }
0x262: {  	_ =	swait.ge [sflag:s31], $0x1000  }
0x263: {  	[sflag:s31] =	ssyncset.done $0x0  }
0x264: {  	s15 =	rddreg [dreg:$0x10];
	[sflag:s31] =	ssyncadd.s32 $0xFFFFF000  }
0x265: {  	[tilespmem:s1], [sflag:$0x3] =	stream.linear.gather [hbm4b:s15+s13], $0x1000, $0x38;
	[tilespmem:$0x9DA0] =	vst v63  }
0x266: {  	_ =	swait.ge [sflag:s31], $0x1000  }
0x267: {  	[sflag:s31] =	ssyncset.done $0x0  }
0x268: {  	[sflag:s31] =	ssyncadd.s32 $0xFFFFF000  }
0x269: {  	[tilespmem:s6], [sflag:$0x1] =	stream.indirect.gather [hbm4b:s0+s5], $0x10, s13, s5, $0xb8;
	[tilespmem:$0x9DA0] =	vst v63  }
0x26a: {  	_ = 	snop  }
0x26b: {  	[tilespmem:s8], [sflag:$0x2] =	stream.indirect.gather [hbm4b:s0+s5], $0x10, s7, s5, $0xb8;
	[tilespmem:$0x9DA0] =	vst v63  }
0x26c: {  	_ =	swait.ge [sflag:s9], $0x7D0  }
0x26d: {  	[sflag:s9] =	ssyncset.done $0x0  }
0x26e: {  	s15 =	simm.s32 $0x1000;
	[sflag:s9] =	ssyncadd.s32 $0xFFFFF830  }
0x26f: {  	[spmem:s3] =	stream.indirect.scatter.add.f32 [tilespmem:s6], [sflag:$0x3], $0x10, s15, s5, $0xb8;
	[tilespmem:$0x9DA0] =	vst v63  }
0x270: {  	_ =	swait.ge [sflag:s31], $0x7D0  }
0x271: {  	[sflag:s31] =	ssyncset.done $0x0  }
0x272: {  	s14 =	simm.s32 $0x100;
	[sflag:s31] =	ssyncadd.s32 $0xFFFFF830  }
0x273: {  	[tilespmem:s6], [sflag:$0x1] =	stream.indirect.gather [hbm4b:s0+s5], $0x10, s14, s5, $0xb8;
	[tilespmem:$0x9DA0] =	vst v63  }
0x274: {  	_ =	swait.ge [sflag:s10], $0x7D0  }
0x275: {  	[sflag:s10] =	ssyncset.done $0x0  }
0x276: {  	s15 =	simm.s32 $0x1080;
	[sflag:s10] =	ssyncadd.s32 $0xFFFFF830  }
0x277: {  	[spmem:s3] =	stream.indirect.scatter.add.f32 [tilespmem:s8], [sflag:$0x3], $0x10, s15, s5, $0xb8;
	[tilespmem:$0x9DA0] =	vst v63  }
0x278: {  	_ =	swait.ge [sflag:s31], $0x7D0  }
0x279: {  	[sflag:s31] =	ssyncset.done $0x0  }
0x27a: {  	s13 =	simm.s32 $0x400;
	s14 =	simm.s32 $0x180;
	[sflag:s31] =	ssyncadd.s32 $0xFFFFF830  }
.LBB2_13:
0x27b: {  	[tilespmem:s8], [sflag:$0x2] =	stream.indirect.gather [hbm4b:s0+s5], $0x10, s14, s5, $0xb8;
	[tilespmem:$0x9DA0] =	vst v63  }
0x27c: {  	s14 =	smov.u32 s13  }
0x27d: {  	p1 =	seq.s32 s13, $0x3800;
	s13 =	sadd.s32 $0x400, s13;
	_ =	swait.ge [sflag:s9], $0x7D0  }
0x27e: {  	s14 =	sshra.s32 s14, $0x2;
	[sflag:s9] =	ssyncset.done $0x0  }
0x27f: {  	s15 =	sadd.s32 $0x1000, s14;
	[sflag:s9] =	ssyncadd.s32 $0xFFFFF830  }
0x280: {  	[spmem:s3] =	stream.indirect.scatter.add.f32 [tilespmem:s6], [sflag:$0x3], $0x10, s15, s5, $0xb8;
	[tilespmem:$0x9DA0] =	vst v63  }
0x281: {  	_ =	swait.ge [sflag:s31], $0x7D0  }
0x282: {  	[sflag:s31] =	ssyncset.done $0x0  }
0x283: {  	s15 =	sadd.s32 $0x100, s14;
	[sflag:s31] =	ssyncadd.s32 $0xFFFFF830  }
0x284: {  	[tilespmem:s6], [sflag:$0x1] =	stream.indirect.gather [hbm4b:s0+s5], $0x10, s15, s5, $0xb8;
	[tilespmem:$0x9DA0] =	vst v63  }
0x285: {  	_ =	swait.ge [sflag:s10], $0x7D0  }
0x286: {  	[sflag:s10] =	ssyncset.done $0x0  }
.Ltmp14:
0x287: {  	s15 =	sadd.s32 $0x1080, s14;
	[sflag:s10] =	ssyncadd.s32 $0xFFFFF830;
	(pc) =	sbr.rel @!p1 .LBB2_13-.Ltmp14, $4  }
0x288: {  	[spmem:s3] =	stream.indirect.scatter.add.f32 [tilespmem:s8], [sflag:$0x3], $0x10, s15, s5, $0xb8;
	[tilespmem:$0x9DA0] =	vst v63  }
0x289: {  	_ =	swait.ge [sflag:s31], $0x7D0  }
0x28a: {  	[sflag:s31] =	ssyncset.done $0x0  }
0x28b: {  	s14 =	sadd.s32 $0x180, s14;
	[sflag:s31] =	ssyncadd.s32 $0xFFFFF830  }
.Ltmp15:
0x28c: {  	_ = 	snop;
	(pc) =	sbr.rel .LBB2_14-.Ltmp15, $1  }
0x28d: {  	_ =	sdelay $0x3  }
.LBB2_27:
0x28e: {  	_ =	sfence.sel $0x180000  }
0x28f: {  	[bflag:$0x0] =	sbarrier.arrive $0xFFFF  }
0x290: {  	_ =	strace $0x90000047  }
0x291: {  	s0 =	stileid.u32;
	[bflag:$0x2] =	sbarrier.arrive $0xFFFF  }
0x292: {  	p0 =	sne.s32 s0, $0x0;
	s0 =	rddreg [dreg:$0x6]  }
0x293: {  	s0 =	sadd.s32 @!p0 $0x100000, s0  }
0x294: {  	[sflag:s0] =	ssyncadd.tile.s32 @!p0 $0x1;
	_ =	shalt  }
.Lfunc_end2:
_tile_overlayer_lowered:
.L_overlay_start_2:
0x295: {  	(tag) =	ssettag $0x2  }
0x296: {  	s0 =	rddreg [dreg:$0x0];
	s2 =	stileid.u32  }
0x297: {  	s1 =	rddreg [dreg:$0x1];
	p0 =	sne.s32 s2, $0x0  }
0x298: {  	s3 =	rddreg [dreg:$0x2];
	[bflag:$0x3] =	sbarrier.arrive $0xFFFF;
	s2 =	simm.s32 @!p0 $0x1C03  }
0x299: {  	[timem:s3], [sflag:s2] =	dma.local @!p0 [hbm:s0], s1  }
0x29a: {  	s0 =	simm.s32 @!p0 $0x3  }
0x29b: {  	_ =	swait.ge @!p0 [sflag:s0], s1  }
0x29c: {  	s1 =	ssub.s32 @!p0 $0x0, s1;
	[sflag:s0] =	ssyncset.done @!p0 $0x0  }
0x29d: {  	[sflag:s0] =	ssyncadd.s32 @!p0 s1  }
0x29e: {  	[bflag:$0x3] =	sbarrier.arrive $0xFFFF  }
0x29f: {  	_ =	shalt  }

</sc_bundles>
